<compile_context>
chip_gen: v7x
topology: tpu7x:2x2x1
jax: 0.10.2.dev20260603
libtpu: 0.0.44.dev20260713+nightly
codegen_flags: <defaults>
</compile_context>

<pallas_src>
import jax
import jax.numpy as jnp
from jax import lax
from jax.experimental import pallas as pl
from jax.experimental.pallas import tpu as pltpu
from jax.experimental.pallas import tpu_sc as plsc

_NC = 2
_NS = 16
_NW = _NC * _NS
_L = 16


def _sc_aggregate(h, pk, zinit, n_chunks, chunk):
    N, D = h.shape
    rpt = (N // _NS) // 8 * 8
    tail = N - rpt * _NS

    mesh = plsc.VectorSubcoreMesh(core_axis_name="c", subcore_axis_name="s",
                                  num_cores=_NC, num_subcores=_NS)

    def body(h_hbm, pk_hbm, zin_hbm, out_hbm, acc_sh,
             pkt0, pkt1, pkt2, pkt3, pkt4, pkt5,
             rows0, rows1, rows2,
             semg0, semg1, semg2, sems0, sems1, sems2,
             semi0, semi1, semi2, semi3, semi4, semi5):
        cid = lax.axis_index("c")
        sid = lax.axis_index("s")
        wid = cid * _NS + sid
        pkts = (pkt0, pkt1, pkt2, pkt3, pkt4, pkt5)
        rows = (rows0, rows1, rows2)
        semg = (semg0, semg1, semg2)
        sems = (sems0, sems1, sems2)
        semi = (semi0, semi1, semi2, semi3, semi4, semi5)

        pltpu.sync_copy(zin_hbm.at[pl.ds(0, rpt)], acc_sh.at[pl.ds(sid * rpt, rpt)])
        @pl.when(sid == 0)
        def _init_tail():
            pltpu.sync_copy(zin_hbm.at[pl.ds(0, tail)],
                            acc_sh.at[pl.ds(rpt * _NS, tail)])
        plsc.subcore_barrier()

        def issue_idx(q, bi):
            pltpu.async_copy(pk_hbm.at[wid, q], pkts[bi], semi[bi])

        def wait_idx(bi):
            pltpu.make_async_copy(pk_hbm.at[wid, 0], pkts[bi], semi[bi]).wait()

        def issue_gather(br, bi):
            pltpu.async_copy(h_hbm.at[pkts[bi].at[0]], rows[br], semg[br])

        def wait_gather(br, bi):
            pltpu.make_async_copy(h_hbm.at[pkts[bi].at[0]], rows[br],
                                  semg[br]).wait()

        def issue_scatter(br, bi):
            pltpu.async_copy(rows[br], acc_sh.at[pkts[bi].at[1]], sems[br],
                             add=True)

        def wait_scatter(br, bi):
            pltpu.make_async_copy(rows[br], acc_sh.at[pkts[bi].at[1]],
                                  sems[br]).wait()

        def multiply(br, bi):
            rv, pkv = rows[br], pkts[bi]
            two = jnp.full((_L,), 2, jnp.int32)

            @plsc.parallel_loop(0, chunk, unroll=10)
            def _mul(e):
                mvi = plsc.load_gather(pkv, [two, jnp.full((_L,), e, jnp.int32)])
                mv = plsc.bitcast(mvi, jnp.float32)
                for j in range(D // _L):
                    sl = (e, pl.ds(j * _L, _L))
                    rv[sl] = rv[sl] * mv

        def phase(q, t):
            br = t % 3
            br1 = (t + 1) % 3
            bi = t % 6
            bi1 = (t + 1) % 6
            @pl.when(q >= 2)
            def _():
                wait_scatter(br1, (t + 4) % 6)
            @pl.when(q + 1 < n_chunks)
            def _():
                wait_idx(bi1)
                issue_gather(br1, bi1)
            wait_gather(br, bi)
            multiply(br, bi)
            issue_scatter(br, bi)
            @pl.when(q + 3 < n_chunks)
            def _():
                issue_idx(q + 3, (t + 3) % 6)

        issue_idx(0, 0)
        issue_idx(1, 1)
        issue_idx(2, 2)
        wait_idx(0)
        issue_gather(0, 0)

        def loop_body(s, carry):
            q0 = s * 6
            for t in range(6):
                @pl.when(q0 + t < n_chunks)
                def _(t=t):
                    phase(q0 + t, t)
            return carry

        lax.fori_loop(0, (n_chunks + 5) // 6, loop_body, 0)
        wait_scatter((n_chunks - 2) % 3, (n_chunks - 2) % 6)
        wait_scatter((n_chunks - 1) % 3, (n_chunks - 1) % 6)
        plsc.subcore_barrier()
        pltpu.sync_copy(acc_sh.at[pl.ds(sid * rpt, rpt)],
                        out_hbm.at[cid, pl.ds(sid * rpt, rpt)])
        @pl.when(sid == 0)
        def _drain_tail():
            pltpu.sync_copy(acc_sh.at[pl.ds(rpt * _NS, tail)],
                            out_hbm.at[cid, pl.ds(rpt * _NS, tail)])

    run = pl.kernel(
        body,
        out_type=jax.ShapeDtypeStruct((_NC, N, D), jnp.float32),
        mesh=mesh,
        scratch_types=[
            pltpu.VMEM_SHARED((N, D), jnp.float32),
        ] + [pltpu.VMEM((3, chunk), jnp.int32)] * 6
          + [pltpu.VMEM((chunk, D), jnp.float32)] * 3
          + [pltpu.SemaphoreType.DMA] * 12,
        compiler_params=pltpu.CompilerParams(needs_layout_passes=False),
    )
    return run(h, pk, zinit)


def _tc_mlp(h, partials, W1, b1, W2, b2, a):
    N, D = h.shape
    R = 1000

    def body(h_ref, p_ref, w1_ref, b1_ref, w2_ref, b2_ref, a_ref, o_ref):
        h2 = h_ref[...] + p_ref[0] + p_ref[1]
        z = jnp.dot(h2, w1_ref[...], preferred_element_type=jnp.float32)
        z = jnp.maximum(z + b1_ref[...], 0.0)
        z = jnp.dot(z, w2_ref[...], preferred_element_type=jnp.float32)
        z = z + b2_ref[...]
        av = a_ref[0, 0]
        o_ref[...] = jnp.where(z >= 0, z, av * z)

    return pl.pallas_call(
        body,
        grid=(N // R,),
        in_specs=[
            pl.BlockSpec((R, D), lambda i: (i, 0)),
            pl.BlockSpec((_NC, R, D), lambda i: (0, i, 0)),
            pl.BlockSpec((D, D), lambda i: (0, 0)),
            pl.BlockSpec((1, D), lambda i: (0, 0)),
            pl.BlockSpec((D, D), lambda i: (0, 0)),
            pl.BlockSpec((1, D), lambda i: (0, 0)),
            pl.BlockSpec((1, 1), lambda i: (0, 0)),
        ],
        out_specs=pl.BlockSpec((R, D), lambda i: (i, 0)),
        out_shape=jax.ShapeDtypeStruct((N, D), jnp.float32),
    )(h, partials, W1, b1.reshape(1, D), W2, b2.reshape(1, D),
      a.reshape(1, 1))


def kernel(h, edge_index, edge_mask, snorm_n, W1, b1, W2, b2, prelu_a):
    del snorm_n
    N, D = h.shape
    E = edge_index.shape[1]
    eper = E // _NW
    chunk = 100
    n_chunks = eper // chunk
    srcr = edge_index[0].reshape(_NW, n_chunks, 1, chunk)
    dstr = edge_index[1].reshape(_NW, n_chunks, 1, chunk)
    maskr = lax.bitcast_convert_type(edge_mask, jnp.int32).reshape(
        _NW, n_chunks, 1, chunk)
    pk = jnp.concatenate([srcr, dstr, maskr], axis=2)
    zinit = jnp.zeros((N // _NS // 8 * 8, D), jnp.float32)
    partials = _sc_aggregate(h, pk, zinit, n_chunks, chunk)
    return _tc_mlp(h, partials, W1, b1, W2, b2, prelu_a)

# --- scband reference (transcript-rebuilt; emitter-appended) ---
"""Pipeline reference for scband-ginlayer-38491496907253 (READ-ONLY COPY).

The authoritative reference and input builder live on the scoring server;
editing this copy changes nothing except your own understanding.
"""

import jax, jax.numpy as jnp
import numpy as np

N = 10000
E = 320000
D = 128

def setup_inputs(seed: int = 0) -> dict:
    key = jax.random.key(seed)
    ks = jax.random.split(key, 9)
    h = jax.random.normal(ks[0], (N, D), dtype=jnp.float32)
    # int32 used for CPU-jax compatibility (x64 disabled by default); semantics identical
    edge_index = jax.random.randint(ks[1], (2, E), 0, N, dtype=jnp.int32)
    edge_mask = jax.random.uniform(ks[2], (E,), dtype=jnp.float32)
    snorm_n = jax.random.uniform(ks[3], (N, 1), dtype=jnp.float32)
    s = 1.0 / np.sqrt(D)
    W1 = jax.random.normal(ks[4], (D, D), dtype=jnp.float32) * s
    b1 = jnp.zeros((D,), dtype=jnp.float32)
    W2 = jax.random.normal(ks[5], (D, D), dtype=jnp.float32) * s
    b2 = jnp.zeros((D,), dtype=jnp.float32)
    prelu_a = jnp.array(0.25, dtype=jnp.float32)
    return {"h": h, "edge_index": edge_index, "edge_mask": edge_mask,
            "snorm_n": snorm_n, "W1": W1, "b1": b1, "W2": W2, "b2": b2,
            "prelu_a": prelu_a}

def reference(h, edge_index, edge_mask, snorm_n, W1, b1, W2, b2, prelu_a):
    # message: m_e = h[src_e] * mask_e   (fn.src_mul_edge('h','mask','m'))
    src = edge_index[0]
    dst = edge_index[1]
    m = jnp.take(h, src, axis=0) * edge_mask[:, None]
    # reduce: sum over incoming edges -> 'neigh'
    neigh = jax.ops.segment_sum(m, dst, num_segments=N)
    eps = 0.0  # init_eps=0, learn_eps=False -> constant buffer
    h2 = (1.0 + eps) * h + neigh
    # apply_func: 2-layer MLP (Linear -> ReLU -> Linear)
    z = h2 @ W1 + b1
    z = jax.nn.relu(z)
    z = z @ W2 + b2
    # PReLU activation (single learnable slope)
    out = jnp.where(z >= 0, z, prelu_a * z)
    # snorm_n is accepted but unused by this forward (matches original code path)
    return out

if __name__ == "__main__":
    import jax
    _d = setup_inputs()
    print(jax.jit(kernel)(*tuple(_d.values())))

</pallas_src>

<mosaic_0001>
#map = affine_map<(d0, d1) -> (0, 0)>
#map1 = affine_map<(d0, d1) -> (0, 0, 0, 0)>
#map2 = affine_map<(d0, d1) -> (0, 0, 0)>
module attributes {stable_mosaic.version = 14 : i64} {
  func.func @body(%arg0: i32, %arg1: i32, %arg2: memref<10000x128xf32, #tpu.memory_space<hbm>>, %arg3: memref<32x100x3x100xi32, #tpu.memory_space<hbm>>, %arg4: memref<624x128xf32, #tpu.memory_space<hbm>>, %arg5: memref<2x10000x128xf32, #tpu.memory_space<hbm>>, %arg6: memref<10000x128xf32, #tpu.memory_space<vmem_shared>>, %arg7: memref<3x100xi32, #tpu.memory_space<vmem>>, %arg8: memref<3x100xi32, #tpu.memory_space<vmem>>, %arg9: memref<3x100xi32, #tpu.memory_space<vmem>>, %arg10: memref<3x100xi32, #tpu.memory_space<vmem>>, %arg11: memref<3x100xi32, #tpu.memory_space<vmem>>, %arg12: memref<3x100xi32, #tpu.memory_space<vmem>>, %arg13: memref<100x128xf32, #tpu.memory_space<vmem>>, %arg14: memref<100x128xf32, #tpu.memory_space<vmem>>, %arg15: memref<100x128xf32, #tpu.memory_space<vmem>>, %arg16: memref<!tpu.dma_semaphore, #tpu.memory_space<semaphore_mem>>, %arg17: memref<!tpu.dma_semaphore, #tpu.memory_space<semaphore_mem>>, %arg18: memref<!tpu.dma_semaphore, #tpu.memory_space<semaphore_mem>>, %arg19: memref<!tpu.dma_semaphore, #tpu.memory_space<semaphore_mem>>, %arg20: memref<!tpu.dma_semaphore, #tpu.memory_space<semaphore_mem>>, %arg21: memref<!tpu.dma_semaphore, #tpu.memory_space<semaphore_mem>>, %arg22: memref<!tpu.dma_semaphore, #tpu.memory_space<semaphore_mem>>, %arg23: memref<!tpu.dma_semaphore, #tpu.memory_space<semaphore_mem>>, %arg24: memref<!tpu.dma_semaphore, #tpu.memory_space<semaphore_mem>>, %arg25: memref<!tpu.dma_semaphore, #tpu.memory_space<semaphore_mem>>, %arg26: memref<!tpu.dma_semaphore, #tpu.memory_space<semaphore_mem>>, %arg27: memref<!tpu.dma_semaphore, #tpu.memory_space<semaphore_mem>>) attributes {dimension_semantics = [#tpu.dimension_semantics<core_parallel>, #tpu.dimension_semantics<subcore_parallel>], iteration_bounds = array<i64: 2, 16>, scalar_prefetch = 0 : i64, scratch_operands = 22 : i64, tpu.core_type = #tpu.core_type<sc_vector_subcore>, window_params = [{transform_indices = #map}, {transform_indices = #map1}, {transform_indices = #map}, {transform_indices = #map2}]} {
    %mul3A = arith.constant 16 : i32
    %mul3A_0 = arith.muli %arg0, %mul3A : i32
    %add3A = arith.addi %mul3A_0, %arg1 : i32
    %mul3A_1 = arith.constant 624 : i32
    %mul3A_2 = arith.muli %arg1, %mul3A_1 : i32
    "tpu.region"() ({
      %run_scoped3A = tpu.sem_alloc : memref<!tpu.dma_semaphore, #tpu.memory_space<semaphore_mem>>
      %dma_start3A_75 = arith.constant 0 : i32
      %dma_start3A_76 = tpu.memref_slice %arg6[%mul3A_2, %dma_start3A_75] : memref<10000x128xf32, #tpu.memory_space<vmem_shared>> -> memref<624x128xf32, #tpu.memory_space<vmem_shared>>
      %dma_start3A_77 = arith.constant 0 : i32
      %dma_start3A_78 = arith.constant 0 : i32
      %dma_start3A_79 = tpu.memref_slice %arg4[%dma_start3A_77, %dma_start3A_78] : memref<624x128xf32, #tpu.memory_space<hbm>> -> memref<624x128xf32, #tpu.memory_space<hbm>>
      tpu.enqueue_dma source(%dma_start3A_79 : memref<624x128xf32, #tpu.memory_space<hbm>>) target(%dma_start3A_76 : memref<624x128xf32, #tpu.memory_space<vmem_shared>>) target_semaphore(%run_scoped3A : memref<!tpu.dma_semaphore, #tpu.memory_space<semaphore_mem>>)
      %dma_wait3A_80 = arith.constant 0 : i32
      %dma_wait3A_81 = tpu.memref_slice %arg6[%mul3A_2, %dma_wait3A_80] : memref<10000x128xf32, #tpu.memory_space<vmem_shared>> -> memref<624x128xf32, #tpu.memory_space<vmem_shared>>
      %dma_wait3A_82 = arith.constant 0 : i32
      %dma_wait3A_83 = arith.constant 0 : i32
      %dma_wait3A_84 = tpu.memref_slice %arg4[%dma_wait3A_82, %dma_wait3A_83] : memref<624x128xf32, #tpu.memory_space<hbm>> -> memref<624x128xf32, #tpu.memory_space<hbm>>
      tpu.wait_dma2 semaphore(%run_scoped3A : memref<!tpu.dma_semaphore, #tpu.memory_space<semaphore_mem>>) src(%dma_wait3A_84 : memref<624x128xf32, #tpu.memory_space<hbm>>) dst(%dma_wait3A_81 : memref<624x128xf32, #tpu.memory_space<vmem_shared>>)
      tpu.yield
    }) : () -> ()
    %eq3A = arith.constant 0 : i32
    %eq3A_3 = arith.cmpi eq, %arg1, %eq3A : i32
    %convert_element_type3A = arith.extui %eq3A_3 : i1 to i32
    %cond3A = arith.constant 0 : i32
    %cond3A_4 = arith.cmpi ne, %convert_element_type3A, %cond3A : i32
    scf.if %cond3A_4 {
      "tpu.region"() ({
        %run_scoped3A = tpu.sem_alloc : memref<!tpu.dma_semaphore, #tpu.memory_space<semaphore_mem>>
        %dma_start3A_75 = arith.constant 9984 : i32
        %dma_start3A_76 = arith.constant 0 : i32
        %dma_start3A_77 = tpu.memref_slice %arg6[%dma_start3A_75, %dma_start3A_76] : memref<10000x128xf32, #tpu.memory_space<vmem_shared>> -> memref<16x128xf32, #tpu.memory_space<vmem_shared>>
        %dma_start3A_78 = arith.constant 0 : i32
        %dma_start3A_79 = arith.constant 0 : i32
        %dma_start3A_80 = tpu.memref_slice %arg4[%dma_start3A_78, %dma_start3A_79] : memref<624x128xf32, #tpu.memory_space<hbm>> -> memref<16x128xf32, #tpu.memory_space<hbm>>
        tpu.enqueue_dma source(%dma_start3A_80 : memref<16x128xf32, #tpu.memory_space<hbm>>) target(%dma_start3A_77 : memref<16x128xf32, #tpu.memory_space<vmem_shared>>) target_semaphore(%run_scoped3A : memref<!tpu.dma_semaphore, #tpu.memory_space<semaphore_mem>>)
        %dma_wait3A_81 = arith.constant 9984 : i32
        %dma_wait3A_82 = arith.constant 0 : i32
        %dma_wait3A_83 = tpu.memref_slice %arg6[%dma_wait3A_81, %dma_wait3A_82] : memref<10000x128xf32, #tpu.memory_space<vmem_shared>> -> memref<16x128xf32, #tpu.memory_space<vmem_shared>>
        %dma_wait3A_84 = arith.constant 0 : i32
        %dma_wait3A_85 = arith.constant 0 : i32
        %dma_wait3A_86 = tpu.memref_slice %arg4[%dma_wait3A_84, %dma_wait3A_85] : memref<624x128xf32, #tpu.memory_space<hbm>> -> memref<16x128xf32, #tpu.memory_space<hbm>>
        tpu.wait_dma2 semaphore(%run_scoped3A : memref<!tpu.dma_semaphore, #tpu.memory_space<semaphore_mem>>) src(%dma_wait3A_86 : memref<16x128xf32, #tpu.memory_space<hbm>>) dst(%dma_wait3A_83 : memref<16x128xf32, #tpu.memory_space<vmem_shared>>)
        tpu.yield
      }) : () -> ()
    } else {
    }
    %barrier3A = arith.constant 0 : index
    tpu.barrier barrier_id(%barrier3A)
    %dma_start3A = arith.constant 0 : i32
    %dma_start3A_5 = arith.constant 0 : i32
    %dma_start3A_6 = arith.constant 0 : i32
    %dma_start3A_7 = tpu.memref_slice %arg3[%add3A, %dma_start3A, %dma_start3A_5, %dma_start3A_6] : memref<32x100x3x100xi32, #tpu.memory_space<hbm>> -> memref<1x1x3x100xi32, #tpu.memory_space<hbm>>
    %dma_start3A_8 = tpu.memref_squeeze %dma_start3A_7 : memref<1x1x3x100xi32, #tpu.memory_space<hbm>> -> memref<3x100xi32, #tpu.memory_space<hbm>>
    %dma_start3A_9 = arith.constant 0 : i32
    %dma_start3A_10 = arith.constant 0 : i32
    %dma_start3A_11 = tpu.memref_slice %arg3[%add3A, %dma_start3A, %dma_start3A_9, %dma_start3A_10] : memref<32x100x3x100xi32, #tpu.memory_space<hbm>> -> memref<1x1x3x100xi32, #tpu.memory_space<hbm>>
    %dma_start3A_12 = tpu.memref_squeeze %dma_start3A_11 : memref<1x1x3x100xi32, #tpu.memory_space<hbm>> -> memref<3x100xi32, #tpu.memory_space<hbm>>
    tpu.enqueue_dma source(%dma_start3A_12 : memref<3x100xi32, #tpu.memory_space<hbm>>) target(%arg7 : memref<3x100xi32, #tpu.memory_space<vmem>>) target_semaphore(%arg22 : memref<!tpu.dma_semaphore, #tpu.memory_space<semaphore_mem>>)
    %dma_start3A_13 = arith.constant 1 : i32
    %dma_start3A_14 = arith.constant 0 : i32
    %dma_start3A_15 = arith.constant 0 : i32
    %dma_start3A_16 = tpu.memref_slice %arg3[%add3A, %dma_start3A_13, %dma_start3A_14, %dma_start3A_15] : memref<32x100x3x100xi32, #tpu.memory_space<hbm>> -> memref<1x1x3x100xi32, #tpu.memory_space<hbm>>
    %dma_start3A_17 = tpu.memref_squeeze %dma_start3A_16 : memref<1x1x3x100xi32, #tpu.memory_space<hbm>> -> memref<3x100xi32, #tpu.memory_space<hbm>>
    %dma_start3A_18 = arith.constant 0 : i32
    %dma_start3A_19 = arith.constant 0 : i32
    %dma_start3A_20 = tpu.memref_slice %arg3[%add3A, %dma_start3A_13, %dma_start3A_18, %dma_start3A_19] : memref<32x100x3x100xi32, #tpu.memory_space<hbm>> -> memref<1x1x3x100xi32, #tpu.memory_space<hbm>>
    %dma_start3A_21 = tpu.memref_squeeze %dma_start3A_20 : memref<1x1x3x100xi32, #tpu.memory_space<hbm>> -> memref<3x100xi32, #tpu.memory_space<hbm>>
    tpu.enqueue_dma source(%dma_start3A_21 : memref<3x100xi32, #tpu.memory_space<hbm>>) target(%arg8 : memref<3x100xi32, #tpu.memory_space<vmem>>) target_semaphore(%arg23 : memref<!tpu.dma_semaphore, #tpu.memory_space<semaphore_mem>>)
    %dma_start3A_22 = arith.constant 2 : i32
    %dma_start3A_23 = arith.constant 0 : i32
    %dma_start3A_24 = arith.constant 0 : i32
    %dma_start3A_25 = tpu.memref_slice %arg3[%add3A, %dma_start3A_22, %dma_start3A_23, %dma_start3A_24] : memref<32x100x3x100xi32, #tpu.memory_space<hbm>> -> memref<1x1x3x100xi32, #tpu.memory_space<hbm>>
    %dma_start3A_26 = tpu.memref_squeeze %dma_start3A_25 : memref<1x1x3x100xi32, #tpu.memory_space<hbm>> -> memref<3x100xi32, #tpu.memory_space<hbm>>
    %dma_start3A_27 = arith.constant 0 : i32
    %dma_start3A_28 = arith.constant 0 : i32
    %dma_start3A_29 = tpu.memref_slice %arg3[%add3A, %dma_start3A_22, %dma_start3A_27, %dma_start3A_28] : memref<32x100x3x100xi32, #tpu.memory_space<hbm>> -> memref<1x1x3x100xi32, #tpu.memory_space<hbm>>
    %dma_start3A_30 = tpu.memref_squeeze %dma_start3A_29 : memref<1x1x3x100xi32, #tpu.memory_space<hbm>> -> memref<3x100xi32, #tpu.memory_space<hbm>>
    tpu.enqueue_dma source(%dma_start3A_30 : memref<3x100xi32, #tpu.memory_space<hbm>>) target(%arg9 : memref<3x100xi32, #tpu.memory_space<vmem>>) target_semaphore(%arg24 : memref<!tpu.dma_semaphore, #tpu.memory_space<semaphore_mem>>)
    %dma_wait3A = arith.constant 0 : i32
    %dma_wait3A_31 = arith.constant 0 : i32
    %dma_wait3A_32 = arith.constant 0 : i32
    %dma_wait3A_33 = tpu.memref_slice %arg3[%add3A, %dma_wait3A, %dma_wait3A_31, %dma_wait3A_32] : memref<32x100x3x100xi32, #tpu.memory_space<hbm>> -> memref<1x1x3x100xi32, #tpu.memory_space<hbm>>
    %dma_wait3A_34 = tpu.memref_squeeze %dma_wait3A_33 : memref<1x1x3x100xi32, #tpu.memory_space<hbm>> -> memref<3x100xi32, #tpu.memory_space<hbm>>
    %dma_wait3A_35 = arith.constant 0 : i32
    %dma_wait3A_36 = arith.constant 0 : i32
    %dma_wait3A_37 = tpu.memref_slice %arg3[%add3A, %dma_wait3A, %dma_wait3A_35, %dma_wait3A_36] : memref<32x100x3x100xi32, #tpu.memory_space<hbm>> -> memref<1x1x3x100xi32, #tpu.memory_space<hbm>>
    %dma_wait3A_38 = tpu.memref_squeeze %dma_wait3A_37 : memref<1x1x3x100xi32, #tpu.memory_space<hbm>> -> memref<3x100xi32, #tpu.memory_space<hbm>>
    tpu.wait_dma2 semaphore(%arg22 : memref<!tpu.dma_semaphore, #tpu.memory_space<semaphore_mem>>) src(%dma_wait3A_38 : memref<3x100xi32, #tpu.memory_space<hbm>>) dst(%arg7 : memref<3x100xi32, #tpu.memory_space<vmem>>)
    %dma_start3A_39 = arith.constant 0 : i32
    %dma_start3A_40 = arith.constant 0 : i32
    %dma_start3A_41 = tpu.memref_slice %arg7[%dma_start3A_39, %dma_start3A_40] : memref<3x100xi32, #tpu.memory_space<vmem>> -> memref<1x100xi32, #tpu.memory_space<vmem>>
    %dma_start3A_42 = tpu.memref_squeeze %dma_start3A_41 : memref<1x100xi32, #tpu.memory_space<vmem>> -> memref<100xi32, #tpu.memory_space<vmem>>
    %dma_start3A_43 = arith.constant 0 : i32
    %dma_start3A_44 = arith.constant 0 : i32
    %dma_start3A_45 = tpu.memref_slice %arg2[%dma_start3A_43, %dma_start3A_44] : memref<10000x128xf32, #tpu.memory_space<hbm>> -> memref<10000x128xf32, #tpu.memory_space<hbm>>
    tpu.enqueue_indirect_dma source(%dma_start3A_45 : memref<10000x128xf32, #tpu.memory_space<hbm>>) target(%arg13 : memref<100x128xf32, #tpu.memory_space<vmem>>) offsets(%dma_start3A_42 : memref<100xi32, #tpu.memory_space<vmem>>) semaphore(%arg16 : memref<!tpu.dma_semaphore, #tpu.memory_space<semaphore_mem>>)
    %scan3A = arith.constant 0 : i32
    %scan3A_46 = arith.constant 0 : i32
    %scan3A_47 = arith.constant 17 : i32
    %scan3A_48 = arith.addi %scan3A_46, %scan3A_47 : i32
    %scan3A_49 = arith.constant 1 : i32
    scf.for %scan3A_75 = %scan3A_46 to %scan3A_48 step %scan3A_49  : i32 {
      %mul3A_76 = arith.constant 6 : i32
      %mul3A_77 = arith.muli %scan3A_75, %mul3A_76 : i32
      %add3A_78 = arith.constant 0 : i32
      %add3A_79 = arith.addi %mul3A_77, %add3A_78 : i32
      %lt3A = arith.constant 100 : i32
      %lt3A_80 = arith.cmpi slt, %add3A_79, %lt3A : i32
      %convert_element_type3A_81 = arith.extui %lt3A_80 : i1 to i32
      %cond3A_82 = arith.constant 0 : i32
      %cond3A_83 = arith.cmpi ne, %convert_element_type3A_81, %cond3A_82 : i32
      scf.if %cond3A_83 {
        %add3A_119 = arith.constant 0 : i32
        %add3A_120 = arith.addi %mul3A_77, %add3A_119 : i32
        %ge3A = arith.constant 2 : i32
        %ge3A_121 = arith.cmpi sge, %add3A_120, %ge3A : i32
        %convert_element_type3A_122 = arith.extui %ge3A_121 : i1 to i32
        %cond3A_123 = arith.constant 0 : i32
        %cond3A_124 = arith.cmpi ne, %convert_element_type3A_122, %cond3A_123 : i32
        scf.if %cond3A_124 {
          %dma_wait3A_156 = arith.constant 1 : i32
          %dma_wait3A_157 = arith.constant 0 : i32
          %dma_wait3A_158 = tpu.memref_slice %arg11[%dma_wait3A_156, %dma_wait3A_157] : memref<3x100xi32, #tpu.memory_space<vmem>> -> memref<1x100xi32, #tpu.memory_space<vmem>>
          %dma_wait3A_159 = tpu.memref_squeeze %dma_wait3A_158 : memref<1x100xi32, #tpu.memory_space<vmem>> -> memref<100xi32, #tpu.memory_space<vmem>>
          %dma_wait3A_160 = arith.constant 0 : i32
          %dma_wait3A_161 = arith.constant 0 : i32
          %dma_wait3A_162 = tpu.memref_slice %arg6[%dma_wait3A_160, %dma_wait3A_161] : memref<10000x128xf32, #tpu.memory_space<vmem_shared>> -> memref<10000x128xf32, #tpu.memory_space<vmem_shared>>
          tpu.wait_indirect_dma semaphore(%arg20 : memref<!tpu.dma_semaphore, #tpu.memory_space<semaphore_mem>>) src(%arg14 : memref<100x128xf32, #tpu.memory_space<vmem>>) dst(%dma_wait3A_162 : memref<10000x128xf32, #tpu.memory_space<vmem_shared>>)
        } else {
        }
        %add3A_125 = arith.constant 1 : i32
        %add3A_126 = arith.addi %add3A_120, %add3A_125 : i32
        %lt3A_127 = arith.constant 100 : i32
        %lt3A_128 = arith.cmpi slt, %add3A_126, %lt3A_127 : i32
        %convert_element_type3A_129 = arith.extui %lt3A_128 : i1 to i32
        %cond3A_130 = arith.constant 0 : i32
        %cond3A_131 = arith.cmpi ne, %convert_element_type3A_129, %cond3A_130 : i32
        scf.if %cond3A_131 {
          %dma_wait3A_156 = arith.constant 0 : i32
          %dma_wait3A_157 = arith.constant 0 : i32
          %dma_wait3A_158 = arith.constant 0 : i32
          %dma_wait3A_159 = tpu.memref_slice %arg3[%add3A, %dma_wait3A_156, %dma_wait3A_157, %dma_wait3A_158] : memref<32x100x3x100xi32, #tpu.memory_space<hbm>> -> memref<1x1x3x100xi32, #tpu.memory_space<hbm>>
          %dma_wait3A_160 = tpu.memref_squeeze %dma_wait3A_159 : memref<1x1x3x100xi32, #tpu.memory_space<hbm>> -> memref<3x100xi32, #tpu.memory_space<hbm>>
          %dma_wait3A_161 = arith.constant 0 : i32
          %dma_wait3A_162 = arith.constant 0 : i32
          %dma_wait3A_163 = tpu.memref_slice %arg3[%add3A, %dma_wait3A_156, %dma_wait3A_161, %dma_wait3A_162] : memref<32x100x3x100xi32, #tpu.memory_space<hbm>> -> memref<1x1x3x100xi32, #tpu.memory_space<hbm>>
          %dma_wait3A_164 = tpu.memref_squeeze %dma_wait3A_163 : memref<1x1x3x100xi32, #tpu.memory_space<hbm>> -> memref<3x100xi32, #tpu.memory_space<hbm>>
          tpu.wait_dma2 semaphore(%arg23 : memref<!tpu.dma_semaphore, #tpu.memory_space<semaphore_mem>>) src(%dma_wait3A_164 : memref<3x100xi32, #tpu.memory_space<hbm>>) dst(%arg8 : memref<3x100xi32, #tpu.memory_space<vmem>>)
          %dma_start3A_165 = arith.constant 0 : i32
          %dma_start3A_166 = arith.constant 0 : i32
          %dma_start3A_167 = tpu.memref_slice %arg8[%dma_start3A_165, %dma_start3A_166] : memref<3x100xi32, #tpu.memory_space<vmem>> -> memref<1x100xi32, #tpu.memory_space<vmem>>
          %dma_start3A_168 = tpu.memref_squeeze %dma_start3A_167 : memref<1x100xi32, #tpu.memory_space<vmem>> -> memref<100xi32, #tpu.memory_space<vmem>>
          %dma_start3A_169 = arith.constant 0 : i32
          %dma_start3A_170 = arith.constant 0 : i32
          %dma_start3A_171 = tpu.memref_slice %arg2[%dma_start3A_169, %dma_start3A_170] : memref<10000x128xf32, #tpu.memory_space<hbm>> -> memref<10000x128xf32, #tpu.memory_space<hbm>>
          tpu.enqueue_indirect_dma source(%dma_start3A_171 : memref<10000x128xf32, #tpu.memory_space<hbm>>) target(%arg14 : memref<100x128xf32, #tpu.memory_space<vmem>>) offsets(%dma_start3A_168 : memref<100xi32, #tpu.memory_space<vmem>>) semaphore(%arg17 : memref<!tpu.dma_semaphore, #tpu.memory_space<semaphore_mem>>)
        } else {
        }
        %dma_wait3A_132 = arith.constant 0 : i32
        %dma_wait3A_133 = arith.constant 0 : i32
        %dma_wait3A_134 = tpu.memref_slice %arg7[%dma_wait3A_132, %dma_wait3A_133] : memref<3x100xi32, #tpu.memory_space<vmem>> -> memref<1x100xi32, #tpu.memory_space<vmem>>
        %dma_wait3A_135 = tpu.memref_squeeze %dma_wait3A_134 : memref<1x100xi32, #tpu.memory_space<vmem>> -> memref<100xi32, #tpu.memory_space<vmem>>
        %dma_wait3A_136 = arith.constant 0 : i32
        %dma_wait3A_137 = arith.constant 0 : i32
        %dma_wait3A_138 = tpu.memref_slice %arg2[%dma_wait3A_136, %dma_wait3A_137] : memref<10000x128xf32, #tpu.memory_space<hbm>> -> memref<10000x128xf32, #tpu.memory_space<hbm>>
        tpu.wait_indirect_dma semaphore(%arg16 : memref<!tpu.dma_semaphore, #tpu.memory_space<semaphore_mem>>) src(%dma_wait3A_138 : memref<10000x128xf32, #tpu.memory_space<hbm>>) dst(%arg13 : memref<100x128xf32, #tpu.memory_space<vmem>>)
        %broadcast_in_dim3A = arith.constant 2 : i32
        %broadcast_in_dim3A_139 = vector.broadcast %broadcast_in_dim3A : i32 to vector<16xi32>
        %parallel_loop3A = arith.constant 0 : i32
        %parallel_loop3A_140 = arith.constant 100 : i32
        %parallel_loop3A_141 = arith.constant 1 : i32
        scf.for %parallel_loop3A_156 = %parallel_loop3A to %parallel_loop3A_140 step %parallel_loop3A_141  : i32 {
          %parallel_loop3A_157 = vector.broadcast %parallel_loop3A_156 : i32 to vector<16xi32>
          %parallel_loop3A_158 = tpu.vector_load_idx %arg7[%broadcast_in_dim3A_139, %parallel_loop3A_157] : memref<3x100xi32, #tpu.memory_space<vmem>>[vector<16xi32>, vector<16xi32>], vector<16xi32>,
          %parallel_loop3A_159 = vector.bitcast %parallel_loop3A_158 : vector<16xi32> to vector<16xf32>
          %parallel_loop3A_160 = arith.index_cast %parallel_loop3A_156 : i32 to index
          %parallel_loop3A_161 = arith.constant 0 : index
          %parallel_loop3A_162 = tpu.vector_load %arg13[%parallel_loop3A_160, %parallel_loop3A_161] {strides = array<i32>} : memref<100x128xf32, #tpu.memory_space<vmem>>, vector<16xf32>,
          %parallel_loop3A_163 = arith.mulf %parallel_loop3A_162, %parallel_loop3A_159 : vector<16xf32>
          %parallel_loop3A_164 = arith.index_cast %parallel_loop3A_156 : i32 to index
          %parallel_loop3A_165 = arith.constant 0 : index
          %parallel_loop3A_166 = tpu.vector_load %arg13[%parallel_loop3A_164, %parallel_loop3A_165] {strides = array<i32>} : memref<100x128xf32, #tpu.memory_space<vmem>>, vector<16xf32>,
          tpu.vector_store %arg13[%parallel_loop3A_164, %parallel_loop3A_165], %parallel_loop3A_163 {strides = array<i32>} : memref<100x128xf32, #tpu.memory_space<vmem>>, vector<16xf32>,
          %parallel_loop3A_167 = arith.index_cast %parallel_loop3A_156 : i32 to index
          %parallel_loop3A_168 = arith.constant 16 : index
          %parallel_loop3A_169 = tpu.vector_load %arg13[%parallel_loop3A_167, %parallel_loop3A_168] {strides = array<i32>} : memref<100x128xf32, #tpu.memory_space<vmem>>, vector<16xf32>,
          %parallel_loop3A_170 = arith.mulf %parallel_loop3A_169, %parallel_loop3A_159 : vector<16xf32>
          %parallel_loop3A_171 = arith.index_cast %parallel_loop3A_156 : i32 to index
          %parallel_loop3A_172 = arith.constant 16 : index
          %parallel_loop3A_173 = tpu.vector_load %arg13[%parallel_loop3A_171, %parallel_loop3A_172] {strides = array<i32>} : memref<100x128xf32, #tpu.memory_space<vmem>>, vector<16xf32>,
          tpu.vector_store %arg13[%parallel_loop3A_171, %parallel_loop3A_172], %parallel_loop3A_170 {strides = array<i32>} : memref<100x128xf32, #tpu.memory_space<vmem>>, vector<16xf32>,
          %parallel_loop3A_174 = arith.index_cast %parallel_loop3A_156 : i32 to index
          %parallel_loop3A_175 = arith.constant 32 : index
          %parallel_loop3A_176 = tpu.vector_load %arg13[%parallel_loop3A_174, %parallel_loop3A_175] {strides = array<i32>} : memref<100x128xf32, #tpu.memory_space<vmem>>, vector<16xf32>,
          %parallel_loop3A_177 = arith.mulf %parallel_loop3A_176, %parallel_loop3A_159 : vector<16xf32>
          %parallel_loop3A_178 = arith.index_cast %parallel_loop3A_156 : i32 to index
          %parallel_loop3A_179 = arith.constant 32 : index
          %parallel_loop3A_180 = tpu.vector_load %arg13[%parallel_loop3A_178, %parallel_loop3A_179] {strides = array<i32>} : memref<100x128xf32, #tpu.memory_space<vmem>>, vector<16xf32>,
          tpu.vector_store %arg13[%parallel_loop3A_178, %parallel_loop3A_179], %parallel_loop3A_177 {strides = array<i32>} : memref<100x128xf32, #tpu.memory_space<vmem>>, vector<16xf32>,
          %parallel_loop3A_181 = arith.index_cast %parallel_loop3A_156 : i32 to index
          %parallel_loop3A_182 = arith.constant 48 : index
          %parallel_loop3A_183 = tpu.vector_load %arg13[%parallel_loop3A_181, %parallel_loop3A_182] {strides = array<i32>} : memref<100x128xf32, #tpu.memory_space<vmem>>, vector<16xf32>,
          %parallel_loop3A_184 = arith.mulf %parallel_loop3A_183, %parallel_loop3A_159 : vector<16xf32>
          %parallel_loop3A_185 = arith.index_cast %parallel_loop3A_156 : i32 to index
          %parallel_loop3A_186 = arith.constant 48 : index
          %parallel_loop3A_187 = tpu.vector_load %arg13[%parallel_loop3A_185, %parallel_loop3A_186] {strides = array<i32>} : memref<100x128xf32, #tpu.memory_space<vmem>>, vector<16xf32>,
          tpu.vector_store %arg13[%parallel_loop3A_185, %parallel_loop3A_186], %parallel_loop3A_184 {strides = array<i32>} : memref<100x128xf32, #tpu.memory_space<vmem>>, vector<16xf32>,
          %parallel_loop3A_188 = arith.index_cast %parallel_loop3A_156 : i32 to index
          %parallel_loop3A_189 = arith.constant 64 : index
          %parallel_loop3A_190 = tpu.vector_load %arg13[%parallel_loop3A_188, %parallel_loop3A_189] {strides = array<i32>} : memref<100x128xf32, #tpu.memory_space<vmem>>, vector<16xf32>,
          %parallel_loop3A_191 = arith.mulf %parallel_loop3A_190, %parallel_loop3A_159 : vector<16xf32>
          %parallel_loop3A_192 = arith.index_cast %parallel_loop3A_156 : i32 to index
          %parallel_loop3A_193 = arith.constant 64 : index
          %parallel_loop3A_194 = tpu.vector_load %arg13[%parallel_loop3A_192, %parallel_loop3A_193] {strides = array<i32>} : memref<100x128xf32, #tpu.memory_space<vmem>>, vector<16xf32>,
          tpu.vector_store %arg13[%parallel_loop3A_192, %parallel_loop3A_193], %parallel_loop3A_191 {strides = array<i32>} : memref<100x128xf32, #tpu.memory_space<vmem>>, vector<16xf32>,
          %parallel_loop3A_195 = arith.index_cast %parallel_loop3A_156 : i32 to index
          %parallel_loop3A_196 = arith.constant 80 : index
          %parallel_loop3A_197 = tpu.vector_load %arg13[%parallel_loop3A_195, %parallel_loop3A_196] {strides = array<i32>} : memref<100x128xf32, #tpu.memory_space<vmem>>, vector<16xf32>,
          %parallel_loop3A_198 = arith.mulf %parallel_loop3A_197, %parallel_loop3A_159 : vector<16xf32>
          %parallel_loop3A_199 = arith.index_cast %parallel_loop3A_156 : i32 to index
          %parallel_loop3A_200 = arith.constant 80 : index
          %parallel_loop3A_201 = tpu.vector_load %arg13[%parallel_loop3A_199, %parallel_loop3A_200] {strides = array<i32>} : memref<100x128xf32, #tpu.memory_space<vmem>>, vector<16xf32>,
          tpu.vector_store %arg13[%parallel_loop3A_199, %parallel_loop3A_200], %parallel_loop3A_198 {strides = array<i32>} : memref<100x128xf32, #tpu.memory_space<vmem>>, vector<16xf32>,
          %parallel_loop3A_202 = arith.index_cast %parallel_loop3A_156 : i32 to index
          %parallel_loop3A_203 = arith.constant 96 : index
          %parallel_loop3A_204 = tpu.vector_load %arg13[%parallel_loop3A_202, %parallel_loop3A_203] {strides = array<i32>} : memref<100x128xf32, #tpu.memory_space<vmem>>, vector<16xf32>,
          %parallel_loop3A_205 = arith.mulf %parallel_loop3A_204, %parallel_loop3A_159 : vector<16xf32>
          %parallel_loop3A_206 = arith.index_cast %parallel_loop3A_156 : i32 to index
          %parallel_loop3A_207 = arith.constant 96 : index
          %parallel_loop3A_208 = tpu.vector_load %arg13[%parallel_loop3A_206, %parallel_loop3A_207] {strides = array<i32>} : memref<100x128xf32, #tpu.memory_space<vmem>>, vector<16xf32>,
          tpu.vector_store %arg13[%parallel_loop3A_206, %parallel_loop3A_207], %parallel_loop3A_205 {strides = array<i32>} : memref<100x128xf32, #tpu.memory_space<vmem>>, vector<16xf32>,
          %parallel_loop3A_209 = arith.index_cast %parallel_loop3A_156 : i32 to index
          %parallel_loop3A_210 = arith.constant 112 : index
          %parallel_loop3A_211 = tpu.vector_load %arg13[%parallel_loop3A_209, %parallel_loop3A_210] {strides = array<i32>} : memref<100x128xf32, #tpu.memory_space<vmem>>, vector<16xf32>,
          %parallel_loop3A_212 = arith.mulf %parallel_loop3A_211, %parallel_loop3A_159 : vector<16xf32>
          %parallel_loop3A_213 = arith.index_cast %parallel_loop3A_156 : i32 to index
          %parallel_loop3A_214 = arith.constant 112 : index
          %parallel_loop3A_215 = tpu.vector_load %arg13[%parallel_loop3A_213, %parallel_loop3A_214] {strides = array<i32>} : memref<100x128xf32, #tpu.memory_space<vmem>>, vector<16xf32>,
          tpu.vector_store %arg13[%parallel_loop3A_213, %parallel_loop3A_214], %parallel_loop3A_212 {strides = array<i32>} : memref<100x128xf32, #tpu.memory_space<vmem>>, vector<16xf32>,
        } {sc.loop_unroll_factor = 10 : i64, sc.parallel_access}
        %dma_start3A_142 = arith.constant 1 : i32
        %dma_start3A_143 = arith.constant 0 : i32
        %dma_start3A_144 = tpu.memref_slice %arg7[%dma_start3A_142, %dma_start3A_143] : memref<3x100xi32, #tpu.memory_space<vmem>> -> memref<1x100xi32, #tpu.memory_space<vmem>>
        %dma_start3A_145 = tpu.memref_squeeze %dma_start3A_144 : memref<1x100xi32, #tpu.memory_space<vmem>> -> memref<100xi32, #tpu.memory_space<vmem>>
        %dma_start3A_146 = arith.constant 0 : i32
        %dma_start3A_147 = arith.constant 0 : i32
        %dma_start3A_148 = tpu.memref_slice %arg6[%dma_start3A_146, %dma_start3A_147] : memref<10000x128xf32, #tpu.memory_space<vmem_shared>> -> memref<10000x128xf32, #tpu.memory_space<vmem_shared>>
        tpu.enqueue_indirect_dma source(%arg13 : memref<100x128xf32, #tpu.memory_space<vmem>>) target(%dma_start3A_148 : memref<10000x128xf32, #tpu.memory_space<vmem_shared>>) offsets(%dma_start3A_145 : memref<100xi32, #tpu.memory_space<vmem>>) semaphore(%arg19 : memref<!tpu.dma_semaphore, #tpu.memory_space<semaphore_mem>>) {add = true}
        %add3A_149 = arith.constant 3 : i32
        %add3A_150 = arith.addi %add3A_120, %add3A_149 : i32
        %lt3A_151 = arith.constant 100 : i32
        %lt3A_152 = arith.cmpi slt, %add3A_150, %lt3A_151 : i32
        %convert_element_type3A_153 = arith.extui %lt3A_152 : i1 to i32
        %cond3A_154 = arith.constant 0 : i32
        %cond3A_155 = arith.cmpi ne, %convert_element_type3A_153, %cond3A_154 : i32
        scf.if %cond3A_155 {
          %add3A_156 = arith.constant 3 : i32
          %add3A_157 = arith.addi %add3A_120, %add3A_156 : i32
          %dma_start3A_158 = arith.constant 0 : i32
          %dma_start3A_159 = arith.constant 0 : i32
          %dma_start3A_160 = tpu.memref_slice %arg3[%add3A, %add3A_157, %dma_start3A_158, %dma_start3A_159] : memref<32x100x3x100xi32, #tpu.memory_space<hbm>> -> memref<1x1x3x100xi32, #tpu.memory_space<hbm>>
          %dma_start3A_161 = tpu.memref_squeeze %dma_start3A_160 : memref<1x1x3x100xi32, #tpu.memory_space<hbm>> -> memref<3x100xi32, #tpu.memory_space<hbm>>
          %dma_start3A_162 = arith.constant 0 : i32
          %dma_start3A_163 = arith.constant 0 : i32
          %dma_start3A_164 = tpu.memref_slice %arg3[%add3A, %add3A_157, %dma_start3A_162, %dma_start3A_163] : memref<32x100x3x100xi32, #tpu.memory_space<hbm>> -> memref<1x1x3x100xi32, #tpu.memory_space<hbm>>
          %dma_start3A_165 = tpu.memref_squeeze %dma_start3A_164 : memref<1x1x3x100xi32, #tpu.memory_space<hbm>> -> memref<3x100xi32, #tpu.memory_space<hbm>>
          tpu.enqueue_dma source(%dma_start3A_165 : memref<3x100xi32, #tpu.memory_space<hbm>>) target(%arg10 : memref<3x100xi32, #tpu.memory_space<vmem>>) target_semaphore(%arg25 : memref<!tpu.dma_semaphore, #tpu.memory_space<semaphore_mem>>)
        } else {
        }
      } else {
      }
      %add3A_84 = arith.constant 1 : i32
      %add3A_85 = arith.addi %mul3A_77, %add3A_84 : i32
      %lt3A_86 = arith.constant 100 : i32
      %lt3A_87 = arith.cmpi slt, %add3A_85, %lt3A_86 : i32
      %convert_element_type3A_88 = arith.extui %lt3A_87 : i1 to i32
      %cond3A_89 = arith.constant 0 : i32
      %cond3A_90 = arith.cmpi ne, %convert_element_type3A_88, %cond3A_89 : i32
      scf.if %cond3A_90 {
        %add3A_119 = arith.constant 1 : i32
        %add3A_120 = arith.addi %mul3A_77, %add3A_119 : i32
        %ge3A = arith.constant 2 : i32
        %ge3A_121 = arith.cmpi sge, %add3A_120, %ge3A : i32
        %convert_element_type3A_122 = arith.extui %ge3A_121 : i1 to i32
        %cond3A_123 = arith.constant 0 : i32
        %cond3A_124 = arith.cmpi ne, %convert_element_type3A_122, %cond3A_123 : i32
        scf.if %cond3A_124 {
          %dma_wait3A_156 = arith.constant 1 : i32
          %dma_wait3A_157 = arith.constant 0 : i32
          %dma_wait3A_158 = tpu.memref_slice %arg12[%dma_wait3A_156, %dma_wait3A_157] : memref<3x100xi32, #tpu.memory_space<vmem>> -> memref<1x100xi32, #tpu.memory_space<vmem>>
          %dma_wait3A_159 = tpu.memref_squeeze %dma_wait3A_158 : memref<1x100xi32, #tpu.memory_space<vmem>> -> memref<100xi32, #tpu.memory_space<vmem>>
          %dma_wait3A_160 = arith.constant 0 : i32
          %dma_wait3A_161 = arith.constant 0 : i32
          %dma_wait3A_162 = tpu.memref_slice %arg6[%dma_wait3A_160, %dma_wait3A_161] : memref<10000x128xf32, #tpu.memory_space<vmem_shared>> -> memref<10000x128xf32, #tpu.memory_space<vmem_shared>>
          tpu.wait_indirect_dma semaphore(%arg21 : memref<!tpu.dma_semaphore, #tpu.memory_space<semaphore_mem>>) src(%arg15 : memref<100x128xf32, #tpu.memory_space<vmem>>) dst(%dma_wait3A_162 : memref<10000x128xf32, #tpu.memory_space<vmem_shared>>)
        } else {
        }
        %add3A_125 = arith.constant 1 : i32
        %add3A_126 = arith.addi %add3A_120, %add3A_125 : i32
        %lt3A_127 = arith.constant 100 : i32
        %lt3A_128 = arith.cmpi slt, %add3A_126, %lt3A_127 : i32
        %convert_element_type3A_129 = arith.extui %lt3A_128 : i1 to i32
        %cond3A_130 = arith.constant 0 : i32
        %cond3A_131 = arith.cmpi ne, %convert_element_type3A_129, %cond3A_130 : i32
        scf.if %cond3A_131 {
          %dma_wait3A_156 = arith.constant 0 : i32
          %dma_wait3A_157 = arith.constant 0 : i32
          %dma_wait3A_158 = arith.constant 0 : i32
          %dma_wait3A_159 = tpu.memref_slice %arg3[%add3A, %dma_wait3A_156, %dma_wait3A_157, %dma_wait3A_158] : memref<32x100x3x100xi32, #tpu.memory_space<hbm>> -> memref<1x1x3x100xi32, #tpu.memory_space<hbm>>
          %dma_wait3A_160 = tpu.memref_squeeze %dma_wait3A_159 : memref<1x1x3x100xi32, #tpu.memory_space<hbm>> -> memref<3x100xi32, #tpu.memory_space<hbm>>
          %dma_wait3A_161 = arith.constant 0 : i32
          %dma_wait3A_162 = arith.constant 0 : i32
          %dma_wait3A_163 = tpu.memref_slice %arg3[%add3A, %dma_wait3A_156, %dma_wait3A_161, %dma_wait3A_162] : memref<32x100x3x100xi32, #tpu.memory_space<hbm>> -> memref<1x1x3x100xi32, #tpu.memory_space<hbm>>
          %dma_wait3A_164 = tpu.memref_squeeze %dma_wait3A_163 : memref<1x1x3x100xi32, #tpu.memory_space<hbm>> -> memref<3x100xi32, #tpu.memory_space<hbm>>
          tpu.wait_dma2 semaphore(%arg24 : memref<!tpu.dma_semaphore, #tpu.memory_space<semaphore_mem>>) src(%dma_wait3A_164 : memref<3x100xi32, #tpu.memory_space<hbm>>) dst(%arg9 : memref<3x100xi32, #tpu.memory_space<vmem>>)
          %dma_start3A_165 = arith.constant 0 : i32
          %dma_start3A_166 = arith.constant 0 : i32
          %dma_start3A_167 = tpu.memref_slice %arg9[%dma_start3A_165, %dma_start3A_166] : memref<3x100xi32, #tpu.memory_space<vmem>> -> memref<1x100xi32, #tpu.memory_space<vmem>>
          %dma_start3A_168 = tpu.memref_squeeze %dma_start3A_167 : memref<1x100xi32, #tpu.memory_space<vmem>> -> memref<100xi32, #tpu.memory_space<vmem>>
          %dma_start3A_169 = arith.constant 0 : i32
          %dma_start3A_170 = arith.constant 0 : i32
          %dma_start3A_171 = tpu.memref_slice %arg2[%dma_start3A_169, %dma_start3A_170] : memref<10000x128xf32, #tpu.memory_space<hbm>> -> memref<10000x128xf32, #tpu.memory_space<hbm>>
          tpu.enqueue_indirect_dma source(%dma_start3A_171 : memref<10000x128xf32, #tpu.memory_space<hbm>>) target(%arg15 : memref<100x128xf32, #tpu.memory_space<vmem>>) offsets(%dma_start3A_168 : memref<100xi32, #tpu.memory_space<vmem>>) semaphore(%arg18 : memref<!tpu.dma_semaphore, #tpu.memory_space<semaphore_mem>>)
        } else {
        }
        %dma_wait3A_132 = arith.constant 0 : i32
        %dma_wait3A_133 = arith.constant 0 : i32
        %dma_wait3A_134 = tpu.memref_slice %arg8[%dma_wait3A_132, %dma_wait3A_133] : memref<3x100xi32, #tpu.memory_space<vmem>> -> memref<1x100xi32, #tpu.memory_space<vmem>>
        %dma_wait3A_135 = tpu.memref_squeeze %dma_wait3A_134 : memref<1x100xi32, #tpu.memory_space<vmem>> -> memref<100xi32, #tpu.memory_space<vmem>>
        %dma_wait3A_136 = arith.constant 0 : i32
        %dma_wait3A_137 = arith.constant 0 : i32
        %dma_wait3A_138 = tpu.memref_slice %arg2[%dma_wait3A_136, %dma_wait3A_137] : memref<10000x128xf32, #tpu.memory_space<hbm>> -> memref<10000x128xf32, #tpu.memory_space<hbm>>
        tpu.wait_indirect_dma semaphore(%arg17 : memref<!tpu.dma_semaphore, #tpu.memory_space<semaphore_mem>>) src(%dma_wait3A_138 : memref<10000x128xf32, #tpu.memory_space<hbm>>) dst(%arg14 : memref<100x128xf32, #tpu.memory_space<vmem>>)
        %broadcast_in_dim3A = arith.constant 2 : i32
        %broadcast_in_dim3A_139 = vector.broadcast %broadcast_in_dim3A : i32 to vector<16xi32>
        %parallel_loop3A = arith.constant 0 : i32
        %parallel_loop3A_140 = arith.constant 100 : i32
        %parallel_loop3A_141 = arith.constant 1 : i32
        scf.for %parallel_loop3A_156 = %parallel_loop3A to %parallel_loop3A_140 step %parallel_loop3A_141  : i32 {
          %parallel_loop3A_157 = vector.broadcast %parallel_loop3A_156 : i32 to vector<16xi32>
          %parallel_loop3A_158 = tpu.vector_load_idx %arg8[%broadcast_in_dim3A_139, %parallel_loop3A_157] : memref<3x100xi32, #tpu.memory_space<vmem>>[vector<16xi32>, vector<16xi32>], vector<16xi32>,
          %parallel_loop3A_159 = vector.bitcast %parallel_loop3A_158 : vector<16xi32> to vector<16xf32>
          %parallel_loop3A_160 = arith.index_cast %parallel_loop3A_156 : i32 to index
          %parallel_loop3A_161 = arith.constant 0 : index
          %parallel_loop3A_162 = tpu.vector_load %arg14[%parallel_loop3A_160, %parallel_loop3A_161] {strides = array<i32>} : memref<100x128xf32, #tpu.memory_space<vmem>>, vector<16xf32>,
          %parallel_loop3A_163 = arith.mulf %parallel_loop3A_162, %parallel_loop3A_159 : vector<16xf32>
          %parallel_loop3A_164 = arith.index_cast %parallel_loop3A_156 : i32 to index
          %parallel_loop3A_165 = arith.constant 0 : index
          %parallel_loop3A_166 = tpu.vector_load %arg14[%parallel_loop3A_164, %parallel_loop3A_165] {strides = array<i32>} : memref<100x128xf32, #tpu.memory_space<vmem>>, vector<16xf32>,
          tpu.vector_store %arg14[%parallel_loop3A_164, %parallel_loop3A_165], %parallel_loop3A_163 {strides = array<i32>} : memref<100x128xf32, #tpu.memory_space<vmem>>, vector<16xf32>,
          %parallel_loop3A_167 = arith.index_cast %parallel_loop3A_156 : i32 to index
          %parallel_loop3A_168 = arith.constant 16 : index
          %parallel_loop3A_169 = tpu.vector_load %arg14[%parallel_loop3A_167, %parallel_loop3A_168] {strides = array<i32>} : memref<100x128xf32, #tpu.memory_space<vmem>>, vector<16xf32>,
          %parallel_loop3A_170 = arith.mulf %parallel_loop3A_169, %parallel_loop3A_159 : vector<16xf32>
          %parallel_loop3A_171 = arith.index_cast %parallel_loop3A_156 : i32 to index
          %parallel_loop3A_172 = arith.constant 16 : index
          %parallel_loop3A_173 = tpu.vector_load %arg14[%parallel_loop3A_171, %parallel_loop3A_172] {strides = array<i32>} : memref<100x128xf32, #tpu.memory_space<vmem>>, vector<16xf32>,
          tpu.vector_store %arg14[%parallel_loop3A_171, %parallel_loop3A_172], %parallel_loop3A_170 {strides = array<i32>} : memref<100x128xf32, #tpu.memory_space<vmem>>, vector<16xf32>,
          %parallel_loop3A_174 = arith.index_cast %parallel_loop3A_156 : i32 to index
          %parallel_loop3A_175 = arith.constant 32 : index
          %parallel_loop3A_176 = tpu.vector_load %arg14[%parallel_loop3A_174, %parallel_loop3A_175] {strides = array<i32>} : memref<100x128xf32, #tpu.memory_space<vmem>>, vector<16xf32>,
          %parallel_loop3A_177 = arith.mulf %parallel_loop3A_176, %parallel_loop3A_159 : vector<16xf32>
          %parallel_loop3A_178 = arith.index_cast %parallel_loop3A_156 : i32 to index
          %parallel_loop3A_179 = arith.constant 32 : index
          %parallel_loop3A_180 = tpu.vector_load %arg14[%parallel_loop3A_178, %parallel_loop3A_179] {strides = array<i32>} : memref<100x128xf32, #tpu.memory_space<vmem>>, vector<16xf32>,
          tpu.vector_store %arg14[%parallel_loop3A_178, %parallel_loop3A_179], %parallel_loop3A_177 {strides = array<i32>} : memref<100x128xf32, #tpu.memory_space<vmem>>, vector<16xf32>,
          %parallel_loop3A_181 = arith.index_cast %parallel_loop3A_156 : i32 to index
          %parallel_loop3A_182 = arith.constant 48 : index
          %parallel_loop3A_183 = tpu.vector_load %arg14[%parallel_loop3A_181, %parallel_loop3A_182] {strides = array<i32>} : memref<100x128xf32, #tpu.memory_space<vmem>>, vector<16xf32>,
          %parallel_loop3A_184 = arith.mulf %parallel_loop3A_183, %parallel_loop3A_159 : vector<16xf32>
          %parallel_loop3A_185 = arith.index_cast %parallel_loop3A_156 : i32 to index
          %parallel_loop3A_186 = arith.constant 48 : index
          %parallel_loop3A_187 = tpu.vector_load %arg14[%parallel_loop3A_185, %parallel_loop3A_186] {strides = array<i32>} : memref<100x128xf32, #tpu.memory_space<vmem>>, vector<16xf32>,
          tpu.vector_store %arg14[%parallel_loop3A_185, %parallel_loop3A_186], %parallel_loop3A_184 {strides = array<i32>} : memref<100x128xf32, #tpu.memory_space<vmem>>, vector<16xf32>,
          %parallel_loop3A_188 = arith.index_cast %parallel_loop3A_156 : i32 to index
          %parallel_loop3A_189 = arith.constant 64 : index
          %parallel_loop3A_190 = tpu.vector_load %arg14[%parallel_loop3A_188, %parallel_loop3A_189] {strides = array<i32>} : memref<100x128xf32, #tpu.memory_space<vmem>>, vector<16xf32>,
          %parallel_loop3A_191 = arith.mulf %parallel_loop3A_190, %parallel_loop3A_159 : vector<16xf32>
          %parallel_loop3A_192 = arith.index_cast %parallel_loop3A_156 : i32 to index
          %parallel_loop3A_193 = arith.constant 64 : index
          %parallel_loop3A_194 = tpu.vector_load %arg14[%parallel_loop3A_192, %parallel_loop3A_193] {strides = array<i32>} : memref<100x128xf32, #tpu.memory_space<vmem>>, vector<16xf32>,
          tpu.vector_store %arg14[%parallel_loop3A_192, %parallel_loop3A_193], %parallel_loop3A_191 {strides = array<i32>} : memref<100x128xf32, #tpu.memory_space<vmem>>, vector<16xf32>,
          %parallel_loop3A_195 = arith.index_cast %parallel_loop3A_156 : i32 to index
          %parallel_loop3A_196 = arith.constant 80 : index
          %parallel_loop3A_197 = tpu.vector_load %arg14[%parallel_loop3A_195, %parallel_loop3A_196] {strides = array<i32>} : memref<100x128xf32, #tpu.memory_space<vmem>>, vector<16xf32>,
          %parallel_loop3A_198 = arith.mulf %parallel_loop3A_197, %parallel_loop3A_159 : vector<16xf32>
          %parallel_loop3A_199 = arith.index_cast %parallel_loop3A_156 : i32 to index
          %parallel_loop3A_200 = arith.constant 80 : index
          %parallel_loop3A_201 = tpu.vector_load %arg14[%parallel_loop3A_199, %parallel_loop3A_200] {strides = array<i32>} : memref<100x128xf32, #tpu.memory_space<vmem>>, vector<16xf32>,
          tpu.vector_store %arg14[%parallel_loop3A_199, %parallel_loop3A_200], %parallel_loop3A_198 {strides = array<i32>} : memref<100x128xf32, #tpu.memory_space<vmem>>, vector<16xf32>,
          %parallel_loop3A_202 = arith.index_cast %parallel_loop3A_156 : i32 to index
          %parallel_loop3A_203 = arith.constant 96 : index
          %parallel_loop3A_204 = tpu.vector_load %arg14[%parallel_loop3A_202, %parallel_loop3A_203] {strides = array<i32>} : memref<100x128xf32, #tpu.memory_space<vmem>>, vector<16xf32>,
          %parallel_loop3A_205 = arith.mulf %parallel_loop3A_204, %parallel_loop3A_159 : vector<16xf32>
          %parallel_loop3A_206 = arith.index_cast %parallel_loop3A_156 : i32 to index
          %parallel_loop3A_207 = arith.constant 96 : index
          %parallel_loop3A_208 = tpu.vector_load %arg14[%parallel_loop3A_206, %parallel_loop3A_207] {strides = array<i32>} : memref<100x128xf32, #tpu.memory_space<vmem>>, vector<16xf32>,
          tpu.vector_store %arg14[%parallel_loop3A_206, %parallel_loop3A_207], %parallel_loop3A_205 {strides = array<i32>} : memref<100x128xf32, #tpu.memory_space<vmem>>, vector<16xf32>,
          %parallel_loop3A_209 = arith.index_cast %parallel_loop3A_156 : i32 to index
          %parallel_loop3A_210 = arith.constant 112 : index
          %parallel_loop3A_211 = tpu.vector_load %arg14[%parallel_loop3A_209, %parallel_loop3A_210] {strides = array<i32>} : memref<100x128xf32, #tpu.memory_space<vmem>>, vector<16xf32>,
          %parallel_loop3A_212 = arith.mulf %parallel_loop3A_211, %parallel_loop3A_159 : vector<16xf32>
          %parallel_loop3A_213 = arith.index_cast %parallel_loop3A_156 : i32 to index
          %parallel_loop3A_214 = arith.constant 112 : index
          %parallel_loop3A_215 = tpu.vector_load %arg14[%parallel_loop3A_213, %parallel_loop3A_214] {strides = array<i32>} : memref<100x128xf32, #tpu.memory_space<vmem>>, vector<16xf32>,
          tpu.vector_store %arg14[%parallel_loop3A_213, %parallel_loop3A_214], %parallel_loop3A_212 {strides = array<i32>} : memref<100x128xf32, #tpu.memory_space<vmem>>, vector<16xf32>,
        } {sc.loop_unroll_factor = 10 : i64, sc.parallel_access}
        %dma_start3A_142 = arith.constant 1 : i32
        %dma_start3A_143 = arith.constant 0 : i32
        %dma_start3A_144 = tpu.memref_slice %arg8[%dma_start3A_142, %dma_start3A_143] : memref<3x100xi32, #tpu.memory_space<vmem>> -> memref<1x100xi32, #tpu.memory_space<vmem>>
        %dma_start3A_145 = tpu.memref_squeeze %dma_start3A_144 : memref<1x100xi32, #tpu.memory_space<vmem>> -> memref<100xi32, #tpu.memory_space<vmem>>
        %dma_start3A_146 = arith.constant 0 : i32
        %dma_start3A_147 = arith.constant 0 : i32
        %dma_start3A_148 = tpu.memref_slice %arg6[%dma_start3A_146, %dma_start3A_147] : memref<10000x128xf32, #tpu.memory_space<vmem_shared>> -> memref<10000x128xf32, #tpu.memory_space<vmem_shared>>
        tpu.enqueue_indirect_dma source(%arg14 : memref<100x128xf32, #tpu.memory_space<vmem>>) target(%dma_start3A_148 : memref<10000x128xf32, #tpu.memory_space<vmem_shared>>) offsets(%dma_start3A_145 : memref<100xi32, #tpu.memory_space<vmem>>) semaphore(%arg20 : memref<!tpu.dma_semaphore, #tpu.memory_space<semaphore_mem>>) {add = true}
        %add3A_149 = arith.constant 3 : i32
        %add3A_150 = arith.addi %add3A_120, %add3A_149 : i32
        %lt3A_151 = arith.constant 100 : i32
        %lt3A_152 = arith.cmpi slt, %add3A_150, %lt3A_151 : i32
        %convert_element_type3A_153 = arith.extui %lt3A_152 : i1 to i32
        %cond3A_154 = arith.constant 0 : i32
        %cond3A_155 = arith.cmpi ne, %convert_element_type3A_153, %cond3A_154 : i32
        scf.if %cond3A_155 {
          %add3A_156 = arith.constant 3 : i32
          %add3A_157 = arith.addi %add3A_120, %add3A_156 : i32
          %dma_start3A_158 = arith.constant 0 : i32
          %dma_start3A_159 = arith.constant 0 : i32
          %dma_start3A_160 = tpu.memref_slice %arg3[%add3A, %add3A_157, %dma_start3A_158, %dma_start3A_159] : memref<32x100x3x100xi32, #tpu.memory_space<hbm>> -> memref<1x1x3x100xi32, #tpu.memory_space<hbm>>
          %dma_start3A_161 = tpu.memref_squeeze %dma_start3A_160 : memref<1x1x3x100xi32, #tpu.memory_space<hbm>> -> memref<3x100xi32, #tpu.memory_space<hbm>>
          %dma_start3A_162 = arith.constant 0 : i32
          %dma_start3A_163 = arith.constant 0 : i32
          %dma_start3A_164 = tpu.memref_slice %arg3[%add3A, %add3A_157, %dma_start3A_162, %dma_start3A_163] : memref<32x100x3x100xi32, #tpu.memory_space<hbm>> -> memref<1x1x3x100xi32, #tpu.memory_space<hbm>>
          %dma_start3A_165 = tpu.memref_squeeze %dma_start3A_164 : memref<1x1x3x100xi32, #tpu.memory_space<hbm>> -> memref<3x100xi32, #tpu.memory_space<hbm>>
          tpu.enqueue_dma source(%dma_start3A_165 : memref<3x100xi32, #tpu.memory_space<hbm>>) target(%arg11 : memref<3x100xi32, #tpu.memory_space<vmem>>) target_semaphore(%arg26 : memref<!tpu.dma_semaphore, #tpu.memory_space<semaphore_mem>>)
        } else {
        }
      } else {
      }
      %add3A_91 = arith.constant 2 : i32
      %add3A_92 = arith.addi %mul3A_77, %add3A_91 : i32
      %lt3A_93 = arith.constant 100 : i32
      %lt3A_94 = arith.cmpi slt, %add3A_92, %lt3A_93 : i32
      %convert_element_type3A_95 = arith.extui %lt3A_94 : i1 to i32
      %cond3A_96 = arith.constant 0 : i32
      %cond3A_97 = arith.cmpi ne, %convert_element_type3A_95, %cond3A_96 : i32
      scf.if %cond3A_97 {
        %add3A_119 = arith.constant 2 : i32
        %add3A_120 = arith.addi %mul3A_77, %add3A_119 : i32
        %ge3A = arith.constant 2 : i32
        %ge3A_121 = arith.cmpi sge, %add3A_120, %ge3A : i32
        %convert_element_type3A_122 = arith.extui %ge3A_121 : i1 to i32
        %cond3A_123 = arith.constant 0 : i32
        %cond3A_124 = arith.cmpi ne, %convert_element_type3A_122, %cond3A_123 : i32
        scf.if %cond3A_124 {
          %dma_wait3A_156 = arith.constant 1 : i32
          %dma_wait3A_157 = arith.constant 0 : i32
          %dma_wait3A_158 = tpu.memref_slice %arg7[%dma_wait3A_156, %dma_wait3A_157] : memref<3x100xi32, #tpu.memory_space<vmem>> -> memref<1x100xi32, #tpu.memory_space<vmem>>
          %dma_wait3A_159 = tpu.memref_squeeze %dma_wait3A_158 : memref<1x100xi32, #tpu.memory_space<vmem>> -> memref<100xi32, #tpu.memory_space<vmem>>
          %dma_wait3A_160 = arith.constant 0 : i32
          %dma_wait3A_161 = arith.constant 0 : i32
          %dma_wait3A_162 = tpu.memref_slice %arg6[%dma_wait3A_160, %dma_wait3A_161] : memref<10000x128xf32, #tpu.memory_space<vmem_shared>> -> memref<10000x128xf32, #tpu.memory_space<vmem_shared>>
          tpu.wait_indirect_dma semaphore(%arg19 : memref<!tpu.dma_semaphore, #tpu.memory_space<semaphore_mem>>) src(%arg13 : memref<100x128xf32, #tpu.memory_space<vmem>>) dst(%dma_wait3A_162 : memref<10000x128xf32, #tpu.memory_space<vmem_shared>>)
        } else {
        }
        %add3A_125 = arith.constant 1 : i32
        %add3A_126 = arith.addi %add3A_120, %add3A_125 : i32
        %lt3A_127 = arith.constant 100 : i32
        %lt3A_128 = arith.cmpi slt, %add3A_126, %lt3A_127 : i32
        %convert_element_type3A_129 = arith.extui %lt3A_128 : i1 to i32
        %cond3A_130 = arith.constant 0 : i32
        %cond3A_131 = arith.cmpi ne, %convert_element_type3A_129, %cond3A_130 : i32
        scf.if %cond3A_131 {
          %dma_wait3A_156 = arith.constant 0 : i32
          %dma_wait3A_157 = arith.constant 0 : i32
          %dma_wait3A_158 = arith.constant 0 : i32
          %dma_wait3A_159 = tpu.memref_slice %arg3[%add3A, %dma_wait3A_156, %dma_wait3A_157, %dma_wait3A_158] : memref<32x100x3x100xi32, #tpu.memory_space<hbm>> -> memref<1x1x3x100xi32, #tpu.memory_space<hbm>>
          %dma_wait3A_160 = tpu.memref_squeeze %dma_wait3A_159 : memref<1x1x3x100xi32, #tpu.memory_space<hbm>> -> memref<3x100xi32, #tpu.memory_space<hbm>>
          %dma_wait3A_161 = arith.constant 0 : i32
          %dma_wait3A_162 = arith.constant 0 : i32
          %dma_wait3A_163 = tpu.memref_slice %arg3[%add3A, %dma_wait3A_156, %dma_wait3A_161, %dma_wait3A_162] : memref<32x100x3x100xi32, #tpu.memory_space<hbm>> -> memref<1x1x3x100xi32, #tpu.memory_space<hbm>>
          %dma_wait3A_164 = tpu.memref_squeeze %dma_wait3A_163 : memref<1x1x3x100xi32, #tpu.memory_space<hbm>> -> memref<3x100xi32, #tpu.memory_space<hbm>>
          tpu.wait_dma2 semaphore(%arg25 : memref<!tpu.dma_semaphore, #tpu.memory_space<semaphore_mem>>) src(%dma_wait3A_164 : memref<3x100xi32, #tpu.memory_space<hbm>>) dst(%arg10 : memref<3x100xi32, #tpu.memory_space<vmem>>)
          %dma_start3A_165 = arith.constant 0 : i32
          %dma_start3A_166 = arith.constant 0 : i32
          %dma_start3A_167 = tpu.memref_slice %arg10[%dma_start3A_165, %dma_start3A_166] : memref<3x100xi32, #tpu.memory_space<vmem>> -> memref<1x100xi32, #tpu.memory_space<vmem>>
          %dma_start3A_168 = tpu.memref_squeeze %dma_start3A_167 : memref<1x100xi32, #tpu.memory_space<vmem>> -> memref<100xi32, #tpu.memory_space<vmem>>
          %dma_start3A_169 = arith.constant 0 : i32
          %dma_start3A_170 = arith.constant 0 : i32
          %dma_start3A_171 = tpu.memref_slice %arg2[%dma_start3A_169, %dma_start3A_170] : memref<10000x128xf32, #tpu.memory_space<hbm>> -> memref<10000x128xf32, #tpu.memory_space<hbm>>
          tpu.enqueue_indirect_dma source(%dma_start3A_171 : memref<10000x128xf32, #tpu.memory_space<hbm>>) target(%arg13 : memref<100x128xf32, #tpu.memory_space<vmem>>) offsets(%dma_start3A_168 : memref<100xi32, #tpu.memory_space<vmem>>) semaphore(%arg16 : memref<!tpu.dma_semaphore, #tpu.memory_space<semaphore_mem>>)
        } else {
        }
        %dma_wait3A_132 = arith.constant 0 : i32
        %dma_wait3A_133 = arith.constant 0 : i32
        %dma_wait3A_134 = tpu.memref_slice %arg9[%dma_wait3A_132, %dma_wait3A_133] : memref<3x100xi32, #tpu.memory_space<vmem>> -> memref<1x100xi32, #tpu.memory_space<vmem>>
        %dma_wait3A_135 = tpu.memref_squeeze %dma_wait3A_134 : memref<1x100xi32, #tpu.memory_space<vmem>> -> memref<100xi32, #tpu.memory_space<vmem>>
        %dma_wait3A_136 = arith.constant 0 : i32
        %dma_wait3A_137 = arith.constant 0 : i32
        %dma_wait3A_138 = tpu.memref_slice %arg2[%dma_wait3A_136, %dma_wait3A_137] : memref<10000x128xf32, #tpu.memory_space<hbm>> -> memref<10000x128xf32, #tpu.memory_space<hbm>>
        tpu.wait_indirect_dma semaphore(%arg18 : memref<!tpu.dma_semaphore, #tpu.memory_space<semaphore_mem>>) src(%dma_wait3A_138 : memref<10000x128xf32, #tpu.memory_space<hbm>>) dst(%arg15 : memref<100x128xf32, #tpu.memory_space<vmem>>)
        %broadcast_in_dim3A = arith.constant 2 : i32
        %broadcast_in_dim3A_139 = vector.broadcast %broadcast_in_dim3A : i32 to vector<16xi32>
        %parallel_loop3A = arith.constant 0 : i32
        %parallel_loop3A_140 = arith.constant 100 : i32
        %parallel_loop3A_141 = arith.constant 1 : i32
        scf.for %parallel_loop3A_156 = %parallel_loop3A to %parallel_loop3A_140 step %parallel_loop3A_141  : i32 {
          %parallel_loop3A_157 = vector.broadcast %parallel_loop3A_156 : i32 to vector<16xi32>
          %parallel_loop3A_158 = tpu.vector_load_idx %arg9[%broadcast_in_dim3A_139, %parallel_loop3A_157] : memref<3x100xi32, #tpu.memory_space<vmem>>[vector<16xi32>, vector<16xi32>], vector<16xi32>,
          %parallel_loop3A_159 = vector.bitcast %parallel_loop3A_158 : vector<16xi32> to vector<16xf32>
          %parallel_loop3A_160 = arith.index_cast %parallel_loop3A_156 : i32 to index
          %parallel_loop3A_161 = arith.constant 0 : index
          %parallel_loop3A_162 = tpu.vector_load %arg15[%parallel_loop3A_160, %parallel_loop3A_161] {strides = array<i32>} : memref<100x128xf32, #tpu.memory_space<vmem>>, vector<16xf32>,
          %parallel_loop3A_163 = arith.mulf %parallel_loop3A_162, %parallel_loop3A_159 : vector<16xf32>
          %parallel_loop3A_164 = arith.index_cast %parallel_loop3A_156 : i32 to index
          %parallel_loop3A_165 = arith.constant 0 : index
          %parallel_loop3A_166 = tpu.vector_load %arg15[%parallel_loop3A_164, %parallel_loop3A_165] {strides = array<i32>} : memref<100x128xf32, #tpu.memory_space<vmem>>, vector<16xf32>,
          tpu.vector_store %arg15[%parallel_loop3A_164, %parallel_loop3A_165], %parallel_loop3A_163 {strides = array<i32>} : memref<100x128xf32, #tpu.memory_space<vmem>>, vector<16xf32>,
          %parallel_loop3A_167 = arith.index_cast %parallel_loop3A_156 : i32 to index
          %parallel_loop3A_168 = arith.constant 16 : index
          %parallel_loop3A_169 = tpu.vector_load %arg15[%parallel_loop3A_167, %parallel_loop3A_168] {strides = array<i32>} : memref<100x128xf32, #tpu.memory_space<vmem>>, vector<16xf32>,
          %parallel_loop3A_170 = arith.mulf %parallel_loop3A_169, %parallel_loop3A_159 : vector<16xf32>
          %parallel_loop3A_171 = arith.index_cast %parallel_loop3A_156 : i32 to index
          %parallel_loop3A_172 = arith.constant 16 : index
          %parallel_loop3A_173 = tpu.vector_load %arg15[%parallel_loop3A_171, %parallel_loop3A_172] {strides = array<i32>} : memref<100x128xf32, #tpu.memory_space<vmem>>, vector<16xf32>,
          tpu.vector_store %arg15[%parallel_loop3A_171, %parallel_loop3A_172], %parallel_loop3A_170 {strides = array<i32>} : memref<100x128xf32, #tpu.memory_space<vmem>>, vector<16xf32>,
          %parallel_loop3A_174 = arith.index_cast %parallel_loop3A_156 : i32 to index
          %parallel_loop3A_175 = arith.constant 32 : index
          %parallel_loop3A_176 = tpu.vector_load %arg15[%parallel_loop3A_174, %parallel_loop3A_175] {strides = array<i32>} : memref<100x128xf32, #tpu.memory_space<vmem>>, vector<16xf32>,
          %parallel_loop3A_177 = arith.mulf %parallel_loop3A_176, %parallel_loop3A_159 : vector<16xf32>
          %parallel_loop3A_178 = arith.index_cast %parallel_loop3A_156 : i32 to index
          %parallel_loop3A_179 = arith.constant 32 : index
          %parallel_loop3A_180 = tpu.vector_load %arg15[%parallel_loop3A_178, %parallel_loop3A_179] {strides = array<i32>} : memref<100x128xf32, #tpu.memory_space<vmem>>, vector<16xf32>,
          tpu.vector_store %arg15[%parallel_loop3A_178, %parallel_loop3A_179], %parallel_loop3A_177 {strides = array<i32>} : memref<100x128xf32, #tpu.memory_space<vmem>>, vector<16xf32>,
          %parallel_loop3A_181 = arith.index_cast %parallel_loop3A_156 : i32 to index
          %parallel_loop3A_182 = arith.constant 48 : index
          %parallel_loop3A_183 = tpu.vector_load %arg15[%parallel_loop3A_181, %parallel_loop3A_182] {strides = array<i32>} : memref<100x128xf32, #tpu.memory_space<vmem>>, vector<16xf32>,
          %parallel_loop3A_184 = arith.mulf %parallel_loop3A_183, %parallel_loop3A_159 : vector<16xf32>
          %parallel_loop3A_185 = arith.index_cast %parallel_loop3A_156 : i32 to index
          %parallel_loop3A_186 = arith.constant 48 : index
          %parallel_loop3A_187 = tpu.vector_load %arg15[%parallel_loop3A_185, %parallel_loop3A_186] {strides = array<i32>} : memref<100x128xf32, #tpu.memory_space<vmem>>, vector<16xf32>,
          tpu.vector_store %arg15[%parallel_loop3A_185, %parallel_loop3A_186], %parallel_loop3A_184 {strides = array<i32>} : memref<100x128xf32, #tpu.memory_space<vmem>>, vector<16xf32>,
          %parallel_loop3A_188 = arith.index_cast %parallel_loop3A_156 : i32 to index
          %parallel_loop3A_189 = arith.constant 64 : index
          %parallel_loop3A_190 = tpu.vector_load %arg15[%parallel_loop3A_188, %parallel_loop3A_189] {strides = array<i32>} : memref<100x128xf32, #tpu.memory_space<vmem>>, vector<16xf32>,
          %parallel_loop3A_191 = arith.mulf %parallel_loop3A_190, %parallel_loop3A_159 : vector<16xf32>
          %parallel_loop3A_192 = arith.index_cast %parallel_loop3A_156 : i32 to index
          %parallel_loop3A_193 = arith.constant 64 : index
          %parallel_loop3A_194 = tpu.vector_load %arg15[%parallel_loop3A_192, %parallel_loop3A_193] {strides = array<i32>} : memref<100x128xf32, #tpu.memory_space<vmem>>, vector<16xf32>,
          tpu.vector_store %arg15[%parallel_loop3A_192, %parallel_loop3A_193], %parallel_loop3A_191 {strides = array<i32>} : memref<100x128xf32, #tpu.memory_space<vmem>>, vector<16xf32>,
          %parallel_loop3A_195 = arith.index_cast %parallel_loop3A_156 : i32 to index
          %parallel_loop3A_196 = arith.constant 80 : index
          %parallel_loop3A_197 = tpu.vector_load %arg15[%parallel_loop3A_195, %parallel_loop3A_196] {strides = array<i32>} : memref<100x128xf32, #tpu.memory_space<vmem>>, vector<16xf32>,
          %parallel_loop3A_198 = arith.mulf %parallel_loop3A_197, %parallel_loop3A_159 : vector<16xf32>
          %parallel_loop3A_199 = arith.index_cast %parallel_loop3A_156 : i32 to index
          %parallel_loop3A_200 = arith.constant 80 : index
          %parallel_loop3A_201 = tpu.vector_load %arg15[%parallel_loop3A_199, %parallel_loop3A_200] {strides = array<i32>} : memref<100x128xf32, #tpu.memory_space<vmem>>, vector<16xf32>,
          tpu.vector_store %arg15[%parallel_loop3A_199, %parallel_loop3A_200], %parallel_loop3A_198 {strides = array<i32>} : memref<100x128xf32, #tpu.memory_space<vmem>>, vector<16xf32>,
          %parallel_loop3A_202 = arith.index_cast %parallel_loop3A_156 : i32 to index
          %parallel_loop3A_203 = arith.constant 96 : index
          %parallel_loop3A_204 = tpu.vector_load %arg15[%parallel_loop3A_202, %parallel_loop3A_203] {strides = array<i32>} : memref<100x128xf32, #tpu.memory_space<vmem>>, vector<16xf32>,
          %parallel_loop3A_205 = arith.mulf %parallel_loop3A_204, %parallel_loop3A_159 : vector<16xf32>
          %parallel_loop3A_206 = arith.index_cast %parallel_loop3A_156 : i32 to index
          %parallel_loop3A_207 = arith.constant 96 : index
          %parallel_loop3A_208 = tpu.vector_load %arg15[%parallel_loop3A_206, %parallel_loop3A_207] {strides = array<i32>} : memref<100x128xf32, #tpu.memory_space<vmem>>, vector<16xf32>,
          tpu.vector_store %arg15[%parallel_loop3A_206, %parallel_loop3A_207], %parallel_loop3A_205 {strides = array<i32>} : memref<100x128xf32, #tpu.memory_space<vmem>>, vector<16xf32>,
          %parallel_loop3A_209 = arith.index_cast %parallel_loop3A_156 : i32 to index
          %parallel_loop3A_210 = arith.constant 112 : index
          %parallel_loop3A_211 = tpu.vector_load %arg15[%parallel_loop3A_209, %parallel_loop3A_210] {strides = array<i32>} : memref<100x128xf32, #tpu.memory_space<vmem>>, vector<16xf32>,
          %parallel_loop3A_212 = arith.mulf %parallel_loop3A_211, %parallel_loop3A_159 : vector<16xf32>
          %parallel_loop3A_213 = arith.index_cast %parallel_loop3A_156 : i32 to index
          %parallel_loop3A_214 = arith.constant 112 : index
          %parallel_loop3A_215 = tpu.vector_load %arg15[%parallel_loop3A_213, %parallel_loop3A_214] {strides = array<i32>} : memref<100x128xf32, #tpu.memory_space<vmem>>, vector<16xf32>,
          tpu.vector_store %arg15[%parallel_loop3A_213, %parallel_loop3A_214], %parallel_loop3A_212 {strides = array<i32>} : memref<100x128xf32, #tpu.memory_space<vmem>>, vector<16xf32>,
        } {sc.loop_unroll_factor = 10 : i64, sc.parallel_access}
        %dma_start3A_142 = arith.constant 1 : i32
        %dma_start3A_143 = arith.constant 0 : i32
        %dma_start3A_144 = tpu.memref_slice %arg9[%dma_start3A_142, %dma_start3A_143] : memref<3x100xi32, #tpu.memory_space<vmem>> -> memref<1x100xi32, #tpu.memory_space<vmem>>
        %dma_start3A_145 = tpu.memref_squeeze %dma_start3A_144 : memref<1x100xi32, #tpu.memory_space<vmem>> -> memref<100xi32, #tpu.memory_space<vmem>>
        %dma_start3A_146 = arith.constant 0 : i32
        %dma_start3A_147 = arith.constant 0 : i32
        %dma_start3A_148 = tpu.memref_slice %arg6[%dma_start3A_146, %dma_start3A_147] : memref<10000x128xf32, #tpu.memory_space<vmem_shared>> -> memref<10000x128xf32, #tpu.memory_space<vmem_shared>>
        tpu.enqueue_indirect_dma source(%arg15 : memref<100x128xf32, #tpu.memory_space<vmem>>) target(%dma_start3A_148 : memref<10000x128xf32, #tpu.memory_space<vmem_shared>>) offsets(%dma_start3A_145 : memref<100xi32, #tpu.memory_space<vmem>>) semaphore(%arg21 : memref<!tpu.dma_semaphore, #tpu.memory_space<semaphore_mem>>) {add = true}
        %add3A_149 = arith.constant 3 : i32
        %add3A_150 = arith.addi %add3A_120, %add3A_149 : i32
        %lt3A_151 = arith.constant 100 : i32
        %lt3A_152 = arith.cmpi slt, %add3A_150, %lt3A_151 : i32
        %convert_element_type3A_153 = arith.extui %lt3A_152 : i1 to i32
        %cond3A_154 = arith.constant 0 : i32
        %cond3A_155 = arith.cmpi ne, %convert_element_type3A_153, %cond3A_154 : i32
        scf.if %cond3A_155 {
          %add3A_156 = arith.constant 3 : i32
          %add3A_157 = arith.addi %add3A_120, %add3A_156 : i32
          %dma_start3A_158 = arith.constant 0 : i32
          %dma_start3A_159 = arith.constant 0 : i32
          %dma_start3A_160 = tpu.memref_slice %arg3[%add3A, %add3A_157, %dma_start3A_158, %dma_start3A_159] : memref<32x100x3x100xi32, #tpu.memory_space<hbm>> -> memref<1x1x3x100xi32, #tpu.memory_space<hbm>>
          %dma_start3A_161 = tpu.memref_squeeze %dma_start3A_160 : memref<1x1x3x100xi32, #tpu.memory_space<hbm>> -> memref<3x100xi32, #tpu.memory_space<hbm>>
          %dma_start3A_162 = arith.constant 0 : i32
          %dma_start3A_163 = arith.constant 0 : i32
          %dma_start3A_164 = tpu.memref_slice %arg3[%add3A, %add3A_157, %dma_start3A_162, %dma_start3A_163] : memref<32x100x3x100xi32, #tpu.memory_space<hbm>> -> memref<1x1x3x100xi32, #tpu.memory_space<hbm>>
          %dma_start3A_165 = tpu.memref_squeeze %dma_start3A_164 : memref<1x1x3x100xi32, #tpu.memory_space<hbm>> -> memref<3x100xi32, #tpu.memory_space<hbm>>
          tpu.enqueue_dma source(%dma_start3A_165 : memref<3x100xi32, #tpu.memory_space<hbm>>) target(%arg12 : memref<3x100xi32, #tpu.memory_space<vmem>>) target_semaphore(%arg27 : memref<!tpu.dma_semaphore, #tpu.memory_space<semaphore_mem>>)
        } else {
        }
      } else {
      }
      %add3A_98 = arith.constant 3 : i32
      %add3A_99 = arith.addi %mul3A_77, %add3A_98 : i32
      %lt3A_100 = arith.constant 100 : i32
      %lt3A_101 = arith.cmpi slt, %add3A_99, %lt3A_100 : i32
      %convert_element_type3A_102 = arith.extui %lt3A_101 : i1 to i32
      %cond3A_103 = arith.constant 0 : i32
      %cond3A_104 = arith.cmpi ne, %convert_element_type3A_102, %cond3A_103 : i32
      scf.if %cond3A_104 {
        %add3A_119 = arith.constant 3 : i32
        %add3A_120 = arith.addi %mul3A_77, %add3A_119 : i32
        %ge3A = arith.constant 2 : i32
        %ge3A_121 = arith.cmpi sge, %add3A_120, %ge3A : i32
        %convert_element_type3A_122 = arith.extui %ge3A_121 : i1 to i32
        %cond3A_123 = arith.constant 0 : i32
        %cond3A_124 = arith.cmpi ne, %convert_element_type3A_122, %cond3A_123 : i32
        scf.if %cond3A_124 {
          %dma_wait3A_156 = arith.constant 1 : i32
          %dma_wait3A_157 = arith.constant 0 : i32
          %dma_wait3A_158 = tpu.memref_slice %arg8[%dma_wait3A_156, %dma_wait3A_157] : memref<3x100xi32, #tpu.memory_space<vmem>> -> memref<1x100xi32, #tpu.memory_space<vmem>>
          %dma_wait3A_159 = tpu.memref_squeeze %dma_wait3A_158 : memref<1x100xi32, #tpu.memory_space<vmem>> -> memref<100xi32, #tpu.memory_space<vmem>>
          %dma_wait3A_160 = arith.constant 0 : i32
          %dma_wait3A_161 = arith.constant 0 : i32
          %dma_wait3A_162 = tpu.memref_slice %arg6[%dma_wait3A_160, %dma_wait3A_161] : memref<10000x128xf32, #tpu.memory_space<vmem_shared>> -> memref<10000x128xf32, #tpu.memory_space<vmem_shared>>
          tpu.wait_indirect_dma semaphore(%arg20 : memref<!tpu.dma_semaphore, #tpu.memory_space<semaphore_mem>>) src(%arg14 : memref<100x128xf32, #tpu.memory_space<vmem>>) dst(%dma_wait3A_162 : memref<10000x128xf32, #tpu.memory_space<vmem_shared>>)
        } else {
        }
        %add3A_125 = arith.constant 1 : i32
        %add3A_126 = arith.addi %add3A_120, %add3A_125 : i32
        %lt3A_127 = arith.constant 100 : i32
        %lt3A_128 = arith.cmpi slt, %add3A_126, %lt3A_127 : i32
        %convert_element_type3A_129 = arith.extui %lt3A_128 : i1 to i32
        %cond3A_130 = arith.constant 0 : i32
        %cond3A_131 = arith.cmpi ne, %convert_element_type3A_129, %cond3A_130 : i32
        scf.if %cond3A_131 {
          %dma_wait3A_156 = arith.constant 0 : i32
          %dma_wait3A_157 = arith.constant 0 : i32
          %dma_wait3A_158 = arith.constant 0 : i32
          %dma_wait3A_159 = tpu.memref_slice %arg3[%add3A, %dma_wait3A_156, %dma_wait3A_157, %dma_wait3A_158] : memref<32x100x3x100xi32, #tpu.memory_space<hbm>> -> memref<1x1x3x100xi32, #tpu.memory_space<hbm>>
          %dma_wait3A_160 = tpu.memref_squeeze %dma_wait3A_159 : memref<1x1x3x100xi32, #tpu.memory_space<hbm>> -> memref<3x100xi32, #tpu.memory_space<hbm>>
          %dma_wait3A_161 = arith.constant 0 : i32
          %dma_wait3A_162 = arith.constant 0 : i32
          %dma_wait3A_163 = tpu.memref_slice %arg3[%add3A, %dma_wait3A_156, %dma_wait3A_161, %dma_wait3A_162] : memref<32x100x3x100xi32, #tpu.memory_space<hbm>> -> memref<1x1x3x100xi32, #tpu.memory_space<hbm>>
          %dma_wait3A_164 = tpu.memref_squeeze %dma_wait3A_163 : memref<1x1x3x100xi32, #tpu.memory_space<hbm>> -> memref<3x100xi32, #tpu.memory_space<hbm>>
          tpu.wait_dma2 semaphore(%arg26 : memref<!tpu.dma_semaphore, #tpu.memory_space<semaphore_mem>>) src(%dma_wait3A_164 : memref<3x100xi32, #tpu.memory_space<hbm>>) dst(%arg11 : memref<3x100xi32, #tpu.memory_space<vmem>>)
          %dma_start3A_165 = arith.constant 0 : i32
          %dma_start3A_166 = arith.constant 0 : i32
          %dma_start3A_167 = tpu.memref_slice %arg11[%dma_start3A_165, %dma_start3A_166] : memref<3x100xi32, #tpu.memory_space<vmem>> -> memref<1x100xi32, #tpu.memory_space<vmem>>
          %dma_start3A_168 = tpu.memref_squeeze %dma_start3A_167 : memref<1x100xi32, #tpu.memory_space<vmem>> -> memref<100xi32, #tpu.memory_space<vmem>>
          %dma_start3A_169 = arith.constant 0 : i32
          %dma_start3A_170 = arith.constant 0 : i32
          %dma_start3A_171 = tpu.memref_slice %arg2[%dma_start3A_169, %dma_start3A_170] : memref<10000x128xf32, #tpu.memory_space<hbm>> -> memref<10000x128xf32, #tpu.memory_space<hbm>>
          tpu.enqueue_indirect_dma source(%dma_start3A_171 : memref<10000x128xf32, #tpu.memory_space<hbm>>) target(%arg14 : memref<100x128xf32, #tpu.memory_space<vmem>>) offsets(%dma_start3A_168 : memref<100xi32, #tpu.memory_space<vmem>>) semaphore(%arg17 : memref<!tpu.dma_semaphore, #tpu.memory_space<semaphore_mem>>)
        } else {
        }
        %dma_wait3A_132 = arith.constant 0 : i32
        %dma_wait3A_133 = arith.constant 0 : i32
        %dma_wait3A_134 = tpu.memref_slice %arg10[%dma_wait3A_132, %dma_wait3A_133] : memref<3x100xi32, #tpu.memory_space<vmem>> -> memref<1x100xi32, #tpu.memory_space<vmem>>
        %dma_wait3A_135 = tpu.memref_squeeze %dma_wait3A_134 : memref<1x100xi32, #tpu.memory_space<vmem>> -> memref<100xi32, #tpu.memory_space<vmem>>
        %dma_wait3A_136 = arith.constant 0 : i32
        %dma_wait3A_137 = arith.constant 0 : i32
        %dma_wait3A_138 = tpu.memref_slice %arg2[%dma_wait3A_136, %dma_wait3A_137] : memref<10000x128xf32, #tpu.memory_space<hbm>> -> memref<10000x128xf32, #tpu.memory_space<hbm>>
        tpu.wait_indirect_dma semaphore(%arg16 : memref<!tpu.dma_semaphore, #tpu.memory_space<semaphore_mem>>) src(%dma_wait3A_138 : memref<10000x128xf32, #tpu.memory_space<hbm>>) dst(%arg13 : memref<100x128xf32, #tpu.memory_space<vmem>>)
        %broadcast_in_dim3A = arith.constant 2 : i32
        %broadcast_in_dim3A_139 = vector.broadcast %broadcast_in_dim3A : i32 to vector<16xi32>
        %parallel_loop3A = arith.constant 0 : i32
        %parallel_loop3A_140 = arith.constant 100 : i32
        %parallel_loop3A_141 = arith.constant 1 : i32
        scf.for %parallel_loop3A_156 = %parallel_loop3A to %parallel_loop3A_140 step %parallel_loop3A_141  : i32 {
          %parallel_loop3A_157 = vector.broadcast %parallel_loop3A_156 : i32 to vector<16xi32>
          %parallel_loop3A_158 = tpu.vector_load_idx %arg10[%broadcast_in_dim3A_139, %parallel_loop3A_157] : memref<3x100xi32, #tpu.memory_space<vmem>>[vector<16xi32>, vector<16xi32>], vector<16xi32>,
          %parallel_loop3A_159 = vector.bitcast %parallel_loop3A_158 : vector<16xi32> to vector<16xf32>
          %parallel_loop3A_160 = arith.index_cast %parallel_loop3A_156 : i32 to index
          %parallel_loop3A_161 = arith.constant 0 : index
          %parallel_loop3A_162 = tpu.vector_load %arg13[%parallel_loop3A_160, %parallel_loop3A_161] {strides = array<i32>} : memref<100x128xf32, #tpu.memory_space<vmem>>, vector<16xf32>,
          %parallel_loop3A_163 = arith.mulf %parallel_loop3A_162, %parallel_loop3A_159 : vector<16xf32>
          %parallel_loop3A_164 = arith.index_cast %parallel_loop3A_156 : i32 to index
          %parallel_loop3A_165 = arith.constant 0 : index
          %parallel_loop3A_166 = tpu.vector_load %arg13[%parallel_loop3A_164, %parallel_loop3A_165] {strides = array<i32>} : memref<100x128xf32, #tpu.memory_space<vmem>>, vector<16xf32>,
          tpu.vector_store %arg13[%parallel_loop3A_164, %parallel_loop3A_165], %parallel_loop3A_163 {strides = array<i32>} : memref<100x128xf32, #tpu.memory_space<vmem>>, vector<16xf32>,
          %parallel_loop3A_167 = arith.index_cast %parallel_loop3A_156 : i32 to index
          %parallel_loop3A_168 = arith.constant 16 : index
          %parallel_loop3A_169 = tpu.vector_load %arg13[%parallel_loop3A_167, %parallel_loop3A_168] {strides = array<i32>} : memref<100x128xf32, #tpu.memory_space<vmem>>, vector<16xf32>,
          %parallel_loop3A_170 = arith.mulf %parallel_loop3A_169, %parallel_loop3A_159 : vector<16xf32>
          %parallel_loop3A_171 = arith.index_cast %parallel_loop3A_156 : i32 to index
          %parallel_loop3A_172 = arith.constant 16 : index
          %parallel_loop3A_173 = tpu.vector_load %arg13[%parallel_loop3A_171, %parallel_loop3A_172] {strides = array<i32>} : memref<100x128xf32, #tpu.memory_space<vmem>>, vector<16xf32>,
          tpu.vector_store %arg13[%parallel_loop3A_171, %parallel_loop3A_172], %parallel_loop3A_170 {strides = array<i32>} : memref<100x128xf32, #tpu.memory_space<vmem>>, vector<16xf32>,
          %parallel_loop3A_174 = arith.index_cast %parallel_loop3A_156 : i32 to index
          %parallel_loop3A_175 = arith.constant 32 : index
          %parallel_loop3A_176 = tpu.vector_load %arg13[%parallel_loop3A_174, %parallel_loop3A_175] {strides = array<i32>} : memref<100x128xf32, #tpu.memory_space<vmem>>, vector<16xf32>,
          %parallel_loop3A_177 = arith.mulf %parallel_loop3A_176, %parallel_loop3A_159 : vector<16xf32>
          %parallel_loop3A_178 = arith.index_cast %parallel_loop3A_156 : i32 to index
          %parallel_loop3A_179 = arith.constant 32 : index
          %parallel_loop3A_180 = tpu.vector_load %arg13[%parallel_loop3A_178, %parallel_loop3A_179] {strides = array<i32>} : memref<100x128xf32, #tpu.memory_space<vmem>>, vector<16xf32>,
          tpu.vector_store %arg13[%parallel_loop3A_178, %parallel_loop3A_179], %parallel_loop3A_177 {strides = array<i32>} : memref<100x128xf32, #tpu.memory_space<vmem>>, vector<16xf32>,
          %parallel_loop3A_181 = arith.index_cast %parallel_loop3A_156 : i32 to index
          %parallel_loop3A_182 = arith.constant 48 : index
          %parallel_loop3A_183 = tpu.vector_load %arg13[%parallel_loop3A_181, %parallel_loop3A_182] {strides = array<i32>} : memref<100x128xf32, #tpu.memory_space<vmem>>, vector<16xf32>,
          %parallel_loop3A_184 = arith.mulf %parallel_loop3A_183, %parallel_loop3A_159 : vector<16xf32>
          %parallel_loop3A_185 = arith.index_cast %parallel_loop3A_156 : i32 to index
          %parallel_loop3A_186 = arith.constant 48 : index
          %parallel_loop3A_187 = tpu.vector_load %arg13[%parallel_loop3A_185, %parallel_loop3A_186] {strides = array<i32>} : memref<100x128xf32, #tpu.memory_space<vmem>>, vector<16xf32>,
          tpu.vector_store %arg13[%parallel_loop3A_185, %parallel_loop3A_186], %parallel_loop3A_184 {strides = array<i32>} : memref<100x128xf32, #tpu.memory_space<vmem>>, vector<16xf32>,
          %parallel_loop3A_188 = arith.index_cast %parallel_loop3A_156 : i32 to index
          %parallel_loop3A_189 = arith.constant 64 : index
          %parallel_loop3A_190 = tpu.vector_load %arg13[%parallel_loop3A_188, %parallel_loop3A_189] {strides = array<i32>} : memref<100x128xf32, #tpu.memory_space<vmem>>, vector<16xf32>,
          %parallel_loop3A_191 = arith.mulf %parallel_loop3A_190, %parallel_loop3A_159 : vector<16xf32>
          %parallel_loop3A_192 = arith.index_cast %parallel_loop3A_156 : i32 to index
          %parallel_loop3A_193 = arith.constant 64 : index
          %parallel_loop3A_194 = tpu.vector_load %arg13[%parallel_loop3A_192, %parallel_loop3A_193] {strides = array<i32>} : memref<100x128xf32, #tpu.memory_space<vmem>>, vector<16xf32>,
          tpu.vector_store %arg13[%parallel_loop3A_192, %parallel_loop3A_193], %parallel_loop3A_191 {strides = array<i32>} : memref<100x128xf32, #tpu.memory_space<vmem>>, vector<16xf32>,
          %parallel_loop3A_195 = arith.index_cast %parallel_loop3A_156 : i32 to index
          %parallel_loop3A_196 = arith.constant 80 : index
          %parallel_loop3A_197 = tpu.vector_load %arg13[%parallel_loop3A_195, %parallel_loop3A_196] {strides = array<i32>} : memref<100x128xf32, #tpu.memory_space<vmem>>, vector<16xf32>,
          %parallel_loop3A_198 = arith.mulf %parallel_loop3A_197, %parallel_loop3A_159 : vector<16xf32>
          %parallel_loop3A_199 = arith.index_cast %parallel_loop3A_156 : i32 to index
          %parallel_loop3A_200 = arith.constant 80 : index
          %parallel_loop3A_201 = tpu.vector_load %arg13[%parallel_loop3A_199, %parallel_loop3A_200] {strides = array<i32>} : memref<100x128xf32, #tpu.memory_space<vmem>>, vector<16xf32>,
          tpu.vector_store %arg13[%parallel_loop3A_199, %parallel_loop3A_200], %parallel_loop3A_198 {strides = array<i32>} : memref<100x128xf32, #tpu.memory_space<vmem>>, vector<16xf32>,
          %parallel_loop3A_202 = arith.index_cast %parallel_loop3A_156 : i32 to index
          %parallel_loop3A_203 = arith.constant 96 : index
          %parallel_loop3A_204 = tpu.vector_load %arg13[%parallel_loop3A_202, %parallel_loop3A_203] {strides = array<i32>} : memref<100x128xf32, #tpu.memory_space<vmem>>, vector<16xf32>,
          %parallel_loop3A_205 = arith.mulf %parallel_loop3A_204, %parallel_loop3A_159 : vector<16xf32>
          %parallel_loop3A_206 = arith.index_cast %parallel_loop3A_156 : i32 to index
          %parallel_loop3A_207 = arith.constant 96 : index
          %parallel_loop3A_208 = tpu.vector_load %arg13[%parallel_loop3A_206, %parallel_loop3A_207] {strides = array<i32>} : memref<100x128xf32, #tpu.memory_space<vmem>>, vector<16xf32>,
          tpu.vector_store %arg13[%parallel_loop3A_206, %parallel_loop3A_207], %parallel_loop3A_205 {strides = array<i32>} : memref<100x128xf32, #tpu.memory_space<vmem>>, vector<16xf32>,
          %parallel_loop3A_209 = arith.index_cast %parallel_loop3A_156 : i32 to index
          %parallel_loop3A_210 = arith.constant 112 : index
          %parallel_loop3A_211 = tpu.vector_load %arg13[%parallel_loop3A_209, %parallel_loop3A_210] {strides = array<i32>} : memref<100x128xf32, #tpu.memory_space<vmem>>, vector<16xf32>,
          %parallel_loop3A_212 = arith.mulf %parallel_loop3A_211, %parallel_loop3A_159 : vector<16xf32>
          %parallel_loop3A_213 = arith.index_cast %parallel_loop3A_156 : i32 to index
          %parallel_loop3A_214 = arith.constant 112 : index
          %parallel_loop3A_215 = tpu.vector_load %arg13[%parallel_loop3A_213, %parallel_loop3A_214] {strides = array<i32>} : memref<100x128xf32, #tpu.memory_space<vmem>>, vector<16xf32>,
          tpu.vector_store %arg13[%parallel_loop3A_213, %parallel_loop3A_214], %parallel_loop3A_212 {strides = array<i32>} : memref<100x128xf32, #tpu.memory_space<vmem>>, vector<16xf32>,
        } {sc.loop_unroll_factor = 10 : i64, sc.parallel_access}
        %dma_start3A_142 = arith.constant 1 : i32
        %dma_start3A_143 = arith.constant 0 : i32
        %dma_start3A_144 = tpu.memref_slice %arg10[%dma_start3A_142, %dma_start3A_143] : memref<3x100xi32, #tpu.memory_space<vmem>> -> memref<1x100xi32, #tpu.memory_space<vmem>>
        %dma_start3A_145 = tpu.memref_squeeze %dma_start3A_144 : memref<1x100xi32, #tpu.memory_space<vmem>> -> memref<100xi32, #tpu.memory_space<vmem>>
        %dma_start3A_146 = arith.constant 0 : i32
        %dma_start3A_147 = arith.constant 0 : i32
        %dma_start3A_148 = tpu.memref_slice %arg6[%dma_start3A_146, %dma_start3A_147] : memref<10000x128xf32, #tpu.memory_space<vmem_shared>> -> memref<10000x128xf32, #tpu.memory_space<vmem_shared>>
        tpu.enqueue_indirect_dma source(%arg13 : memref<100x128xf32, #tpu.memory_space<vmem>>) target(%dma_start3A_148 : memref<10000x128xf32, #tpu.memory_space<vmem_shared>>) offsets(%dma_start3A_145 : memref<100xi32, #tpu.memory_space<vmem>>) semaphore(%arg19 : memref<!tpu.dma_semaphore, #tpu.memory_space<semaphore_mem>>) {add = true}
        %add3A_149 = arith.constant 3 : i32
        %add3A_150 = arith.addi %add3A_120, %add3A_149 : i32
        %lt3A_151 = arith.constant 100 : i32
        %lt3A_152 = arith.cmpi slt, %add3A_150, %lt3A_151 : i32
        %convert_element_type3A_153 = arith.extui %lt3A_152 : i1 to i32
        %cond3A_154 = arith.constant 0 : i32
        %cond3A_155 = arith.cmpi ne, %convert_element_type3A_153, %cond3A_154 : i32
        scf.if %cond3A_155 {
          %add3A_156 = arith.constant 3 : i32
          %add3A_157 = arith.addi %add3A_120, %add3A_156 : i32
          %dma_start3A_158 = arith.constant 0 : i32
          %dma_start3A_159 = arith.constant 0 : i32
          %dma_start3A_160 = tpu.memref_slice %arg3[%add3A, %add3A_157, %dma_start3A_158, %dma_start3A_159] : memref<32x100x3x100xi32, #tpu.memory_space<hbm>> -> memref<1x1x3x100xi32, #tpu.memory_space<hbm>>
          %dma_start3A_161 = tpu.memref_squeeze %dma_start3A_160 : memref<1x1x3x100xi32, #tpu.memory_space<hbm>> -> memref<3x100xi32, #tpu.memory_space<hbm>>
          %dma_start3A_162 = arith.constant 0 : i32
          %dma_start3A_163 = arith.constant 0 : i32
          %dma_start3A_164 = tpu.memref_slice %arg3[%add3A, %add3A_157, %dma_start3A_162, %dma_start3A_163] : memref<32x100x3x100xi32, #tpu.memory_space<hbm>> -> memref<1x1x3x100xi32, #tpu.memory_space<hbm>>
          %dma_start3A_165 = tpu.memref_squeeze %dma_start3A_164 : memref<1x1x3x100xi32, #tpu.memory_space<hbm>> -> memref<3x100xi32, #tpu.memory_space<hbm>>
          tpu.enqueue_dma source(%dma_start3A_165 : memref<3x100xi32, #tpu.memory_space<hbm>>) target(%arg7 : memref<3x100xi32, #tpu.memory_space<vmem>>) target_semaphore(%arg22 : memref<!tpu.dma_semaphore, #tpu.memory_space<semaphore_mem>>)
        } else {
        }
      } else {
      }
      %add3A_105 = arith.constant 4 : i32
      %add3A_106 = arith.addi %mul3A_77, %add3A_105 : i32
      %lt3A_107 = arith.constant 100 : i32
      %lt3A_108 = arith.cmpi slt, %add3A_106, %lt3A_107 : i32
      %convert_element_type3A_109 = arith.extui %lt3A_108 : i1 to i32
      %cond3A_110 = arith.constant 0 : i32
      %cond3A_111 = arith.cmpi ne, %convert_element_type3A_109, %cond3A_110 : i32
      scf.if %cond3A_111 {
        %add3A_119 = arith.constant 4 : i32
        %add3A_120 = arith.addi %mul3A_77, %add3A_119 : i32
        %ge3A = arith.constant 2 : i32
        %ge3A_121 = arith.cmpi sge, %add3A_120, %ge3A : i32
        %convert_element_type3A_122 = arith.extui %ge3A_121 : i1 to i32
        %cond3A_123 = arith.constant 0 : i32
        %cond3A_124 = arith.cmpi ne, %convert_element_type3A_122, %cond3A_123 : i32
        scf.if %cond3A_124 {
          %dma_wait3A_156 = arith.constant 1 : i32
          %dma_wait3A_157 = arith.constant 0 : i32
          %dma_wait3A_158 = tpu.memref_slice %arg9[%dma_wait3A_156, %dma_wait3A_157] : memref<3x100xi32, #tpu.memory_space<vmem>> -> memref<1x100xi32, #tpu.memory_space<vmem>>
          %dma_wait3A_159 = tpu.memref_squeeze %dma_wait3A_158 : memref<1x100xi32, #tpu.memory_space<vmem>> -> memref<100xi32, #tpu.memory_space<vmem>>
          %dma_wait3A_160 = arith.constant 0 : i32
          %dma_wait3A_161 = arith.constant 0 : i32
          %dma_wait3A_162 = tpu.memref_slice %arg6[%dma_wait3A_160, %dma_wait3A_161] : memref<10000x128xf32, #tpu.memory_space<vmem_shared>> -> memref<10000x128xf32, #tpu.memory_space<vmem_shared>>
          tpu.wait_indirect_dma semaphore(%arg21 : memref<!tpu.dma_semaphore, #tpu.memory_space<semaphore_mem>>) src(%arg15 : memref<100x128xf32, #tpu.memory_space<vmem>>) dst(%dma_wait3A_162 : memref<10000x128xf32, #tpu.memory_space<vmem_shared>>)
        } else {
        }
        %add3A_125 = arith.constant 1 : i32
        %add3A_126 = arith.addi %add3A_120, %add3A_125 : i32
        %lt3A_127 = arith.constant 100 : i32
        %lt3A_128 = arith.cmpi slt, %add3A_126, %lt3A_127 : i32
        %convert_element_type3A_129 = arith.extui %lt3A_128 : i1 to i32
        %cond3A_130 = arith.constant 0 : i32
        %cond3A_131 = arith.cmpi ne, %convert_element_type3A_129, %cond3A_130 : i32
        scf.if %cond3A_131 {
          %dma_wait3A_156 = arith.constant 0 : i32
          %dma_wait3A_157 = arith.constant 0 : i32
          %dma_wait3A_158 = arith.constant 0 : i32
          %dma_wait3A_159 = tpu.memref_slice %arg3[%add3A, %dma_wait3A_156, %dma_wait3A_157, %dma_wait3A_158] : memref<32x100x3x100xi32, #tpu.memory_space<hbm>> -> memref<1x1x3x100xi32, #tpu.memory_space<hbm>>
          %dma_wait3A_160 = tpu.memref_squeeze %dma_wait3A_159 : memref<1x1x3x100xi32, #tpu.memory_space<hbm>> -> memref<3x100xi32, #tpu.memory_space<hbm>>
          %dma_wait3A_161 = arith.constant 0 : i32
          %dma_wait3A_162 = arith.constant 0 : i32
          %dma_wait3A_163 = tpu.memref_slice %arg3[%add3A, %dma_wait3A_156, %dma_wait3A_161, %dma_wait3A_162] : memref<32x100x3x100xi32, #tpu.memory_space<hbm>> -> memref<1x1x3x100xi32, #tpu.memory_space<hbm>>
          %dma_wait3A_164 = tpu.memref_squeeze %dma_wait3A_163 : memref<1x1x3x100xi32, #tpu.memory_space<hbm>> -> memref<3x100xi32, #tpu.memory_space<hbm>>
          tpu.wait_dma2 semaphore(%arg27 : memref<!tpu.dma_semaphore, #tpu.memory_space<semaphore_mem>>) src(%dma_wait3A_164 : memref<3x100xi32, #tpu.memory_space<hbm>>) dst(%arg12 : memref<3x100xi32, #tpu.memory_space<vmem>>)
          %dma_start3A_165 = arith.constant 0 : i32
          %dma_start3A_166 = arith.constant 0 : i32
          %dma_start3A_167 = tpu.memref_slice %arg12[%dma_start3A_165, %dma_start3A_166] : memref<3x100xi32, #tpu.memory_space<vmem>> -> memref<1x100xi32, #tpu.memory_space<vmem>>
          %dma_start3A_168 = tpu.memref_squeeze %dma_start3A_167 : memref<1x100xi32, #tpu.memory_space<vmem>> -> memref<100xi32, #tpu.memory_space<vmem>>
          %dma_start3A_169 = arith.constant 0 : i32
          %dma_start3A_170 = arith.constant 0 : i32
          %dma_start3A_171 = tpu.memref_slice %arg2[%dma_start3A_169, %dma_start3A_170] : memref<10000x128xf32, #tpu.memory_space<hbm>> -> memref<10000x128xf32, #tpu.memory_space<hbm>>
          tpu.enqueue_indirect_dma source(%dma_start3A_171 : memref<10000x128xf32, #tpu.memory_space<hbm>>) target(%arg15 : memref<100x128xf32, #tpu.memory_space<vmem>>) offsets(%dma_start3A_168 : memref<100xi32, #tpu.memory_space<vmem>>) semaphore(%arg18 : memref<!tpu.dma_semaphore, #tpu.memory_space<semaphore_mem>>)
        } else {
        }
        %dma_wait3A_132 = arith.constant 0 : i32
        %dma_wait3A_133 = arith.constant 0 : i32
        %dma_wait3A_134 = tpu.memref_slice %arg11[%dma_wait3A_132, %dma_wait3A_133] : memref<3x100xi32, #tpu.memory_space<vmem>> -> memref<1x100xi32, #tpu.memory_space<vmem>>
        %dma_wait3A_135 = tpu.memref_squeeze %dma_wait3A_134 : memref<1x100xi32, #tpu.memory_space<vmem>> -> memref<100xi32, #tpu.memory_space<vmem>>
        %dma_wait3A_136 = arith.constant 0 : i32
        %dma_wait3A_137 = arith.constant 0 : i32
        %dma_wait3A_138 = tpu.memref_slice %arg2[%dma_wait3A_136, %dma_wait3A_137] : memref<10000x128xf32, #tpu.memory_space<hbm>> -> memref<10000x128xf32, #tpu.memory_space<hbm>>
        tpu.wait_indirect_dma semaphore(%arg17 : memref<!tpu.dma_semaphore, #tpu.memory_space<semaphore_mem>>) src(%dma_wait3A_138 : memref<10000x128xf32, #tpu.memory_space<hbm>>) dst(%arg14 : memref<100x128xf32, #tpu.memory_space<vmem>>)
        %broadcast_in_dim3A = arith.constant 2 : i32
        %broadcast_in_dim3A_139 = vector.broadcast %broadcast_in_dim3A : i32 to vector<16xi32>
        %parallel_loop3A = arith.constant 0 : i32
        %parallel_loop3A_140 = arith.constant 100 : i32
        %parallel_loop3A_141 = arith.constant 1 : i32
        scf.for %parallel_loop3A_156 = %parallel_loop3A to %parallel_loop3A_140 step %parallel_loop3A_141  : i32 {
          %parallel_loop3A_157 = vector.broadcast %parallel_loop3A_156 : i32 to vector<16xi32>
          %parallel_loop3A_158 = tpu.vector_load_idx %arg11[%broadcast_in_dim3A_139, %parallel_loop3A_157] : memref<3x100xi32, #tpu.memory_space<vmem>>[vector<16xi32>, vector<16xi32>], vector<16xi32>,
          %parallel_loop3A_159 = vector.bitcast %parallel_loop3A_158 : vector<16xi32> to vector<16xf32>
          %parallel_loop3A_160 = arith.index_cast %parallel_loop3A_156 : i32 to index
          %parallel_loop3A_161 = arith.constant 0 : index
          %parallel_loop3A_162 = tpu.vector_load %arg14[%parallel_loop3A_160, %parallel_loop3A_161] {strides = array<i32>} : memref<100x128xf32, #tpu.memory_space<vmem>>, vector<16xf32>,
          %parallel_loop3A_163 = arith.mulf %parallel_loop3A_162, %parallel_loop3A_159 : vector<16xf32>
          %parallel_loop3A_164 = arith.index_cast %parallel_loop3A_156 : i32 to index
          %parallel_loop3A_165 = arith.constant 0 : index
          %parallel_loop3A_166 = tpu.vector_load %arg14[%parallel_loop3A_164, %parallel_loop3A_165] {strides = array<i32>} : memref<100x128xf32, #tpu.memory_space<vmem>>, vector<16xf32>,
          tpu.vector_store %arg14[%parallel_loop3A_164, %parallel_loop3A_165], %parallel_loop3A_163 {strides = array<i32>} : memref<100x128xf32, #tpu.memory_space<vmem>>, vector<16xf32>,
          %parallel_loop3A_167 = arith.index_cast %parallel_loop3A_156 : i32 to index
          %parallel_loop3A_168 = arith.constant 16 : index
          %parallel_loop3A_169 = tpu.vector_load %arg14[%parallel_loop3A_167, %parallel_loop3A_168] {strides = array<i32>} : memref<100x128xf32, #tpu.memory_space<vmem>>, vector<16xf32>,
          %parallel_loop3A_170 = arith.mulf %parallel_loop3A_169, %parallel_loop3A_159 : vector<16xf32>
          %parallel_loop3A_171 = arith.index_cast %parallel_loop3A_156 : i32 to index
          %parallel_loop3A_172 = arith.constant 16 : index
          %parallel_loop3A_173 = tpu.vector_load %arg14[%parallel_loop3A_171, %parallel_loop3A_172] {strides = array<i32>} : memref<100x128xf32, #tpu.memory_space<vmem>>, vector<16xf32>,
          tpu.vector_store %arg14[%parallel_loop3A_171, %parallel_loop3A_172], %parallel_loop3A_170 {strides = array<i32>} : memref<100x128xf32, #tpu.memory_space<vmem>>, vector<16xf32>,
          %parallel_loop3A_174 = arith.index_cast %parallel_loop3A_156 : i32 to index
          %parallel_loop3A_175 = arith.constant 32 : index
          %parallel_loop3A_176 = tpu.vector_load %arg14[%parallel_loop3A_174, %parallel_loop3A_175] {strides = array<i32>} : memref<100x128xf32, #tpu.memory_space<vmem>>, vector<16xf32>,
          %parallel_loop3A_177 = arith.mulf %parallel_loop3A_176, %parallel_loop3A_159 : vector<16xf32>
          %parallel_loop3A_178 = arith.index_cast %parallel_loop3A_156 : i32 to index
          %parallel_loop3A_179 = arith.constant 32 : index
          %parallel_loop3A_180 = tpu.vector_load %arg14[%parallel_loop3A_178, %parallel_loop3A_179] {strides = array<i32>} : memref<100x128xf32, #tpu.memory_space<vmem>>, vector<16xf32>,
          tpu.vector_store %arg14[%parallel_loop3A_178, %parallel_loop3A_179], %parallel_loop3A_177 {strides = array<i32>} : memref<100x128xf32, #tpu.memory_space<vmem>>, vector<16xf32>,
          %parallel_loop3A_181 = arith.index_cast %parallel_loop3A_156 : i32 to index
          %parallel_loop3A_182 = arith.constant 48 : index
          %parallel_loop3A_183 = tpu.vector_load %arg14[%parallel_loop3A_181, %parallel_loop3A_182] {strides = array<i32>} : memref<100x128xf32, #tpu.memory_space<vmem>>, vector<16xf32>,
          %parallel_loop3A_184 = arith.mulf %parallel_loop3A_183, %parallel_loop3A_159 : vector<16xf32>
          %parallel_loop3A_185 = arith.index_cast %parallel_loop3A_156 : i32 to index
          %parallel_loop3A_186 = arith.constant 48 : index
          %parallel_loop3A_187 = tpu.vector_load %arg14[%parallel_loop3A_185, %parallel_loop3A_186] {strides = array<i32>} : memref<100x128xf32, #tpu.memory_space<vmem>>, vector<16xf32>,
          tpu.vector_store %arg14[%parallel_loop3A_185, %parallel_loop3A_186], %parallel_loop3A_184 {strides = array<i32>} : memref<100x128xf32, #tpu.memory_space<vmem>>, vector<16xf32>,
          %parallel_loop3A_188 = arith.index_cast %parallel_loop3A_156 : i32 to index
          %parallel_loop3A_189 = arith.constant 64 : index
          %parallel_loop3A_190 = tpu.vector_load %arg14[%parallel_loop3A_188, %parallel_loop3A_189] {strides = array<i32>} : memref<100x128xf32, #tpu.memory_space<vmem>>, vector<16xf32>,
          %parallel_loop3A_191 = arith.mulf %parallel_loop3A_190, %parallel_loop3A_159 : vector<16xf32>
          %parallel_loop3A_192 = arith.index_cast %parallel_loop3A_156 : i32 to index
          %parallel_loop3A_193 = arith.constant 64 : index
          %parallel_loop3A_194 = tpu.vector_load %arg14[%parallel_loop3A_192, %parallel_loop3A_193] {strides = array<i32>} : memref<100x128xf32, #tpu.memory_space<vmem>>, vector<16xf32>,
          tpu.vector_store %arg14[%parallel_loop3A_192, %parallel_loop3A_193], %parallel_loop3A_191 {strides = array<i32>} : memref<100x128xf32, #tpu.memory_space<vmem>>, vector<16xf32>,
          %parallel_loop3A_195 = arith.index_cast %parallel_loop3A_156 : i32 to index
          %parallel_loop3A_196 = arith.constant 80 : index
          %parallel_loop3A_197 = tpu.vector_load %arg14[%parallel_loop3A_195, %parallel_loop3A_196] {strides = array<i32>} : memref<100x128xf32, #tpu.memory_space<vmem>>, vector<16xf32>,
          %parallel_loop3A_198 = arith.mulf %parallel_loop3A_197, %parallel_loop3A_159 : vector<16xf32>
          %parallel_loop3A_199 = arith.index_cast %parallel_loop3A_156 : i32 to index
          %parallel_loop3A_200 = arith.constant 80 : index
          %parallel_loop3A_201 = tpu.vector_load %arg14[%parallel_loop3A_199, %parallel_loop3A_200] {strides = array<i32>} : memref<100x128xf32, #tpu.memory_space<vmem>>, vector<16xf32>,
          tpu.vector_store %arg14[%parallel_loop3A_199, %parallel_loop3A_200], %parallel_loop3A_198 {strides = array<i32>} : memref<100x128xf32, #tpu.memory_space<vmem>>, vector<16xf32>,
          %parallel_loop3A_202 = arith.index_cast %parallel_loop3A_156 : i32 to index
          %parallel_loop3A_203 = arith.constant 96 : index
          %parallel_loop3A_204 = tpu.vector_load %arg14[%parallel_loop3A_202, %parallel_loop3A_203] {strides = array<i32>} : memref<100x128xf32, #tpu.memory_space<vmem>>, vector<16xf32>,
          %parallel_loop3A_205 = arith.mulf %parallel_loop3A_204, %parallel_loop3A_159 : vector<16xf32>
          %parallel_loop3A_206 = arith.index_cast %parallel_loop3A_156 : i32 to index
          %parallel_loop3A_207 = arith.constant 96 : index
          %parallel_loop3A_208 = tpu.vector_load %arg14[%parallel_loop3A_206, %parallel_loop3A_207] {strides = array<i32>} : memref<100x128xf32, #tpu.memory_space<vmem>>, vector<16xf32>,
          tpu.vector_store %arg14[%parallel_loop3A_206, %parallel_loop3A_207], %parallel_loop3A_205 {strides = array<i32>} : memref<100x128xf32, #tpu.memory_space<vmem>>, vector<16xf32>,
          %parallel_loop3A_209 = arith.index_cast %parallel_loop3A_156 : i32 to index
          %parallel_loop3A_210 = arith.constant 112 : index
          %parallel_loop3A_211 = tpu.vector_load %arg14[%parallel_loop3A_209, %parallel_loop3A_210] {strides = array<i32>} : memref<100x128xf32, #tpu.memory_space<vmem>>, vector<16xf32>,
          %parallel_loop3A_212 = arith.mulf %parallel_loop3A_211, %parallel_loop3A_159 : vector<16xf32>
          %parallel_loop3A_213 = arith.index_cast %parallel_loop3A_156 : i32 to index
          %parallel_loop3A_214 = arith.constant 112 : index
          %parallel_loop3A_215 = tpu.vector_load %arg14[%parallel_loop3A_213, %parallel_loop3A_214] {strides = array<i32>} : memref<100x128xf32, #tpu.memory_space<vmem>>, vector<16xf32>,
          tpu.vector_store %arg14[%parallel_loop3A_213, %parallel_loop3A_214], %parallel_loop3A_212 {strides = array<i32>} : memref<100x128xf32, #tpu.memory_space<vmem>>, vector<16xf32>,
        } {sc.loop_unroll_factor = 10 : i64, sc.parallel_access}
        %dma_start3A_142 = arith.constant 1 : i32
        %dma_start3A_143 = arith.constant 0 : i32
        %dma_start3A_144 = tpu.memref_slice %arg11[%dma_start3A_142, %dma_start3A_143] : memref<3x100xi32, #tpu.memory_space<vmem>> -> memref<1x100xi32, #tpu.memory_space<vmem>>
        %dma_start3A_145 = tpu.memref_squeeze %dma_start3A_144 : memref<1x100xi32, #tpu.memory_space<vmem>> -> memref<100xi32, #tpu.memory_space<vmem>>
        %dma_start3A_146 = arith.constant 0 : i32
        %dma_start3A_147 = arith.constant 0 : i32
        %dma_start3A_148 = tpu.memref_slice %arg6[%dma_start3A_146, %dma_start3A_147] : memref<10000x128xf32, #tpu.memory_space<vmem_shared>> -> memref<10000x128xf32, #tpu.memory_space<vmem_shared>>
        tpu.enqueue_indirect_dma source(%arg14 : memref<100x128xf32, #tpu.memory_space<vmem>>) target(%dma_start3A_148 : memref<10000x128xf32, #tpu.memory_space<vmem_shared>>) offsets(%dma_start3A_145 : memref<100xi32, #tpu.memory_space<vmem>>) semaphore(%arg20 : memref<!tpu.dma_semaphore, #tpu.memory_space<semaphore_mem>>) {add = true}
        %add3A_149 = arith.constant 3 : i32
        %add3A_150 = arith.addi %add3A_120, %add3A_149 : i32
        %lt3A_151 = arith.constant 100 : i32
        %lt3A_152 = arith.cmpi slt, %add3A_150, %lt3A_151 : i32
        %convert_element_type3A_153 = arith.extui %lt3A_152 : i1 to i32
        %cond3A_154 = arith.constant 0 : i32
        %cond3A_155 = arith.cmpi ne, %convert_element_type3A_153, %cond3A_154 : i32
        scf.if %cond3A_155 {
          %add3A_156 = arith.constant 3 : i32
          %add3A_157 = arith.addi %add3A_120, %add3A_156 : i32
          %dma_start3A_158 = arith.constant 0 : i32
          %dma_start3A_159 = arith.constant 0 : i32
          %dma_start3A_160 = tpu.memref_slice %arg3[%add3A, %add3A_157, %dma_start3A_158, %dma_start3A_159] : memref<32x100x3x100xi32, #tpu.memory_space<hbm>> -> memref<1x1x3x100xi32, #tpu.memory_space<hbm>>
          %dma_start3A_161 = tpu.memref_squeeze %dma_start3A_160 : memref<1x1x3x100xi32, #tpu.memory_space<hbm>> -> memref<3x100xi32, #tpu.memory_space<hbm>>
          %dma_start3A_162 = arith.constant 0 : i32
          %dma_start3A_163 = arith.constant 0 : i32
          %dma_start3A_164 = tpu.memref_slice %arg3[%add3A, %add3A_157, %dma_start3A_162, %dma_start3A_163] : memref<32x100x3x100xi32, #tpu.memory_space<hbm>> -> memref<1x1x3x100xi32, #tpu.memory_space<hbm>>
          %dma_start3A_165 = tpu.memref_squeeze %dma_start3A_164 : memref<1x1x3x100xi32, #tpu.memory_space<hbm>> -> memref<3x100xi32, #tpu.memory_space<hbm>>
          tpu.enqueue_dma source(%dma_start3A_165 : memref<3x100xi32, #tpu.memory_space<hbm>>) target(%arg8 : memref<3x100xi32, #tpu.memory_space<vmem>>) target_semaphore(%arg23 : memref<!tpu.dma_semaphore, #tpu.memory_space<semaphore_mem>>)
        } else {
        }
      } else {
      }
      %add3A_112 = arith.constant 5 : i32
      %add3A_113 = arith.addi %mul3A_77, %add3A_112 : i32
      %lt3A_114 = arith.constant 100 : i32
      %lt3A_115 = arith.cmpi slt, %add3A_113, %lt3A_114 : i32
      %convert_element_type3A_116 = arith.extui %lt3A_115 : i1 to i32
      %cond3A_117 = arith.constant 0 : i32
      %cond3A_118 = arith.cmpi ne, %convert_element_type3A_116, %cond3A_117 : i32
      scf.if %cond3A_118 {
        %add3A_119 = arith.constant 5 : i32
        %add3A_120 = arith.addi %mul3A_77, %add3A_119 : i32
        %ge3A = arith.constant 2 : i32
        %ge3A_121 = arith.cmpi sge, %add3A_120, %ge3A : i32
        %convert_element_type3A_122 = arith.extui %ge3A_121 : i1 to i32
        %cond3A_123 = arith.constant 0 : i32
        %cond3A_124 = arith.cmpi ne, %convert_element_type3A_122, %cond3A_123 : i32
        scf.if %cond3A_124 {
          %dma_wait3A_156 = arith.constant 1 : i32
          %dma_wait3A_157 = arith.constant 0 : i32
          %dma_wait3A_158 = tpu.memref_slice %arg10[%dma_wait3A_156, %dma_wait3A_157] : memref<3x100xi32, #tpu.memory_space<vmem>> -> memref<1x100xi32, #tpu.memory_space<vmem>>
          %dma_wait3A_159 = tpu.memref_squeeze %dma_wait3A_158 : memref<1x100xi32, #tpu.memory_space<vmem>> -> memref<100xi32, #tpu.memory_space<vmem>>
          %dma_wait3A_160 = arith.constant 0 : i32
          %dma_wait3A_161 = arith.constant 0 : i32
          %dma_wait3A_162 = tpu.memref_slice %arg6[%dma_wait3A_160, %dma_wait3A_161] : memref<10000x128xf32, #tpu.memory_space<vmem_shared>> -> memref<10000x128xf32, #tpu.memory_space<vmem_shared>>
          tpu.wait_indirect_dma semaphore(%arg19 : memref<!tpu.dma_semaphore, #tpu.memory_space<semaphore_mem>>) src(%arg13 : memref<100x128xf32, #tpu.memory_space<vmem>>) dst(%dma_wait3A_162 : memref<10000x128xf32, #tpu.memory_space<vmem_shared>>)
        } else {
        }
        %add3A_125 = arith.constant 1 : i32
        %add3A_126 = arith.addi %add3A_120, %add3A_125 : i32
        %lt3A_127 = arith.constant 100 : i32
        %lt3A_128 = arith.cmpi slt, %add3A_126, %lt3A_127 : i32
        %convert_element_type3A_129 = arith.extui %lt3A_128 : i1 to i32
        %cond3A_130 = arith.constant 0 : i32
        %cond3A_131 = arith.cmpi ne, %convert_element_type3A_129, %cond3A_130 : i32
        scf.if %cond3A_131 {
          %dma_wait3A_156 = arith.constant 0 : i32
          %dma_wait3A_157 = arith.constant 0 : i32
          %dma_wait3A_158 = arith.constant 0 : i32
          %dma_wait3A_159 = tpu.memref_slice %arg3[%add3A, %dma_wait3A_156, %dma_wait3A_157, %dma_wait3A_158] : memref<32x100x3x100xi32, #tpu.memory_space<hbm>> -> memref<1x1x3x100xi32, #tpu.memory_space<hbm>>
          %dma_wait3A_160 = tpu.memref_squeeze %dma_wait3A_159 : memref<1x1x3x100xi32, #tpu.memory_space<hbm>> -> memref<3x100xi32, #tpu.memory_space<hbm>>
          %dma_wait3A_161 = arith.constant 0 : i32
          %dma_wait3A_162 = arith.constant 0 : i32
          %dma_wait3A_163 = tpu.memref_slice %arg3[%add3A, %dma_wait3A_156, %dma_wait3A_161, %dma_wait3A_162] : memref<32x100x3x100xi32, #tpu.memory_space<hbm>> -> memref<1x1x3x100xi32, #tpu.memory_space<hbm>>
          %dma_wait3A_164 = tpu.memref_squeeze %dma_wait3A_163 : memref<1x1x3x100xi32, #tpu.memory_space<hbm>> -> memref<3x100xi32, #tpu.memory_space<hbm>>
          tpu.wait_dma2 semaphore(%arg22 : memref<!tpu.dma_semaphore, #tpu.memory_space<semaphore_mem>>) src(%dma_wait3A_164 : memref<3x100xi32, #tpu.memory_space<hbm>>) dst(%arg7 : memref<3x100xi32, #tpu.memory_space<vmem>>)
          %dma_start3A_165 = arith.constant 0 : i32
          %dma_start3A_166 = arith.constant 0 : i32
          %dma_start3A_167 = tpu.memref_slice %arg7[%dma_start3A_165, %dma_start3A_166] : memref<3x100xi32, #tpu.memory_space<vmem>> -> memref<1x100xi32, #tpu.memory_space<vmem>>
          %dma_start3A_168 = tpu.memref_squeeze %dma_start3A_167 : memref<1x100xi32, #tpu.memory_space<vmem>> -> memref<100xi32, #tpu.memory_space<vmem>>
          %dma_start3A_169 = arith.constant 0 : i32
          %dma_start3A_170 = arith.constant 0 : i32
          %dma_start3A_171 = tpu.memref_slice %arg2[%dma_start3A_169, %dma_start3A_170] : memref<10000x128xf32, #tpu.memory_space<hbm>> -> memref<10000x128xf32, #tpu.memory_space<hbm>>
          tpu.enqueue_indirect_dma source(%dma_start3A_171 : memref<10000x128xf32, #tpu.memory_space<hbm>>) target(%arg13 : memref<100x128xf32, #tpu.memory_space<vmem>>) offsets(%dma_start3A_168 : memref<100xi32, #tpu.memory_space<vmem>>) semaphore(%arg16 : memref<!tpu.dma_semaphore, #tpu.memory_space<semaphore_mem>>)
        } else {
        }
        %dma_wait3A_132 = arith.constant 0 : i32
        %dma_wait3A_133 = arith.constant 0 : i32
        %dma_wait3A_134 = tpu.memref_slice %arg12[%dma_wait3A_132, %dma_wait3A_133] : memref<3x100xi32, #tpu.memory_space<vmem>> -> memref<1x100xi32, #tpu.memory_space<vmem>>
        %dma_wait3A_135 = tpu.memref_squeeze %dma_wait3A_134 : memref<1x100xi32, #tpu.memory_space<vmem>> -> memref<100xi32, #tpu.memory_space<vmem>>
        %dma_wait3A_136 = arith.constant 0 : i32
        %dma_wait3A_137 = arith.constant 0 : i32
        %dma_wait3A_138 = tpu.memref_slice %arg2[%dma_wait3A_136, %dma_wait3A_137] : memref<10000x128xf32, #tpu.memory_space<hbm>> -> memref<10000x128xf32, #tpu.memory_space<hbm>>
        tpu.wait_indirect_dma semaphore(%arg18 : memref<!tpu.dma_semaphore, #tpu.memory_space<semaphore_mem>>) src(%dma_wait3A_138 : memref<10000x128xf32, #tpu.memory_space<hbm>>) dst(%arg15 : memref<100x128xf32, #tpu.memory_space<vmem>>)
        %broadcast_in_dim3A = arith.constant 2 : i32
        %broadcast_in_dim3A_139 = vector.broadcast %broadcast_in_dim3A : i32 to vector<16xi32>
        %parallel_loop3A = arith.constant 0 : i32
        %parallel_loop3A_140 = arith.constant 100 : i32
        %parallel_loop3A_141 = arith.constant 1 : i32
        scf.for %parallel_loop3A_156 = %parallel_loop3A to %parallel_loop3A_140 step %parallel_loop3A_141  : i32 {
          %parallel_loop3A_157 = vector.broadcast %parallel_loop3A_156 : i32 to vector<16xi32>
          %parallel_loop3A_158 = tpu.vector_load_idx %arg12[%broadcast_in_dim3A_139, %parallel_loop3A_157] : memref<3x100xi32, #tpu.memory_space<vmem>>[vector<16xi32>, vector<16xi32>], vector<16xi32>,
          %parallel_loop3A_159 = vector.bitcast %parallel_loop3A_158 : vector<16xi32> to vector<16xf32>
          %parallel_loop3A_160 = arith.index_cast %parallel_loop3A_156 : i32 to index
          %parallel_loop3A_161 = arith.constant 0 : index
          %parallel_loop3A_162 = tpu.vector_load %arg15[%parallel_loop3A_160, %parallel_loop3A_161] {strides = array<i32>} : memref<100x128xf32, #tpu.memory_space<vmem>>, vector<16xf32>,
          %parallel_loop3A_163 = arith.mulf %parallel_loop3A_162, %parallel_loop3A_159 : vector<16xf32>
          %parallel_loop3A_164 = arith.index_cast %parallel_loop3A_156 : i32 to index
          %parallel_loop3A_165 = arith.constant 0 : index
          %parallel_loop3A_166 = tpu.vector_load %arg15[%parallel_loop3A_164, %parallel_loop3A_165] {strides = array<i32>} : memref<100x128xf32, #tpu.memory_space<vmem>>, vector<16xf32>,
          tpu.vector_store %arg15[%parallel_loop3A_164, %parallel_loop3A_165], %parallel_loop3A_163 {strides = array<i32>} : memref<100x128xf32, #tpu.memory_space<vmem>>, vector<16xf32>,
          %parallel_loop3A_167 = arith.index_cast %parallel_loop3A_156 : i32 to index
          %parallel_loop3A_168 = arith.constant 16 : index
          %parallel_loop3A_169 = tpu.vector_load %arg15[%parallel_loop3A_167, %parallel_loop3A_168] {strides = array<i32>} : memref<100x128xf32, #tpu.memory_space<vmem>>, vector<16xf32>,
          %parallel_loop3A_170 = arith.mulf %parallel_loop3A_169, %parallel_loop3A_159 : vector<16xf32>
          %parallel_loop3A_171 = arith.index_cast %parallel_loop3A_156 : i32 to index
          %parallel_loop3A_172 = arith.constant 16 : index
          %parallel_loop3A_173 = tpu.vector_load %arg15[%parallel_loop3A_171, %parallel_loop3A_172] {strides = array<i32>} : memref<100x128xf32, #tpu.memory_space<vmem>>, vector<16xf32>,
          tpu.vector_store %arg15[%parallel_loop3A_171, %parallel_loop3A_172], %parallel_loop3A_170 {strides = array<i32>} : memref<100x128xf32, #tpu.memory_space<vmem>>, vector<16xf32>,
          %parallel_loop3A_174 = arith.index_cast %parallel_loop3A_156 : i32 to index
          %parallel_loop3A_175 = arith.constant 32 : index
          %parallel_loop3A_176 = tpu.vector_load %arg15[%parallel_loop3A_174, %parallel_loop3A_175] {strides = array<i32>} : memref<100x128xf32, #tpu.memory_space<vmem>>, vector<16xf32>,
          %parallel_loop3A_177 = arith.mulf %parallel_loop3A_176, %parallel_loop3A_159 : vector<16xf32>
          %parallel_loop3A_178 = arith.index_cast %parallel_loop3A_156 : i32 to index
          %parallel_loop3A_179 = arith.constant 32 : index
          %parallel_loop3A_180 = tpu.vector_load %arg15[%parallel_loop3A_178, %parallel_loop3A_179] {strides = array<i32>} : memref<100x128xf32, #tpu.memory_space<vmem>>, vector<16xf32>,
          tpu.vector_store %arg15[%parallel_loop3A_178, %parallel_loop3A_179], %parallel_loop3A_177 {strides = array<i32>} : memref<100x128xf32, #tpu.memory_space<vmem>>, vector<16xf32>,
          %parallel_loop3A_181 = arith.index_cast %parallel_loop3A_156 : i32 to index
          %parallel_loop3A_182 = arith.constant 48 : index
          %parallel_loop3A_183 = tpu.vector_load %arg15[%parallel_loop3A_181, %parallel_loop3A_182] {strides = array<i32>} : memref<100x128xf32, #tpu.memory_space<vmem>>, vector<16xf32>,
          %parallel_loop3A_184 = arith.mulf %parallel_loop3A_183, %parallel_loop3A_159 : vector<16xf32>
          %parallel_loop3A_185 = arith.index_cast %parallel_loop3A_156 : i32 to index
          %parallel_loop3A_186 = arith.constant 48 : index
          %parallel_loop3A_187 = tpu.vector_load %arg15[%parallel_loop3A_185, %parallel_loop3A_186] {strides = array<i32>} : memref<100x128xf32, #tpu.memory_space<vmem>>, vector<16xf32>,
          tpu.vector_store %arg15[%parallel_loop3A_185, %parallel_loop3A_186], %parallel_loop3A_184 {strides = array<i32>} : memref<100x128xf32, #tpu.memory_space<vmem>>, vector<16xf32>,
          %parallel_loop3A_188 = arith.index_cast %parallel_loop3A_156 : i32 to index
          %parallel_loop3A_189 = arith.constant 64 : index
          %parallel_loop3A_190 = tpu.vector_load %arg15[%parallel_loop3A_188, %parallel_loop3A_189] {strides = array<i32>} : memref<100x128xf32, #tpu.memory_space<vmem>>, vector<16xf32>,
          %parallel_loop3A_191 = arith.mulf %parallel_loop3A_190, %parallel_loop3A_159 : vector<16xf32>
          %parallel_loop3A_192 = arith.index_cast %parallel_loop3A_156 : i32 to index
          %parallel_loop3A_193 = arith.constant 64 : index
          %parallel_loop3A_194 = tpu.vector_load %arg15[%parallel_loop3A_192, %parallel_loop3A_193] {strides = array<i32>} : memref<100x128xf32, #tpu.memory_space<vmem>>, vector<16xf32>,
          tpu.vector_store %arg15[%parallel_loop3A_192, %parallel_loop3A_193], %parallel_loop3A_191 {strides = array<i32>} : memref<100x128xf32, #tpu.memory_space<vmem>>, vector<16xf32>,
          %parallel_loop3A_195 = arith.index_cast %parallel_loop3A_156 : i32 to index
          %parallel_loop3A_196 = arith.constant 80 : index
          %parallel_loop3A_197 = tpu.vector_load %arg15[%parallel_loop3A_195, %parallel_loop3A_196] {strides = array<i32>} : memref<100x128xf32, #tpu.memory_space<vmem>>, vector<16xf32>,
          %parallel_loop3A_198 = arith.mulf %parallel_loop3A_197, %parallel_loop3A_159 : vector<16xf32>
          %parallel_loop3A_199 = arith.index_cast %parallel_loop3A_156 : i32 to index
          %parallel_loop3A_200 = arith.constant 80 : index
          %parallel_loop3A_201 = tpu.vector_load %arg15[%parallel_loop3A_199, %parallel_loop3A_200] {strides = array<i32>} : memref<100x128xf32, #tpu.memory_space<vmem>>, vector<16xf32>,
          tpu.vector_store %arg15[%parallel_loop3A_199, %parallel_loop3A_200], %parallel_loop3A_198 {strides = array<i32>} : memref<100x128xf32, #tpu.memory_space<vmem>>, vector<16xf32>,
          %parallel_loop3A_202 = arith.index_cast %parallel_loop3A_156 : i32 to index
          %parallel_loop3A_203 = arith.constant 96 : index
          %parallel_loop3A_204 = tpu.vector_load %arg15[%parallel_loop3A_202, %parallel_loop3A_203] {strides = array<i32>} : memref<100x128xf32, #tpu.memory_space<vmem>>, vector<16xf32>,
          %parallel_loop3A_205 = arith.mulf %parallel_loop3A_204, %parallel_loop3A_159 : vector<16xf32>
          %parallel_loop3A_206 = arith.index_cast %parallel_loop3A_156 : i32 to index
          %parallel_loop3A_207 = arith.constant 96 : index
          %parallel_loop3A_208 = tpu.vector_load %arg15[%parallel_loop3A_206, %parallel_loop3A_207] {strides = array<i32>} : memref<100x128xf32, #tpu.memory_space<vmem>>, vector<16xf32>,
          tpu.vector_store %arg15[%parallel_loop3A_206, %parallel_loop3A_207], %parallel_loop3A_205 {strides = array<i32>} : memref<100x128xf32, #tpu.memory_space<vmem>>, vector<16xf32>,
          %parallel_loop3A_209 = arith.index_cast %parallel_loop3A_156 : i32 to index
          %parallel_loop3A_210 = arith.constant 112 : index
          %parallel_loop3A_211 = tpu.vector_load %arg15[%parallel_loop3A_209, %parallel_loop3A_210] {strides = array<i32>} : memref<100x128xf32, #tpu.memory_space<vmem>>, vector<16xf32>,
          %parallel_loop3A_212 = arith.mulf %parallel_loop3A_211, %parallel_loop3A_159 : vector<16xf32>
          %parallel_loop3A_213 = arith.index_cast %parallel_loop3A_156 : i32 to index
          %parallel_loop3A_214 = arith.constant 112 : index
          %parallel_loop3A_215 = tpu.vector_load %arg15[%parallel_loop3A_213, %parallel_loop3A_214] {strides = array<i32>} : memref<100x128xf32, #tpu.memory_space<vmem>>, vector<16xf32>,
          tpu.vector_store %arg15[%parallel_loop3A_213, %parallel_loop3A_214], %parallel_loop3A_212 {strides = array<i32>} : memref<100x128xf32, #tpu.memory_space<vmem>>, vector<16xf32>,
        } {sc.loop_unroll_factor = 10 : i64, sc.parallel_access}
        %dma_start3A_142 = arith.constant 1 : i32
        %dma_start3A_143 = arith.constant 0 : i32
        %dma_start3A_144 = tpu.memref_slice %arg12[%dma_start3A_142, %dma_start3A_143] : memref<3x100xi32, #tpu.memory_space<vmem>> -> memref<1x100xi32, #tpu.memory_space<vmem>>
        %dma_start3A_145 = tpu.memref_squeeze %dma_start3A_144 : memref<1x100xi32, #tpu.memory_space<vmem>> -> memref<100xi32, #tpu.memory_space<vmem>>
        %dma_start3A_146 = arith.constant 0 : i32
        %dma_start3A_147 = arith.constant 0 : i32
        %dma_start3A_148 = tpu.memref_slice %arg6[%dma_start3A_146, %dma_start3A_147] : memref<10000x128xf32, #tpu.memory_space<vmem_shared>> -> memref<10000x128xf32, #tpu.memory_space<vmem_shared>>
        tpu.enqueue_indirect_dma source(%arg15 : memref<100x128xf32, #tpu.memory_space<vmem>>) target(%dma_start3A_148 : memref<10000x128xf32, #tpu.memory_space<vmem_shared>>) offsets(%dma_start3A_145 : memref<100xi32, #tpu.memory_space<vmem>>) semaphore(%arg21 : memref<!tpu.dma_semaphore, #tpu.memory_space<semaphore_mem>>) {add = true}
        %add3A_149 = arith.constant 3 : i32
        %add3A_150 = arith.addi %add3A_120, %add3A_149 : i32
        %lt3A_151 = arith.constant 100 : i32
        %lt3A_152 = arith.cmpi slt, %add3A_150, %lt3A_151 : i32
        %convert_element_type3A_153 = arith.extui %lt3A_152 : i1 to i32
        %cond3A_154 = arith.constant 0 : i32
        %cond3A_155 = arith.cmpi ne, %convert_element_type3A_153, %cond3A_154 : i32
        scf.if %cond3A_155 {
          %add3A_156 = arith.constant 3 : i32
          %add3A_157 = arith.addi %add3A_120, %add3A_156 : i32
          %dma_start3A_158 = arith.constant 0 : i32
          %dma_start3A_159 = arith.constant 0 : i32
          %dma_start3A_160 = tpu.memref_slice %arg3[%add3A, %add3A_157, %dma_start3A_158, %dma_start3A_159] : memref<32x100x3x100xi32, #tpu.memory_space<hbm>> -> memref<1x1x3x100xi32, #tpu.memory_space<hbm>>
          %dma_start3A_161 = tpu.memref_squeeze %dma_start3A_160 : memref<1x1x3x100xi32, #tpu.memory_space<hbm>> -> memref<3x100xi32, #tpu.memory_space<hbm>>
          %dma_start3A_162 = arith.constant 0 : i32
          %dma_start3A_163 = arith.constant 0 : i32
          %dma_start3A_164 = tpu.memref_slice %arg3[%add3A, %add3A_157, %dma_start3A_162, %dma_start3A_163] : memref<32x100x3x100xi32, #tpu.memory_space<hbm>> -> memref<1x1x3x100xi32, #tpu.memory_space<hbm>>
          %dma_start3A_165 = tpu.memref_squeeze %dma_start3A_164 : memref<1x1x3x100xi32, #tpu.memory_space<hbm>> -> memref<3x100xi32, #tpu.memory_space<hbm>>
          tpu.enqueue_dma source(%dma_start3A_165 : memref<3x100xi32, #tpu.memory_space<hbm>>) target(%arg9 : memref<3x100xi32, #tpu.memory_space<vmem>>) target_semaphore(%arg24 : memref<!tpu.dma_semaphore, #tpu.memory_space<semaphore_mem>>)
        } else {
        }
      } else {
      }
    }
    %scan3A_50 = arith.constant 17 : i32
    %dma_wait3A_51 = arith.constant 1 : i32
    %dma_wait3A_52 = arith.constant 0 : i32
    %dma_wait3A_53 = tpu.memref_slice %arg9[%dma_wait3A_51, %dma_wait3A_52] : memref<3x100xi32, #tpu.memory_space<vmem>> -> memref<1x100xi32, #tpu.memory_space<vmem>>
    %dma_wait3A_54 = tpu.memref_squeeze %dma_wait3A_53 : memref<1x100xi32, #tpu.memory_space<vmem>> -> memref<100xi32, #tpu.memory_space<vmem>>
    %dma_wait3A_55 = arith.constant 0 : i32
    %dma_wait3A_56 = arith.constant 0 : i32
    %dma_wait3A_57 = tpu.memref_slice %arg6[%dma_wait3A_55, %dma_wait3A_56] : memref<10000x128xf32, #tpu.memory_space<vmem_shared>> -> memref<10000x128xf32, #tpu.memory_space<vmem_shared>>
    tpu.wait_indirect_dma semaphore(%arg21 : memref<!tpu.dma_semaphore, #tpu.memory_space<semaphore_mem>>) src(%arg15 : memref<100x128xf32, #tpu.memory_space<vmem>>) dst(%dma_wait3A_57 : memref<10000x128xf32, #tpu.memory_space<vmem_shared>>)
    %dma_wait3A_58 = arith.constant 1 : i32
    %dma_wait3A_59 = arith.constant 0 : i32
    %dma_wait3A_60 = tpu.memref_slice %arg10[%dma_wait3A_58, %dma_wait3A_59] : memref<3x100xi32, #tpu.memory_space<vmem>> -> memref<1x100xi32, #tpu.memory_space<vmem>>
    %dma_wait3A_61 = tpu.memref_squeeze %dma_wait3A_60 : memref<1x100xi32, #tpu.memory_space<vmem>> -> memref<100xi32, #tpu.memory_space<vmem>>
    %dma_wait3A_62 = arith.constant 0 : i32
    %dma_wait3A_63 = arith.constant 0 : i32
    %dma_wait3A_64 = tpu.memref_slice %arg6[%dma_wait3A_62, %dma_wait3A_63] : memref<10000x128xf32, #tpu.memory_space<vmem_shared>> -> memref<10000x128xf32, #tpu.memory_space<vmem_shared>>
    tpu.wait_indirect_dma semaphore(%arg19 : memref<!tpu.dma_semaphore, #tpu.memory_space<semaphore_mem>>) src(%arg13 : memref<100x128xf32, #tpu.memory_space<vmem>>) dst(%dma_wait3A_64 : memref<10000x128xf32, #tpu.memory_space<vmem_shared>>)
    %barrier3A_65 = arith.constant 0 : index
    tpu.barrier barrier_id(%barrier3A_65)
    %mul3A_66 = arith.constant 624 : i32
    %mul3A_67 = arith.muli %arg1, %mul3A_66 : i32
    %mul3A_68 = arith.constant 624 : i32
    %mul3A_69 = arith.muli %arg1, %mul3A_68 : i32
    "tpu.region"() ({
      %run_scoped3A = tpu.sem_alloc : memref<!tpu.dma_semaphore, #tpu.memory_space<semaphore_mem>>
      %dma_start3A_75 = arith.constant 0 : i32
      %dma_start3A_76 = tpu.memref_slice %arg5[%arg0, %mul3A_69, %dma_start3A_75] : memref<2x10000x128xf32, #tpu.memory_space<hbm>> -> memref<1x624x128xf32, #tpu.memory_space<hbm>>
      %dma_start3A_77 = tpu.memref_squeeze %dma_start3A_76 : memref<1x624x128xf32, #tpu.memory_space<hbm>> -> memref<624x128xf32, #tpu.memory_space<hbm>>
      %dma_start3A_78 = arith.constant 0 : i32
      %dma_start3A_79 = tpu.memref_slice %arg6[%mul3A_67, %dma_start3A_78] : memref<10000x128xf32, #tpu.memory_space<vmem_shared>> -> memref<624x128xf32, #tpu.memory_space<vmem_shared>>
      tpu.enqueue_dma source(%dma_start3A_79 : memref<624x128xf32, #tpu.memory_space<vmem_shared>>) target(%dma_start3A_77 : memref<624x128xf32, #tpu.memory_space<hbm>>) target_semaphore(%run_scoped3A : memref<!tpu.dma_semaphore, #tpu.memory_space<semaphore_mem>>)
      %dma_wait3A_80 = arith.constant 0 : i32
      %dma_wait3A_81 = tpu.memref_slice %arg5[%arg0, %mul3A_69, %dma_wait3A_80] : memref<2x10000x128xf32, #tpu.memory_space<hbm>> -> memref<1x624x128xf32, #tpu.memory_space<hbm>>
      %dma_wait3A_82 = tpu.memref_squeeze %dma_wait3A_81 : memref<1x624x128xf32, #tpu.memory_space<hbm>> -> memref<624x128xf32, #tpu.memory_space<hbm>>
      %dma_wait3A_83 = arith.constant 0 : i32
      %dma_wait3A_84 = tpu.memref_slice %arg6[%mul3A_67, %dma_wait3A_83] : memref<10000x128xf32, #tpu.memory_space<vmem_shared>> -> memref<624x128xf32, #tpu.memory_space<vmem_shared>>
      tpu.wait_dma2 semaphore(%run_scoped3A : memref<!tpu.dma_semaphore, #tpu.memory_space<semaphore_mem>>) src(%dma_wait3A_84 : memref<624x128xf32, #tpu.memory_space<vmem_shared>>) dst(%dma_wait3A_82 : memref<624x128xf32, #tpu.memory_space<hbm>>)
      tpu.yield
    }) : () -> ()
    %eq3A_70 = arith.constant 0 : i32
    %eq3A_71 = arith.cmpi eq, %arg1, %eq3A_70 : i32
    %convert_element_type3A_72 = arith.extui %eq3A_71 : i1 to i32
    %cond3A_73 = arith.constant 0 : i32
    %cond3A_74 = arith.cmpi ne, %convert_element_type3A_72, %cond3A_73 : i32
    scf.if %cond3A_74 {
      "tpu.region"() ({
        %run_scoped3A = tpu.sem_alloc : memref<!tpu.dma_semaphore, #tpu.memory_space<semaphore_mem>>
        %dma_start3A_75 = arith.constant 9984 : i32
        %dma_start3A_76 = arith.constant 0 : i32
        %dma_start3A_77 = tpu.memref_slice %arg5[%arg0, %dma_start3A_75, %dma_start3A_76] : memref<2x10000x128xf32, #tpu.memory_space<hbm>> -> memref<1x16x128xf32, #tpu.memory_space<hbm>>
        %dma_start3A_78 = tpu.memref_squeeze %dma_start3A_77 : memref<1x16x128xf32, #tpu.memory_space<hbm>> -> memref<16x128xf32, #tpu.memory_space<hbm>>
        %dma_start3A_79 = arith.constant 9984 : i32
        %dma_start3A_80 = arith.constant 0 : i32
        %dma_start3A_81 = tpu.memref_slice %arg6[%dma_start3A_79, %dma_start3A_80] : memref<10000x128xf32, #tpu.memory_space<vmem_shared>> -> memref<16x128xf32, #tpu.memory_space<vmem_shared>>
        tpu.enqueue_dma source(%dma_start3A_81 : memref<16x128xf32, #tpu.memory_space<vmem_shared>>) target(%dma_start3A_78 : memref<16x128xf32, #tpu.memory_space<hbm>>) target_semaphore(%run_scoped3A : memref<!tpu.dma_semaphore, #tpu.memory_space<semaphore_mem>>)
        %dma_wait3A_82 = arith.constant 9984 : i32
        %dma_wait3A_83 = arith.constant 0 : i32
        %dma_wait3A_84 = tpu.memref_slice %arg5[%arg0, %dma_wait3A_82, %dma_wait3A_83] : memref<2x10000x128xf32, #tpu.memory_space<hbm>> -> memref<1x16x128xf32, #tpu.memory_space<hbm>>
        %dma_wait3A_85 = tpu.memref_squeeze %dma_wait3A_84 : memref<1x16x128xf32, #tpu.memory_space<hbm>> -> memref<16x128xf32, #tpu.memory_space<hbm>>
        %dma_wait3A_86 = arith.constant 9984 : i32
        %dma_wait3A_87 = arith.constant 0 : i32
        %dma_wait3A_88 = tpu.memref_slice %arg6[%dma_wait3A_86, %dma_wait3A_87] : memref<10000x128xf32, #tpu.memory_space<vmem_shared>> -> memref<16x128xf32, #tpu.memory_space<vmem_shared>>
        tpu.wait_dma2 semaphore(%run_scoped3A : memref<!tpu.dma_semaphore, #tpu.memory_space<semaphore_mem>>) src(%dma_wait3A_88 : memref<16x128xf32, #tpu.memory_space<vmem_shared>>) dst(%dma_wait3A_85 : memref<16x128xf32, #tpu.memory_space<hbm>>)
        tpu.yield
      }) : () -> ()
    } else {
    }
    return
  }
}

module attributes {stable_mosaic.version = 14 : i64} {
  func.func @body(%arg0: i32, %arg1: memref<1000x128xf32, #tpu.memory_space<vmem>>, %arg2: memref<2x1000x128xf32, #tpu.memory_space<vmem>>, %arg3: memref<128x128xf32, #tpu.memory_space<vmem>>, %arg4: memref<1x128xf32, #tpu.memory_space<vmem>>, %arg5: memref<128x128xf32, #tpu.memory_space<vmem>>, %arg6: memref<1x128xf32, #tpu.memory_space<vmem>>, %arg7: memref<1x1xf32, #tpu.memory_space<vmem>>, %arg8: memref<1000x128xf32, #tpu.memory_space<vmem>>) attributes {dimension_semantics = [#tpu.dimension_semantics<arbitrary>], iteration_bounds = array<i64: 10>, scalar_prefetch = 0 : i64, scratch_operands = 0 : i64, tpu.core_type = #tpu.core_type<tc>, window_params = [{transform_indices = @transform_0, window_bounds = array<i64: 1000, 128>}, {transform_indices = @transform_1, window_bounds = array<i64: 2, 1000, 128>}, {pipeline_mode = #tpu.pipeline_mode<synchronous>, transform_indices = @transform_2, window_bounds = array<i64: 128, 128>}, {pipeline_mode = #tpu.pipeline_mode<synchronous>, transform_indices = @transform_3, window_bounds = array<i64: 1, 128>}, {pipeline_mode = #tpu.pipeline_mode<synchronous>, transform_indices = @transform_4, window_bounds = array<i64: 128, 128>}, {pipeline_mode = #tpu.pipeline_mode<synchronous>, transform_indices = @transform_5, window_bounds = array<i64: 1, 128>}, {pipeline_mode = #tpu.pipeline_mode<synchronous>, transform_indices = @transform_6, window_bounds = array<i64: 1, 1>}, {transform_indices = @transform_7, window_bounds = array<i64: 1000, 128>}]} {
    %get3A = arith.constant 0 : index
    %get3A_0 = arith.constant 0 : index
    %get3A_1 = vector.load %arg1[%get3A, %get3A_0] : memref<1000x128xf32, #tpu.memory_space<vmem>>, vector<1000x128xf32>
    %get3A_2 = arith.constant 0 : index
    %get3A_3 = arith.constant 0 : index
    %get3A_4 = arith.constant 0 : index
    %get3A_5 = vector.load %arg2[%get3A_2, %get3A_3, %get3A_4] : memref<2x1000x128xf32, #tpu.memory_space<vmem>>, vector<1x1000x128xf32>
    %get3A_6 = vector.shape_cast %get3A_5 : vector<1x1000x128xf32> to vector<1000x128xf32>
    %add3A = arith.addf %get3A_1, %get3A_6 : vector<1000x128xf32>
    %get3A_7 = arith.constant 1 : index
    %get3A_8 = arith.constant 0 : index
    %get3A_9 = arith.constant 0 : index
    %get3A_10 = vector.load %arg2[%get3A_7, %get3A_8, %get3A_9] : memref<2x1000x128xf32, #tpu.memory_space<vmem>>, vector<1x1000x128xf32>
    %get3A_11 = vector.shape_cast %get3A_10 : vector<1x1000x128xf32> to vector<1000x128xf32>
    %add3A_12 = arith.addf %add3A, %get3A_11 : vector<1000x128xf32>
    %get3A_13 = arith.constant 0 : index
    %get3A_14 = arith.constant 0 : index
    %get3A_15 = vector.load %arg3[%get3A_13, %get3A_14] : memref<128x128xf32, #tpu.memory_space<vmem>>, vector<128x128xf32>
    %dot_general3A = arith.constant dense<0.000000e+00> : vector<1000x128xf32>
    %dot_general3A_16 = tpu.matmul %add3A_12, %get3A_15, %dot_general3A {dimension_numbers = #tpu.dot_dimension_numbers<[1], [0], [0], [1], [0, 0, 1, 1], [], []>, transpose_lhs_hint = false} : vector<1000x128xf32>, vector<128x128xf32>, vector<1000x128xf32> -> vector<1000x128xf32>
    %get3A_17 = arith.constant 0 : index
    %get3A_18 = arith.constant 0 : index
    %get3A_19 = vector.load %arg4[%get3A_17, %get3A_18] : memref<1x128xf32, #tpu.memory_space<vmem>>, vector<1x128xf32>
    %add3A_20 = vector.broadcast %get3A_19 : vector<1x128xf32> to vector<1000x128xf32>
    %add3A_21 = arith.addf %dot_general3A_16, %add3A_20 : vector<1000x128xf32>
    %max3A = arith.constant 0.000000e+00 : f32
    %max3A_22 = vector.broadcast %max3A : f32 to vector<1000x128xf32>
    %max3A_23 = arith.maximumf %add3A_21, %max3A_22 : vector<1000x128xf32>
    %get3A_24 = arith.constant 0 : index
    %get3A_25 = arith.constant 0 : index
    %get3A_26 = vector.load %arg5[%get3A_24, %get3A_25] : memref<128x128xf32, #tpu.memory_space<vmem>>, vector<128x128xf32>
    %dot_general3A_27 = arith.constant dense<0.000000e+00> : vector<1000x128xf32>
    %dot_general3A_28 = tpu.matmul %max3A_23, %get3A_26, %dot_general3A_27 {dimension_numbers = #tpu.dot_dimension_numbers<[1], [0], [0], [1], [0, 0, 1, 1], [], []>, transpose_lhs_hint = false} : vector<1000x128xf32>, vector<128x128xf32>, vector<1000x128xf32> -> vector<1000x128xf32>
    %get3A_29 = arith.constant 0 : index
    %get3A_30 = arith.constant 0 : index
    %get3A_31 = vector.load %arg6[%get3A_29, %get3A_30] : memref<1x128xf32, #tpu.memory_space<vmem>>, vector<1x128xf32>
    %add3A_32 = vector.broadcast %get3A_31 : vector<1x128xf32> to vector<1000x128xf32>
    %add3A_33 = arith.addf %dot_general3A_28, %add3A_32 : vector<1000x128xf32>
    %get3A_34 = arith.constant 0 : index
    %get3A_35 = arith.constant 0 : index
    %get3A_36 = vector.load %arg7[%get3A_34, %get3A_35] : memref<1x1xf32, #tpu.memory_space<vmem>>, vector<1x1xf32>
    %get3A_37 = vector.extract %get3A_36[0, 0] : f32 from vector<1x1xf32>
    %ge3A = arith.constant 0.000000e+00 : f32
    %ge3A_38 = vector.broadcast %ge3A : f32 to vector<1000x128xf32>
    %ge3A_39 = arith.cmpf oge, %add3A_33, %ge3A_38 : vector<1000x128xf32>
    %mul3A = vector.broadcast %get3A_37 : f32 to vector<1000x128xf32>
    %mul3A_40 = arith.mulf %mul3A, %add3A_33 : vector<1000x128xf32>
    %select_n3A = arith.select %ge3A_39, %add3A_33, %mul3A_40 : vector<1000x128xi1>, vector<1000x128xf32>
    %swap3A = arith.constant 0 : index
    %swap3A_41 = arith.constant 0 : index
    %swap3A_42 = vector.load %arg8[%swap3A, %swap3A_41] : memref<1000x128xf32, #tpu.memory_space<vmem>>, vector<1000x128xf32>
    tpu.vector_store %arg8[%swap3A, %swap3A_41], %select_n3A {strides = array<i32>} : memref<1000x128xf32, #tpu.memory_space<vmem>>, vector<1000x128xf32>,
    return
  }
  func.func @transform_0(%arg0: i32) -> (i32, i32) {
    %c0_i32 = arith.constant 0 : i32
    %c0_i32_0 = arith.constant 0 : i32
    return %arg0, %c0_i32 : i32, i32
  }
  func.func @transform_1(%arg0: i32) -> (i32, i32, i32) {
    %c0_i32 = arith.constant 0 : i32
    %c0_i32_0 = arith.constant 0 : i32
    %c0_i32_1 = arith.constant 0 : i32
    return %c0_i32, %arg0, %c0_i32_0 : i32, i32, i32
  }
  func.func @transform_2(%arg0: i32) -> (i32, i32) {
    %c0_i32 = arith.constant 0 : i32
    %c0_i32_0 = arith.constant 0 : i32
    %c0_i32_1 = arith.constant 0 : i32
    return %c0_i32, %c0_i32_0 : i32, i32
  }
  func.func @transform_3(%arg0: i32) -> (i32, i32) {
    %c0_i32 = arith.constant 0 : i32
    %c0_i32_0 = arith.constant 0 : i32
    %c0_i32_1 = arith.constant 0 : i32
    return %c0_i32, %c0_i32_0 : i32, i32
  }
  func.func @transform_4(%arg0: i32) -> (i32, i32) {
    %c0_i32 = arith.constant 0 : i32
    %c0_i32_0 = arith.constant 0 : i32
    %c0_i32_1 = arith.constant 0 : i32
    return %c0_i32, %c0_i32_0 : i32, i32
  }
  func.func @transform_5(%arg0: i32) -> (i32, i32) {
    %c0_i32 = arith.constant 0 : i32
    %c0_i32_0 = arith.constant 0 : i32
    %c0_i32_1 = arith.constant 0 : i32
    return %c0_i32, %c0_i32_0 : i32, i32
  }
  func.func @transform_6(%arg0: i32) -> (i32, i32) {
    %c0_i32 = arith.constant 0 : i32
    %c0_i32_0 = arith.constant 0 : i32
    %c0_i32_1 = arith.constant 0 : i32
    return %c0_i32, %c0_i32_0 : i32, i32
  }
  func.func @transform_7(%arg0: i32) -> (i32, i32) {
    %c0_i32 = arith.constant 0 : i32
    %c0_i32_0 = arith.constant 0 : i32
    return %arg0, %c0_i32 : i32, i32
  }
}

</mosaic_0001>

<sc_bundles>
// kernel: kernel.4.cloned.1.call-start
scs
__scs_entry_jumppad:
0x0: {  	(pc) =	sbr.rel $0x88, $3  }
0x1: {  	(tag) =	ssettag $0x0;
	lr =	simm.s32 $0x1  }
0x2: {  	[smem:$0x3F99] =	sst lr;
	_ =	strace $0xD0000000  }
0x3: {  	_ = 	snop  }
0x4: {  	_ = 	snop  }
0x5: {  	_ = 	snop  }
0x6: {  	_ = 	snop  }
0x7: {  	_ = 	snop  }
__scs_overlays_trampoline_lowered:
0x8: {  	[smem:$0x3FA8] =	sst s0  }
0x9: {  	[smem:$0x3FA9] =	sst s1  }
0xa: {  	[smem:$0x3FAA] =	sst s2  }
0xb: {  	[smem:$0x3FAB] =	sst s3  }
0xc: {  	[smem:$0x3FAC] =	sst s4  }
0xd: {  	[smem:$0x3FAD] =	sst s5  }
0xe: {  	[smem:$0x3FAE] =	sst s6  }
0xf: {  	[smem:$0x3FAF] =	sst s7  }
0x10: {  	[smem:$0x3FB0] =	sst s8  }
0x11: {  	[smem:$0x3FB1] =	sst s9;
	s0 =	simm.s32 @!p0 $0x0  }
0x12: {  	s1 =	sld [smem:$0x3F97];
	s0 =	simm.s32 @p0 $0x1  }
0x13: {  	[smem:$0x3FB2] =	sst s0;
	s0 =	simm.s32 @!p1 $0x0  }
0x14: {  	s2 =	sld [smem:$0x3F96];
	s0 =	simm.s32 @p1 $0x1  }
0x15: {  	[smem:$0x3FB3] =	sst s0;
	s0 =	simm.s32 @!p2 $0x0  }
0x16: {  	s3 =	sld [smem:$0x3FDB];
	s0 =	simm.s32 @p2 $0x1  }
0x17: {  	s4 =	simm.s32 $0x1BF5;
	[smem:$0x3FB5] =	sst s0  }
0x18: {  	s0 =	sld [smem:$0x3F98];
	_ =	swait.ge [sflag:s4], $0x0  }
0x19: {  	s7 =	sld [smem:$0x3F99]  }
0x1a: {  	s8 =	sadd.s32 $0xFFFFE003, lr  }
0x1b: {  	s9 =	sadd.s32 $0xFFFFFEF7, lr;
	s5 =	simm.s32 $0xFFFFFFFF;
	p2 =	slt.u32 s8, $0xFFFFF086  }
0x1c: {  	p1 =	slt.u32 s9, $0xF7A;
	s5 =	simm.s32 @!p2 $0x0  }
0x1d: {  	s5 =	simm.s32 @p1 $0x1;
	p0 =	seq.s32 s7, s2  }
0x1e: {  	s7 =	smul.u32 @!p0 $0xF7A, s2;
	p2 =	seq.s32 @!p0 s5, $0x0  }
0x1f: {  	s9 =	smul.u32 $0xF7A, s1;
	s8 =	simm.s32 @!p0 $0x1BF5;
	p2 =	por !p2, p0  }
0x20: {  	[sflag:s8] =	ssyncset.s32 @!p0 $0xFFFFF086;
	s6 =	sadd.s32 @!p0 s3, s7;
	s7 =	simm.s32 @!p0 $0x108  }
0x21: {  	s3 =	sadd.s32 s3, s9;
	s6 =	sadd.s32 @!p0 $0x88, s6;
	s7 =	simm.s32 @p2 $0x1082  }
0x22: {  	[simem:s7], [sflag:s8] =	dma.local @!p0 [hbm:s6], $0xF7A  }
0x23: {  	s9 =	sor.u32 $0xD0000000, s2;
	s6 =	simm.s32 $0x108;
	_ =	swait.ge @!p0 [sflag:s8], $0x0  }
0x24: {  	s3 =	sadd.s32 $0x88, s3;
	s6 =	simm.s32 @!p1 $0x1082;
	[sflag:s4] =	ssyncset.s32 $0xFFFFF086  }
0x25: {  	[simem:s6], [sflag:s4] =	dma.local [hbm:s3], $0xF7A  }
0x26: {  	[smem:$0x3F99] =	sst s1;
	(tag) =	ssettag s2;
	_ =	strace s9  }
0x27: {  	s1 =	sld [smem:$0x3FA9]  }
0x28: {  	s2 =	sld [smem:$0x3FAA]  }
0x29: {  	s4 =	sld [smem:$0x3FAC]  }
0x2a: {  	p0 =	seq.s32 s5, $0x0;
	s5 =	sld [smem:$0x3FAD]  }
0x2b: {  	s6 =	sld [smem:$0x3FAE]  }
0x2c: {  	s7 =	sld [smem:$0x3FAF]  }
0x2d: {  	s3 =	simm.s32 $0x108;
	s8 =	sld [smem:$0x3FB0]  }
0x2e: {  	s3 =	simm.s32 @!p0 $0x1082;
	s9 =	sld [smem:$0x3FB1]  }
0x2f: {  	lr =	sadd.s32 s0, s3;
	s0 =	sld [smem:$0x3FA8]  }
0x30: {  	s3 =	sld [smem:$0x3FAB]  }
0x31: {  	[smem:$0x3FB4] =	sst s10  }
0x32: {  	s10 =	sld [smem:$0x3FB2];
	_ =	sdelay $0x3  }
0x33: {  	p0 =	seq.s32 s10, $0x1;
	s10 =	sld [smem:$0x3FB4];
	_ =	sdelay $0x3  }
0x34: {  	[smem:$0x3FB4] =	sst s10  }
0x35: {  	s10 =	sld [smem:$0x3FB3];
	_ =	sdelay $0x3  }
0x36: {  	p1 =	seq.s32 s10, $0x1;
	s10 =	sld [smem:$0x3FB4];
	_ =	sdelay $0x3  }
0x37: {  	[smem:$0x3FB4] =	sst s10  }
0x38: {  	s10 =	sld [smem:$0x3FB5]  }
0x39: {  	_ = 	snop;
	(pc) =	sbr.ind lr, $3  }
0x3a: {  	_ = 	snop  }
0x3b: {  	_ = 	snop  }
0x3c: {  	p2 =	seq.s32 s10, $0x1;
	s10 =	sld [smem:$0x3FB4]  }
0x3d: {  	_ =	shalt  }
0x3e: {  	_ =	shalt  }
0x3f: {  	_ =	shalt  }
0x40: {  	_ =	shalt  }
0x41: {  	_ =	shalt  }
0x42: {  	_ =	shalt  }
0x43: {  	_ =	shalt  }
0x44: {  	_ =	shalt  }
0x45: {  	_ =	shalt  }
0x46: {  	_ =	shalt  }
0x47: {  	_ =	shalt  }
0x48: {  	_ =	shalt  }
0x49: {  	_ =	shalt  }
0x4a: {  	_ =	shalt  }
0x4b: {  	_ =	shalt  }
0x4c: {  	_ =	shalt  }
0x4d: {  	_ =	shalt  }
0x4e: {  	_ =	shalt  }
0x4f: {  	_ =	shalt  }
0x50: {  	_ =	shalt  }
0x51: {  	_ =	shalt  }
0x52: {  	_ =	shalt  }
0x53: {  	_ =	shalt  }
0x54: {  	_ =	shalt  }
0x55: {  	_ =	shalt  }
0x56: {  	_ =	shalt  }
0x57: {  	_ =	shalt  }
0x58: {  	_ =	shalt  }
0x59: {  	_ =	shalt  }
0x5a: {  	_ =	shalt  }
0x5b: {  	_ =	shalt  }
0x5c: {  	_ =	shalt  }
0x5d: {  	_ =	shalt  }
0x5e: {  	_ =	shalt  }
0x5f: {  	_ =	shalt  }
0x60: {  	_ =	shalt  }
0x61: {  	_ =	shalt  }
0x62: {  	_ =	shalt  }
0x63: {  	_ =	shalt  }
0x64: {  	_ =	shalt  }
0x65: {  	_ =	shalt  }
0x66: {  	_ =	shalt  }
0x67: {  	_ =	shalt  }
0x68: {  	_ =	shalt  }
0x69: {  	_ =	shalt  }
0x6a: {  	_ =	shalt  }
0x6b: {  	_ =	shalt  }
0x6c: {  	_ =	shalt  }
0x6d: {  	_ =	shalt  }
0x6e: {  	_ =	shalt  }
0x6f: {  	_ =	shalt  }
0x70: {  	_ =	shalt  }
0x71: {  	_ =	shalt  }
0x72: {  	_ =	shalt  }
0x73: {  	_ =	shalt  }
0x74: {  	_ =	shalt  }
0x75: {  	_ =	shalt  }
0x76: {  	_ =	shalt  }
0x77: {  	_ =	shalt  }
0x78: {  	_ =	shalt  }
0x79: {  	_ =	shalt  }
0x7a: {  	_ =	shalt  }
0x7b: {  	_ =	shalt  }
0x7c: {  	_ =	shalt  }
0x7d: {  	_ =	shalt  }
0x7e: {  	_ =	shalt  }
0x7f: {  	_ =	shalt  }
0x80: {  	_ =	shalt  }
0x81: {  	_ =	shalt  }
0x82: {  	_ =	shalt  }
0x83: {  	_ =	shalt  }
0x84: {  	_ =	shalt  }
0x85: {  	_ =	shalt  }
0x86: {  	_ =	shalt  }
0x87: {  	_ =	shalt  }
.Lfunc_end0:
.L_simem_size_0:
called_computation_lowered:
.L_overlay_start_0:
0x88: {  	s2 =	sld [smem:$0x3FD9]  }
0x89: {  	s3 =	sld [smem:$0x3FFE];
	_ =	sdelay $0x1  }
0x8a: {  	s1 =	srdreg.scid  }
0x8b: {  	s0 =	sand.u32 $0x1, s1  }
0x8c: {  	s17 =	sshll.u32 s0, $0xA;
	s2 =	sadd.s32 s3, s2  }
0x8d: {  	s2 =	sadd.s32 s2, s17  }
0x8e: {  	[smem:$0x3FC0] =	sst s2  }
0x8f: {  	_ = 	snop  }
0x90: {  	s2 =	sld [smem:$0x3FC9]  }
0x91: {  	s18 =	sld [smem:$0x3FD0];
	(tm) =	ssettm $0x1  }
0x92: {  	s4 =	sld [smem:$0x3FFB];
	_ =	sdelay $0x3  }
0x93: {  	_ =	strace s4  }
0x94: {  	s4 =	sld [smem:$0x3FFC];
	_ =	sdelay $0x3  }
0x95: {  	_ =	strace s4  }
0x96: {  	s4 =	sld [smem:$0x3FFD];
	_ =	sdelay $0x3  }
0x97: {  	_ =	strace s4  }
0x98: {  	_ =	strace $0x8FFFFFFF  }
0x99: {  	s19 =	sld [smem:$0x3FDB];
	_ =	sdelay $0x1  }
0x9a: {  	s5 =	simm.s32 $_scs_section_size  }
0x9b: {  	s6 =	simm.s32 $_size__tile_overlayer_lowered;
	s7 =	simm.s32 $_tile_overlayer_lowered  }
0x9c: {  	s22 =	simm.s32 $0x1BFF;
	s21 =	sshll.u32 s7, $0x1;
	s4 =	sadd.s32 s5, s19  }
0x9d: {  	s8 =	simm.s32 $0x0;
	s20 =	sshll.u32 s6, $0x1;
	s6 =	sadd.s32 s21, s4  }
0x9e: {  	[timem:s8], [sflag:s22] =	dma.local [hbm:s6], s20  }
0x9f: {  	_ =	swait.ge [sflag:s22], s20  }
0xa0: {  	s5 =	ssub.s32 $0x0, s20;
	[sflag:s22] =	ssyncset.done $0x0  }
0xa1: {  	[sflag:s22] =	ssyncadd.s32 s5;
	_ =	sdelay $0x1  }
0xa2: {  	s23 =	simm.s32 $0x1B8B  }
0xa3: {  	_ =	swait.ge [sflag:s23], $0x1  }
0xa4: {  	[sflag:s23] =	ssyncset.done $0x0  }
0xa5: {  	s25 =	simm.s32 $0x1B8E;
	s24 =	sld [smem:$0x3FFE];
	[sflag:s23] =	ssyncadd.s32 $0xFFFFFFFF  }
0xa6: {  	s26 =	simm.s32 $execute0_lowered;
	[smem:$0x3FD2] =	sst s25  }
0xa7: {  	s6 =	sshll.u32 s26, $0x1;
	_ =	strace $0x80000046;
	[dreg:$0x1] =	wrdreg $0xFFFFFFFF  }
0xa8: {  	s28 =	simm.s32 $_size_execute0_lowered;
	s4 =	sadd.s32 s4, s6;
	[dreg:$0x0] =	wrdreg $0x0  }
0xa9: {  	s6 =	sshll.u32 s28, $0x1;
	[dreg:$0x2] =	wrdreg s4  }
0xaa: {  	[dreg:$0x3] =	wrdreg s6  }
0xab: {  	[dreg:$0x4] =	wrdreg $0xC0  }
0xac: {  	_ =	task [dreg:s8], $0x5FFFF  }
0xad: {  	[dreg:$0x1] =	wrdreg $0xFFFFFFFF  }
0xae: {  	[dreg:$0x0] =	wrdreg $0x60  }
0xaf: {  	[dreg:$0x2] =	wrdreg s2  }
0xb0: {  	[dreg:$0x3] =	wrdreg s24  }
0xb1: {  	[dreg:$0x4] =	wrdreg s18  }
0xb2: {  	[dreg:$0x5] =	wrdreg $0x0  }
0xb3: {  	[dreg:$0x6] =	wrdreg $0x9  }
0xb4: {  	_ =	task.clear_ibuf [dreg:s8], $0x7FFFF;
	_ =	strace $0x90000046  }
0xb5: {  	s29 =	simm.s32 $0x9;
	_ =	strace $0x80000048  }
0xb6: {  	_ =	swait.ge [sflag:s29], $0x1  }
0xb7: {  	[sflag:s29] =	ssyncadd.s32 $0xFFFFFFFF  }
0xb8: {  	_ =	strace $0x90000048  }
0xb9: {  	_ =	sfence  }
0xba: {  	s30 =	sld [smem:$0x0];
	_ =	sdelay $0x2  }
0xbb: {  	s31 =	sshll.u32 s1, $0xD;
	s1 =	sshrl.u32 s1, $0x2  }
0xbc: {  	s3 =	sand.u32 $0x4000, s31;
	s1 =	sadd.s32 s1, s30  }
0xbd: {  	s0 =	sor.u32 s3, s0;
	s1 =	sshll.u32 s1, $0x11  }
0xbe: {  	s0 =	sor.u32 s1, s0  }
0xbf: {  	s0 =	sadd.s32 $0x8F2B, s0  }
0xc0: {  	[sflag:s0] =	ssyncadd.remote.s32 $0x1  }
0xc1: {  	_ =	sfence.sel $0xFFFF  }
0xc2: {  	[dreg:$0x0] =	wrdreg $0xFFFFFFFF;
	(pc) =	sbr.abs _section_cstart, $3  }
0xc3: {  	[dreg:$0x1] =	wrdreg $0xFFFFFFFF  }
0xc4: {  	_ =	task.clear_ibuf [dreg:s8], $0x2FFFF;
	_ =	strace $0x9FFFFFFF  }
0xc5: {  	(tm) =	ssettm $0x7FFFFFFF  }
tec
execute0_lowered:
.L_overlay_start_1:
0x0: {  	(tag) =	ssettag $0x1  }
0x1: {  	s1 =	rddreg [dreg:$0x0]  }
0x2: {  	s0 =	rddreg [dreg:$0x1]  }
0x3: {  	s3 =	rddreg [dreg:$0x3];
	s4 =	simm.s32 $0x0;
	s2 =	srdreg.scid  }
0x4: {  	s6 =	stileid.u32;
	s15 =	simm.s32 $0xD;
	s28 =	simm.s32 $0x14480  }
0x5: {  	s29 =	simm.s32 $0x8;
	s30 =	simm.s32 $0x17880;
	s31 =	simm.s32 $0x1  }
0x6: {  	s16 =	simm.s32 $0x2;
	s18 =	simm.s32 $0x4;
	s19 =	simm.s32 $0x3  }
0x7: {  	s17 =	simm.s32 $0x14280;
	[smem:$0x7FF] =	sst s4;
	s9 =	smul.u32 $0x4E000, s6  }
0x8: {  	s2 =	sand.u32 $0x1, s2;
	s21 =	sshll.u32 s6, $0x6;
	s13 =	smul.u32 $0x13800, s6  }
0x9: {  	p0 =	sne.s32 s6, $0x0;
	_ =	strace $0x80000047;
	s5 =	sshll.u32 s2, $0x4  }
0xa: {  	s7 =	ssub.s32 $0x2, s2;
	s14 =	sor.u32 $0x1C0D, s21;
	s2 =	smul.u32 $0x138800, s2  }
0xb: {  	s21 =	simm.s32 $0x14080;
	s8 =	sor.u32 s6, s5;
	s5 =	sadd.s32 $0x1000, s0  }
0xc: {  	s10 =	sshrl.u32 s7, $0x1;
	s0 =	sadd.s32 $0x33000, s0;
	s9 =	sshrl.u32 s9, $0x2  }
0xd: {  	s6 =	simm.s32 $0x6;
	[dreg:$0x5] =	wrdreg s14;
	s8 =	smul.u32 $0xC800, s8  }
0xe: {  	s7 =	ssub.s32 s7, s10;
	s9 =	sadd.s32 s9, s3;
	s10 =	sadd.s32 $0x138000, s3  }
0xf: {  	s13 =	sadd.s32 s13, s2;
	s2 =	sshrl.u32 s2, $0x3;
	s20 =	sshrl.u32 @!p0 s10, $0x3  }
0x10: {  	s13 =	sshrl.u32 s13, $0x3;
	s22 =	sor.u32 $0x600, s8;
	[dreg:$0x12] =	wrdreg s20  }
0x11: {  	s11 =	sshrl.u32 s8, $0x3;
	s23 =	sadd.s32 $0x800, s8;
	[dreg:$0x9] =	wrdreg s22  }
0x12: {  	s24 =	sadd.s32 $0xC00, s8;
	s25 =	sadd.s32 $0xE00, s8;
	[dreg:$0xa] =	wrdreg s23  }
0x13: {  	s26 =	sadd.s32 s0, s13;
	s0 =	sadd.s32 s0, s2;
	[dreg:$0xb] =	wrdreg s24  }
0x14: {  	s13 =	sshrl.u32 s9, $0x3;
	s2 =	simm.s32 $0x13E80;
	[dreg:$0xc] =	wrdreg s25  }
0x15: {  	s9 =	simm.s32 $0x1AC80;
	s11 =	sadd.s32 s5, s11;
	[dreg:$0xe] =	wrdreg s26  }
0x16: {  	s0 =	sadd.s32 $0x27000, s0;
	s22 =	simm.s32 $0x13880;
	[dreg:$0x11] =	wrdreg s13  }
0x17: {  	s23 =	simm.s32 $0x13A80;
	s24 =	simm.s32 $0x13C80;
	[dreg:$0x6] =	wrdreg s11  }
0x18: {  	s25 =	simm.s32 $0x7;
	s12 =	sadd.s32 $0x40, s11;
	[dreg:$0xf] =	wrdreg s0  }
.Ltmp0:
0x19: {  	s11 =	sadd.s32 $0x80, s11;
	[dreg:$0x7] =	wrdreg s12;
	(pc) =	sbr.rel .LBB2_1-.Ltmp0, $4  }
0x1a: {  	[dreg:$0x8] =	wrdreg s11;
	s12 =	sadd.s32 $0xA00, s8;
	s8 =	sadd.s32 $0x1000, s8  }
0x1b: {  	s26 =	simm.s32 $0x64;
	s11 =	simm.s32 $0x0;
	[dreg:$0xd] =	wrdreg s8  }
0x1c: {  	s0 =	simm.s32 $0xC;
	s8 =	smax.u32 s7, $0x1;
	[dreg:$0x13] =	wrdreg s11  }
0x1d: {  	s7 =	simm.s32 $0xA;
	[dreg:$0x10] =	wrdreg s8;
	s8 =	simm.s32 $0x9  }
.LBB2_16:
0x1e: {  	_ =	swait.ge [sflag:s6], $0x3200  }
0x1f: {  	[sflag:s6] =	ssyncset.done $0x0  }
0x20: {  	[sflag:s6] =	ssyncadd.s32 $0xFFFFCE00  }
0x21: {  	_ =	swait.ge [sflag:s18], $0x3200  }
0x22: {  	[sflag:s18] =	ssyncset.done $0x0  }
0x23: {  	[sflag:s18] =	ssyncadd.s32 $0xFFFFCE00  }
0x24: {  	[bflag:$0x0] =	sbarrier.arrive $0xFFFF  }
0x25: {  	s14 =	rddreg [dreg:$0x5]  }
0x26: {  	s10 =	rddreg [dreg:$0xe]  }
0x27: {  	s15 =	simm.s32 $0xD;
	s13 =	rddreg [dreg:$0x11]  }
0x28: {  	[hbm:s10], [sflag:s14] =	dma.local [spmem:s13], $0x2700  }
0x29: {  	_ =	swait.ge [sflag:s15], $0x2700  }
0x2a: {  	[sflag:s15] =	ssyncset.done $0x0;
	s10 =	rddreg [dreg:$0xf]  }
0x2b: {  	s20 =	rddreg [dreg:$0x12];
	[sflag:s15] =	ssyncadd.s32 $0xFFFFD900  }
0x2c: {  	[hbm:s10], [sflag:s14] =	dma.local @!p0 [spmem:s20], $0x100  }
0x2d: {  	s10 =	simm.s32 @!p0 $0xD  }
0x2e: {  	_ =	swait.ge @!p0 [sflag:s10], $0x100  }
0x2f: {  	s11 =	rddreg [dreg:$0x13]  }
0x30: {  	s4 =	smov.u32 s12;
	s12 =	sadd.s32 $0x1, s11;
	s11 =	rddreg [dreg:$0x10]  }
0x31: {  	p1 =	sne.s32 s12, s11  }
.Ltmp1:
0x32: {  	_ = 	snop;
	(pc) =	sbr.rel @!p1 .LBB2_17-.Ltmp1, $4  }
0x33: {  	_ = 	snop  }
0x34: {  	[sflag:s10] =	ssyncset.done @!p0 $0x0  }
0x35: {  	[sflag:s10] =	ssyncadd.s32 @!p0 $0xFFFFFF00  }
0x36: {  	[dreg:$0x13] =	wrdreg s12;
	s12 =	smov.u32 s4;
	s4 =	simm.s32 $0x0  }
.LBB2_1:
0x37: {  	s10 =	rddreg [dreg:$0x2]  }
0x38: {  	[spmem:s13], [sflag:s14] =	dma.local [hbm:s10], $0x2700  }
0x39: {  	_ =	swait.ge [sflag:s15], $0x2700  }
0x3a: {  	[sflag:s15] =	ssyncset.done $0x0  }
0x3b: {  	[sflag:s15] =	ssyncadd.s32 $0xFFFFD900  }
0x3c: {  	[spmem:s20], [sflag:s14] =	dma.local @!p0 [hbm:s10], $0x100  }
0x3d: {  	s10 =	simm.s32 @!p0 $0xD  }
0x3e: {  	_ =	swait.ge @!p0 [sflag:s10], $0x100  }
0x3f: {  	[sflag:s10] =	ssyncset.done @!p0 $0x0  }
0x40: {  	[sflag:s10] =	ssyncadd.s32 @!p0 $0xFFFFFF00  }
0x41: {  	[bflag:$0x0] =	sbarrier.arrive $0xFFFF  }
0x42: {  	s14 =	rddreg [dreg:$0x6]  }
0x43: {  	[tilespmem:s22], [sflag:$0x7] =	stream.linear.gather [hbm4b:s14+s4], $0x180, $0x38;
	[tilespmem:$0x1E080] =	vst v63  }
0x44: {  	s15 =	rddreg [dreg:$0x7]  }
0x45: {  	[tilespmem:s23], [sflag:$0x8] =	stream.linear.gather [hbm4b:s15+s4], $0x180, $0x38;
	[tilespmem:$0x1E080] =	vst v63  }
0x46: {  	s20 =	rddreg [dreg:$0x8]  }
0x47: {  	[tilespmem:s24], [sflag:$0x9] =	stream.linear.gather [hbm4b:s20+s4], $0x180, $0x38;
	[tilespmem:$0x1E080] =	vst v63  }
0x48: {  	_ =	swait.ge [sflag:s25], $0x180  }
0x49: {  	[sflag:s25] =	ssyncset.done $0x0  }
0x4a: {  	s20 =	simm.s32 $0x0;
	[sflag:s25] =	ssyncadd.s32 $0xFFFFFE80  }
0x4b: {  	[tilespmem:s28], [sflag:$0x1] =	stream.indirect.gather [hbm4b:s1+s26], $0x80, s22, s26, $0xb8;
	[tilespmem:$0x1E080] =	vst v63  }
.LBB2_2:
0x4c: {  	p1 =	seq.s32 s20, $0x0  }
0x4d: {  	s10 =	simm.s32 @!p1 $0x5  }
0x4e: {  	s13 =	simm.s32 $0x0;
	s11 =	simm.s32 $0x1;
	_ =	swait.ge @!p1 [sflag:s10], $0x3200  }
0x4f: {  	s14 =	simm.s32 $0x2;
	s15 =	simm.s32 $0x3;
	v0 =	vmov s13;
	v1 =	vmov s11;
	[sflag:s10] =	ssyncset.done @!p1 $0x0  }
0x50: {  	v2 =	vmov s14;
	v3 =	vmov s15;
	v0 =	vand.u32 $0x7E, v0;
	[sflag:s10] =	ssyncadd.s32 @!p1 $0xFFFFCE00  }
0x51: {  	v1 =	vand.u32 $0x7F, v1;
	v2 =	vand.u32 $0xFE, v2;
	v0 =	vor.u32 $0x100, v0;
	_ =	swait.ge [sflag:s29], $0x180  }
0x52: {  	s13 =	simm.s32 $0x9;
	v3 =	vand.u32 $0xFF, v3;
	v1 =	vor.u32 $0x100, v1;
	v0 =	vbroadcast v0, $0x0;
	[sflag:s29] =	ssyncset.done $0x0  }
0x53: {  	v4 =	vmov s13;
	v2 =	vor.u32 $0x100, v2;
	v1 =	vbroadcast v1, $0x0;
	[sflag:s29] =	ssyncadd.s32 $0xFFFFFE80  }
0x54: {  	v3 =	vor.u32 $0x100, v3;
	v4 =	vand.u32 $0xFF, v4;
	v2 =	vbroadcast v2, $0x0;
	[tilespmem:s30], [sflag:$0x2] =	stream.indirect.gather [hbm4b:s1+s26], $0x80, s23, s26, $0xb8;
	[tilespmem:$0x1E080] =	vst v63  }
0x55: {  	v3 =	vbroadcast v3, $0x0;
	v4 =	vor.u32 $0x100, v4;
	_ =	swait.ge [sflag:s31], $0x3200  }
0x56: {  	v4 =	vbroadcast v4, $0x0;
	[sflag:s31] =	ssyncset.done $0x0  }
0x57: {  	[sflag:s31] =	ssyncadd.s32 $0xFFFFCE00  }
0x58: {  	v5 =	vld.idx.msk [tilespmem:v0+s22+$0x0], $0xffff  }
0x59: {  	v1 =	vld.idx.msk [tilespmem:v1+s22+$0x0], $0xffff  }
0x5a: {  	v2 =	vld.idx.msk [tilespmem:v2+s22+$0x0], $0xffff  }
0x5b: {  	v3 =	vld.idx.msk [tilespmem:v3+s22+$0x0], $0xffff  }
0x5c: {  	s13 =	simm.s32 $0x14700;
	v0 =	vld.idx.msk [tilespmem:v4+s22+$0x0], $0xffff  }
0x5d: {  	v4 =	vld [tilespmem:s13+$0xFFFFFD80]  }
0x5e: {  	v6 =	vld [tilespmem:s13+$0xFFFFFD90]  }
0x5f: {  	v7 =	vld [tilespmem:s13+$0xFFFFFDA0]  }
0x60: {  	v8 =	vld [tilespmem:s13+$0xFFFFFDB0]  }
0x61: {  	v9 =	vld [tilespmem:s13+$0xFFFFFDC0]  }
0x62: {  	v10 =	vld [tilespmem:s13+$0xFFFFFDD0]  }
0x63: {  	v12 =	vld [tilespmem:s13+$0x270]  }
0x64: {  	v11 =	vld [tilespmem:s13+$0xFFFFFDE0]  }
0x65: {  	v13 =	vld [tilespmem:s13+$0xFFFFFE00]  }
0x66: {  	v15 =	vld [tilespmem:s13+$0xFFFFFE20]  }
0x67: {  	v14 =	vld [tilespmem:s13+$0xFFFFFE10];
	v4 =	vmul.f32 v5, v4  }
0x68: {  	v16 =	vld [tilespmem:s13+$0xFFFFFE30];
	v12 =	vmul.f32 v0, v12  }
0x69: {  	v17 =	vld [tilespmem:s13+$0xFFFFFE40];
	v6 =	vmul.f32 v5, v6;
	[tilespmem:s13+$0xFFFFFD80] =	vst v4  }
0x6a: {  	v18 =	vld [tilespmem:s13+$0xFFFFFE70];
	v7 =	vmul.f32 v5, v7;
	[tilespmem:s13+$0x270] =	vst v12  }
0x6b: {  	v15 =	vmul.f32 v1, v15;
	v4 =	vld [tilespmem:s13+$0xFFFFFDF0];
	[tilespmem:s13+$0xFFFFFD90] =	vst v6  }
0x6c: {  	v12 =	vld [tilespmem:s13+$0xFFFFFE50];
	v6 =	vmul.f32 v5, v8;
	[tilespmem:s13+$0xFFFFFDA0] =	vst v7  }
0x6d: {  	v8 =	vld [tilespmem:s13+$0xFFFFFE60];
	v7 =	vmul.f32 v5, v9;
	[tilespmem:s13+$0xFFFFFE20] =	vst v15  }
0x6e: {  	v9 =	vld [tilespmem:s13+$0xFFFFFE80];
	v15 =	vmul.f32 v1, v17;
	[tilespmem:s13+$0xFFFFFDB0] =	vst v6  }
0x6f: {  	v6 =	vmul.f32 v5, v10;
	v10 =	vld [tilespmem:s13+$0xFFFFFE90];
	[tilespmem:s13+$0xFFFFFDC0] =	vst v7  }
0x70: {  	v7 =	vmul.f32 v5, v11;
	v11 =	vld [tilespmem:s13+$0xFFFFFEA0];
	[tilespmem:s13+$0xFFFFFE40] =	vst v15  }
0x71: {  	v15 =	vld [tilespmem:s13+$0xFFFFFF20];
	[tilespmem:s13+$0xFFFFFDD0] =	vst v6;
	v6 =	vmul.f32 v1, v13  }
0x72: {  	[tilespmem:s13+$0xFFFFFDE0] =	vst v7;
	v7 =	vld [tilespmem:s13+$0xFFFFFEC0];
	v13 =	vmul.f32 v1, v14  }
0x73: {  	v4 =	vmul.f32 v5, v4;
	v5 =	vld [tilespmem:s13+$0xFFFFFEB0];
	[tilespmem:s13+$0xFFFFFE00] =	vst v6  }
0x74: {  	v12 =	vmul.f32 v1, v12;
	v6 =	vld [tilespmem:s13+$0xFFFFFEE0];
	[tilespmem:s13+$0xFFFFFE10] =	vst v13  }
0x75: {  	v8 =	vmul.f32 v1, v8;
	v13 =	vmul.f32 v1, v16;
	v16 =	vld [tilespmem:s13+$0xFFFFFF00];
	[tilespmem:s13+$0xFFFFFDF0] =	vst v4  }
0x76: {  	v4 =	vmul.f32 v2, v9;
	v9 =	vld [tilespmem:s13+$0xFFFFFED0];
	[tilespmem:s13+$0xFFFFFE50] =	vst v12  }
0x77: {  	v1 =	vmul.f32 v1, v18;
	v12 =	vld [tilespmem:s13+$0xFFFFFF30];
	[tilespmem:s13+$0xFFFFFE60] =	vst v8  }
0x78: {  	s14 =	simm.s32 $0x4;
	v8 =	vmul.f32 v2, v10;
	v10 =	vld [tilespmem:s13+$0xFFFFFF40];
	[tilespmem:s13+$0xFFFFFE30] =	vst v13  }
0x79: {  	v14 =	vmov s14;
	v13 =	vld [tilespmem:s13+$0xFFFFFF10];
	[tilespmem:s13+$0xFFFFFE70] =	vst v1  }
0x7a: {  	v11 =	vmul.f32 v2, v11;
	[tilespmem:s13+$0xFFFFFE80] =	vst v4;
	v4 =	vand.u32 $0xFE, v14;
	v14 =	vld [tilespmem:s13+$0xFFFFFEF0]  }
0x7b: {  	[tilespmem:s13+$0xFFFFFE90] =	vst v8;
	v8 =	vld [tilespmem:s13+$0xFFFFFF60];
	v7 =	vmul.f32 v2, v7  }
0x7c: {  	[tilespmem:s13+$0xFFFFFEA0] =	vst v11;
	v11 =	vld [tilespmem:s13+$0xFFFFFF70];
	v4 =	vor.u32 $0x100, v4;
	v5 =	vmul.f32 v2, v5  }
0x7d: {  	v4 =	vbroadcast v4, $0x0;
	v1 =	vmul.f32 v3, v16;
	v16 =	vld [tilespmem:s13+$0xFFFFFF50];
	[tilespmem:s13+$0xFFFFFEC0] =	vst v7  }
0x7e: {  	s15 =	simm.s32 $0x5;
	v6 =	vmul.f32 v2, v6;
	v7 =	vld [tilespmem:s13+$0xFFFFFF90];
	[tilespmem:s13+$0xFFFFFEB0] =	vst v5  }
0x7f: {  	v17 =	vmov s15;
	v5 =	vmul.f32 v2, v9;
	v9 =	vld [tilespmem:s13+$0xFFFFFF80];
	[tilespmem:s13+$0xFFFFFF00] =	vst v1  }
0x80: {  	v12 =	vmul.f32 v3, v12;
	v1 =	vand.u32 $0xFF, v17;
	[tilespmem:s13+$0xFFFFFEE0] =	vst v6;
	v6 =	vmul.f32 v3, v13;
	v13 =	vld [tilespmem:s13+$0xFFFFFFB0]  }
0x81: {  	v10 =	vmul.f32 v3, v10;
	v1 =	vor.u32 $0x100, v1;
	[tilespmem:s13+$0xFFFFFED0] =	vst v5;
	v5 =	vld [tilespmem:s13+$0xFFFFFFA0]  }
0x82: {  	v2 =	vmul.f32 v2, v14;
	v14 =	vld [tilespmem:s13+$0xFFFFFFC0];
	[tilespmem:s13+$0xFFFFFF30] =	vst v12;
	v1 =	vbroadcast v1, $0x0  }
0x83: {  	[tilespmem:s13+$0xFFFFFF40] =	vst v10;
	v4 =	vld.idx.msk [tilespmem:v4+s22+$0x0], $0xffff  }
0x84: {  	v8 =	vmul.f32 v3, v8;
	v10 =	vld [tilespmem:s13+$0x0];
	[tilespmem:s13+$0xFFFFFEF0] =	vst v2;
	v2 =	vmul.f32 v3, v15  }
0x85: {  	[tilespmem:s13+$0xFFFFFF10] =	vst v6;
	v12 =	vmul.f32 v3, v16;
	v3 =	vmul.f32 v3, v11;
	v11 =	vld [tilespmem:s13+$0x10]  }
0x86: {  	[tilespmem:s13+$0xFFFFFF20] =	vst v2;
	v2 =	vld [tilespmem:s13+$0xFFFFFFE0]  }
0x87: {  	[tilespmem:s13+$0xFFFFFF60] =	vst v8;
	v8 =	vld [tilespmem:s13+$0x20]  }
0x88: {  	[tilespmem:s13+$0xFFFFFF50] =	vst v12;
	v1 =	vld.idx.msk [tilespmem:v1+s22+$0x0], $0xffff;
	v6 =	vmul.f32 v4, v9  }
0x89: {  	s11 =	simm.s32 $0x6;
	[tilespmem:s13+$0xFFFFFF70] =	vst v3;
	v12 =	vld [tilespmem:s13+$0x40];
	v7 =	vmul.f32 v4, v7  }
0x8a: {  	v15 =	vmov s11;
	v9 =	vld [tilespmem:s13+$0xFFFFFFD0];
	v3 =	vmul.f32 v4, v5;
	[tilespmem:s13+$0xFFFFFF80] =	vst v6  }
0x8b: {  	v5 =	vld [tilespmem:s13+$0x30];
	v2 =	vmul.f32 v4, v2;
	v6 =	vand.u32 $0xFE, v15;
	[tilespmem:s13+$0xFFFFFF90] =	vst v7  }
0x8c: {  	v15 =	vld [tilespmem:s13+$0xFFFFFFF0];
	v7 =	vmul.f32 v4, v13;
	[tilespmem:s13+$0xFFFFFFA0] =	vst v3;
	v13 =	vmul.f32 v4, v14;
	v6 =	vor.u32 $0x100, v6  }
0x8d: {  	[tilespmem:s13+$0xFFFFFFE0] =	vst v2;
	v6 =	vbroadcast v6, $0x0;
	v3 =	vmul.f32 v1, v10;
	v10 =	vld [tilespmem:s13+$0x50]  }
0x8e: {  	s14 =	simm.s32 $0x7;
	[tilespmem:s13+$0xFFFFFFB0] =	vst v7;
	v7 =	vld [tilespmem:s13+$0x60]  }
0x8f: {  	v14 =	vmov s14;
	[tilespmem:s13+$0xFFFFFFC0] =	vst v13;
	v13 =	vld [tilespmem:s13+$0x70];
	v2 =	vmul.f32 v1, v11  }
0x90: {  	v11 =	vld [tilespmem:s13+$0x90];
	v9 =	vmul.f32 v4, v9;
	[tilespmem:s13+$0x0] =	vst v3;
	v3 =	vand.u32 $0xFF, v14  }
0x91: {  	[tilespmem:s13+$0x10] =	vst v2;
	v2 =	vmul.f32 v1, v5;
	v5 =	vld [tilespmem:s13+$0xB0];
	v3 =	vor.u32 $0x100, v3;
	v4 =	vmul.f32 v4, v15  }
0x92: {  	[tilespmem:s13+$0xFFFFFFD0] =	vst v9;
	v9 =	vld [tilespmem:s13+$0x80];
	v3 =	vbroadcast v3, $0x0  }
0x93: {  	[tilespmem:s13+$0xFFFFFFF0] =	vst v4;
	v4 =	vmul.f32 v1, v8;
	v6 =	vld.idx.msk [tilespmem:v6+s22+$0x0], $0xffff  }
0x94: {  	v8 =	vld [tilespmem:s13+$0xA0];
	v10 =	vmul.f32 v1, v10  }
0x95: {  	[tilespmem:s13+$0x20] =	vst v4;
	v4 =	vmul.f32 v1, v12;
	v12 =	vld [tilespmem:s13+$0xC0]  }
0x96: {  	[tilespmem:s13+$0x50] =	vst v10;
	v10 =	vld [tilespmem:s13+$0xF0]  }
0x97: {  	v7 =	vmul.f32 v1, v7;
	[tilespmem:s13+$0x40] =	vst v4;
	v4 =	vld [tilespmem:s13+$0xE0]  }
0x98: {  	s15 =	simm.s32 $0x8;
	[tilespmem:s13+$0x30] =	vst v2;
	v3 =	vld.idx.msk [tilespmem:v3+s22+$0x0], $0xffff;
	v2 =	vmul.f32 v6, v9  }
0x99: {  	v14 =	vmov s15;
	v1 =	vmul.f32 v1, v13;
	[tilespmem:s13+$0x60] =	vst v7;
	v9 =	vld [tilespmem:s13+$0xD0]  }
0x9a: {  	v7 =	vmul.f32 v6, v11;
	v11 =	vld [tilespmem:s13+$0x100];
	[tilespmem:s13+$0x80] =	vst v2;
	v2 =	vand.u32 $0xFE, v14  }
0x9b: {  	[tilespmem:s13+$0x70] =	vst v1;
	v1 =	vmul.f32 v6, v8;
	v8 =	vld [tilespmem:s13+$0x110];
	v2 =	vor.u32 $0x100, v2  }
0x9c: {  	v5 =	vmul.f32 v6, v5;
	[tilespmem:s13+$0x90] =	vst v7;
	v7 =	vld [tilespmem:s13+$0x120];
	v2 =	vbroadcast v2, $0x0  }
0x9d: {  	[tilespmem:s13+$0xA0] =	vst v1;
	v1 =	vmul.f32 v6, v12;
	v12 =	vld [tilespmem:s13+$0x130]  }
0x9e: {  	[tilespmem:s13+$0xB0] =	vst v5;
	v4 =	vmul.f32 v6, v4;
	v5 =	vmul.f32 v6, v9;
	v9 =	vld [tilespmem:s13+$0x140]  }
0x9f: {  	[tilespmem:s13+$0xC0] =	vst v1;
	v1 =	vmul.f32 v3, v11;
	v11 =	vld [tilespmem:s13+$0x150]  }
0xa0: {  	[tilespmem:s13+$0xE0] =	vst v4;
	v4 =	vmul.f32 v3, v8;
	v8 =	vld [tilespmem:s13+$0x180]  }
0xa1: {  	s11 =	simm.s32 $0xA;
	[tilespmem:s13+$0xD0] =	vst v5;
	v5 =	vld [tilespmem:s13+$0x160]  }
0xa2: {  	[tilespmem:s13+$0x100] =	vst v1;
	v1 =	vmov s11;
	s11 =	simm.s32 $0xD;
	v7 =	vmul.f32 v3, v7;
	v13 =	vld.idx.msk [tilespmem:v2+s22+$0x0], $0xffff  }
0xa3: {  	s15 =	simm.s32 $0xC;
	[tilespmem:s13+$0x110] =	vst v4;
	v4 =	vmul.f32 v3, v12;
	v14 =	vmov s11;
	s11 =	simm.s32 $0xF;
	v2 =	vmul.f32 v6, v10;
	v6 =	vld [tilespmem:s13+$0x170]  }
0xa4: {  	v12 =	vld [tilespmem:s13+$0x190];
	v1 =	vand.u32 $0x7E, v1;
	v16 =	vmov s11;
	[tilespmem:s13+$0x120] =	vst v7;
	v10 =	vmov s15;
	s15 =	simm.s32 $0xE  }
0xa5: {  	s11 =	simm.s32 $0x11;
	[tilespmem:s13+$0x130] =	vst v4;
	v1 =	vor.u32 $0x100, v1;
	v7 =	vmul.f32 v3, v9;
	v9 =	vld [tilespmem:s13+$0x1A0];
	v15 =	vmov s15;
	s15 =	simm.s32 $0x10  }
0xa6: {  	s14 =	simm.s32 $0xB;
	v18 =	vmov s11;
	v4 =	vmul.f32 v3, v11;
	v11 =	vld [tilespmem:s13+$0x1B0];
	[tilespmem:s13+$0xF0] =	vst v2;
	v17 =	vmov s15;
	s15 =	simm.s32 $0x12  }
0xa7: {  	v2 =	vmov s14;
	[tilespmem:s13+$0x140] =	vst v7;
	v5 =	vmul.f32 v3, v5;
	v7 =	vld [tilespmem:s13+$0x1C0];
	v19 =	vmov s15  }
0xa8: {  	[tilespmem:s13+$0x150] =	vst v4;
	v4 =	vand.u32 $0x7F, v2;
	v2 =	vmul.f32 v3, v6;
	v3 =	vmul.f32 v13, v8  }
0xa9: {  	[tilespmem:s13+$0x160] =	vst v5;
	v5 =	vld [tilespmem:s13+$0x1E0];
	v8 =	vand.u32 $0xFE, v10;
	v10 =	vand.u32 $0xFF, v14;
	v14 =	vand.u32 $0xFE, v15  }
0xaa: {  	v6 =	vld [tilespmem:s13+$0x1D0];
	v15 =	vand.u32 $0xFF, v16;
	v16 =	vand.u32 $0xFE, v17;
	v12 =	vmul.f32 v13, v12;
	[tilespmem:s13+$0x180] =	vst v3  }
0xab: {  	v17 =	vand.u32 $0xFF, v18;
	[tilespmem:s13+$0x170] =	vst v2;
	v3 =	vmul.f32 v13, v9;
	v9 =	vld [tilespmem:s13+$0x1F0];
	v2 =	vbroadcast v1, $0x0  }
0xac: {  	v1 =	vor.u32 $0x100, v4;
	[tilespmem:s13+$0x190] =	vst v12;
	v4 =	vmul.f32 v13, v11;
	v11 =	vld [tilespmem:s13+$0x200];
	v12 =	vmul.f32 v13, v7  }
0xad: {  	v18 =	vand.u32 $0xFE, v19;
	v19 =	vld [tilespmem:s13+$0x210];
	v8 =	vor.u32 $0x100, v8;
	v10 =	vor.u32 $0x100, v10;
	[tilespmem:s13+$0x1A0] =	vst v3  }
0xae: {  	v15 =	vor.u32 $0x100, v15;
	v7 =	vld [tilespmem:s13+$0x220];
	v3 =	vbroadcast v1, $0x0;
	[tilespmem:s13+$0x1C0] =	vst v12;
	v12 =	vmul.f32 v13, v5  }
0xaf: {  	v1 =	vor.u32 $0x100, v14;
	[tilespmem:s13+$0x1B0] =	vst v4;
	v4 =	vbroadcast v8, $0x0;
	v8 =	vld [tilespmem:s13+$0x230];
	v14 =	vmul.f32 v13, v6  }
0xb0: {  	v5 =	vbroadcast v10, $0x0;
	v6 =	vor.u32 $0x100, v16;
	[tilespmem:s13+$0x1E0] =	vst v12;
	v20 =	vmul.f32 v13, v9;
	v9 =	vld [tilespmem:s13+$0x240]  }
0xb1: {  	v10 =	vld [tilespmem:s13+$0x250];
	v1 =	vbroadcast v1, $0x0;
	v16 =	vor.u32 $0x100, v18;
	[tilespmem:s13+$0x1D0] =	vst v14;
	v13 =	vmul.f32 v0, v11  }
0xb2: {  	s14 =	simm.s32 $0x14;
	s15 =	simm.s32 $0x13;
	v12 =	vbroadcast v15, $0x0;
	v15 =	vmul.f32 v0, v19;
	v14 =	vor.u32 $0x100, v17;
	v11 =	vld [tilespmem:s13+$0x260];
	[tilespmem:s13+$0x1F0] =	vst v20  }
.LBB2_3:
0xb3: {  	p2 =	slt.u32 s14, $0x5A;
	v17 =	vld.idx.msk [tilespmem:v2+s22+$0x0], $0xffff;
	v2 =	vbroadcast v6, $0x0;
	v6 =	vmov s15;
	[tilespmem:s13+$0x200] =	vst v13;
	v13 =	vmul.f32 v0, v7  }
0xb4: {  	v14 =	vbroadcast v14, $0x0;
	v18 =	vld.idx.msk [tilespmem:v3+s22+$0x0], $0xffff;
	v3 =	vand.u32 $0xFF, v6;
	[tilespmem:s13+$0x210] =	vst v15;
	v8 =	vmul.f32 v0, v8  }
0xb5: {  	v15 =	vbroadcast v16, $0x0;
	v7 =	vld.idx.msk [tilespmem:v4+s22+$0x0], $0xffff;
	v3 =	vor.u32 $0x100, v3;
	[tilespmem:s13+$0x220] =	vst v13;
	v4 =	vmul.f32 v0, v9  }
0xb6: {  	v6 =	vld.idx.msk [tilespmem:v5+s22+$0x0], $0xffff;
	v9 =	vbroadcast v3, $0x0;
	[tilespmem:s13+$0x230] =	vst v8;
	v3 =	vmul.f32 v0, v10  }
0xb7: {  	v5 =	vld.idx.msk [tilespmem:v1+s22+$0x0], $0xffff;
	[tilespmem:s13+$0x240] =	vst v4;
	v0 =	vmul.f32 v0, v11  }
0xb8: {  	v4 =	vld.idx.msk [tilespmem:v12+s22+$0x0], $0xffff;
	[tilespmem:s13+$0x250] =	vst v3  }
0xb9: {  	v3 =	vld.idx.msk [tilespmem:v2+s22+$0x0], $0xffff;
	[tilespmem:s13+$0x260] =	vst v0  }
0xba: {  	v2 =	vld.idx.msk [tilespmem:v14+s22+$0x0], $0xffff  }
0xbb: {  	v1 =	vld.idx.msk [tilespmem:v15+s22+$0x0], $0xffff  }
0xbc: {  	s13 =	sadd.s32 $0x500, s13;
	v0 =	vld.idx.msk [tilespmem:v9+s22+$0x0], $0xffff  }
0xbd: {  	v8 =	vld [tilespmem:s13+$0x270]  }
0xbe: {  	v9 =	vld [tilespmem:s13+$0xFFFFFD80]  }
0xbf: {  	v10 =	vld [tilespmem:s13+$0xFFFFFD90]  }
0xc0: {  	v11 =	vld [tilespmem:s13+$0xFFFFFDA0]  }
0xc1: {  	v12 =	vld [tilespmem:s13+$0xFFFFFDB0]  }
0xc2: {  	v13 =	vld [tilespmem:s13+$0xFFFFFDC0];
	v8 =	vmul.f32 v0, v8  }
0xc3: {  	v9 =	vmul.f32 v17, v9;
	v14 =	vld [tilespmem:s13+$0xFFFFFDD0]  }
0xc4: {  	v10 =	vmul.f32 v17, v10;
	v15 =	vld [tilespmem:s13+$0xFFFFFDE0];
	[tilespmem:s13+$0x270] =	vst v8  }
0xc5: {  	[tilespmem:s13+$0xFFFFFD80] =	vst v9;
	v8 =	vmul.f32 v17, v11;
	v9 =	vld [tilespmem:s13+$0xFFFFFDF0]  }
0xc6: {  	[tilespmem:s13+$0xFFFFFD90] =	vst v10;
	v10 =	vmul.f32 v17, v12;
	v11 =	vld [tilespmem:s13+$0xFFFFFE00]  }
0xc7: {  	[tilespmem:s13+$0xFFFFFDA0] =	vst v8;
	v8 =	vmul.f32 v17, v13;
	v12 =	vld [tilespmem:s13+$0xFFFFFE10]  }
0xc8: {  	[tilespmem:s13+$0xFFFFFDB0] =	vst v10;
	v10 =	vmul.f32 v17, v14;
	v13 =	vld [tilespmem:s13+$0xFFFFFE20]  }
0xc9: {  	[tilespmem:s13+$0xFFFFFDC0] =	vst v8;
	v8 =	vmul.f32 v17, v15;
	v14 =	vld [tilespmem:s13+$0xFFFFFE30]  }
0xca: {  	[tilespmem:s13+$0xFFFFFDD0] =	vst v10;
	v9 =	vmul.f32 v17, v9;
	v10 =	vld [tilespmem:s13+$0xFFFFFE40]  }
0xcb: {  	[tilespmem:s13+$0xFFFFFDE0] =	vst v8;
	v8 =	vmul.f32 v18, v11;
	v11 =	vld [tilespmem:s13+$0xFFFFFE50]  }
0xcc: {  	[tilespmem:s13+$0xFFFFFDF0] =	vst v9;
	v9 =	vmul.f32 v18, v12;
	v12 =	vld [tilespmem:s13+$0xFFFFFE60]  }
0xcd: {  	[tilespmem:s13+$0xFFFFFE00] =	vst v8;
	v8 =	vmul.f32 v18, v13;
	v13 =	vld [tilespmem:s13+$0xFFFFFE70]  }
0xce: {  	[tilespmem:s13+$0xFFFFFE10] =	vst v9;
	v9 =	vmul.f32 v18, v14;
	v14 =	vld [tilespmem:s13+$0xFFFFFE80]  }
0xcf: {  	[tilespmem:s13+$0xFFFFFE20] =	vst v8;
	v8 =	vmul.f32 v18, v10;
	v10 =	vld [tilespmem:s13+$0xFFFFFE90]  }
0xd0: {  	[tilespmem:s13+$0xFFFFFE30] =	vst v9;
	v9 =	vmul.f32 v18, v11;
	v11 =	vld [tilespmem:s13+$0xFFFFFEA0]  }
0xd1: {  	[tilespmem:s13+$0xFFFFFE40] =	vst v8;
	v8 =	vmul.f32 v18, v12;
	v12 =	vld [tilespmem:s13+$0xFFFFFEB0]  }
0xd2: {  	[tilespmem:s13+$0xFFFFFE50] =	vst v9;
	v9 =	vmul.f32 v18, v13;
	v13 =	vld [tilespmem:s13+$0xFFFFFEC0]  }
0xd3: {  	[tilespmem:s13+$0xFFFFFE60] =	vst v8;
	v8 =	vmul.f32 v7, v14;
	v14 =	vld [tilespmem:s13+$0xFFFFFED0]  }
0xd4: {  	[tilespmem:s13+$0xFFFFFE70] =	vst v9;
	v9 =	vmul.f32 v7, v10;
	v10 =	vld [tilespmem:s13+$0xFFFFFEE0]  }
0xd5: {  	[tilespmem:s13+$0xFFFFFE80] =	vst v8;
	v8 =	vmul.f32 v7, v11;
	v11 =	vld [tilespmem:s13+$0xFFFFFEF0]  }
0xd6: {  	[tilespmem:s13+$0xFFFFFE90] =	vst v9;
	v9 =	vmul.f32 v7, v12;
	v12 =	vld [tilespmem:s13+$0xFFFFFF00]  }
0xd7: {  	[tilespmem:s13+$0xFFFFFEA0] =	vst v8;
	v8 =	vmul.f32 v7, v13;
	v13 =	vld [tilespmem:s13+$0xFFFFFF10]  }
0xd8: {  	[tilespmem:s13+$0xFFFFFEB0] =	vst v9;
	v9 =	vmul.f32 v7, v14;
	v14 =	vld [tilespmem:s13+$0xFFFFFF20]  }
0xd9: {  	[tilespmem:s13+$0xFFFFFEC0] =	vst v8;
	v8 =	vmul.f32 v7, v10;
	v10 =	vld [tilespmem:s13+$0xFFFFFF30]  }
0xda: {  	[tilespmem:s13+$0xFFFFFED0] =	vst v9;
	v7 =	vmul.f32 v7, v11;
	v9 =	vld [tilespmem:s13+$0xFFFFFF40]  }
0xdb: {  	[tilespmem:s13+$0xFFFFFEE0] =	vst v8;
	v8 =	vmul.f32 v6, v12;
	v11 =	vld [tilespmem:s13+$0xFFFFFF50]  }
0xdc: {  	[tilespmem:s13+$0xFFFFFEF0] =	vst v7;
	v7 =	vmul.f32 v6, v13;
	v12 =	vld [tilespmem:s13+$0xFFFFFF60]  }
0xdd: {  	[tilespmem:s13+$0xFFFFFF00] =	vst v8;
	v8 =	vmul.f32 v6, v14;
	v13 =	vld [tilespmem:s13+$0xFFFFFF70]  }
0xde: {  	[tilespmem:s13+$0xFFFFFF10] =	vst v7;
	v7 =	vmul.f32 v6, v10;
	v10 =	vld [tilespmem:s13+$0xFFFFFF80]  }
0xdf: {  	[tilespmem:s13+$0xFFFFFF20] =	vst v8;
	v8 =	vmul.f32 v6, v9;
	v9 =	vld [tilespmem:s13+$0xFFFFFF90]  }
0xe0: {  	[tilespmem:s13+$0xFFFFFF30] =	vst v7;
	v7 =	vmul.f32 v6, v11;
	v11 =	vld [tilespmem:s13+$0xFFFFFFA0]  }
0xe1: {  	[tilespmem:s13+$0xFFFFFF40] =	vst v8;
	v8 =	vmul.f32 v6, v12;
	v12 =	vld [tilespmem:s13+$0xFFFFFFB0]  }
0xe2: {  	[tilespmem:s13+$0xFFFFFF50] =	vst v7;
	v6 =	vmul.f32 v6, v13;
	v7 =	vld [tilespmem:s13+$0xFFFFFFC0]  }
0xe3: {  	[tilespmem:s13+$0xFFFFFF60] =	vst v8;
	v8 =	vmul.f32 v5, v10;
	v10 =	vld [tilespmem:s13+$0xFFFFFFD0]  }
0xe4: {  	[tilespmem:s13+$0xFFFFFF70] =	vst v6;
	v6 =	vmul.f32 v5, v9;
	v9 =	vld [tilespmem:s13+$0xFFFFFFE0]  }
0xe5: {  	[tilespmem:s13+$0xFFFFFF80] =	vst v8;
	v8 =	vmul.f32 v5, v11;
	v11 =	vld [tilespmem:s13+$0xFFFFFFF0]  }
0xe6: {  	[tilespmem:s13+$0xFFFFFF90] =	vst v6;
	v6 =	vmul.f32 v5, v12;
	v12 =	vld [tilespmem:s13+$0x0]  }
0xe7: {  	[tilespmem:s13+$0xFFFFFFA0] =	vst v8;
	v7 =	vmul.f32 v5, v7;
	v8 =	vld [tilespmem:s13+$0x10]  }
0xe8: {  	[tilespmem:s13+$0xFFFFFFB0] =	vst v6;
	v6 =	vmul.f32 v5, v10;
	v10 =	vld [tilespmem:s13+$0x20]  }
0xe9: {  	[tilespmem:s13+$0xFFFFFFC0] =	vst v7;
	v7 =	vmul.f32 v5, v9;
	v9 =	vld [tilespmem:s13+$0x30]  }
0xea: {  	[tilespmem:s13+$0xFFFFFFD0] =	vst v6;
	v5 =	vmul.f32 v5, v11;
	v6 =	vld [tilespmem:s13+$0x40]  }
0xeb: {  	[tilespmem:s13+$0xFFFFFFE0] =	vst v7;
	v7 =	vmul.f32 v4, v12;
	v11 =	vld [tilespmem:s13+$0x50]  }
0xec: {  	[tilespmem:s13+$0xFFFFFFF0] =	vst v5;
	v5 =	vmul.f32 v4, v8;
	v8 =	vld [tilespmem:s13+$0x60]  }
0xed: {  	[tilespmem:s13+$0x0] =	vst v7;
	v7 =	vmul.f32 v4, v10;
	v10 =	vld [tilespmem:s13+$0x70]  }
0xee: {  	[tilespmem:s13+$0x10] =	vst v5;
	v5 =	vmul.f32 v4, v9;
	v9 =	vld [tilespmem:s13+$0x80]  }
0xef: {  	[tilespmem:s13+$0x20] =	vst v7;
	v6 =	vmul.f32 v4, v6;
	v7 =	vld [tilespmem:s13+$0x90]  }
0xf0: {  	[tilespmem:s13+$0x30] =	vst v5;
	v5 =	vmul.f32 v4, v11;
	v11 =	vld [tilespmem:s13+$0xA0]  }
0xf1: {  	[tilespmem:s13+$0x40] =	vst v6;
	v6 =	vmul.f32 v4, v8;
	v8 =	vld [tilespmem:s13+$0xB0]  }
0xf2: {  	[tilespmem:s13+$0x50] =	vst v5;
	v4 =	vmul.f32 v4, v10;
	v5 =	vld [tilespmem:s13+$0xC0]  }
0xf3: {  	[tilespmem:s13+$0x60] =	vst v6;
	v6 =	vmul.f32 v3, v9;
	v9 =	vld [tilespmem:s13+$0xD0]  }
0xf4: {  	[tilespmem:s13+$0x70] =	vst v4;
	v4 =	vmul.f32 v3, v7;
	v7 =	vld [tilespmem:s13+$0xE0]  }
0xf5: {  	[tilespmem:s13+$0x80] =	vst v6;
	v6 =	vmul.f32 v3, v11;
	v10 =	vld [tilespmem:s13+$0xF0]  }
0xf6: {  	[tilespmem:s13+$0x90] =	vst v4;
	v4 =	vmul.f32 v3, v8;
	v8 =	vld [tilespmem:s13+$0x100]  }
0xf7: {  	[tilespmem:s13+$0xA0] =	vst v6;
	v5 =	vmul.f32 v3, v5;
	v6 =	vld [tilespmem:s13+$0x110]  }
0xf8: {  	[tilespmem:s13+$0xB0] =	vst v4;
	v4 =	vmul.f32 v3, v9;
	v9 =	vld [tilespmem:s13+$0x120]  }
0xf9: {  	[tilespmem:s13+$0xC0] =	vst v5;
	v5 =	vmul.f32 v3, v7;
	v7 =	vld [tilespmem:s13+$0x130]  }
0xfa: {  	[tilespmem:s13+$0xD0] =	vst v4;
	v3 =	vmul.f32 v3, v10;
	v4 =	vld [tilespmem:s13+$0x140]  }
0xfb: {  	[tilespmem:s13+$0xE0] =	vst v5;
	v5 =	vmul.f32 v2, v8;
	v8 =	vld [tilespmem:s13+$0x150]  }
0xfc: {  	s10 =	sadd.s32 $0x1, s14;
	v10 =	vmov s14;
	[tilespmem:s13+$0xF0] =	vst v3;
	v3 =	vmul.f32 v2, v6;
	v6 =	vld [tilespmem:s13+$0x160]  }
0xfd: {  	s15 =	sadd.s32 $0x3, s14;
	v11 =	vmov s10;
	s10 =	sadd.s32 $0x2, s14;
	v10 =	vand.u32 $0x7E, v10;
	[tilespmem:s13+$0x100] =	vst v5;
	v5 =	vmul.f32 v2, v9;
	v9 =	vld [tilespmem:s13+$0x170]  }
0xfe: {  	v13 =	vmov s15;
	s15 =	sadd.s32 $0x5, s14;
	v12 =	vmov s10;
	s10 =	sadd.s32 $0x4, s14;
	[tilespmem:s13+$0x110] =	vst v3;
	v3 =	vmul.f32 v2, v7;
	v7 =	vld [tilespmem:s13+$0x180]  }
0xff: {  	v15 =	vmov s15;
	s15 =	sadd.s32 $0x7, s14;
	v14 =	vmov s10;
	s10 =	sadd.s32 $0x6, s14;
	[tilespmem:s13+$0x120] =	vst v5;
	v4 =	vmul.f32 v2, v4;
	v5 =	vld [tilespmem:s13+$0x190]  }
0x100: {  	v17 =	vmov s15;
	v16 =	vmov s10;
	s10 =	sadd.s32 $0x8, s14;
	[tilespmem:s13+$0x130] =	vst v3;
	v3 =	vmul.f32 v2, v8;
	v8 =	vld [tilespmem:s13+$0x1A0]  }
0x101: {  	v18 =	vmov s10;
	v10 =	vor.u32 $0x100, v10;
	[tilespmem:s13+$0x140] =	vst v4;
	v4 =	vmul.f32 v2, v6;
	v6 =	vld [tilespmem:s13+$0x1B0]  }
0x102: {  	v11 =	vand.u32 $0x7F, v11;
	v12 =	vand.u32 $0xFE, v12;
	[tilespmem:s13+$0x150] =	vst v3;
	v2 =	vmul.f32 v2, v9;
	v3 =	vld [tilespmem:s13+$0x1C0]  }
0x103: {  	v9 =	vand.u32 $0xFF, v13;
	v13 =	vand.u32 $0xFE, v14;
	[tilespmem:s13+$0x160] =	vst v4;
	v4 =	vmul.f32 v1, v7;
	v7 =	vld [tilespmem:s13+$0x1D0]  }
0x104: {  	v14 =	vand.u32 $0xFF, v15;
	v15 =	vand.u32 $0xFE, v16;
	[tilespmem:s13+$0x170] =	vst v2;
	v5 =	vmul.f32 v1, v5;
	v16 =	vld [tilespmem:s13+$0x1E0]  }
0x105: {  	v17 =	vand.u32 $0xFF, v17;
	v18 =	vand.u32 $0xFE, v18;
	[tilespmem:s13+$0x180] =	vst v4;
	v4 =	vmul.f32 v1, v8;
	v19 =	vld [tilespmem:s13+$0x1F0]  }
0x106: {  	v2 =	vbroadcast v10, $0x0;
	v8 =	vor.u32 $0x100, v11;
	[tilespmem:s13+$0x190] =	vst v5;
	v5 =	vmul.f32 v1, v6;
	v10 =	vld [tilespmem:s13+$0x200]  }
0x107: {  	v9 =	vor.u32 $0x100, v9;
	v6 =	vor.u32 $0x100, v12;
	[tilespmem:s13+$0x1A0] =	vst v4;
	v11 =	vmul.f32 v1, v3;
	v20 =	vld [tilespmem:s13+$0x210]  }
.Ltmp2:
0x108: {  	v12 =	vor.u32 $0x100, v13;
	v3 =	vbroadcast v8, $0x0;
	[tilespmem:s13+$0x1B0] =	vst v5;
	v13 =	vmul.f32 v1, v7;
	v7 =	vld [tilespmem:s13+$0x220];
	(pc) =	sbr.rel @p2 .LBB2_3-.Ltmp2, $4  }
0x109: {  	v21 =	vor.u32 $0x100, v14;
	v4 =	vbroadcast v6, $0x0;
	[tilespmem:s13+$0x1C0] =	vst v11;
	v11 =	vmul.f32 v1, v16;
	v8 =	vld [tilespmem:s13+$0x230]  }
0x10a: {  	v6 =	vor.u32 $0x100, v15;
	v5 =	vbroadcast v9, $0x0;
	[tilespmem:s13+$0x1D0] =	vst v13;
	v15 =	vmul.f32 v1, v19;
	v9 =	vld [tilespmem:s13+$0x240]  }
0x10b: {  	v14 =	vor.u32 $0x100, v17;
	v1 =	vbroadcast v12, $0x0;
	[tilespmem:s13+$0x1E0] =	vst v11;
	v13 =	vmul.f32 v0, v10;
	v10 =	vld [tilespmem:s13+$0x250]  }
0x10c: {  	s15 =	sadd.s32 $0x9, s14;
	s14 =	sadd.s32 $0xA, s14;
	v16 =	vor.u32 $0x100, v18;
	v12 =	vbroadcast v21, $0x0;
	[tilespmem:s13+$0x1F0] =	vst v15;
	v15 =	vmul.f32 v0, v20;
	v11 =	vld [tilespmem:s13+$0x260]  }
0x10d: {  	_ =	sdelay $0x3  }
0x10e: {  	v17 =	vld.idx.msk [tilespmem:v2+s22+$0x0], $0xffff  }
0x10f: {  	v18 =	vld.idx.msk [tilespmem:v3+s22+$0x0], $0xffff  }
0x110: {  	v2 =	vbroadcast v6, $0x0;
	v6 =	vmov s15;
	v3 =	vbroadcast v14, $0x0;
	v14 =	vld.idx.msk [tilespmem:v4+s22+$0x0], $0xffff  }
0x111: {  	v19 =	vld.idx.msk [tilespmem:v5+s22+$0x0], $0xffff;
	v6 =	vand.u32 $0xFF, v6  }
0x112: {  	s14 =	sadd.s32 $0x500, s13;
	v5 =	vld.idx.msk [tilespmem:v12+s22+$0x0], $0xffff;
	v4 =	vor.u32 $0x100, v6  }
0x113: {  	v12 =	vld [tilespmem:s14+$0x270];
	v20 =	vbroadcast v4, $0x0  }
0x114: {  	[tilespmem:s13+$0x200] =	vst v13;
	v7 =	vmul.f32 v0, v7;
	v13 =	vld [tilespmem:s14+$0xFFFFFD80]  }
0x115: {  	v8 =	vmul.f32 v0, v8;
	v6 =	vld.idx.msk [tilespmem:v1+s22+$0x0], $0xffff  }
0x116: {  	[tilespmem:s13+$0x220] =	vst v7;
	v7 =	vmul.f32 v0, v9;
	v9 =	vld [tilespmem:s14+$0xFFFFFD90]  }
0x117: {  	v16 =	vbroadcast v16, $0x0;
	[tilespmem:s13+$0x230] =	vst v8;
	v8 =	vmul.f32 v0, v10;
	v10 =	vld [tilespmem:s14+$0xFFFFFDA0]  }
0x118: {  	[tilespmem:s13+$0x240] =	vst v7;
	v7 =	vld [tilespmem:s14+$0xFFFFFDB0]  }
0x119: {  	v1 =	vld.idx.msk [tilespmem:v20+s22+$0x0], $0xffff  }
0x11a: {  	[tilespmem:s13+$0x250] =	vst v8;
	v8 =	vld [tilespmem:s14+$0xFFFFFDC0]  }
0x11b: {  	v0 =	vmul.f32 v0, v11;
	v4 =	vld.idx.msk [tilespmem:v2+s22+$0x0], $0xffff  }
0x11c: {  	v3 =	vld.idx.msk [tilespmem:v3+s22+$0x0], $0xffff  }
0x11d: {  	v2 =	vld.idx.msk [tilespmem:v16+s22+$0x0], $0xffff;
	[tilespmem:s13+$0x260] =	vst v0;
	v0 =	vmul.f32 v17, v13  }
0x11e: {  	[tilespmem:s13+$0x210] =	vst v15;
	v9 =	vmul.f32 v17, v9;
	v11 =	vmul.f32 v1, v12;
	v12 =	vld [tilespmem:s14+$0xFFFFFDD0]  }
0x11f: {  	v13 =	vld [tilespmem:s14+$0xFFFFFDE0];
	[tilespmem:s14+$0xFFFFFD80] =	vst v0;
	v0 =	vmul.f32 v17, v10  }
0x120: {  	v10 =	vld [tilespmem:s14+$0xFFFFFDF0];
	[tilespmem:s14+$0xFFFFFD90] =	vst v9;
	v7 =	vmul.f32 v17, v7  }
0x121: {  	v9 =	vld [tilespmem:s14+$0xFFFFFE00];
	[tilespmem:s14+$0xFFFFFDA0] =	vst v0  }
0x122: {  	v0 =	vmul.f32 v17, v8;
	v8 =	vld [tilespmem:s14+$0xFFFFFE10];
	[tilespmem:s14+$0xFFFFFDB0] =	vst v7  }
0x123: {  	[tilespmem:s14+$0x270] =	vst v11;
	v11 =	vld [tilespmem:s14+$0xFFFFFE20];
	v7 =	vmul.f32 v17, v12  }
0x124: {  	[tilespmem:s14+$0xFFFFFDC0] =	vst v0;
	v0 =	vmul.f32 v17, v13;
	v12 =	vld [tilespmem:s14+$0xFFFFFE30]  }
0x125: {  	[tilespmem:s14+$0xFFFFFDD0] =	vst v7;
	v7 =	vmul.f32 v17, v10;
	v10 =	vld [tilespmem:s14+$0xFFFFFE40]  }
0x126: {  	[tilespmem:s14+$0xFFFFFDE0] =	vst v0;
	v0 =	vmul.f32 v18, v9;
	v9 =	vld [tilespmem:s14+$0xFFFFFE50]  }
0x127: {  	[tilespmem:s14+$0xFFFFFDF0] =	vst v7;
	v7 =	vmul.f32 v18, v8;
	v8 =	vld [tilespmem:s14+$0xFFFFFE60]  }
0x128: {  	[tilespmem:s14+$0xFFFFFE00] =	vst v0;
	v0 =	vmul.f32 v18, v11;
	v11 =	vld [tilespmem:s14+$0xFFFFFE70]  }
0x129: {  	[tilespmem:s14+$0xFFFFFE10] =	vst v7;
	v7 =	vmul.f32 v18, v12;
	v12 =	vld [tilespmem:s14+$0xFFFFFE80]  }
0x12a: {  	[tilespmem:s14+$0xFFFFFE20] =	vst v0;
	v0 =	vmul.f32 v18, v10;
	v10 =	vld [tilespmem:s14+$0xFFFFFE90]  }
0x12b: {  	[tilespmem:s14+$0xFFFFFE30] =	vst v7;
	v7 =	vmul.f32 v18, v9;
	v9 =	vld [tilespmem:s14+$0xFFFFFEA0]  }
0x12c: {  	[tilespmem:s14+$0xFFFFFE40] =	vst v0;
	v0 =	vmul.f32 v18, v8;
	v8 =	vld [tilespmem:s14+$0xFFFFFEB0]  }
0x12d: {  	[tilespmem:s14+$0xFFFFFE50] =	vst v7;
	v7 =	vmul.f32 v18, v11;
	v11 =	vld [tilespmem:s14+$0xFFFFFEC0]  }
0x12e: {  	[tilespmem:s14+$0xFFFFFE60] =	vst v0;
	v0 =	vmul.f32 v14, v12;
	v12 =	vld [tilespmem:s14+$0xFFFFFED0]  }
0x12f: {  	[tilespmem:s14+$0xFFFFFE70] =	vst v7;
	v7 =	vmul.f32 v14, v10;
	v10 =	vld [tilespmem:s14+$0xFFFFFEE0]  }
0x130: {  	[tilespmem:s14+$0xFFFFFE80] =	vst v0;
	v0 =	vmul.f32 v14, v9;
	v9 =	vld [tilespmem:s14+$0xFFFFFEF0]  }
0x131: {  	[tilespmem:s14+$0xFFFFFE90] =	vst v7;
	v7 =	vmul.f32 v14, v8;
	v8 =	vld [tilespmem:s14+$0xFFFFFF00]  }
0x132: {  	[tilespmem:s14+$0xFFFFFEA0] =	vst v0;
	v0 =	vmul.f32 v14, v11;
	v11 =	vld [tilespmem:s14+$0xFFFFFF10]  }
0x133: {  	[tilespmem:s14+$0xFFFFFEB0] =	vst v7;
	v7 =	vmul.f32 v14, v12;
	v12 =	vld [tilespmem:s14+$0xFFFFFF20]  }
0x134: {  	[tilespmem:s14+$0xFFFFFEC0] =	vst v0;
	v0 =	vmul.f32 v14, v10;
	v10 =	vld [tilespmem:s14+$0xFFFFFF30]  }
0x135: {  	[tilespmem:s14+$0xFFFFFED0] =	vst v7;
	v7 =	vmul.f32 v14, v9;
	v9 =	vld [tilespmem:s14+$0xFFFFFF40]  }
0x136: {  	[tilespmem:s14+$0xFFFFFEE0] =	vst v0;
	v0 =	vmul.f32 v19, v8;
	v8 =	vld [tilespmem:s14+$0xFFFFFF50]  }
0x137: {  	[tilespmem:s14+$0xFFFFFEF0] =	vst v7;
	v7 =	vmul.f32 v19, v11;
	v11 =	vld [tilespmem:s14+$0xFFFFFF60]  }
0x138: {  	[tilespmem:s14+$0xFFFFFF00] =	vst v0;
	v0 =	vmul.f32 v19, v12;
	v12 =	vld [tilespmem:s14+$0xFFFFFF70]  }
0x139: {  	[tilespmem:s14+$0xFFFFFF10] =	vst v7;
	v7 =	vmul.f32 v19, v10;
	v10 =	vld [tilespmem:s14+$0xFFFFFF80]  }
0x13a: {  	[tilespmem:s14+$0xFFFFFF20] =	vst v0;
	v0 =	vmul.f32 v19, v9;
	v9 =	vld [tilespmem:s14+$0xFFFFFF90]  }
0x13b: {  	[tilespmem:s14+$0xFFFFFF30] =	vst v7;
	v7 =	vmul.f32 v19, v8;
	v8 =	vld [tilespmem:s14+$0xFFFFFFA0]  }
0x13c: {  	[tilespmem:s14+$0xFFFFFF40] =	vst v0;
	v0 =	vmul.f32 v19, v11;
	v11 =	vld [tilespmem:s14+$0xFFFFFFB0]  }
0x13d: {  	[tilespmem:s14+$0xFFFFFF50] =	vst v7;
	v7 =	vmul.f32 v19, v12;
	v12 =	vld [tilespmem:s14+$0xFFFFFFC0]  }
0x13e: {  	[tilespmem:s14+$0xFFFFFF60] =	vst v0;
	v0 =	vmul.f32 v6, v10;
	v10 =	vld [tilespmem:s14+$0xFFFFFFD0]  }
0x13f: {  	[tilespmem:s14+$0xFFFFFF70] =	vst v7;
	v7 =	vmul.f32 v6, v9;
	v9 =	vld [tilespmem:s14+$0xFFFFFFE0]  }
0x140: {  	[tilespmem:s14+$0xFFFFFF80] =	vst v0;
	v0 =	vmul.f32 v6, v8;
	v8 =	vld [tilespmem:s14+$0xFFFFFFF0]  }
0x141: {  	[tilespmem:s14+$0xFFFFFF90] =	vst v7;
	v7 =	vmul.f32 v6, v11;
	v11 =	vld [tilespmem:s14+$0x0]  }
0x142: {  	[tilespmem:s14+$0xFFFFFFA0] =	vst v0;
	v0 =	vmul.f32 v6, v12;
	v12 =	vld [tilespmem:s14+$0x10]  }
0x143: {  	[tilespmem:s14+$0xFFFFFFB0] =	vst v7;
	v7 =	vmul.f32 v6, v10;
	v10 =	vld [tilespmem:s14+$0x20]  }
0x144: {  	[tilespmem:s14+$0xFFFFFFC0] =	vst v0;
	v0 =	vmul.f32 v6, v9;
	v9 =	vld [tilespmem:s14+$0x30]  }
0x145: {  	[tilespmem:s14+$0xFFFFFFD0] =	vst v7;
	v6 =	vmul.f32 v6, v8;
	v7 =	vld [tilespmem:s14+$0x40]  }
0x146: {  	v8 =	vld [tilespmem:s14+$0x50];
	[tilespmem:s14+$0xFFFFFFE0] =	vst v0;
	v0 =	vmul.f32 v5, v11  }
0x147: {  	v11 =	vld [tilespmem:s14+$0x60];
	[tilespmem:s14+$0xFFFFFFF0] =	vst v6;
	v6 =	vmul.f32 v5, v12  }
0x148: {  	[tilespmem:s14+$0x0] =	vst v0;
	v0 =	vmul.f32 v5, v10;
	v10 =	vld [tilespmem:s14+$0x70]  }
0x149: {  	[tilespmem:s14+$0x10] =	vst v6;
	v6 =	vmul.f32 v5, v9;
	v9 =	vld [tilespmem:s14+$0x80]  }
0x14a: {  	[tilespmem:s14+$0x20] =	vst v0;
	v0 =	vmul.f32 v5, v7;
	v7 =	vld [tilespmem:s14+$0x90]  }
0x14b: {  	[tilespmem:s14+$0x30] =	vst v6;
	v6 =	vmul.f32 v5, v8;
	v8 =	vld [tilespmem:s14+$0xA0]  }
0x14c: {  	[tilespmem:s14+$0x40] =	vst v0;
	v0 =	vmul.f32 v5, v11;
	v11 =	vld [tilespmem:s14+$0xB0]  }
0x14d: {  	[tilespmem:s14+$0x50] =	vst v6;
	v5 =	vmul.f32 v5, v10;
	v6 =	vld [tilespmem:s14+$0xC0]  }
0x14e: {  	[tilespmem:s14+$0x60] =	vst v0;
	v0 =	vmul.f32 v4, v9;
	v9 =	vld [tilespmem:s14+$0xD0]  }
0x14f: {  	[tilespmem:s14+$0x70] =	vst v5;
	v5 =	vmul.f32 v4, v7;
	v7 =	vld [tilespmem:s14+$0xE0]  }
0x150: {  	[tilespmem:s14+$0x80] =	vst v0;
	v0 =	vmul.f32 v4, v8;
	v8 =	vld [tilespmem:s14+$0xF0]  }
0x151: {  	v10 =	vld [tilespmem:s14+$0x100];
	[tilespmem:s14+$0x90] =	vst v5;
	v5 =	vmul.f32 v4, v11  }
0x152: {  	[tilespmem:s14+$0xA0] =	vst v0;
	v0 =	vmul.f32 v4, v6;
	v6 =	vld [tilespmem:s14+$0x110]  }
0x153: {  	[tilespmem:s14+$0xB0] =	vst v5;
	v5 =	vmul.f32 v4, v9;
	v9 =	vld [tilespmem:s14+$0x120]  }
0x154: {  	[tilespmem:s14+$0xC0] =	vst v0;
	v0 =	vmul.f32 v4, v7;
	v7 =	vld [tilespmem:s14+$0x130]  }
0x155: {  	[tilespmem:s14+$0xD0] =	vst v5;
	v4 =	vmul.f32 v4, v8;
	v5 =	vld [tilespmem:s14+$0x140]  }
0x156: {  	v8 =	vld [tilespmem:s14+$0x150];
	[tilespmem:s14+$0xE0] =	vst v0;
	v0 =	vmul.f32 v3, v10  }
0x157: {  	[tilespmem:s14+$0xF0] =	vst v4;
	v4 =	vmul.f32 v3, v6;
	v6 =	vld [tilespmem:s14+$0x160]  }
0x158: {  	[tilespmem:s14+$0x100] =	vst v0;
	v0 =	vmul.f32 v3, v9;
	v9 =	vld [tilespmem:s14+$0x170]  }
0x159: {  	[tilespmem:s14+$0x110] =	vst v4;
	v4 =	vmul.f32 v3, v7;
	v7 =	vld [tilespmem:s14+$0x180]  }
0x15a: {  	[tilespmem:s14+$0x120] =	vst v0;
	v0 =	vmul.f32 v3, v5;
	v5 =	vld [tilespmem:s14+$0x190]  }
0x15b: {  	[tilespmem:s14+$0x130] =	vst v4;
	v4 =	vmul.f32 v3, v8;
	v8 =	vld [tilespmem:s14+$0x1A0]  }
0x15c: {  	[tilespmem:s14+$0x140] =	vst v0;
	v0 =	vmul.f32 v3, v6;
	v6 =	vld [tilespmem:s14+$0x1B0]  }
0x15d: {  	[tilespmem:s14+$0x150] =	vst v4;
	v3 =	vmul.f32 v3, v9;
	v4 =	vld [tilespmem:s14+$0x1C0]  }
0x15e: {  	[tilespmem:s14+$0x160] =	vst v0;
	v0 =	vmul.f32 v2, v7;
	v7 =	vld [tilespmem:s14+$0x1D0]  }
0x15f: {  	[tilespmem:s14+$0x170] =	vst v3;
	v3 =	vmul.f32 v2, v5;
	v5 =	vld [tilespmem:s14+$0x1E0]  }
0x160: {  	[tilespmem:s14+$0x180] =	vst v0;
	v0 =	vmul.f32 v2, v8;
	v8 =	vld [tilespmem:s14+$0x1F0]  }
0x161: {  	[tilespmem:s14+$0x190] =	vst v3;
	v3 =	vmul.f32 v2, v6;
	v6 =	vld [tilespmem:s14+$0x200]  }
0x162: {  	[tilespmem:s14+$0x1A0] =	vst v0;
	v0 =	vmul.f32 v2, v4;
	v4 =	vld [tilespmem:s14+$0x210]  }
0x163: {  	[tilespmem:s14+$0x1B0] =	vst v3;
	v3 =	vmul.f32 v2, v7;
	v7 =	vld [tilespmem:s14+$0x220]  }
0x164: {  	[tilespmem:s14+$0x1C0] =	vst v0;
	v0 =	vmul.f32 v2, v5;
	v5 =	vld [tilespmem:s14+$0x230]  }
0x165: {  	[tilespmem:s14+$0x1D0] =	vst v3;
	v2 =	vmul.f32 v2, v8;
	v3 =	vld [tilespmem:s14+$0x240]  }
0x166: {  	[tilespmem:s14+$0x1E0] =	vst v0;
	v0 =	vmul.f32 v1, v6;
	v6 =	vld [tilespmem:s14+$0x250]  }
0x167: {  	[tilespmem:s14+$0x1F0] =	vst v2;
	v2 =	vmul.f32 v1, v4;
	v4 =	vld [tilespmem:s14+$0x260]  }
0x168: {  	[tilespmem:s14+$0x200] =	vst v0;
	v0 =	vmul.f32 v1, v7  }
0x169: {  	[tilespmem:s14+$0x210] =	vst v2;
	v2 =	vmul.f32 v1, v5  }
0x16a: {  	[tilespmem:s14+$0x220] =	vst v0;
	v0 =	vmul.f32 v1, v3  }
0x16b: {  	[tilespmem:s14+$0x230] =	vst v2;
	v2 =	vmul.f32 v1, v6  }
0x16c: {  	[tilespmem:s14+$0x240] =	vst v0;
	v0 =	vmul.f32 v1, v4  }
0x16d: {  	[tilespmem:s14+$0x250] =	vst v2  }
0x16e: {  	s10 =	simm.s32 $0x13900;
	s13 =	smul.u32 $0xC00, s20;
	[tilespmem:s14+$0x260] =	vst v0  }
0x16f: {  	[spmem:s3] =	stream.indirect.scatter.add.f32 [tilespmem:s28], [sflag:$0x4], $0x80, s10, s26, $0xb8;
	[tilespmem:$0x1E080] =	vst v63  }
0x170: {  	s15 =	rddreg [dreg:$0x9]  }
0x171: {  	s10 =	sadd.s32 s13, s15  }
0x172: {  	s10 =	sshrl.u32 s10, $0x3  }
0x173: {  	s10 =	sadd.s32 s5, s10  }
0x174: {  	[tilespmem:s2], [sflag:$0xA] =	stream.linear.gather [hbm4b:s10+s4], $0x180, $0x38;
	[tilespmem:$0x1E080] =	vst v63  }
0x175: {  	s11 =	simm.s32 $0x0;
	s10 =	simm.s32 @!p1 $0x6  }
0x176: {  	v0 =	vmov s11;
	_ =	swait.ge @!p1 [sflag:s10], $0x3200  }
0x177: {  	s14 =	simm.s32 $0x1;
	s11 =	simm.s32 $0x3;
	v0 =	vand.u32 $0x7E, v0;
	[sflag:s10] =	ssyncset.done @!p1 $0x0  }
0x178: {  	v1 =	vmov s14;
	v3 =	vmov s11;
	s15 =	simm.s32 $0x2;
	v0 =	vor.u32 $0x100, v0;
	[sflag:s10] =	ssyncadd.s32 @!p1 $0xFFFFCE00  }
0x179: {  	v1 =	vand.u32 $0x7F, v1;
	v3 =	vand.u32 $0xFF, v3;
	v2 =	vmov s15;
	_ =	swait.ge [sflag:s8], $0x180  }
0x17a: {  	s14 =	simm.s32 $0x9;
	v0 =	vbroadcast v0, $0x0;
	v1 =	vor.u32 $0x100, v1;
	v2 =	vand.u32 $0xFE, v2;
	[sflag:s8] =	ssyncset.done $0x0  }
0x17b: {  	v4 =	vmov s14;
	v1 =	vbroadcast v1, $0x0;
	v2 =	vor.u32 $0x100, v2;
	[sflag:s8] =	ssyncadd.s32 $0xFFFFFE80  }
0x17c: {  	v3 =	vor.u32 $0x100, v3;
	v4 =	vand.u32 $0xFF, v4;
	v2 =	vbroadcast v2, $0x0;
	[tilespmem:s9], [sflag:$0x3] =	stream.indirect.gather [hbm4b:s1+s26], $0x80, s24, s26, $0xb8;
	[tilespmem:$0x1E080] =	vst v63  }
0x17d: {  	v3 =	vbroadcast v3, $0x0;
	v4 =	vor.u32 $0x100, v4;
	_ =	swait.ge [sflag:s16], $0x3200  }
0x17e: {  	v4 =	vbroadcast v4, $0x0;
	[sflag:s16] =	ssyncset.done $0x0  }
0x17f: {  	[sflag:s16] =	ssyncadd.s32 $0xFFFFCE00  }
0x180: {  	v5 =	vld.idx.msk [tilespmem:v0+s23+$0x0], $0xffff  }
0x181: {  	v1 =	vld.idx.msk [tilespmem:v1+s23+$0x0], $0xffff  }
0x182: {  	v2 =	vld.idx.msk [tilespmem:v2+s23+$0x0], $0xffff  }
0x183: {  	v3 =	vld.idx.msk [tilespmem:v3+s23+$0x0], $0xffff  }
0x184: {  	s14 =	simm.s32 $0x17B00;
	v0 =	vld.idx.msk [tilespmem:v4+s23+$0x0], $0xffff  }
0x185: {  	v4 =	vld [tilespmem:s14+$0xFFFFFD80]  }
0x186: {  	v6 =	vld [tilespmem:s14+$0xFFFFFD90]  }
0x187: {  	v7 =	vld [tilespmem:s14+$0xFFFFFDA0]  }
0x188: {  	v8 =	vld [tilespmem:s14+$0xFFFFFDB0]  }
0x189: {  	v9 =	vld [tilespmem:s14+$0xFFFFFDC0]  }
0x18a: {  	v10 =	vld [tilespmem:s14+$0xFFFFFDD0]  }
0x18b: {  	v12 =	vld [tilespmem:s14+$0x270]  }
0x18c: {  	v11 =	vld [tilespmem:s14+$0xFFFFFDE0]  }
0x18d: {  	v13 =	vld [tilespmem:s14+$0xFFFFFE00]  }
0x18e: {  	v15 =	vld [tilespmem:s14+$0xFFFFFE20]  }
0x18f: {  	v14 =	vld [tilespmem:s14+$0xFFFFFE10];
	v4 =	vmul.f32 v5, v4  }
0x190: {  	v16 =	vld [tilespmem:s14+$0xFFFFFE30];
	v12 =	vmul.f32 v0, v12  }
0x191: {  	v17 =	vld [tilespmem:s14+$0xFFFFFE40];
	v6 =	vmul.f32 v5, v6;
	[tilespmem:s14+$0xFFFFFD80] =	vst v4  }
0x192: {  	v18 =	vld [tilespmem:s14+$0xFFFFFE70];
	v7 =	vmul.f32 v5, v7;
	[tilespmem:s14+$0x270] =	vst v12  }
0x193: {  	v15 =	vmul.f32 v1, v15;
	v4 =	vld [tilespmem:s14+$0xFFFFFDF0];
	[tilespmem:s14+$0xFFFFFD90] =	vst v6  }
0x194: {  	v12 =	vld [tilespmem:s14+$0xFFFFFE50];
	v6 =	vmul.f32 v5, v8;
	[tilespmem:s14+$0xFFFFFDA0] =	vst v7  }
0x195: {  	v8 =	vld [tilespmem:s14+$0xFFFFFE60];
	v7 =	vmul.f32 v5, v9;
	[tilespmem:s14+$0xFFFFFE20] =	vst v15  }
0x196: {  	v9 =	vld [tilespmem:s14+$0xFFFFFE80];
	v15 =	vmul.f32 v1, v17;
	[tilespmem:s14+$0xFFFFFDB0] =	vst v6  }
0x197: {  	v6 =	vmul.f32 v5, v10;
	v10 =	vld [tilespmem:s14+$0xFFFFFE90];
	[tilespmem:s14+$0xFFFFFDC0] =	vst v7  }
0x198: {  	v7 =	vmul.f32 v5, v11;
	v11 =	vld [tilespmem:s14+$0xFFFFFEA0];
	[tilespmem:s14+$0xFFFFFE40] =	vst v15  }
0x199: {  	v15 =	vld [tilespmem:s14+$0xFFFFFF20];
	[tilespmem:s14+$0xFFFFFDD0] =	vst v6;
	v6 =	vmul.f32 v1, v13  }
0x19a: {  	[tilespmem:s14+$0xFFFFFDE0] =	vst v7;
	v7 =	vld [tilespmem:s14+$0xFFFFFEC0];
	v13 =	vmul.f32 v1, v14  }
0x19b: {  	v4 =	vmul.f32 v5, v4;
	v5 =	vld [tilespmem:s14+$0xFFFFFEB0];
	[tilespmem:s14+$0xFFFFFE00] =	vst v6  }
0x19c: {  	v12 =	vmul.f32 v1, v12;
	v6 =	vld [tilespmem:s14+$0xFFFFFEE0];
	[tilespmem:s14+$0xFFFFFE10] =	vst v13  }
0x19d: {  	v8 =	vmul.f32 v1, v8;
	v13 =	vmul.f32 v1, v16;
	v16 =	vld [tilespmem:s14+$0xFFFFFF00];
	[tilespmem:s14+$0xFFFFFDF0] =	vst v4  }
0x19e: {  	v4 =	vmul.f32 v2, v9;
	v9 =	vld [tilespmem:s14+$0xFFFFFED0];
	[tilespmem:s14+$0xFFFFFE50] =	vst v12  }
0x19f: {  	v1 =	vmul.f32 v1, v18;
	v12 =	vld [tilespmem:s14+$0xFFFFFF30];
	[tilespmem:s14+$0xFFFFFE60] =	vst v8  }
0x1a0: {  	s15 =	simm.s32 $0x4;
	v8 =	vmul.f32 v2, v10;
	v10 =	vld [tilespmem:s14+$0xFFFFFF40];
	[tilespmem:s14+$0xFFFFFE30] =	vst v13  }
0x1a1: {  	v14 =	vmov s15;
	v13 =	vld [tilespmem:s14+$0xFFFFFF10];
	[tilespmem:s14+$0xFFFFFE70] =	vst v1  }
0x1a2: {  	v11 =	vmul.f32 v2, v11;
	[tilespmem:s14+$0xFFFFFE80] =	vst v4;
	v4 =	vand.u32 $0xFE, v14;
	v14 =	vld [tilespmem:s14+$0xFFFFFEF0]  }
0x1a3: {  	[tilespmem:s14+$0xFFFFFE90] =	vst v8;
	v8 =	vld [tilespmem:s14+$0xFFFFFF60];
	v7 =	vmul.f32 v2, v7  }
0x1a4: {  	[tilespmem:s14+$0xFFFFFEA0] =	vst v11;
	v11 =	vld [tilespmem:s14+$0xFFFFFF70];
	v4 =	vor.u32 $0x100, v4;
	v5 =	vmul.f32 v2, v5  }
0x1a5: {  	v4 =	vbroadcast v4, $0x0;
	v1 =	vmul.f32 v3, v16;
	v16 =	vld [tilespmem:s14+$0xFFFFFF50];
	[tilespmem:s14+$0xFFFFFEC0] =	vst v7  }
0x1a6: {  	s11 =	simm.s32 $0x5;
	v6 =	vmul.f32 v2, v6;
	v7 =	vld [tilespmem:s14+$0xFFFFFF90];
	[tilespmem:s14+$0xFFFFFEB0] =	vst v5  }
0x1a7: {  	v17 =	vmov s11;
	v5 =	vmul.f32 v2, v9;
	v9 =	vld [tilespmem:s14+$0xFFFFFF80];
	[tilespmem:s14+$0xFFFFFF00] =	vst v1  }
0x1a8: {  	v12 =	vmul.f32 v3, v12;
	v1 =	vand.u32 $0xFF, v17;
	[tilespmem:s14+$0xFFFFFEE0] =	vst v6;
	v6 =	vmul.f32 v3, v13;
	v13 =	vld [tilespmem:s14+$0xFFFFFFB0]  }
0x1a9: {  	v10 =	vmul.f32 v3, v10;
	v1 =	vor.u32 $0x100, v1;
	[tilespmem:s14+$0xFFFFFED0] =	vst v5;
	v5 =	vld [tilespmem:s14+$0xFFFFFFA0]  }
0x1aa: {  	v2 =	vmul.f32 v2, v14;
	v14 =	vld [tilespmem:s14+$0xFFFFFFC0];
	[tilespmem:s14+$0xFFFFFF30] =	vst v12;
	v1 =	vbroadcast v1, $0x0  }
0x1ab: {  	[tilespmem:s14+$0xFFFFFF40] =	vst v10;
	v4 =	vld.idx.msk [tilespmem:v4+s23+$0x0], $0xffff  }
0x1ac: {  	v8 =	vmul.f32 v3, v8;
	v10 =	vld [tilespmem:s14+$0x0];
	[tilespmem:s14+$0xFFFFFEF0] =	vst v2;
	v2 =	vmul.f32 v3, v15  }
0x1ad: {  	[tilespmem:s14+$0xFFFFFF10] =	vst v6;
	v12 =	vmul.f32 v3, v16;
	v3 =	vmul.f32 v3, v11;
	v11 =	vld [tilespmem:s14+$0x10]  }
0x1ae: {  	[tilespmem:s14+$0xFFFFFF20] =	vst v2;
	v2 =	vld [tilespmem:s14+$0xFFFFFFE0]  }
0x1af: {  	[tilespmem:s14+$0xFFFFFF60] =	vst v8;
	v8 =	vld [tilespmem:s14+$0x20]  }
0x1b0: {  	[tilespmem:s14+$0xFFFFFF50] =	vst v12;
	v1 =	vld.idx.msk [tilespmem:v1+s23+$0x0], $0xffff;
	v6 =	vmul.f32 v4, v9  }
0x1b1: {  	s15 =	simm.s32 $0x6;
	[tilespmem:s14+$0xFFFFFF70] =	vst v3;
	v12 =	vld [tilespmem:s14+$0x40];
	v7 =	vmul.f32 v4, v7  }
0x1b2: {  	v15 =	vmov s15;
	v9 =	vld [tilespmem:s14+$0xFFFFFFD0];
	v3 =	vmul.f32 v4, v5;
	[tilespmem:s14+$0xFFFFFF80] =	vst v6  }
0x1b3: {  	v5 =	vld [tilespmem:s14+$0x30];
	v2 =	vmul.f32 v4, v2;
	v6 =	vand.u32 $0xFE, v15;
	[tilespmem:s14+$0xFFFFFF90] =	vst v7  }
0x1b4: {  	v15 =	vld [tilespmem:s14+$0xFFFFFFF0];
	v7 =	vmul.f32 v4, v13;
	[tilespmem:s14+$0xFFFFFFA0] =	vst v3;
	v13 =	vmul.f32 v4, v14;
	v6 =	vor.u32 $0x100, v6  }
0x1b5: {  	[tilespmem:s14+$0xFFFFFFE0] =	vst v2;
	v6 =	vbroadcast v6, $0x0;
	v3 =	vmul.f32 v1, v10;
	v10 =	vld [tilespmem:s14+$0x50]  }
0x1b6: {  	s11 =	simm.s32 $0x7;
	[tilespmem:s14+$0xFFFFFFB0] =	vst v7;
	v7 =	vld [tilespmem:s14+$0x60]  }
0x1b7: {  	v14 =	vmov s11;
	[tilespmem:s14+$0xFFFFFFC0] =	vst v13;
	v13 =	vld [tilespmem:s14+$0x70];
	v2 =	vmul.f32 v1, v11  }
0x1b8: {  	v11 =	vld [tilespmem:s14+$0x90];
	v9 =	vmul.f32 v4, v9;
	[tilespmem:s14+$0x0] =	vst v3;
	v3 =	vand.u32 $0xFF, v14  }
0x1b9: {  	[tilespmem:s14+$0x10] =	vst v2;
	v2 =	vmul.f32 v1, v5;
	v5 =	vld [tilespmem:s14+$0xB0];
	v3 =	vor.u32 $0x100, v3;
	v4 =	vmul.f32 v4, v15  }
0x1ba: {  	[tilespmem:s14+$0xFFFFFFD0] =	vst v9;
	v9 =	vld [tilespmem:s14+$0x80];
	v3 =	vbroadcast v3, $0x0  }
0x1bb: {  	[tilespmem:s14+$0xFFFFFFF0] =	vst v4;
	v4 =	vmul.f32 v1, v8;
	v6 =	vld.idx.msk [tilespmem:v6+s23+$0x0], $0xffff  }
0x1bc: {  	[tilespmem:s14+$0x30] =	vst v2;
	v8 =	vld [tilespmem:s14+$0xA0];
	v10 =	vmul.f32 v1, v10  }
0x1bd: {  	[tilespmem:s14+$0x20] =	vst v4;
	v4 =	vmul.f32 v1, v12;
	v12 =	vld [tilespmem:s14+$0xC0]  }
0x1be: {  	v7 =	vmul.f32 v1, v7;
	[tilespmem:s14+$0x50] =	vst v10;
	v10 =	vld [tilespmem:s14+$0xF0]  }
0x1bf: {  	v1 =	vmul.f32 v1, v13;
	[tilespmem:s14+$0x40] =	vst v4;
	v4 =	vld [tilespmem:s14+$0xE0]  }
0x1c0: {  	s15 =	simm.s32 $0x8;
	[tilespmem:s14+$0x60] =	vst v7;
	v3 =	vld.idx.msk [tilespmem:v3+s23+$0x0], $0xffff;
	v2 =	vmul.f32 v6, v9  }
0x1c1: {  	v14 =	vmov s15;
	[tilespmem:s14+$0x70] =	vst v1;
	v9 =	vld [tilespmem:s14+$0xD0];
	v7 =	vmul.f32 v6, v11  }
0x1c2: {  	v11 =	vld [tilespmem:s14+$0x100];
	v1 =	vmul.f32 v6, v8;
	[tilespmem:s14+$0x80] =	vst v2;
	v2 =	vand.u32 $0xFE, v14  }
0x1c3: {  	v8 =	vld [tilespmem:s14+$0x110];
	v5 =	vmul.f32 v6, v5;
	[tilespmem:s14+$0x90] =	vst v7;
	v2 =	vor.u32 $0x100, v2  }
0x1c4: {  	v7 =	vld [tilespmem:s14+$0x120];
	[tilespmem:s14+$0xA0] =	vst v1;
	v1 =	vmul.f32 v6, v12;
	v2 =	vbroadcast v2, $0x0  }
0x1c5: {  	v12 =	vld [tilespmem:s14+$0x130];
	[tilespmem:s14+$0xB0] =	vst v5;
	v4 =	vmul.f32 v6, v4  }
0x1c6: {  	[tilespmem:s14+$0xC0] =	vst v1;
	v5 =	vmul.f32 v6, v9;
	v9 =	vld [tilespmem:s14+$0x140]  }
0x1c7: {  	v1 =	vmul.f32 v3, v11;
	v11 =	vld [tilespmem:s14+$0x150];
	[tilespmem:s14+$0xE0] =	vst v4  }
0x1c8: {  	v4 =	vmul.f32 v3, v8;
	v8 =	vld [tilespmem:s14+$0x180];
	[tilespmem:s14+$0xD0] =	vst v5  }
0x1c9: {  	s11 =	simm.s32 $0xA;
	v5 =	vld [tilespmem:s14+$0x160];
	[tilespmem:s14+$0x100] =	vst v1;
	v7 =	vmul.f32 v3, v7  }
0x1ca: {  	v1 =	vmov s11;
	[tilespmem:s14+$0x110] =	vst v4;
	v13 =	vld.idx.msk [tilespmem:v2+s23+$0x0], $0xffff;
	v2 =	vmul.f32 v6, v10  }
0x1cb: {  	s15 =	simm.s32 $0xB;
	s11 =	simm.s32 $0xC;
	v4 =	vmul.f32 v3, v12;
	v1 =	vand.u32 $0x7E, v1;
	[tilespmem:s14+$0x120] =	vst v7;
	v6 =	vld [tilespmem:s14+$0x170]  }
0x1cc: {  	v12 =	vld [tilespmem:s14+$0x190];
	v10 =	vmov s11;
	s11 =	simm.s32 $0xE;
	v7 =	vmul.f32 v3, v9;
	[tilespmem:s14+$0xF0] =	vst v2;
	v2 =	vmov s15;
	s15 =	simm.s32 $0xD  }
0x1cd: {  	[tilespmem:s14+$0x130] =	vst v4;
	v9 =	vld [tilespmem:s14+$0x1A0];
	v4 =	vmul.f32 v3, v11;
	v15 =	vmov s11;
	s11 =	simm.s32 $0x10;
	v14 =	vmov s15;
	s15 =	simm.s32 $0xF  }
0x1ce: {  	v1 =	vor.u32 $0x100, v1;
	v11 =	vld [tilespmem:s14+$0x1B0];
	v17 =	vmov s11;
	[tilespmem:s14+$0x140] =	vst v7;
	v16 =	vmov s15;
	s15 =	simm.s32 $0x11  }
0x1cf: {  	v5 =	vmul.f32 v3, v5;
	v7 =	vld [tilespmem:s14+$0x1C0];
	[tilespmem:s14+$0x150] =	vst v4;
	v4 =	vand.u32 $0x7F, v2;
	v18 =	vmov s15  }
0x1d0: {  	v2 =	vmul.f32 v3, v6;
	v3 =	vmul.f32 v13, v8;
	v8 =	vand.u32 $0xFE, v10  }
0x1d1: {  	[tilespmem:s14+$0x160] =	vst v5;
	v5 =	vld [tilespmem:s14+$0x1E0];
	s15 =	simm.s32 $0x12;
	v10 =	vand.u32 $0xFF, v14;
	v14 =	vand.u32 $0xFE, v15;
	v15 =	vand.u32 $0xFF, v16  }
0x1d2: {  	v6 =	vld [tilespmem:s14+$0x1D0];
	v16 =	vand.u32 $0xFE, v17;
	v12 =	vmul.f32 v13, v12;
	v19 =	vmov s15;
	[tilespmem:s14+$0x180] =	vst v3  }
0x1d3: {  	v17 =	vand.u32 $0xFF, v18;
	[tilespmem:s14+$0x170] =	vst v2;
	v3 =	vmul.f32 v13, v9;
	v9 =	vld [tilespmem:s14+$0x1F0];
	v2 =	vbroadcast v1, $0x0  }
0x1d4: {  	v1 =	vor.u32 $0x100, v4;
	[tilespmem:s14+$0x190] =	vst v12;
	v4 =	vmul.f32 v13, v11;
	v11 =	vld [tilespmem:s14+$0x200];
	v12 =	vmul.f32 v13, v7  }
0x1d5: {  	v8 =	vor.u32 $0x100, v8;
	v10 =	vor.u32 $0x100, v10;
	v18 =	vand.u32 $0xFE, v19;
	v19 =	vld [tilespmem:s14+$0x210];
	[tilespmem:s14+$0x1A0] =	vst v3  }
0x1d6: {  	v15 =	vor.u32 $0x100, v15;
	v7 =	vld [tilespmem:s14+$0x220];
	v3 =	vbroadcast v1, $0x0;
	[tilespmem:s14+$0x1C0] =	vst v12;
	v12 =	vmul.f32 v13, v5  }
0x1d7: {  	v1 =	vor.u32 $0x100, v14;
	[tilespmem:s14+$0x1B0] =	vst v4;
	v4 =	vbroadcast v8, $0x0;
	v8 =	vld [tilespmem:s14+$0x230];
	v14 =	vmul.f32 v13, v6  }
0x1d8: {  	v5 =	vbroadcast v10, $0x0;
	v6 =	vor.u32 $0x100, v16;
	[tilespmem:s14+$0x1E0] =	vst v12;
	v63 =	vmul.f32 v13, v9;
	v9 =	vld [tilespmem:s14+$0x240]  }
0x1d9: {  	v10 =	vld [tilespmem:s14+$0x250];
	v1 =	vbroadcast v1, $0x0;
	v16 =	vor.u32 $0x100, v18;
	[tilespmem:s14+$0x1D0] =	vst v14;
	v13 =	vmul.f32 v0, v11  }
0x1da: {  	s10 =	simm.s32 $0x13;
	s15 =	simm.s32 $0x14;
	v12 =	vbroadcast v15, $0x0;
	v14 =	vor.u32 $0x100, v17;
	v15 =	vmul.f32 v0, v19;
	v11 =	vld [tilespmem:s14+$0x260];
	[tilespmem:s14+$0x1F0] =	vst v63  }
.LBB2_5:
0x1db: {  	p1 =	slt.u32 s15, $0x5A;
	v17 =	vld.idx.msk [tilespmem:v2+s23+$0x0], $0xffff;
	v2 =	vbroadcast v6, $0x0;
	v6 =	vmov s10;
	[tilespmem:s14+$0x200] =	vst v13;
	v13 =	vmul.f32 v0, v7  }
0x1dc: {  	v14 =	vbroadcast v14, $0x0;
	v18 =	vld.idx.msk [tilespmem:v3+s23+$0x0], $0xffff;
	v3 =	vand.u32 $0xFF, v6;
	[tilespmem:s14+$0x210] =	vst v15;
	v8 =	vmul.f32 v0, v8  }
0x1dd: {  	v15 =	vbroadcast v16, $0x0;
	v7 =	vld.idx.msk [tilespmem:v4+s23+$0x0], $0xffff;
	v3 =	vor.u32 $0x100, v3;
	[tilespmem:s14+$0x220] =	vst v13;
	v4 =	vmul.f32 v0, v9  }
0x1de: {  	v6 =	vld.idx.msk [tilespmem:v5+s23+$0x0], $0xffff;
	v9 =	vbroadcast v3, $0x0;
	[tilespmem:s14+$0x230] =	vst v8;
	v3 =	vmul.f32 v0, v10  }
0x1df: {  	v5 =	vld.idx.msk [tilespmem:v1+s23+$0x0], $0xffff;
	[tilespmem:s14+$0x240] =	vst v4;
	v0 =	vmul.f32 v0, v11  }
0x1e0: {  	v4 =	vld.idx.msk [tilespmem:v12+s23+$0x0], $0xffff;
	[tilespmem:s14+$0x250] =	vst v3  }
0x1e1: {  	v3 =	vld.idx.msk [tilespmem:v2+s23+$0x0], $0xffff;
	[tilespmem:s14+$0x260] =	vst v0  }
0x1e2: {  	v2 =	vld.idx.msk [tilespmem:v14+s23+$0x0], $0xffff  }
0x1e3: {  	v1 =	vld.idx.msk [tilespmem:v15+s23+$0x0], $0xffff  }
0x1e4: {  	s14 =	sadd.s32 $0x500, s14;
	v0 =	vld.idx.msk [tilespmem:v9+s23+$0x0], $0xffff  }
0x1e5: {  	v8 =	vld [tilespmem:s14+$0x270]  }
0x1e6: {  	v9 =	vld [tilespmem:s14+$0xFFFFFD80]  }
0x1e7: {  	v10 =	vld [tilespmem:s14+$0xFFFFFD90]  }
0x1e8: {  	v11 =	vld [tilespmem:s14+$0xFFFFFDA0]  }
0x1e9: {  	v12 =	vld [tilespmem:s14+$0xFFFFFDB0]  }
0x1ea: {  	v13 =	vld [tilespmem:s14+$0xFFFFFDC0];
	v8 =	vmul.f32 v0, v8  }
0x1eb: {  	v9 =	vmul.f32 v17, v9;
	v14 =	vld [tilespmem:s14+$0xFFFFFDD0]  }
0x1ec: {  	v10 =	vmul.f32 v17, v10;
	v15 =	vld [tilespmem:s14+$0xFFFFFDE0];
	[tilespmem:s14+$0x270] =	vst v8  }
0x1ed: {  	[tilespmem:s14+$0xFFFFFD80] =	vst v9;
	v8 =	vmul.f32 v17, v11;
	v9 =	vld [tilespmem:s14+$0xFFFFFDF0]  }
0x1ee: {  	[tilespmem:s14+$0xFFFFFD90] =	vst v10;
	v10 =	vmul.f32 v17, v12;
	v11 =	vld [tilespmem:s14+$0xFFFFFE00]  }
0x1ef: {  	[tilespmem:s14+$0xFFFFFDA0] =	vst v8;
	v8 =	vmul.f32 v17, v13;
	v12 =	vld [tilespmem:s14+$0xFFFFFE10]  }
0x1f0: {  	[tilespmem:s14+$0xFFFFFDB0] =	vst v10;
	v10 =	vmul.f32 v17, v14;
	v13 =	vld [tilespmem:s14+$0xFFFFFE20]  }
0x1f1: {  	[tilespmem:s14+$0xFFFFFDC0] =	vst v8;
	v8 =	vmul.f32 v17, v15;
	v14 =	vld [tilespmem:s14+$0xFFFFFE30]  }
0x1f2: {  	[tilespmem:s14+$0xFFFFFDD0] =	vst v10;
	v9 =	vmul.f32 v17, v9;
	v10 =	vld [tilespmem:s14+$0xFFFFFE40]  }
0x1f3: {  	[tilespmem:s14+$0xFFFFFDE0] =	vst v8;
	v8 =	vmul.f32 v18, v11;
	v11 =	vld [tilespmem:s14+$0xFFFFFE50]  }
0x1f4: {  	[tilespmem:s14+$0xFFFFFDF0] =	vst v9;
	v9 =	vmul.f32 v18, v12;
	v12 =	vld [tilespmem:s14+$0xFFFFFE60]  }
0x1f5: {  	[tilespmem:s14+$0xFFFFFE00] =	vst v8;
	v8 =	vmul.f32 v18, v13;
	v13 =	vld [tilespmem:s14+$0xFFFFFE70]  }
0x1f6: {  	[tilespmem:s14+$0xFFFFFE10] =	vst v9;
	v9 =	vmul.f32 v18, v14;
	v14 =	vld [tilespmem:s14+$0xFFFFFE80]  }
0x1f7: {  	[tilespmem:s14+$0xFFFFFE20] =	vst v8;
	v8 =	vmul.f32 v18, v10;
	v10 =	vld [tilespmem:s14+$0xFFFFFE90]  }
0x1f8: {  	[tilespmem:s14+$0xFFFFFE30] =	vst v9;
	v9 =	vmul.f32 v18, v11;
	v11 =	vld [tilespmem:s14+$0xFFFFFEA0]  }
0x1f9: {  	[tilespmem:s14+$0xFFFFFE40] =	vst v8;
	v8 =	vmul.f32 v18, v12;
	v12 =	vld [tilespmem:s14+$0xFFFFFEB0]  }
0x1fa: {  	[tilespmem:s14+$0xFFFFFE50] =	vst v9;
	v9 =	vmul.f32 v18, v13;
	v13 =	vld [tilespmem:s14+$0xFFFFFEC0]  }
0x1fb: {  	[tilespmem:s14+$0xFFFFFE60] =	vst v8;
	v8 =	vmul.f32 v7, v14;
	v14 =	vld [tilespmem:s14+$0xFFFFFED0]  }
0x1fc: {  	[tilespmem:s14+$0xFFFFFE70] =	vst v9;
	v9 =	vmul.f32 v7, v10;
	v10 =	vld [tilespmem:s14+$0xFFFFFEE0]  }
0x1fd: {  	[tilespmem:s14+$0xFFFFFE80] =	vst v8;
	v8 =	vmul.f32 v7, v11;
	v11 =	vld [tilespmem:s14+$0xFFFFFEF0]  }
0x1fe: {  	[tilespmem:s14+$0xFFFFFE90] =	vst v9;
	v9 =	vmul.f32 v7, v12;
	v12 =	vld [tilespmem:s14+$0xFFFFFF00]  }
0x1ff: {  	[tilespmem:s14+$0xFFFFFEA0] =	vst v8;
	v8 =	vmul.f32 v7, v13;
	v13 =	vld [tilespmem:s14+$0xFFFFFF10]  }
0x200: {  	[tilespmem:s14+$0xFFFFFEB0] =	vst v9;
	v9 =	vmul.f32 v7, v14;
	v14 =	vld [tilespmem:s14+$0xFFFFFF20]  }
0x201: {  	[tilespmem:s14+$0xFFFFFEC0] =	vst v8;
	v8 =	vmul.f32 v7, v10;
	v10 =	vld [tilespmem:s14+$0xFFFFFF30]  }
0x202: {  	[tilespmem:s14+$0xFFFFFED0] =	vst v9;
	v7 =	vmul.f32 v7, v11;
	v9 =	vld [tilespmem:s14+$0xFFFFFF40]  }
0x203: {  	[tilespmem:s14+$0xFFFFFEE0] =	vst v8;
	v8 =	vmul.f32 v6, v12;
	v11 =	vld [tilespmem:s14+$0xFFFFFF50]  }
0x204: {  	[tilespmem:s14+$0xFFFFFEF0] =	vst v7;
	v7 =	vmul.f32 v6, v13;
	v12 =	vld [tilespmem:s14+$0xFFFFFF60]  }
0x205: {  	[tilespmem:s14+$0xFFFFFF00] =	vst v8;
	v8 =	vmul.f32 v6, v14;
	v13 =	vld [tilespmem:s14+$0xFFFFFF70]  }
0x206: {  	[tilespmem:s14+$0xFFFFFF10] =	vst v7;
	v7 =	vmul.f32 v6, v10;
	v10 =	vld [tilespmem:s14+$0xFFFFFF80]  }
0x207: {  	[tilespmem:s14+$0xFFFFFF20] =	vst v8;
	v8 =	vmul.f32 v6, v9;
	v9 =	vld [tilespmem:s14+$0xFFFFFF90]  }
0x208: {  	[tilespmem:s14+$0xFFFFFF30] =	vst v7;
	v7 =	vmul.f32 v6, v11;
	v11 =	vld [tilespmem:s14+$0xFFFFFFA0]  }
0x209: {  	[tilespmem:s14+$0xFFFFFF40] =	vst v8;
	v8 =	vmul.f32 v6, v12;
	v12 =	vld [tilespmem:s14+$0xFFFFFFB0]  }
0x20a: {  	[tilespmem:s14+$0xFFFFFF50] =	vst v7;
	v6 =	vmul.f32 v6, v13;
	v7 =	vld [tilespmem:s14+$0xFFFFFFC0]  }
0x20b: {  	[tilespmem:s14+$0xFFFFFF60] =	vst v8;
	v8 =	vmul.f32 v5, v10;
	v10 =	vld [tilespmem:s14+$0xFFFFFFD0]  }
0x20c: {  	[tilespmem:s14+$0xFFFFFF70] =	vst v6;
	v6 =	vmul.f32 v5, v9;
	v9 =	vld [tilespmem:s14+$0xFFFFFFE0]  }
0x20d: {  	[tilespmem:s14+$0xFFFFFF80] =	vst v8;
	v8 =	vmul.f32 v5, v11;
	v11 =	vld [tilespmem:s14+$0xFFFFFFF0]  }
0x20e: {  	[tilespmem:s14+$0xFFFFFF90] =	vst v6;
	v6 =	vmul.f32 v5, v12;
	v12 =	vld [tilespmem:s14+$0x0]  }
0x20f: {  	[tilespmem:s14+$0xFFFFFFA0] =	vst v8;
	v7 =	vmul.f32 v5, v7;
	v8 =	vld [tilespmem:s14+$0x10]  }
0x210: {  	[tilespmem:s14+$0xFFFFFFB0] =	vst v6;
	v6 =	vmul.f32 v5, v10;
	v10 =	vld [tilespmem:s14+$0x20]  }
0x211: {  	[tilespmem:s14+$0xFFFFFFC0] =	vst v7;
	v7 =	vmul.f32 v5, v9;
	v9 =	vld [tilespmem:s14+$0x30]  }
0x212: {  	[tilespmem:s14+$0xFFFFFFD0] =	vst v6;
	v5 =	vmul.f32 v5, v11;
	v6 =	vld [tilespmem:s14+$0x40]  }
0x213: {  	[tilespmem:s14+$0xFFFFFFE0] =	vst v7;
	v7 =	vmul.f32 v4, v12;
	v11 =	vld [tilespmem:s14+$0x50]  }
0x214: {  	[tilespmem:s14+$0xFFFFFFF0] =	vst v5;
	v5 =	vmul.f32 v4, v8;
	v8 =	vld [tilespmem:s14+$0x60]  }
0x215: {  	[tilespmem:s14+$0x0] =	vst v7;
	v7 =	vmul.f32 v4, v10;
	v10 =	vld [tilespmem:s14+$0x70]  }
0x216: {  	[tilespmem:s14+$0x10] =	vst v5;
	v5 =	vmul.f32 v4, v9;
	v9 =	vld [tilespmem:s14+$0x80]  }
0x217: {  	[tilespmem:s14+$0x20] =	vst v7;
	v6 =	vmul.f32 v4, v6;
	v7 =	vld [tilespmem:s14+$0x90]  }
0x218: {  	[tilespmem:s14+$0x30] =	vst v5;
	v5 =	vmul.f32 v4, v11;
	v11 =	vld [tilespmem:s14+$0xA0]  }
0x219: {  	[tilespmem:s14+$0x40] =	vst v6;
	v6 =	vmul.f32 v4, v8;
	v8 =	vld [tilespmem:s14+$0xB0]  }
0x21a: {  	[tilespmem:s14+$0x50] =	vst v5;
	v4 =	vmul.f32 v4, v10;
	v5 =	vld [tilespmem:s14+$0xC0]  }
0x21b: {  	[tilespmem:s14+$0x60] =	vst v6;
	v6 =	vmul.f32 v3, v9;
	v9 =	vld [tilespmem:s14+$0xD0]  }
0x21c: {  	[tilespmem:s14+$0x70] =	vst v4;
	v4 =	vmul.f32 v3, v7;
	v7 =	vld [tilespmem:s14+$0xE0]  }
0x21d: {  	[tilespmem:s14+$0x80] =	vst v6;
	v6 =	vmul.f32 v3, v11;
	v10 =	vld [tilespmem:s14+$0xF0]  }
0x21e: {  	[tilespmem:s14+$0x90] =	vst v4;
	v4 =	vmul.f32 v3, v8;
	v8 =	vld [tilespmem:s14+$0x100]  }
0x21f: {  	[tilespmem:s14+$0xA0] =	vst v6;
	v5 =	vmul.f32 v3, v5;
	v6 =	vld [tilespmem:s14+$0x110]  }
0x220: {  	[tilespmem:s14+$0xB0] =	vst v4;
	v4 =	vmul.f32 v3, v9;
	v9 =	vld [tilespmem:s14+$0x120]  }
0x221: {  	[tilespmem:s14+$0xC0] =	vst v5;
	v5 =	vmul.f32 v3, v7;
	v7 =	vld [tilespmem:s14+$0x130]  }
0x222: {  	[tilespmem:s14+$0xD0] =	vst v4;
	v3 =	vmul.f32 v3, v10;
	v4 =	vld [tilespmem:s14+$0x140]  }
0x223: {  	[tilespmem:s14+$0xE0] =	vst v5;
	v5 =	vmul.f32 v2, v8;
	v8 =	vld [tilespmem:s14+$0x150]  }
0x224: {  	s10 =	sadd.s32 $0x1, s15;
	v10 =	vmov s15;
	[tilespmem:s14+$0xF0] =	vst v3;
	v3 =	vmul.f32 v2, v6;
	v6 =	vld [tilespmem:s14+$0x160]  }
0x225: {  	s11 =	sadd.s32 $0x3, s15;
	v11 =	vmov s10;
	s10 =	sadd.s32 $0x2, s15;
	v10 =	vand.u32 $0x7E, v10;
	[tilespmem:s14+$0x100] =	vst v5;
	v5 =	vmul.f32 v2, v9;
	v9 =	vld [tilespmem:s14+$0x170]  }
0x226: {  	v13 =	vmov s11;
	s11 =	sadd.s32 $0x5, s15;
	v12 =	vmov s10;
	s10 =	sadd.s32 $0x4, s15;
	[tilespmem:s14+$0x110] =	vst v3;
	v3 =	vmul.f32 v2, v7;
	v7 =	vld [tilespmem:s14+$0x180]  }
0x227: {  	v15 =	vmov s11;
	s11 =	sadd.s32 $0x7, s15;
	v14 =	vmov s10;
	s10 =	sadd.s32 $0x6, s15;
	[tilespmem:s14+$0x120] =	vst v5;
	v4 =	vmul.f32 v2, v4;
	v5 =	vld [tilespmem:s14+$0x190]  }
0x228: {  	v17 =	vmov s11;
	v16 =	vmov s10;
	s10 =	sadd.s32 $0x8, s15;
	[tilespmem:s14+$0x130] =	vst v3;
	v3 =	vmul.f32 v2, v8;
	v8 =	vld [tilespmem:s14+$0x1A0]  }
0x229: {  	v18 =	vmov s10;
	v10 =	vor.u32 $0x100, v10;
	[tilespmem:s14+$0x140] =	vst v4;
	v4 =	vmul.f32 v2, v6;
	v6 =	vld [tilespmem:s14+$0x1B0]  }
0x22a: {  	v11 =	vand.u32 $0x7F, v11;
	v12 =	vand.u32 $0xFE, v12;
	[tilespmem:s14+$0x150] =	vst v3;
	v2 =	vmul.f32 v2, v9;
	v3 =	vld [tilespmem:s14+$0x1C0]  }
0x22b: {  	v9 =	vand.u32 $0xFF, v13;
	v13 =	vand.u32 $0xFE, v14;
	[tilespmem:s14+$0x160] =	vst v4;
	v4 =	vmul.f32 v1, v7;
	v7 =	vld [tilespmem:s14+$0x1D0]  }
0x22c: {  	v14 =	vand.u32 $0xFF, v15;
	v15 =	vand.u32 $0xFE, v16;
	[tilespmem:s14+$0x170] =	vst v2;
	v5 =	vmul.f32 v1, v5;
	v16 =	vld [tilespmem:s14+$0x1E0]  }
0x22d: {  	v17 =	vand.u32 $0xFF, v17;
	v18 =	vand.u32 $0xFE, v18;
	[tilespmem:s14+$0x180] =	vst v4;
	v4 =	vmul.f32 v1, v8;
	v19 =	vld [tilespmem:s14+$0x1F0]  }
0x22e: {  	v2 =	vbroadcast v10, $0x0;
	v8 =	vor.u32 $0x100, v11;
	[tilespmem:s14+$0x190] =	vst v5;
	v5 =	vmul.f32 v1, v6;
	v10 =	vld [tilespmem:s14+$0x200]  }
0x22f: {  	v9 =	vor.u32 $0x100, v9;
	v6 =	vor.u32 $0x100, v12;
	[tilespmem:s14+$0x1A0] =	vst v4;
	v11 =	vmul.f32 v1, v3;
	v20 =	vld [tilespmem:s14+$0x210]  }
.Ltmp3:
0x230: {  	v12 =	vor.u32 $0x100, v13;
	v3 =	vbroadcast v8, $0x0;
	[tilespmem:s14+$0x1B0] =	vst v5;
	v13 =	vmul.f32 v1, v7;
	v7 =	vld [tilespmem:s14+$0x220];
	(pc) =	sbr.rel @p1 .LBB2_5-.Ltmp3, $4  }
0x231: {  	v21 =	vor.u32 $0x100, v14;
	v4 =	vbroadcast v6, $0x0;
	[tilespmem:s14+$0x1C0] =	vst v11;
	v11 =	vmul.f32 v1, v16;
	v8 =	vld [tilespmem:s14+$0x230]  }
0x232: {  	v6 =	vor.u32 $0x100, v15;
	v5 =	vbroadcast v9, $0x0;
	[tilespmem:s14+$0x1D0] =	vst v13;
	v15 =	vmul.f32 v1, v19;
	v9 =	vld [tilespmem:s14+$0x240]  }
0x233: {  	v14 =	vor.u32 $0x100, v17;
	v1 =	vbroadcast v12, $0x0;
	[tilespmem:s14+$0x1E0] =	vst v11;
	v13 =	vmul.f32 v0, v10;
	v10 =	vld [tilespmem:s14+$0x250]  }
0x234: {  	s10 =	sadd.s32 $0x9, s15;
	s15 =	sadd.s32 $0xA, s15;
	v16 =	vor.u32 $0x100, v18;
	v12 =	vbroadcast v21, $0x0;
	[tilespmem:s14+$0x1F0] =	vst v15;
	v15 =	vmul.f32 v0, v20;
	v11 =	vld [tilespmem:s14+$0x260]  }
0x235: {  	_ =	sdelay $0x3  }
0x236: {  	v17 =	vld.idx.msk [tilespmem:v2+s23+$0x0], $0xffff  }
0x237: {  	v18 =	vld.idx.msk [tilespmem:v3+s23+$0x0], $0xffff  }
0x238: {  	v2 =	vbroadcast v6, $0x0;
	v6 =	vmov s10;
	v3 =	vbroadcast v14, $0x0;
	v14 =	vld.idx.msk [tilespmem:v4+s23+$0x0], $0xffff  }
0x239: {  	v19 =	vld.idx.msk [tilespmem:v5+s23+$0x0], $0xffff;
	v6 =	vand.u32 $0xFF, v6  }
0x23a: {  	s15 =	sadd.s32 $0x500, s14;
	v5 =	vld.idx.msk [tilespmem:v12+s23+$0x0], $0xffff;
	v4 =	vor.u32 $0x100, v6  }
0x23b: {  	v12 =	vld [tilespmem:s15+$0x270];
	v20 =	vbroadcast v4, $0x0  }
0x23c: {  	[tilespmem:s14+$0x200] =	vst v13;
	v7 =	vmul.f32 v0, v7;
	v13 =	vld [tilespmem:s15+$0xFFFFFD80]  }
0x23d: {  	v8 =	vmul.f32 v0, v8;
	v6 =	vld.idx.msk [tilespmem:v1+s23+$0x0], $0xffff  }
0x23e: {  	[tilespmem:s14+$0x220] =	vst v7;
	v7 =	vmul.f32 v0, v9;
	v9 =	vld [tilespmem:s15+$0xFFFFFD90]  }
0x23f: {  	v16 =	vbroadcast v16, $0x0;
	[tilespmem:s14+$0x230] =	vst v8;
	v8 =	vmul.f32 v0, v10;
	v10 =	vld [tilespmem:s15+$0xFFFFFDA0]  }
0x240: {  	[tilespmem:s14+$0x240] =	vst v7;
	v7 =	vld [tilespmem:s15+$0xFFFFFDB0]  }
0x241: {  	v1 =	vld.idx.msk [tilespmem:v20+s23+$0x0], $0xffff  }
0x242: {  	[tilespmem:s14+$0x250] =	vst v8;
	v8 =	vld [tilespmem:s15+$0xFFFFFDC0]  }
0x243: {  	v0 =	vmul.f32 v0, v11;
	v4 =	vld.idx.msk [tilespmem:v2+s23+$0x0], $0xffff  }
0x244: {  	v3 =	vld.idx.msk [tilespmem:v3+s23+$0x0], $0xffff  }
0x245: {  	v2 =	vld.idx.msk [tilespmem:v16+s23+$0x0], $0xffff;
	[tilespmem:s14+$0x260] =	vst v0;
	v0 =	vmul.f32 v17, v13  }
0x246: {  	[tilespmem:s14+$0x210] =	vst v15;
	v9 =	vmul.f32 v17, v9;
	v11 =	vmul.f32 v1, v12;
	v12 =	vld [tilespmem:s15+$0xFFFFFDD0]  }
0x247: {  	v13 =	vld [tilespmem:s15+$0xFFFFFDE0];
	[tilespmem:s15+$0xFFFFFD80] =	vst v0;
	v0 =	vmul.f32 v17, v10  }
0x248: {  	v10 =	vld [tilespmem:s15+$0xFFFFFDF0];
	[tilespmem:s15+$0xFFFFFD90] =	vst v9;
	v7 =	vmul.f32 v17, v7  }
0x249: {  	v9 =	vld [tilespmem:s15+$0xFFFFFE00];
	[tilespmem:s15+$0xFFFFFDA0] =	vst v0  }
0x24a: {  	v0 =	vmul.f32 v17, v8;
	v8 =	vld [tilespmem:s15+$0xFFFFFE10];
	[tilespmem:s15+$0xFFFFFDB0] =	vst v7  }
0x24b: {  	[tilespmem:s15+$0x270] =	vst v11;
	v11 =	vld [tilespmem:s15+$0xFFFFFE20];
	v7 =	vmul.f32 v17, v12  }
0x24c: {  	[tilespmem:s15+$0xFFFFFDC0] =	vst v0;
	v0 =	vmul.f32 v17, v13;
	v12 =	vld [tilespmem:s15+$0xFFFFFE30]  }
0x24d: {  	[tilespmem:s15+$0xFFFFFDD0] =	vst v7;
	v7 =	vmul.f32 v17, v10;
	v10 =	vld [tilespmem:s15+$0xFFFFFE40]  }
0x24e: {  	[tilespmem:s15+$0xFFFFFDE0] =	vst v0;
	v0 =	vmul.f32 v18, v9;
	v9 =	vld [tilespmem:s15+$0xFFFFFE50]  }
0x24f: {  	[tilespmem:s15+$0xFFFFFDF0] =	vst v7;
	v7 =	vmul.f32 v18, v8;
	v8 =	vld [tilespmem:s15+$0xFFFFFE60]  }
0x250: {  	[tilespmem:s15+$0xFFFFFE00] =	vst v0;
	v0 =	vmul.f32 v18, v11;
	v11 =	vld [tilespmem:s15+$0xFFFFFE70]  }
0x251: {  	[tilespmem:s15+$0xFFFFFE10] =	vst v7;
	v7 =	vmul.f32 v18, v12;
	v12 =	vld [tilespmem:s15+$0xFFFFFE80]  }
0x252: {  	[tilespmem:s15+$0xFFFFFE20] =	vst v0;
	v0 =	vmul.f32 v18, v10;
	v10 =	vld [tilespmem:s15+$0xFFFFFE90]  }
0x253: {  	[tilespmem:s15+$0xFFFFFE30] =	vst v7;
	v7 =	vmul.f32 v18, v9;
	v9 =	vld [tilespmem:s15+$0xFFFFFEA0]  }
0x254: {  	[tilespmem:s15+$0xFFFFFE40] =	vst v0;
	v0 =	vmul.f32 v18, v8;
	v8 =	vld [tilespmem:s15+$0xFFFFFEB0]  }
0x255: {  	[tilespmem:s15+$0xFFFFFE50] =	vst v7;
	v7 =	vmul.f32 v18, v11;
	v11 =	vld [tilespmem:s15+$0xFFFFFEC0]  }
0x256: {  	[tilespmem:s15+$0xFFFFFE60] =	vst v0;
	v0 =	vmul.f32 v14, v12;
	v12 =	vld [tilespmem:s15+$0xFFFFFED0]  }
0x257: {  	[tilespmem:s15+$0xFFFFFE70] =	vst v7;
	v7 =	vmul.f32 v14, v10;
	v10 =	vld [tilespmem:s15+$0xFFFFFEE0]  }
0x258: {  	[tilespmem:s15+$0xFFFFFE80] =	vst v0;
	v0 =	vmul.f32 v14, v9;
	v9 =	vld [tilespmem:s15+$0xFFFFFEF0]  }
0x259: {  	[tilespmem:s15+$0xFFFFFE90] =	vst v7;
	v7 =	vmul.f32 v14, v8;
	v8 =	vld [tilespmem:s15+$0xFFFFFF00]  }
0x25a: {  	[tilespmem:s15+$0xFFFFFEA0] =	vst v0;
	v0 =	vmul.f32 v14, v11;
	v11 =	vld [tilespmem:s15+$0xFFFFFF10]  }
0x25b: {  	[tilespmem:s15+$0xFFFFFEB0] =	vst v7;
	v7 =	vmul.f32 v14, v12;
	v12 =	vld [tilespmem:s15+$0xFFFFFF20]  }
0x25c: {  	[tilespmem:s15+$0xFFFFFEC0] =	vst v0;
	v0 =	vmul.f32 v14, v10;
	v10 =	vld [tilespmem:s15+$0xFFFFFF30]  }
0x25d: {  	[tilespmem:s15+$0xFFFFFED0] =	vst v7;
	v7 =	vmul.f32 v14, v9;
	v9 =	vld [tilespmem:s15+$0xFFFFFF40]  }
0x25e: {  	[tilespmem:s15+$0xFFFFFEE0] =	vst v0;
	v0 =	vmul.f32 v19, v8;
	v8 =	vld [tilespmem:s15+$0xFFFFFF50]  }
0x25f: {  	[tilespmem:s15+$0xFFFFFEF0] =	vst v7;
	v7 =	vmul.f32 v19, v11;
	v11 =	vld [tilespmem:s15+$0xFFFFFF60]  }
0x260: {  	[tilespmem:s15+$0xFFFFFF00] =	vst v0;
	v0 =	vmul.f32 v19, v12;
	v12 =	vld [tilespmem:s15+$0xFFFFFF70]  }
0x261: {  	[tilespmem:s15+$0xFFFFFF10] =	vst v7;
	v7 =	vmul.f32 v19, v10;
	v10 =	vld [tilespmem:s15+$0xFFFFFF80]  }
0x262: {  	[tilespmem:s15+$0xFFFFFF20] =	vst v0;
	v0 =	vmul.f32 v19, v9;
	v9 =	vld [tilespmem:s15+$0xFFFFFF90]  }
0x263: {  	[tilespmem:s15+$0xFFFFFF30] =	vst v7;
	v7 =	vmul.f32 v19, v8;
	v8 =	vld [tilespmem:s15+$0xFFFFFFA0]  }
0x264: {  	[tilespmem:s15+$0xFFFFFF40] =	vst v0;
	v0 =	vmul.f32 v19, v11;
	v11 =	vld [tilespmem:s15+$0xFFFFFFB0]  }
0x265: {  	[tilespmem:s15+$0xFFFFFF50] =	vst v7;
	v7 =	vmul.f32 v19, v12;
	v12 =	vld [tilespmem:s15+$0xFFFFFFC0]  }
0x266: {  	[tilespmem:s15+$0xFFFFFF60] =	vst v0;
	v0 =	vmul.f32 v6, v10;
	v10 =	vld [tilespmem:s15+$0xFFFFFFD0]  }
0x267: {  	[tilespmem:s15+$0xFFFFFF70] =	vst v7;
	v7 =	vmul.f32 v6, v9;
	v9 =	vld [tilespmem:s15+$0xFFFFFFE0]  }
0x268: {  	[tilespmem:s15+$0xFFFFFF80] =	vst v0;
	v0 =	vmul.f32 v6, v8;
	v8 =	vld [tilespmem:s15+$0xFFFFFFF0]  }
0x269: {  	[tilespmem:s15+$0xFFFFFF90] =	vst v7;
	v7 =	vmul.f32 v6, v11;
	v11 =	vld [tilespmem:s15+$0x0]  }
0x26a: {  	[tilespmem:s15+$0xFFFFFFA0] =	vst v0;
	v0 =	vmul.f32 v6, v12;
	v12 =	vld [tilespmem:s15+$0x10]  }
0x26b: {  	[tilespmem:s15+$0xFFFFFFB0] =	vst v7;
	v7 =	vmul.f32 v6, v10;
	v10 =	vld [tilespmem:s15+$0x20]  }
0x26c: {  	[tilespmem:s15+$0xFFFFFFC0] =	vst v0;
	v0 =	vmul.f32 v6, v9;
	v9 =	vld [tilespmem:s15+$0x30]  }
0x26d: {  	[tilespmem:s15+$0xFFFFFFD0] =	vst v7;
	v6 =	vmul.f32 v6, v8;
	v7 =	vld [tilespmem:s15+$0x40]  }
0x26e: {  	v8 =	vld [tilespmem:s15+$0x50];
	[tilespmem:s15+$0xFFFFFFE0] =	vst v0;
	v0 =	vmul.f32 v5, v11  }
0x26f: {  	v11 =	vld [tilespmem:s15+$0x60];
	[tilespmem:s15+$0xFFFFFFF0] =	vst v6;
	v6 =	vmul.f32 v5, v12  }
0x270: {  	[tilespmem:s15+$0x0] =	vst v0;
	v0 =	vmul.f32 v5, v10;
	v10 =	vld [tilespmem:s15+$0x70]  }
0x271: {  	[tilespmem:s15+$0x10] =	vst v6;
	v6 =	vmul.f32 v5, v9;
	v9 =	vld [tilespmem:s15+$0x80]  }
0x272: {  	[tilespmem:s15+$0x20] =	vst v0;
	v0 =	vmul.f32 v5, v7;
	v7 =	vld [tilespmem:s15+$0x90]  }
0x273: {  	[tilespmem:s15+$0x30] =	vst v6;
	v6 =	vmul.f32 v5, v8;
	v8 =	vld [tilespmem:s15+$0xA0]  }
0x274: {  	[tilespmem:s15+$0x40] =	vst v0;
	v0 =	vmul.f32 v5, v11;
	v11 =	vld [tilespmem:s15+$0xB0]  }
0x275: {  	[tilespmem:s15+$0x50] =	vst v6;
	v5 =	vmul.f32 v5, v10;
	v6 =	vld [tilespmem:s15+$0xC0]  }
0x276: {  	[tilespmem:s15+$0x60] =	vst v0;
	v0 =	vmul.f32 v4, v9;
	v9 =	vld [tilespmem:s15+$0xD0]  }
0x277: {  	[tilespmem:s15+$0x70] =	vst v5;
	v5 =	vmul.f32 v4, v7;
	v7 =	vld [tilespmem:s15+$0xE0]  }
0x278: {  	[tilespmem:s15+$0x80] =	vst v0;
	v0 =	vmul.f32 v4, v8;
	v8 =	vld [tilespmem:s15+$0xF0]  }
0x279: {  	v10 =	vld [tilespmem:s15+$0x100];
	[tilespmem:s15+$0x90] =	vst v5;
	v5 =	vmul.f32 v4, v11  }
0x27a: {  	[tilespmem:s15+$0xA0] =	vst v0;
	v0 =	vmul.f32 v4, v6;
	v6 =	vld [tilespmem:s15+$0x110]  }
0x27b: {  	[tilespmem:s15+$0xB0] =	vst v5;
	v5 =	vmul.f32 v4, v9;
	v9 =	vld [tilespmem:s15+$0x120]  }
0x27c: {  	[tilespmem:s15+$0xC0] =	vst v0;
	v0 =	vmul.f32 v4, v7;
	v7 =	vld [tilespmem:s15+$0x130]  }
0x27d: {  	[tilespmem:s15+$0xD0] =	vst v5;
	v4 =	vmul.f32 v4, v8;
	v5 =	vld [tilespmem:s15+$0x140]  }
0x27e: {  	v8 =	vld [tilespmem:s15+$0x150];
	[tilespmem:s15+$0xE0] =	vst v0;
	v0 =	vmul.f32 v3, v10  }
0x27f: {  	[tilespmem:s15+$0xF0] =	vst v4;
	v4 =	vmul.f32 v3, v6;
	v6 =	vld [tilespmem:s15+$0x160]  }
0x280: {  	[tilespmem:s15+$0x100] =	vst v0;
	v0 =	vmul.f32 v3, v9;
	v9 =	vld [tilespmem:s15+$0x170]  }
0x281: {  	[tilespmem:s15+$0x110] =	vst v4;
	v4 =	vmul.f32 v3, v7;
	v7 =	vld [tilespmem:s15+$0x180]  }
0x282: {  	[tilespmem:s15+$0x120] =	vst v0;
	v0 =	vmul.f32 v3, v5;
	v5 =	vld [tilespmem:s15+$0x190]  }
0x283: {  	[tilespmem:s15+$0x130] =	vst v4;
	v4 =	vmul.f32 v3, v8;
	v8 =	vld [tilespmem:s15+$0x1A0]  }
0x284: {  	[tilespmem:s15+$0x140] =	vst v0;
	v0 =	vmul.f32 v3, v6;
	v6 =	vld [tilespmem:s15+$0x1B0]  }
0x285: {  	[tilespmem:s15+$0x150] =	vst v4;
	v3 =	vmul.f32 v3, v9;
	v4 =	vld [tilespmem:s15+$0x1C0]  }
0x286: {  	[tilespmem:s15+$0x160] =	vst v0;
	v0 =	vmul.f32 v2, v7;
	v7 =	vld [tilespmem:s15+$0x1D0]  }
0x287: {  	[tilespmem:s15+$0x170] =	vst v3;
	v3 =	vmul.f32 v2, v5;
	v5 =	vld [tilespmem:s15+$0x1E0]  }
0x288: {  	[tilespmem:s15+$0x180] =	vst v0;
	v0 =	vmul.f32 v2, v8;
	v8 =	vld [tilespmem:s15+$0x1F0]  }
0x289: {  	[tilespmem:s15+$0x190] =	vst v3;
	v3 =	vmul.f32 v2, v6;
	v6 =	vld [tilespmem:s15+$0x200]  }
0x28a: {  	[tilespmem:s15+$0x1A0] =	vst v0;
	v0 =	vmul.f32 v2, v4;
	v4 =	vld [tilespmem:s15+$0x210]  }
0x28b: {  	[tilespmem:s15+$0x1B0] =	vst v3;
	v3 =	vmul.f32 v2, v7;
	v7 =	vld [tilespmem:s15+$0x220]  }
0x28c: {  	[tilespmem:s15+$0x1C0] =	vst v0;
	v0 =	vmul.f32 v2, v5;
	v5 =	vld [tilespmem:s15+$0x230]  }
0x28d: {  	[tilespmem:s15+$0x1D0] =	vst v3;
	v2 =	vmul.f32 v2, v8;
	v3 =	vld [tilespmem:s15+$0x240]  }
0x28e: {  	[tilespmem:s15+$0x1E0] =	vst v0;
	v0 =	vmul.f32 v1, v6;
	v6 =	vld [tilespmem:s15+$0x250]  }
0x28f: {  	[tilespmem:s15+$0x1F0] =	vst v2;
	v2 =	vmul.f32 v1, v4;
	v4 =	vld [tilespmem:s15+$0x260]  }
0x290: {  	[tilespmem:s15+$0x200] =	vst v0;
	v0 =	vmul.f32 v1, v7  }
0x291: {  	[tilespmem:s15+$0x210] =	vst v2;
	v2 =	vmul.f32 v1, v5  }
0x292: {  	[tilespmem:s15+$0x220] =	vst v0;
	v0 =	vmul.f32 v1, v3  }
0x293: {  	[tilespmem:s15+$0x230] =	vst v2;
	v2 =	vmul.f32 v1, v6  }
0x294: {  	[tilespmem:s15+$0x240] =	vst v0;
	v0 =	vmul.f32 v1, v4  }
0x295: {  	[tilespmem:s15+$0x250] =	vst v2  }
0x296: {  	s14 =	simm.s32 $0x13B00;
	[tilespmem:s15+$0x260] =	vst v0  }
0x297: {  	[spmem:s3] =	stream.indirect.scatter.add.f32 [tilespmem:s30], [sflag:$0x5], $0x80, s14, s26, $0xb8;
	[tilespmem:$0x1E080] =	vst v63  }
0x298: {  	p1 =	seq.s32 s20, $0x10;
	s10 =	rddreg [dreg:$0xa]  }
0x299: {  	s10 =	sadd.s32 @!p1 s13, s10  }
0x29a: {  	s11 =	simm.s32 @!p1 $0x0;
	s10 =	sshrl.u32 @!p1 s10, $0x3  }
0x29b: {  	s15 =	simm.s32 $0x0;
	s14 =	simm.s32 @!p1 $0x14080;
	s10 =	sadd.s32 @!p1 s5, s10  }
0x29c: {  	[tilespmem:s14], [sflag:$0xB] =	stream.linear.gather @!p1 [hbm4b:s10+s11], $0x180, $0x38;
	[tilespmem:$0x1E080] =	vst v63  }
0x29d: {  	v0 =	vmov s15;
	_ =	swait.ge [sflag:s18], $0x3200  }
0x29e: {  	s15 =	simm.s32 $0x3;
	v0 =	vand.u32 $0x7E, v0;
	s11 =	simm.s32 $0x1;
	[sflag:s18] =	ssyncset.done $0x0  }
0x29f: {  	v3 =	vmov s15;
	v0 =	vor.u32 $0x100, v0;
	s14 =	simm.s32 $0x2;
	v1 =	vmov s11;
	[sflag:s18] =	ssyncadd.s32 $0xFFFFCE00  }
0x2a0: {  	v3 =	vand.u32 $0xFF, v3;
	v2 =	vmov s14;
	v1 =	vand.u32 $0x7F, v1;
	_ =	swait.ge [sflag:s7], $0x180  }
0x2a1: {  	v0 =	vbroadcast v0, $0x0;
	s14 =	simm.s32 $0x9;
	v2 =	vand.u32 $0xFE, v2;
	v1 =	vor.u32 $0x100, v1;
	[sflag:s7] =	ssyncset.done $0x0  }
0x2a2: {  	v4 =	vmov s14;
	v2 =	vor.u32 $0x100, v2;
	v1 =	vbroadcast v1, $0x0;
	[sflag:s7] =	ssyncadd.s32 $0xFFFFFE80  }
0x2a3: {  	v3 =	vor.u32 $0x100, v3;
	v4 =	vand.u32 $0xFF, v4;
	v2 =	vbroadcast v2, $0x0;
	[tilespmem:s28], [sflag:$0x1] =	stream.indirect.gather [hbm4b:s1+s26], $0x80, s2, s26, $0xb8;
	[tilespmem:$0x1E080] =	vst v63  }
0x2a4: {  	v3 =	vbroadcast v3, $0x0;
	v4 =	vor.u32 $0x100, v4;
	_ =	swait.ge [sflag:s19], $0x3200  }
0x2a5: {  	v4 =	vbroadcast v4, $0x0;
	[sflag:s19] =	ssyncset.done $0x0  }
0x2a6: {  	[sflag:s19] =	ssyncadd.s32 $0xFFFFCE00  }
0x2a7: {  	v5 =	vld.idx.msk [tilespmem:v0+s24+$0x0], $0xffff  }
0x2a8: {  	v1 =	vld.idx.msk [tilespmem:v1+s24+$0x0], $0xffff  }
0x2a9: {  	v2 =	vld.idx.msk [tilespmem:v2+s24+$0x0], $0xffff  }
0x2aa: {  	v3 =	vld.idx.msk [tilespmem:v3+s24+$0x0], $0xffff  }
0x2ab: {  	s14 =	simm.s32 $0x1AF00;
	v0 =	vld.idx.msk [tilespmem:v4+s24+$0x0], $0xffff  }
0x2ac: {  	v4 =	vld [tilespmem:s14+$0xFFFFFD80]  }
0x2ad: {  	v6 =	vld [tilespmem:s14+$0xFFFFFD90]  }
0x2ae: {  	v7 =	vld [tilespmem:s14+$0xFFFFFDA0]  }
0x2af: {  	v8 =	vld [tilespmem:s14+$0xFFFFFDB0]  }
0x2b0: {  	v9 =	vld [tilespmem:s14+$0xFFFFFDC0]  }
0x2b1: {  	v10 =	vld [tilespmem:s14+$0xFFFFFDD0]  }
0x2b2: {  	v12 =	vld [tilespmem:s14+$0x270]  }
0x2b3: {  	v11 =	vld [tilespmem:s14+$0xFFFFFDE0]  }
0x2b4: {  	v13 =	vld [tilespmem:s14+$0xFFFFFE00]  }
0x2b5: {  	v15 =	vld [tilespmem:s14+$0xFFFFFE20]  }
0x2b6: {  	v14 =	vld [tilespmem:s14+$0xFFFFFE10];
	v4 =	vmul.f32 v5, v4  }
0x2b7: {  	v16 =	vld [tilespmem:s14+$0xFFFFFE30];
	v12 =	vmul.f32 v0, v12  }
0x2b8: {  	v17 =	vld [tilespmem:s14+$0xFFFFFE40];
	v6 =	vmul.f32 v5, v6;
	[tilespmem:s14+$0xFFFFFD80] =	vst v4  }
0x2b9: {  	v18 =	vld [tilespmem:s14+$0xFFFFFE70];
	v7 =	vmul.f32 v5, v7;
	[tilespmem:s14+$0x270] =	vst v12  }
0x2ba: {  	v15 =	vmul.f32 v1, v15;
	v4 =	vld [tilespmem:s14+$0xFFFFFDF0];
	[tilespmem:s14+$0xFFFFFD90] =	vst v6  }
0x2bb: {  	v12 =	vld [tilespmem:s14+$0xFFFFFE50];
	v6 =	vmul.f32 v5, v8;
	[tilespmem:s14+$0xFFFFFDA0] =	vst v7  }
0x2bc: {  	v8 =	vld [tilespmem:s14+$0xFFFFFE60];
	v7 =	vmul.f32 v5, v9;
	[tilespmem:s14+$0xFFFFFE20] =	vst v15  }
0x2bd: {  	v9 =	vld [tilespmem:s14+$0xFFFFFE80];
	v15 =	vmul.f32 v1, v17;
	[tilespmem:s14+$0xFFFFFDB0] =	vst v6  }
0x2be: {  	v6 =	vmul.f32 v5, v10;
	v10 =	vld [tilespmem:s14+$0xFFFFFE90];
	[tilespmem:s14+$0xFFFFFDC0] =	vst v7  }
0x2bf: {  	v7 =	vmul.f32 v5, v11;
	v11 =	vld [tilespmem:s14+$0xFFFFFEA0];
	[tilespmem:s14+$0xFFFFFE40] =	vst v15  }
0x2c0: {  	v15 =	vld [tilespmem:s14+$0xFFFFFF20];
	[tilespmem:s14+$0xFFFFFDD0] =	vst v6;
	v6 =	vmul.f32 v1, v13  }
0x2c1: {  	[tilespmem:s14+$0xFFFFFDE0] =	vst v7;
	v7 =	vld [tilespmem:s14+$0xFFFFFEC0];
	v13 =	vmul.f32 v1, v14  }
0x2c2: {  	v4 =	vmul.f32 v5, v4;
	v5 =	vld [tilespmem:s14+$0xFFFFFEB0];
	[tilespmem:s14+$0xFFFFFE00] =	vst v6  }
0x2c3: {  	v12 =	vmul.f32 v1, v12;
	v6 =	vld [tilespmem:s14+$0xFFFFFEE0];
	[tilespmem:s14+$0xFFFFFE10] =	vst v13  }
0x2c4: {  	v8 =	vmul.f32 v1, v8;
	v13 =	vmul.f32 v1, v16;
	v16 =	vld [tilespmem:s14+$0xFFFFFF00];
	[tilespmem:s14+$0xFFFFFDF0] =	vst v4  }
0x2c5: {  	v4 =	vmul.f32 v2, v9;
	v9 =	vld [tilespmem:s14+$0xFFFFFED0];
	[tilespmem:s14+$0xFFFFFE50] =	vst v12  }
0x2c6: {  	v1 =	vmul.f32 v1, v18;
	v12 =	vld [tilespmem:s14+$0xFFFFFF30];
	[tilespmem:s14+$0xFFFFFE60] =	vst v8  }
0x2c7: {  	s15 =	simm.s32 $0x4;
	v8 =	vmul.f32 v2, v10;
	v10 =	vld [tilespmem:s14+$0xFFFFFF40];
	[tilespmem:s14+$0xFFFFFE30] =	vst v13  }
0x2c8: {  	v14 =	vmov s15;
	v13 =	vld [tilespmem:s14+$0xFFFFFF10];
	[tilespmem:s14+$0xFFFFFE70] =	vst v1  }
0x2c9: {  	v11 =	vmul.f32 v2, v11;
	[tilespmem:s14+$0xFFFFFE80] =	vst v4;
	v4 =	vand.u32 $0xFE, v14;
	v14 =	vld [tilespmem:s14+$0xFFFFFEF0]  }
0x2ca: {  	[tilespmem:s14+$0xFFFFFE90] =	vst v8;
	v8 =	vld [tilespmem:s14+$0xFFFFFF60];
	v7 =	vmul.f32 v2, v7  }
0x2cb: {  	[tilespmem:s14+$0xFFFFFEA0] =	vst v11;
	v11 =	vld [tilespmem:s14+$0xFFFFFF70];
	v4 =	vor.u32 $0x100, v4;
	v5 =	vmul.f32 v2, v5  }
0x2cc: {  	v4 =	vbroadcast v4, $0x0;
	v1 =	vmul.f32 v3, v16;
	v16 =	vld [tilespmem:s14+$0xFFFFFF50];
	[tilespmem:s14+$0xFFFFFEC0] =	vst v7  }
0x2cd: {  	s11 =	simm.s32 $0x5;
	v6 =	vmul.f32 v2, v6;
	v7 =	vld [tilespmem:s14+$0xFFFFFF90];
	[tilespmem:s14+$0xFFFFFEB0] =	vst v5  }
0x2ce: {  	v17 =	vmov s11;
	v5 =	vmul.f32 v2, v9;
	v9 =	vld [tilespmem:s14+$0xFFFFFF80];
	[tilespmem:s14+$0xFFFFFF00] =	vst v1  }
0x2cf: {  	v12 =	vmul.f32 v3, v12;
	v1 =	vand.u32 $0xFF, v17;
	[tilespmem:s14+$0xFFFFFEE0] =	vst v6;
	v6 =	vmul.f32 v3, v13;
	v13 =	vld [tilespmem:s14+$0xFFFFFFB0]  }
0x2d0: {  	v10 =	vmul.f32 v3, v10;
	v1 =	vor.u32 $0x100, v1;
	[tilespmem:s14+$0xFFFFFED0] =	vst v5;
	v5 =	vld [tilespmem:s14+$0xFFFFFFA0]  }
0x2d1: {  	v2 =	vmul.f32 v2, v14;
	v14 =	vld [tilespmem:s14+$0xFFFFFFC0];
	[tilespmem:s14+$0xFFFFFF30] =	vst v12;
	v1 =	vbroadcast v1, $0x0  }
0x2d2: {  	[tilespmem:s14+$0xFFFFFF40] =	vst v10;
	v4 =	vld.idx.msk [tilespmem:v4+s24+$0x0], $0xffff  }
0x2d3: {  	v8 =	vmul.f32 v3, v8;
	v10 =	vld [tilespmem:s14+$0x0];
	[tilespmem:s14+$0xFFFFFEF0] =	vst v2;
	v2 =	vmul.f32 v3, v15  }
0x2d4: {  	[tilespmem:s14+$0xFFFFFF10] =	vst v6;
	v12 =	vmul.f32 v3, v16;
	v3 =	vmul.f32 v3, v11;
	v11 =	vld [tilespmem:s14+$0x10]  }
0x2d5: {  	[tilespmem:s14+$0xFFFFFF20] =	vst v2;
	v2 =	vld [tilespmem:s14+$0xFFFFFFE0]  }
0x2d6: {  	[tilespmem:s14+$0xFFFFFF60] =	vst v8;
	v8 =	vld [tilespmem:s14+$0x20]  }
0x2d7: {  	[tilespmem:s14+$0xFFFFFF50] =	vst v12;
	v1 =	vld.idx.msk [tilespmem:v1+s24+$0x0], $0xffff;
	v6 =	vmul.f32 v4, v9  }
0x2d8: {  	s15 =	simm.s32 $0x6;
	[tilespmem:s14+$0xFFFFFF70] =	vst v3;
	v12 =	vld [tilespmem:s14+$0x40];
	v7 =	vmul.f32 v4, v7  }
0x2d9: {  	v15 =	vmov s15;
	v9 =	vld [tilespmem:s14+$0xFFFFFFD0];
	v3 =	vmul.f32 v4, v5;
	[tilespmem:s14+$0xFFFFFF80] =	vst v6  }
0x2da: {  	v5 =	vld [tilespmem:s14+$0x30];
	v2 =	vmul.f32 v4, v2;
	v6 =	vand.u32 $0xFE, v15;
	[tilespmem:s14+$0xFFFFFF90] =	vst v7  }
0x2db: {  	v15 =	vld [tilespmem:s14+$0xFFFFFFF0];
	v7 =	vmul.f32 v4, v13;
	[tilespmem:s14+$0xFFFFFFA0] =	vst v3;
	v13 =	vmul.f32 v4, v14;
	v6 =	vor.u32 $0x100, v6  }
0x2dc: {  	[tilespmem:s14+$0xFFFFFFE0] =	vst v2;
	v6 =	vbroadcast v6, $0x0;
	v3 =	vmul.f32 v1, v10;
	v10 =	vld [tilespmem:s14+$0x50]  }
0x2dd: {  	s11 =	simm.s32 $0x7;
	[tilespmem:s14+$0xFFFFFFB0] =	vst v7;
	v7 =	vld [tilespmem:s14+$0x60]  }
0x2de: {  	v14 =	vmov s11;
	[tilespmem:s14+$0xFFFFFFC0] =	vst v13;
	v13 =	vld [tilespmem:s14+$0x70];
	v2 =	vmul.f32 v1, v11  }
0x2df: {  	v11 =	vld [tilespmem:s14+$0x90];
	v9 =	vmul.f32 v4, v9;
	[tilespmem:s14+$0x0] =	vst v3;
	v3 =	vand.u32 $0xFF, v14  }
0x2e0: {  	[tilespmem:s14+$0x10] =	vst v2;
	v2 =	vmul.f32 v1, v5;
	v5 =	vld [tilespmem:s14+$0xB0];
	v3 =	vor.u32 $0x100, v3;
	v4 =	vmul.f32 v4, v15  }
0x2e1: {  	[tilespmem:s14+$0xFFFFFFD0] =	vst v9;
	v9 =	vld [tilespmem:s14+$0x80];
	v3 =	vbroadcast v3, $0x0  }
0x2e2: {  	[tilespmem:s14+$0xFFFFFFF0] =	vst v4;
	v4 =	vmul.f32 v1, v8;
	v6 =	vld.idx.msk [tilespmem:v6+s24+$0x0], $0xffff  }
0x2e3: {  	[tilespmem:s14+$0x30] =	vst v2;
	v8 =	vld [tilespmem:s14+$0xA0];
	v10 =	vmul.f32 v1, v10  }
0x2e4: {  	[tilespmem:s14+$0x20] =	vst v4;
	v4 =	vmul.f32 v1, v12;
	v12 =	vld [tilespmem:s14+$0xC0]  }
0x2e5: {  	v7 =	vmul.f32 v1, v7;
	[tilespmem:s14+$0x50] =	vst v10;
	v10 =	vld [tilespmem:s14+$0xF0]  }
0x2e6: {  	v1 =	vmul.f32 v1, v13;
	[tilespmem:s14+$0x40] =	vst v4;
	v4 =	vld [tilespmem:s14+$0xE0]  }
0x2e7: {  	s15 =	simm.s32 $0x8;
	[tilespmem:s14+$0x60] =	vst v7;
	v3 =	vld.idx.msk [tilespmem:v3+s24+$0x0], $0xffff;
	v2 =	vmul.f32 v6, v9  }
0x2e8: {  	v14 =	vmov s15;
	[tilespmem:s14+$0x70] =	vst v1;
	v9 =	vld [tilespmem:s14+$0xD0];
	v7 =	vmul.f32 v6, v11  }
0x2e9: {  	v11 =	vld [tilespmem:s14+$0x100];
	v1 =	vmul.f32 v6, v8;
	[tilespmem:s14+$0x80] =	vst v2;
	v2 =	vand.u32 $0xFE, v14  }
0x2ea: {  	v8 =	vld [tilespmem:s14+$0x110];
	v5 =	vmul.f32 v6, v5;
	[tilespmem:s14+$0x90] =	vst v7;
	v2 =	vor.u32 $0x100, v2  }
0x2eb: {  	v7 =	vld [tilespmem:s14+$0x120];
	[tilespmem:s14+$0xA0] =	vst v1;
	v1 =	vmul.f32 v6, v12;
	v2 =	vbroadcast v2, $0x0  }
0x2ec: {  	v12 =	vld [tilespmem:s14+$0x130];
	[tilespmem:s14+$0xB0] =	vst v5;
	v4 =	vmul.f32 v6, v4  }
0x2ed: {  	[tilespmem:s14+$0xC0] =	vst v1;
	v5 =	vmul.f32 v6, v9;
	v9 =	vld [tilespmem:s14+$0x140]  }
0x2ee: {  	v1 =	vmul.f32 v3, v11;
	v11 =	vld [tilespmem:s14+$0x150];
	[tilespmem:s14+$0xE0] =	vst v4  }
0x2ef: {  	v4 =	vmul.f32 v3, v8;
	v8 =	vld [tilespmem:s14+$0x180];
	[tilespmem:s14+$0xD0] =	vst v5  }
0x2f0: {  	s11 =	simm.s32 $0xA;
	v5 =	vld [tilespmem:s14+$0x160];
	[tilespmem:s14+$0x100] =	vst v1;
	v7 =	vmul.f32 v3, v7  }
0x2f1: {  	v1 =	vmov s11;
	[tilespmem:s14+$0x110] =	vst v4;
	v13 =	vld.idx.msk [tilespmem:v2+s24+$0x0], $0xffff;
	v2 =	vmul.f32 v6, v10  }
0x2f2: {  	s15 =	simm.s32 $0xB;
	s11 =	simm.s32 $0xC;
	v4 =	vmul.f32 v3, v12;
	v1 =	vand.u32 $0x7E, v1;
	[tilespmem:s14+$0x120] =	vst v7;
	v6 =	vld [tilespmem:s14+$0x170]  }
0x2f3: {  	v12 =	vld [tilespmem:s14+$0x190];
	v10 =	vmov s11;
	s11 =	simm.s32 $0xE;
	v7 =	vmul.f32 v3, v9;
	[tilespmem:s14+$0xF0] =	vst v2;
	v2 =	vmov s15;
	s15 =	simm.s32 $0xD  }
0x2f4: {  	[tilespmem:s14+$0x130] =	vst v4;
	v9 =	vld [tilespmem:s14+$0x1A0];
	v4 =	vmul.f32 v3, v11;
	v15 =	vmov s11;
	s11 =	simm.s32 $0x10;
	v14 =	vmov s15;
	s15 =	simm.s32 $0xF  }
0x2f5: {  	v1 =	vor.u32 $0x100, v1;
	v11 =	vld [tilespmem:s14+$0x1B0];
	v17 =	vmov s11;
	[tilespmem:s14+$0x140] =	vst v7;
	v16 =	vmov s15;
	s15 =	simm.s32 $0x11  }
0x2f6: {  	v5 =	vmul.f32 v3, v5;
	v7 =	vld [tilespmem:s14+$0x1C0];
	[tilespmem:s14+$0x150] =	vst v4;
	v4 =	vand.u32 $0x7F, v2;
	v18 =	vmov s15  }
0x2f7: {  	v2 =	vmul.f32 v3, v6;
	v3 =	vmul.f32 v13, v8;
	v8 =	vand.u32 $0xFE, v10  }
0x2f8: {  	[tilespmem:s14+$0x160] =	vst v5;
	v5 =	vld [tilespmem:s14+$0x1E0];
	s15 =	simm.s32 $0x12;
	v10 =	vand.u32 $0xFF, v14;
	v14 =	vand.u32 $0xFE, v15;
	v15 =	vand.u32 $0xFF, v16  }
0x2f9: {  	v6 =	vld [tilespmem:s14+$0x1D0];
	v16 =	vand.u32 $0xFE, v17;
	v12 =	vmul.f32 v13, v12;
	v19 =	vmov s15;
	[tilespmem:s14+$0x180] =	vst v3  }
0x2fa: {  	v17 =	vand.u32 $0xFF, v18;
	[tilespmem:s14+$0x170] =	vst v2;
	v3 =	vmul.f32 v13, v9;
	v9 =	vld [tilespmem:s14+$0x1F0];
	v2 =	vbroadcast v1, $0x0  }
0x2fb: {  	v1 =	vor.u32 $0x100, v4;
	[tilespmem:s14+$0x190] =	vst v12;
	v4 =	vmul.f32 v13, v11;
	v11 =	vld [tilespmem:s14+$0x200];
	v12 =	vmul.f32 v13, v7  }
0x2fc: {  	v8 =	vor.u32 $0x100, v8;
	v10 =	vor.u32 $0x100, v10;
	v18 =	vand.u32 $0xFE, v19;
	v19 =	vld [tilespmem:s14+$0x210];
	[tilespmem:s14+$0x1A0] =	vst v3  }
0x2fd: {  	v15 =	vor.u32 $0x100, v15;
	v7 =	vld [tilespmem:s14+$0x220];
	v3 =	vbroadcast v1, $0x0;
	[tilespmem:s14+$0x1C0] =	vst v12;
	v12 =	vmul.f32 v13, v5  }
0x2fe: {  	v1 =	vor.u32 $0x100, v14;
	[tilespmem:s14+$0x1B0] =	vst v4;
	v4 =	vbroadcast v8, $0x0;
	v8 =	vld [tilespmem:s14+$0x230];
	v14 =	vmul.f32 v13, v6  }
0x2ff: {  	v5 =	vbroadcast v10, $0x0;
	v6 =	vor.u32 $0x100, v16;
	[tilespmem:s14+$0x1E0] =	vst v12;
	v63 =	vmul.f32 v13, v9;
	v9 =	vld [tilespmem:s14+$0x240]  }
0x300: {  	v10 =	vld [tilespmem:s14+$0x250];
	v1 =	vbroadcast v1, $0x0;
	v16 =	vor.u32 $0x100, v18;
	[tilespmem:s14+$0x1D0] =	vst v14;
	v13 =	vmul.f32 v0, v11  }
0x301: {  	s10 =	simm.s32 $0x13;
	s15 =	simm.s32 $0x14;
	v12 =	vbroadcast v15, $0x0;
	v14 =	vor.u32 $0x100, v17;
	v15 =	vmul.f32 v0, v19;
	v11 =	vld [tilespmem:s14+$0x260];
	[tilespmem:s14+$0x1F0] =	vst v63  }
.LBB2_7:
0x302: {  	p2 =	slt.u32 s15, $0x5A;
	v17 =	vld.idx.msk [tilespmem:v2+s24+$0x0], $0xffff;
	v2 =	vbroadcast v6, $0x0;
	v6 =	vmov s10;
	[tilespmem:s14+$0x200] =	vst v13;
	v13 =	vmul.f32 v0, v7  }
0x303: {  	v14 =	vbroadcast v14, $0x0;
	v18 =	vld.idx.msk [tilespmem:v3+s24+$0x0], $0xffff;
	v3 =	vand.u32 $0xFF, v6;
	[tilespmem:s14+$0x210] =	vst v15;
	v8 =	vmul.f32 v0, v8  }
0x304: {  	v15 =	vbroadcast v16, $0x0;
	v7 =	vld.idx.msk [tilespmem:v4+s24+$0x0], $0xffff;
	v3 =	vor.u32 $0x100, v3;
	[tilespmem:s14+$0x220] =	vst v13;
	v4 =	vmul.f32 v0, v9  }
0x305: {  	v6 =	vld.idx.msk [tilespmem:v5+s24+$0x0], $0xffff;
	v9 =	vbroadcast v3, $0x0;
	[tilespmem:s14+$0x230] =	vst v8;
	v3 =	vmul.f32 v0, v10  }
0x306: {  	v5 =	vld.idx.msk [tilespmem:v1+s24+$0x0], $0xffff;
	[tilespmem:s14+$0x240] =	vst v4;
	v0 =	vmul.f32 v0, v11  }
0x307: {  	v4 =	vld.idx.msk [tilespmem:v12+s24+$0x0], $0xffff;
	[tilespmem:s14+$0x250] =	vst v3  }
0x308: {  	v3 =	vld.idx.msk [tilespmem:v2+s24+$0x0], $0xffff;
	[tilespmem:s14+$0x260] =	vst v0  }
0x309: {  	v2 =	vld.idx.msk [tilespmem:v14+s24+$0x0], $0xffff  }
0x30a: {  	v1 =	vld.idx.msk [tilespmem:v15+s24+$0x0], $0xffff  }
0x30b: {  	s14 =	sadd.s32 $0x500, s14;
	v0 =	vld.idx.msk [tilespmem:v9+s24+$0x0], $0xffff  }
0x30c: {  	v8 =	vld [tilespmem:s14+$0x270]  }
0x30d: {  	v9 =	vld [tilespmem:s14+$0xFFFFFD80]  }
0x30e: {  	v10 =	vld [tilespmem:s14+$0xFFFFFD90]  }
0x30f: {  	v11 =	vld [tilespmem:s14+$0xFFFFFDA0]  }
0x310: {  	v12 =	vld [tilespmem:s14+$0xFFFFFDB0]  }
0x311: {  	v13 =	vld [tilespmem:s14+$0xFFFFFDC0];
	v8 =	vmul.f32 v0, v8  }
0x312: {  	v9 =	vmul.f32 v17, v9;
	v14 =	vld [tilespmem:s14+$0xFFFFFDD0]  }
0x313: {  	v10 =	vmul.f32 v17, v10;
	v15 =	vld [tilespmem:s14+$0xFFFFFDE0];
	[tilespmem:s14+$0x270] =	vst v8  }
0x314: {  	[tilespmem:s14+$0xFFFFFD80] =	vst v9;
	v8 =	vmul.f32 v17, v11;
	v9 =	vld [tilespmem:s14+$0xFFFFFDF0]  }
0x315: {  	[tilespmem:s14+$0xFFFFFD90] =	vst v10;
	v10 =	vmul.f32 v17, v12;
	v11 =	vld [tilespmem:s14+$0xFFFFFE00]  }
0x316: {  	[tilespmem:s14+$0xFFFFFDA0] =	vst v8;
	v8 =	vmul.f32 v17, v13;
	v12 =	vld [tilespmem:s14+$0xFFFFFE10]  }
0x317: {  	[tilespmem:s14+$0xFFFFFDB0] =	vst v10;
	v10 =	vmul.f32 v17, v14;
	v13 =	vld [tilespmem:s14+$0xFFFFFE20]  }
0x318: {  	[tilespmem:s14+$0xFFFFFDC0] =	vst v8;
	v8 =	vmul.f32 v17, v15;
	v14 =	vld [tilespmem:s14+$0xFFFFFE30]  }
0x319: {  	[tilespmem:s14+$0xFFFFFDD0] =	vst v10;
	v9 =	vmul.f32 v17, v9;
	v10 =	vld [tilespmem:s14+$0xFFFFFE40]  }
0x31a: {  	[tilespmem:s14+$0xFFFFFDE0] =	vst v8;
	v8 =	vmul.f32 v18, v11;
	v11 =	vld [tilespmem:s14+$0xFFFFFE50]  }
0x31b: {  	[tilespmem:s14+$0xFFFFFDF0] =	vst v9;
	v9 =	vmul.f32 v18, v12;
	v12 =	vld [tilespmem:s14+$0xFFFFFE60]  }
0x31c: {  	[tilespmem:s14+$0xFFFFFE00] =	vst v8;
	v8 =	vmul.f32 v18, v13;
	v13 =	vld [tilespmem:s14+$0xFFFFFE70]  }
0x31d: {  	[tilespmem:s14+$0xFFFFFE10] =	vst v9;
	v9 =	vmul.f32 v18, v14;
	v14 =	vld [tilespmem:s14+$0xFFFFFE80]  }
0x31e: {  	[tilespmem:s14+$0xFFFFFE20] =	vst v8;
	v8 =	vmul.f32 v18, v10;
	v10 =	vld [tilespmem:s14+$0xFFFFFE90]  }
0x31f: {  	[tilespmem:s14+$0xFFFFFE30] =	vst v9;
	v9 =	vmul.f32 v18, v11;
	v11 =	vld [tilespmem:s14+$0xFFFFFEA0]  }
0x320: {  	[tilespmem:s14+$0xFFFFFE40] =	vst v8;
	v8 =	vmul.f32 v18, v12;
	v12 =	vld [tilespmem:s14+$0xFFFFFEB0]  }
0x321: {  	[tilespmem:s14+$0xFFFFFE50] =	vst v9;
	v9 =	vmul.f32 v18, v13;
	v13 =	vld [tilespmem:s14+$0xFFFFFEC0]  }
0x322: {  	[tilespmem:s14+$0xFFFFFE60] =	vst v8;
	v8 =	vmul.f32 v7, v14;
	v14 =	vld [tilespmem:s14+$0xFFFFFED0]  }
0x323: {  	[tilespmem:s14+$0xFFFFFE70] =	vst v9;
	v9 =	vmul.f32 v7, v10;
	v10 =	vld [tilespmem:s14+$0xFFFFFEE0]  }
0x324: {  	[tilespmem:s14+$0xFFFFFE80] =	vst v8;
	v8 =	vmul.f32 v7, v11;
	v11 =	vld [tilespmem:s14+$0xFFFFFEF0]  }
0x325: {  	[tilespmem:s14+$0xFFFFFE90] =	vst v9;
	v9 =	vmul.f32 v7, v12;
	v12 =	vld [tilespmem:s14+$0xFFFFFF00]  }
0x326: {  	[tilespmem:s14+$0xFFFFFEA0] =	vst v8;
	v8 =	vmul.f32 v7, v13;
	v13 =	vld [tilespmem:s14+$0xFFFFFF10]  }
0x327: {  	[tilespmem:s14+$0xFFFFFEB0] =	vst v9;
	v9 =	vmul.f32 v7, v14;
	v14 =	vld [tilespmem:s14+$0xFFFFFF20]  }
0x328: {  	[tilespmem:s14+$0xFFFFFEC0] =	vst v8;
	v8 =	vmul.f32 v7, v10;
	v10 =	vld [tilespmem:s14+$0xFFFFFF30]  }
0x329: {  	[tilespmem:s14+$0xFFFFFED0] =	vst v9;
	v7 =	vmul.f32 v7, v11;
	v9 =	vld [tilespmem:s14+$0xFFFFFF40]  }
0x32a: {  	[tilespmem:s14+$0xFFFFFEE0] =	vst v8;
	v8 =	vmul.f32 v6, v12;
	v11 =	vld [tilespmem:s14+$0xFFFFFF50]  }
0x32b: {  	[tilespmem:s14+$0xFFFFFEF0] =	vst v7;
	v7 =	vmul.f32 v6, v13;
	v12 =	vld [tilespmem:s14+$0xFFFFFF60]  }
0x32c: {  	[tilespmem:s14+$0xFFFFFF00] =	vst v8;
	v8 =	vmul.f32 v6, v14;
	v13 =	vld [tilespmem:s14+$0xFFFFFF70]  }
0x32d: {  	[tilespmem:s14+$0xFFFFFF10] =	vst v7;
	v7 =	vmul.f32 v6, v10;
	v10 =	vld [tilespmem:s14+$0xFFFFFF80]  }
0x32e: {  	[tilespmem:s14+$0xFFFFFF20] =	vst v8;
	v8 =	vmul.f32 v6, v9;
	v9 =	vld [tilespmem:s14+$0xFFFFFF90]  }
0x32f: {  	[tilespmem:s14+$0xFFFFFF30] =	vst v7;
	v7 =	vmul.f32 v6, v11;
	v11 =	vld [tilespmem:s14+$0xFFFFFFA0]  }
0x330: {  	[tilespmem:s14+$0xFFFFFF40] =	vst v8;
	v8 =	vmul.f32 v6, v12;
	v12 =	vld [tilespmem:s14+$0xFFFFFFB0]  }
0x331: {  	[tilespmem:s14+$0xFFFFFF50] =	vst v7;
	v6 =	vmul.f32 v6, v13;
	v7 =	vld [tilespmem:s14+$0xFFFFFFC0]  }
0x332: {  	[tilespmem:s14+$0xFFFFFF60] =	vst v8;
	v8 =	vmul.f32 v5, v10;
	v10 =	vld [tilespmem:s14+$0xFFFFFFD0]  }
0x333: {  	[tilespmem:s14+$0xFFFFFF70] =	vst v6;
	v6 =	vmul.f32 v5, v9;
	v9 =	vld [tilespmem:s14+$0xFFFFFFE0]  }
0x334: {  	[tilespmem:s14+$0xFFFFFF80] =	vst v8;
	v8 =	vmul.f32 v5, v11;
	v11 =	vld [tilespmem:s14+$0xFFFFFFF0]  }
0x335: {  	[tilespmem:s14+$0xFFFFFF90] =	vst v6;
	v6 =	vmul.f32 v5, v12;
	v12 =	vld [tilespmem:s14+$0x0]  }
0x336: {  	[tilespmem:s14+$0xFFFFFFA0] =	vst v8;
	v7 =	vmul.f32 v5, v7;
	v8 =	vld [tilespmem:s14+$0x10]  }
0x337: {  	[tilespmem:s14+$0xFFFFFFB0] =	vst v6;
	v6 =	vmul.f32 v5, v10;
	v10 =	vld [tilespmem:s14+$0x20]  }
0x338: {  	[tilespmem:s14+$0xFFFFFFC0] =	vst v7;
	v7 =	vmul.f32 v5, v9;
	v9 =	vld [tilespmem:s14+$0x30]  }
0x339: {  	[tilespmem:s14+$0xFFFFFFD0] =	vst v6;
	v5 =	vmul.f32 v5, v11;
	v6 =	vld [tilespmem:s14+$0x40]  }
0x33a: {  	[tilespmem:s14+$0xFFFFFFE0] =	vst v7;
	v7 =	vmul.f32 v4, v12;
	v11 =	vld [tilespmem:s14+$0x50]  }
0x33b: {  	[tilespmem:s14+$0xFFFFFFF0] =	vst v5;
	v5 =	vmul.f32 v4, v8;
	v8 =	vld [tilespmem:s14+$0x60]  }
0x33c: {  	[tilespmem:s14+$0x0] =	vst v7;
	v7 =	vmul.f32 v4, v10;
	v10 =	vld [tilespmem:s14+$0x70]  }
0x33d: {  	[tilespmem:s14+$0x10] =	vst v5;
	v5 =	vmul.f32 v4, v9;
	v9 =	vld [tilespmem:s14+$0x80]  }
0x33e: {  	[tilespmem:s14+$0x20] =	vst v7;
	v6 =	vmul.f32 v4, v6;
	v7 =	vld [tilespmem:s14+$0x90]  }
0x33f: {  	[tilespmem:s14+$0x30] =	vst v5;
	v5 =	vmul.f32 v4, v11;
	v11 =	vld [tilespmem:s14+$0xA0]  }
0x340: {  	[tilespmem:s14+$0x40] =	vst v6;
	v6 =	vmul.f32 v4, v8;
	v8 =	vld [tilespmem:s14+$0xB0]  }
0x341: {  	[tilespmem:s14+$0x50] =	vst v5;
	v4 =	vmul.f32 v4, v10;
	v5 =	vld [tilespmem:s14+$0xC0]  }
0x342: {  	[tilespmem:s14+$0x60] =	vst v6;
	v6 =	vmul.f32 v3, v9;
	v9 =	vld [tilespmem:s14+$0xD0]  }
0x343: {  	[tilespmem:s14+$0x70] =	vst v4;
	v4 =	vmul.f32 v3, v7;
	v7 =	vld [tilespmem:s14+$0xE0]  }
0x344: {  	[tilespmem:s14+$0x80] =	vst v6;
	v6 =	vmul.f32 v3, v11;
	v10 =	vld [tilespmem:s14+$0xF0]  }
0x345: {  	[tilespmem:s14+$0x90] =	vst v4;
	v4 =	vmul.f32 v3, v8;
	v8 =	vld [tilespmem:s14+$0x100]  }
0x346: {  	[tilespmem:s14+$0xA0] =	vst v6;
	v5 =	vmul.f32 v3, v5;
	v6 =	vld [tilespmem:s14+$0x110]  }
0x347: {  	[tilespmem:s14+$0xB0] =	vst v4;
	v4 =	vmul.f32 v3, v9;
	v9 =	vld [tilespmem:s14+$0x120]  }
0x348: {  	[tilespmem:s14+$0xC0] =	vst v5;
	v5 =	vmul.f32 v3, v7;
	v7 =	vld [tilespmem:s14+$0x130]  }
0x349: {  	[tilespmem:s14+$0xD0] =	vst v4;
	v3 =	vmul.f32 v3, v10;
	v4 =	vld [tilespmem:s14+$0x140]  }
0x34a: {  	[tilespmem:s14+$0xE0] =	vst v5;
	v5 =	vmul.f32 v2, v8;
	v8 =	vld [tilespmem:s14+$0x150]  }
0x34b: {  	s10 =	sadd.s32 $0x1, s15;
	v10 =	vmov s15;
	[tilespmem:s14+$0xF0] =	vst v3;
	v3 =	vmul.f32 v2, v6;
	v6 =	vld [tilespmem:s14+$0x160]  }
0x34c: {  	s11 =	sadd.s32 $0x3, s15;
	v11 =	vmov s10;
	s10 =	sadd.s32 $0x2, s15;
	v10 =	vand.u32 $0x7E, v10;
	[tilespmem:s14+$0x100] =	vst v5;
	v5 =	vmul.f32 v2, v9;
	v9 =	vld [tilespmem:s14+$0x170]  }
0x34d: {  	v13 =	vmov s11;
	s11 =	sadd.s32 $0x5, s15;
	v12 =	vmov s10;
	s10 =	sadd.s32 $0x4, s15;
	[tilespmem:s14+$0x110] =	vst v3;
	v3 =	vmul.f32 v2, v7;
	v7 =	vld [tilespmem:s14+$0x180]  }
0x34e: {  	v15 =	vmov s11;
	s11 =	sadd.s32 $0x7, s15;
	v14 =	vmov s10;
	s10 =	sadd.s32 $0x6, s15;
	[tilespmem:s14+$0x120] =	vst v5;
	v4 =	vmul.f32 v2, v4;
	v5 =	vld [tilespmem:s14+$0x190]  }
0x34f: {  	v17 =	vmov s11;
	v16 =	vmov s10;
	s10 =	sadd.s32 $0x8, s15;
	[tilespmem:s14+$0x130] =	vst v3;
	v3 =	vmul.f32 v2, v8;
	v8 =	vld [tilespmem:s14+$0x1A0]  }
0x350: {  	v18 =	vmov s10;
	v10 =	vor.u32 $0x100, v10;
	[tilespmem:s14+$0x140] =	vst v4;
	v4 =	vmul.f32 v2, v6;
	v6 =	vld [tilespmem:s14+$0x1B0]  }
0x351: {  	v11 =	vand.u32 $0x7F, v11;
	v12 =	vand.u32 $0xFE, v12;
	[tilespmem:s14+$0x150] =	vst v3;
	v2 =	vmul.f32 v2, v9;
	v3 =	vld [tilespmem:s14+$0x1C0]  }
0x352: {  	v9 =	vand.u32 $0xFF, v13;
	v13 =	vand.u32 $0xFE, v14;
	[tilespmem:s14+$0x160] =	vst v4;
	v4 =	vmul.f32 v1, v7;
	v7 =	vld [tilespmem:s14+$0x1D0]  }
0x353: {  	v14 =	vand.u32 $0xFF, v15;
	v15 =	vand.u32 $0xFE, v16;
	[tilespmem:s14+$0x170] =	vst v2;
	v5 =	vmul.f32 v1, v5;
	v16 =	vld [tilespmem:s14+$0x1E0]  }
0x354: {  	v17 =	vand.u32 $0xFF, v17;
	v18 =	vand.u32 $0xFE, v18;
	[tilespmem:s14+$0x180] =	vst v4;
	v4 =	vmul.f32 v1, v8;
	v19 =	vld [tilespmem:s14+$0x1F0]  }
0x355: {  	v2 =	vbroadcast v10, $0x0;
	v8 =	vor.u32 $0x100, v11;
	[tilespmem:s14+$0x190] =	vst v5;
	v5 =	vmul.f32 v1, v6;
	v10 =	vld [tilespmem:s14+$0x200]  }
0x356: {  	v9 =	vor.u32 $0x100, v9;
	v6 =	vor.u32 $0x100, v12;
	[tilespmem:s14+$0x1A0] =	vst v4;
	v11 =	vmul.f32 v1, v3;
	v20 =	vld [tilespmem:s14+$0x210]  }
.Ltmp4:
0x357: {  	v12 =	vor.u32 $0x100, v13;
	v3 =	vbroadcast v8, $0x0;
	[tilespmem:s14+$0x1B0] =	vst v5;
	v13 =	vmul.f32 v1, v7;
	v7 =	vld [tilespmem:s14+$0x220];
	(pc) =	sbr.rel @p2 .LBB2_7-.Ltmp4, $4  }
0x358: {  	v21 =	vor.u32 $0x100, v14;
	v4 =	vbroadcast v6, $0x0;
	[tilespmem:s14+$0x1C0] =	vst v11;
	v11 =	vmul.f32 v1, v16;
	v8 =	vld [tilespmem:s14+$0x230]  }
0x359: {  	v6 =	vor.u32 $0x100, v15;
	v5 =	vbroadcast v9, $0x0;
	[tilespmem:s14+$0x1D0] =	vst v13;
	v15 =	vmul.f32 v1, v19;
	v9 =	vld [tilespmem:s14+$0x240]  }
0x35a: {  	v14 =	vor.u32 $0x100, v17;
	v1 =	vbroadcast v12, $0x0;
	[tilespmem:s14+$0x1E0] =	vst v11;
	v13 =	vmul.f32 v0, v10;
	v10 =	vld [tilespmem:s14+$0x250]  }
0x35b: {  	s10 =	sadd.s32 $0x9, s15;
	s15 =	sadd.s32 $0xA, s15;
	v16 =	vor.u32 $0x100, v18;
	v12 =	vbroadcast v21, $0x0;
	[tilespmem:s14+$0x1F0] =	vst v15;
	v15 =	vmul.f32 v0, v20;
	v11 =	vld [tilespmem:s14+$0x260]  }
0x35c: {  	_ =	sdelay $0x3  }
0x35d: {  	v17 =	vld.idx.msk [tilespmem:v2+s24+$0x0], $0xffff  }
0x35e: {  	v18 =	vld.idx.msk [tilespmem:v3+s24+$0x0], $0xffff  }
0x35f: {  	v2 =	vbroadcast v6, $0x0;
	v6 =	vmov s10;
	v3 =	vbroadcast v14, $0x0;
	v14 =	vld.idx.msk [tilespmem:v4+s24+$0x0], $0xffff  }
0x360: {  	v19 =	vld.idx.msk [tilespmem:v5+s24+$0x0], $0xffff;
	v6 =	vand.u32 $0xFF, v6  }
0x361: {  	s15 =	sadd.s32 $0x500, s14;
	v5 =	vld.idx.msk [tilespmem:v12+s24+$0x0], $0xffff;
	v4 =	vor.u32 $0x100, v6  }
0x362: {  	v12 =	vld [tilespmem:s15+$0x270];
	v20 =	vbroadcast v4, $0x0  }
0x363: {  	[tilespmem:s14+$0x200] =	vst v13;
	v7 =	vmul.f32 v0, v7;
	v13 =	vld [tilespmem:s15+$0xFFFFFD80]  }
0x364: {  	v8 =	vmul.f32 v0, v8;
	v6 =	vld.idx.msk [tilespmem:v1+s24+$0x0], $0xffff  }
0x365: {  	[tilespmem:s14+$0x220] =	vst v7;
	v7 =	vmul.f32 v0, v9;
	v9 =	vld [tilespmem:s15+$0xFFFFFD90]  }
0x366: {  	v16 =	vbroadcast v16, $0x0;
	[tilespmem:s14+$0x230] =	vst v8;
	v8 =	vmul.f32 v0, v10;
	v10 =	vld [tilespmem:s15+$0xFFFFFDA0]  }
0x367: {  	[tilespmem:s14+$0x240] =	vst v7;
	v7 =	vld [tilespmem:s15+$0xFFFFFDB0]  }
0x368: {  	v1 =	vld.idx.msk [tilespmem:v20+s24+$0x0], $0xffff  }
0x369: {  	[tilespmem:s14+$0x250] =	vst v8;
	v8 =	vld [tilespmem:s15+$0xFFFFFDC0]  }
0x36a: {  	v0 =	vmul.f32 v0, v11;
	v4 =	vld.idx.msk [tilespmem:v2+s24+$0x0], $0xffff  }
0x36b: {  	v3 =	vld.idx.msk [tilespmem:v3+s24+$0x0], $0xffff  }
0x36c: {  	v2 =	vld.idx.msk [tilespmem:v16+s24+$0x0], $0xffff;
	[tilespmem:s14+$0x260] =	vst v0;
	v0 =	vmul.f32 v17, v13  }
0x36d: {  	[tilespmem:s14+$0x210] =	vst v15;
	v9 =	vmul.f32 v17, v9;
	v11 =	vmul.f32 v1, v12;
	v12 =	vld [tilespmem:s15+$0xFFFFFDD0]  }
0x36e: {  	v13 =	vld [tilespmem:s15+$0xFFFFFDE0];
	[tilespmem:s15+$0xFFFFFD80] =	vst v0;
	v0 =	vmul.f32 v17, v10  }
0x36f: {  	v10 =	vld [tilespmem:s15+$0xFFFFFDF0];
	[tilespmem:s15+$0xFFFFFD90] =	vst v9;
	v7 =	vmul.f32 v17, v7  }
0x370: {  	v9 =	vld [tilespmem:s15+$0xFFFFFE00];
	[tilespmem:s15+$0xFFFFFDA0] =	vst v0  }
0x371: {  	v0 =	vmul.f32 v17, v8;
	v8 =	vld [tilespmem:s15+$0xFFFFFE10];
	[tilespmem:s15+$0xFFFFFDB0] =	vst v7  }
0x372: {  	[tilespmem:s15+$0x270] =	vst v11;
	v11 =	vld [tilespmem:s15+$0xFFFFFE20];
	v7 =	vmul.f32 v17, v12  }
0x373: {  	[tilespmem:s15+$0xFFFFFDC0] =	vst v0;
	v0 =	vmul.f32 v17, v13;
	v12 =	vld [tilespmem:s15+$0xFFFFFE30]  }
0x374: {  	[tilespmem:s15+$0xFFFFFDD0] =	vst v7;
	v7 =	vmul.f32 v17, v10;
	v10 =	vld [tilespmem:s15+$0xFFFFFE40]  }
0x375: {  	[tilespmem:s15+$0xFFFFFDE0] =	vst v0;
	v0 =	vmul.f32 v18, v9;
	v9 =	vld [tilespmem:s15+$0xFFFFFE50]  }
0x376: {  	[tilespmem:s15+$0xFFFFFDF0] =	vst v7;
	v7 =	vmul.f32 v18, v8;
	v8 =	vld [tilespmem:s15+$0xFFFFFE60]  }
0x377: {  	[tilespmem:s15+$0xFFFFFE00] =	vst v0;
	v0 =	vmul.f32 v18, v11;
	v11 =	vld [tilespmem:s15+$0xFFFFFE70]  }
0x378: {  	[tilespmem:s15+$0xFFFFFE10] =	vst v7;
	v7 =	vmul.f32 v18, v12;
	v12 =	vld [tilespmem:s15+$0xFFFFFE80]  }
0x379: {  	[tilespmem:s15+$0xFFFFFE20] =	vst v0;
	v0 =	vmul.f32 v18, v10;
	v10 =	vld [tilespmem:s15+$0xFFFFFE90]  }
0x37a: {  	[tilespmem:s15+$0xFFFFFE30] =	vst v7;
	v7 =	vmul.f32 v18, v9;
	v9 =	vld [tilespmem:s15+$0xFFFFFEA0]  }
0x37b: {  	[tilespmem:s15+$0xFFFFFE40] =	vst v0;
	v0 =	vmul.f32 v18, v8;
	v8 =	vld [tilespmem:s15+$0xFFFFFEB0]  }
0x37c: {  	[tilespmem:s15+$0xFFFFFE50] =	vst v7;
	v7 =	vmul.f32 v18, v11;
	v11 =	vld [tilespmem:s15+$0xFFFFFEC0]  }
0x37d: {  	[tilespmem:s15+$0xFFFFFE60] =	vst v0;
	v0 =	vmul.f32 v14, v12;
	v12 =	vld [tilespmem:s15+$0xFFFFFED0]  }
0x37e: {  	[tilespmem:s15+$0xFFFFFE70] =	vst v7;
	v7 =	vmul.f32 v14, v10;
	v10 =	vld [tilespmem:s15+$0xFFFFFEE0]  }
0x37f: {  	[tilespmem:s15+$0xFFFFFE80] =	vst v0;
	v0 =	vmul.f32 v14, v9;
	v9 =	vld [tilespmem:s15+$0xFFFFFEF0]  }
0x380: {  	[tilespmem:s15+$0xFFFFFE90] =	vst v7;
	v7 =	vmul.f32 v14, v8;
	v8 =	vld [tilespmem:s15+$0xFFFFFF00]  }
0x381: {  	[tilespmem:s15+$0xFFFFFEA0] =	vst v0;
	v0 =	vmul.f32 v14, v11;
	v11 =	vld [tilespmem:s15+$0xFFFFFF10]  }
0x382: {  	[tilespmem:s15+$0xFFFFFEB0] =	vst v7;
	v7 =	vmul.f32 v14, v12;
	v12 =	vld [tilespmem:s15+$0xFFFFFF20]  }
0x383: {  	[tilespmem:s15+$0xFFFFFEC0] =	vst v0;
	v0 =	vmul.f32 v14, v10;
	v10 =	vld [tilespmem:s15+$0xFFFFFF30]  }
0x384: {  	[tilespmem:s15+$0xFFFFFED0] =	vst v7;
	v7 =	vmul.f32 v14, v9;
	v9 =	vld [tilespmem:s15+$0xFFFFFF40]  }
0x385: {  	[tilespmem:s15+$0xFFFFFEE0] =	vst v0;
	v0 =	vmul.f32 v19, v8;
	v8 =	vld [tilespmem:s15+$0xFFFFFF50]  }
0x386: {  	[tilespmem:s15+$0xFFFFFEF0] =	vst v7;
	v7 =	vmul.f32 v19, v11;
	v11 =	vld [tilespmem:s15+$0xFFFFFF60]  }
0x387: {  	[tilespmem:s15+$0xFFFFFF00] =	vst v0;
	v0 =	vmul.f32 v19, v12;
	v12 =	vld [tilespmem:s15+$0xFFFFFF70]  }
0x388: {  	[tilespmem:s15+$0xFFFFFF10] =	vst v7;
	v7 =	vmul.f32 v19, v10;
	v10 =	vld [tilespmem:s15+$0xFFFFFF80]  }
0x389: {  	[tilespmem:s15+$0xFFFFFF20] =	vst v0;
	v0 =	vmul.f32 v19, v9;
	v9 =	vld [tilespmem:s15+$0xFFFFFF90]  }
0x38a: {  	[tilespmem:s15+$0xFFFFFF30] =	vst v7;
	v7 =	vmul.f32 v19, v8;
	v8 =	vld [tilespmem:s15+$0xFFFFFFA0]  }
0x38b: {  	[tilespmem:s15+$0xFFFFFF40] =	vst v0;
	v0 =	vmul.f32 v19, v11;
	v11 =	vld [tilespmem:s15+$0xFFFFFFB0]  }
0x38c: {  	[tilespmem:s15+$0xFFFFFF50] =	vst v7;
	v7 =	vmul.f32 v19, v12;
	v12 =	vld [tilespmem:s15+$0xFFFFFFC0]  }
0x38d: {  	[tilespmem:s15+$0xFFFFFF60] =	vst v0;
	v0 =	vmul.f32 v6, v10;
	v10 =	vld [tilespmem:s15+$0xFFFFFFD0]  }
0x38e: {  	[tilespmem:s15+$0xFFFFFF70] =	vst v7;
	v7 =	vmul.f32 v6, v9;
	v9 =	vld [tilespmem:s15+$0xFFFFFFE0]  }
0x38f: {  	[tilespmem:s15+$0xFFFFFF80] =	vst v0;
	v0 =	vmul.f32 v6, v8;
	v8 =	vld [tilespmem:s15+$0xFFFFFFF0]  }
0x390: {  	[tilespmem:s15+$0xFFFFFF90] =	vst v7;
	v7 =	vmul.f32 v6, v11;
	v11 =	vld [tilespmem:s15+$0x0]  }
0x391: {  	[tilespmem:s15+$0xFFFFFFA0] =	vst v0;
	v0 =	vmul.f32 v6, v12;
	v12 =	vld [tilespmem:s15+$0x10]  }
0x392: {  	[tilespmem:s15+$0xFFFFFFB0] =	vst v7;
	v7 =	vmul.f32 v6, v10;
	v10 =	vld [tilespmem:s15+$0x20]  }
0x393: {  	[tilespmem:s15+$0xFFFFFFC0] =	vst v0;
	v0 =	vmul.f32 v6, v9;
	v9 =	vld [tilespmem:s15+$0x30]  }
0x394: {  	[tilespmem:s15+$0xFFFFFFD0] =	vst v7;
	v6 =	vmul.f32 v6, v8;
	v7 =	vld [tilespmem:s15+$0x40]  }
0x395: {  	v8 =	vld [tilespmem:s15+$0x50];
	[tilespmem:s15+$0xFFFFFFE0] =	vst v0;
	v0 =	vmul.f32 v5, v11  }
0x396: {  	v11 =	vld [tilespmem:s15+$0x60];
	[tilespmem:s15+$0xFFFFFFF0] =	vst v6;
	v6 =	vmul.f32 v5, v12  }
0x397: {  	[tilespmem:s15+$0x0] =	vst v0;
	v0 =	vmul.f32 v5, v10;
	v10 =	vld [tilespmem:s15+$0x70]  }
0x398: {  	[tilespmem:s15+$0x10] =	vst v6;
	v6 =	vmul.f32 v5, v9;
	v9 =	vld [tilespmem:s15+$0x80]  }
0x399: {  	[tilespmem:s15+$0x20] =	vst v0;
	v0 =	vmul.f32 v5, v7;
	v7 =	vld [tilespmem:s15+$0x90]  }
0x39a: {  	[tilespmem:s15+$0x30] =	vst v6;
	v6 =	vmul.f32 v5, v8;
	v8 =	vld [tilespmem:s15+$0xA0]  }
0x39b: {  	[tilespmem:s15+$0x40] =	vst v0;
	v0 =	vmul.f32 v5, v11;
	v11 =	vld [tilespmem:s15+$0xB0]  }
0x39c: {  	[tilespmem:s15+$0x50] =	vst v6;
	v5 =	vmul.f32 v5, v10;
	v6 =	vld [tilespmem:s15+$0xC0]  }
0x39d: {  	[tilespmem:s15+$0x60] =	vst v0;
	v0 =	vmul.f32 v4, v9;
	v9 =	vld [tilespmem:s15+$0xD0]  }
0x39e: {  	[tilespmem:s15+$0x70] =	vst v5;
	v5 =	vmul.f32 v4, v7;
	v7 =	vld [tilespmem:s15+$0xE0]  }
0x39f: {  	[tilespmem:s15+$0x80] =	vst v0;
	v0 =	vmul.f32 v4, v8;
	v8 =	vld [tilespmem:s15+$0xF0]  }
0x3a0: {  	v10 =	vld [tilespmem:s15+$0x100];
	[tilespmem:s15+$0x90] =	vst v5;
	v5 =	vmul.f32 v4, v11  }
0x3a1: {  	[tilespmem:s15+$0xA0] =	vst v0;
	v0 =	vmul.f32 v4, v6;
	v6 =	vld [tilespmem:s15+$0x110]  }
0x3a2: {  	[tilespmem:s15+$0xB0] =	vst v5;
	v5 =	vmul.f32 v4, v9;
	v9 =	vld [tilespmem:s15+$0x120]  }
0x3a3: {  	[tilespmem:s15+$0xC0] =	vst v0;
	v0 =	vmul.f32 v4, v7;
	v7 =	vld [tilespmem:s15+$0x130]  }
0x3a4: {  	[tilespmem:s15+$0xD0] =	vst v5;
	v4 =	vmul.f32 v4, v8;
	v5 =	vld [tilespmem:s15+$0x140]  }
0x3a5: {  	v8 =	vld [tilespmem:s15+$0x150];
	[tilespmem:s15+$0xE0] =	vst v0;
	v0 =	vmul.f32 v3, v10  }
0x3a6: {  	[tilespmem:s15+$0xF0] =	vst v4;
	v4 =	vmul.f32 v3, v6;
	v6 =	vld [tilespmem:s15+$0x160]  }
0x3a7: {  	[tilespmem:s15+$0x100] =	vst v0;
	v0 =	vmul.f32 v3, v9;
	v9 =	vld [tilespmem:s15+$0x170]  }
0x3a8: {  	[tilespmem:s15+$0x110] =	vst v4;
	v4 =	vmul.f32 v3, v7;
	v7 =	vld [tilespmem:s15+$0x180]  }
0x3a9: {  	[tilespmem:s15+$0x120] =	vst v0;
	v0 =	vmul.f32 v3, v5;
	v5 =	vld [tilespmem:s15+$0x190]  }
0x3aa: {  	[tilespmem:s15+$0x130] =	vst v4;
	v4 =	vmul.f32 v3, v8;
	v8 =	vld [tilespmem:s15+$0x1A0]  }
0x3ab: {  	[tilespmem:s15+$0x140] =	vst v0;
	v0 =	vmul.f32 v3, v6;
	v6 =	vld [tilespmem:s15+$0x1B0]  }
0x3ac: {  	[tilespmem:s15+$0x150] =	vst v4;
	v3 =	vmul.f32 v3, v9;
	v4 =	vld [tilespmem:s15+$0x1C0]  }
0x3ad: {  	[tilespmem:s15+$0x160] =	vst v0;
	v0 =	vmul.f32 v2, v7;
	v7 =	vld [tilespmem:s15+$0x1D0]  }
0x3ae: {  	[tilespmem:s15+$0x170] =	vst v3;
	v3 =	vmul.f32 v2, v5;
	v5 =	vld [tilespmem:s15+$0x1E0]  }
0x3af: {  	[tilespmem:s15+$0x180] =	vst v0;
	v0 =	vmul.f32 v2, v8;
	v8 =	vld [tilespmem:s15+$0x1F0]  }
0x3b0: {  	[tilespmem:s15+$0x190] =	vst v3;
	v3 =	vmul.f32 v2, v6;
	v6 =	vld [tilespmem:s15+$0x200]  }
0x3b1: {  	[tilespmem:s15+$0x1A0] =	vst v0;
	v0 =	vmul.f32 v2, v4;
	v4 =	vld [tilespmem:s15+$0x210]  }
0x3b2: {  	[tilespmem:s15+$0x1B0] =	vst v3;
	v3 =	vmul.f32 v2, v7;
	v7 =	vld [tilespmem:s15+$0x220]  }
0x3b3: {  	[tilespmem:s15+$0x1C0] =	vst v0;
	v0 =	vmul.f32 v2, v5;
	v5 =	vld [tilespmem:s15+$0x230]  }
0x3b4: {  	[tilespmem:s15+$0x1D0] =	vst v3;
	v2 =	vmul.f32 v2, v8;
	v3 =	vld [tilespmem:s15+$0x240]  }
0x3b5: {  	[tilespmem:s15+$0x1E0] =	vst v0;
	v0 =	vmul.f32 v1, v6;
	v6 =	vld [tilespmem:s15+$0x250]  }
0x3b6: {  	[tilespmem:s15+$0x1F0] =	vst v2;
	v2 =	vmul.f32 v1, v4;
	v4 =	vld [tilespmem:s15+$0x260]  }
0x3b7: {  	[tilespmem:s15+$0x200] =	vst v0;
	v0 =	vmul.f32 v1, v7  }
0x3b8: {  	[tilespmem:s15+$0x210] =	vst v2;
	v2 =	vmul.f32 v1, v5  }
0x3b9: {  	[tilespmem:s15+$0x220] =	vst v0;
	v0 =	vmul.f32 v1, v3  }
0x3ba: {  	[tilespmem:s15+$0x230] =	vst v2;
	v2 =	vmul.f32 v1, v6  }
0x3bb: {  	p2 =	sne.s32 s20, $0x10;
	[tilespmem:s15+$0x240] =	vst v0;
	v0 =	vmul.f32 v1, v4  }
0x3bc: {  	s10 =	sadd.s32 @p2 s13, s12;
	[tilespmem:s15+$0x250] =	vst v2  }
0x3bd: {  	s10 =	sshrl.u32 @p2 s10, $0x3;
	[tilespmem:s15+$0x260] =	vst v0;
	s15 =	simm.s32 $0x13D00  }
0x3be: {  	[spmem:s3] =	stream.indirect.scatter.add.f32 [tilespmem:s9], [sflag:$0x6], $0x80, s15, s26, $0xb8;
	[tilespmem:$0x1E080] =	vst v63  }
0x3bf: {  	s11 =	simm.s32 @p2 $0x0;
	s10 =	sadd.s32 @p2 s5, s10;
	s14 =	simm.s32 @p2 $0x14280  }
0x3c0: {  	[tilespmem:s14], [sflag:$0xC] =	stream.linear.gather @p2 [hbm4b:s10+s11], $0x180, $0x38;
	[tilespmem:$0x1E080] =	vst v63  }
0x3c1: {  	s10 =	simm.s32 @p2 $0x5  }
0x3c2: {  	_ =	swait.ge @p2 [sflag:s10], $0x3200  }
0x3c3: {  	[sflag:s10] =	ssyncset.done @p2 $0x0  }
0x3c4: {  	[sflag:s10] =	ssyncadd.s32 @p2 $0xFFFFCE00;
	s10 =	simm.s32 @p2 $0xB  }
0x3c5: {  	s15 =	simm.s32 $0x0;
	_ =	swait.ge @p2 [sflag:s10], $0x180  }
0x3c6: {  	v0 =	vmov s15;
	s15 =	simm.s32 $0x3;
	s11 =	simm.s32 @p2 $0x14080;
	[sflag:s10] =	ssyncset.done @p2 $0x0  }
0x3c7: {  	s14 =	simm.s32 @p2 $0x17880;
	[sflag:s10] =	ssyncadd.s32 @p2 $0xFFFFFE80;
	s10 =	simm.s32 @p2 $0x64  }
0x3c8: {  	v0 =	vand.u32 $0x7E, v0;
	v3 =	vmov s15;
	[tilespmem:s14], [sflag:$0x2] =	stream.indirect.gather @p2 [hbm4b:s1+s10], $0x80, s11, s10, $0xb8;
	[tilespmem:$0x1E080] =	vst v63  }
0x3c9: {  	v0 =	vor.u32 $0x100, v0;
	v3 =	vand.u32 $0xFF, v3;
	s10 =	simm.s32 @!p2 $0x5  }
0x3ca: {  	v0 =	vbroadcast v0, $0x0;
	v3 =	vor.u32 $0x100, v3;
	_ =	swait.ge @!p2 [sflag:s10], $0x3200  }
0x3cb: {  	v3 =	vbroadcast v3, $0x0;
	[sflag:s10] =	ssyncset.done @!p2 $0x0  }
0x3cc: {  	[sflag:s10] =	ssyncadd.s32 @!p2 $0xFFFFCE00  }
0x3cd: {  	_ =	swait.ge [sflag:s31], $0x3200  }
0x3ce: {  	[sflag:s31] =	ssyncset.done $0x0  }
0x3cf: {  	s14 =	simm.s32 $0x2;
	[sflag:s31] =	ssyncadd.s32 $0xFFFFCE00  }
0x3d0: {  	v2 =	vmov s14;
	s14 =	simm.s32 $0x9;
	v5 =	vld.idx.msk [tilespmem:v0+s2+$0x0], $0xffff  }
0x3d1: {  	v4 =	vmov s14;
	s14 =	simm.s32 $0x14700;
	v3 =	vld.idx.msk [tilespmem:v3+s2+$0x0], $0xffff  }
0x3d2: {  	v6 =	vld [tilespmem:s14+$0xFFFFFD90]  }
0x3d3: {  	s11 =	simm.s32 $0x1;
	v7 =	vld [tilespmem:s14+$0xFFFFFDA0]  }
0x3d4: {  	v1 =	vmov s11;
	v8 =	vld [tilespmem:s14+$0xFFFFFDB0]  }
0x3d5: {  	v1 =	vand.u32 $0x7F, v1;
	v9 =	vld [tilespmem:s14+$0xFFFFFDC0]  }
0x3d6: {  	v1 =	vor.u32 $0x100, v1;
	v4 =	vand.u32 $0xFF, v4;
	v10 =	vld [tilespmem:s14+$0xFFFFFDD0]  }
0x3d7: {  	v1 =	vbroadcast v1, $0x0;
	v4 =	vor.u32 $0x100, v4;
	v11 =	vld [tilespmem:s14+$0xFFFFFDE0]  }
0x3d8: {  	v4 =	vbroadcast v4, $0x0;
	v12 =	vld [tilespmem:s14+$0x270]  }
0x3d9: {  	v13 =	vld [tilespmem:s14+$0xFFFFFE00]  }
0x3da: {  	v2 =	vand.u32 $0xFE, v2;
	v14 =	vld [tilespmem:s14+$0xFFFFFE10]  }
0x3db: {  	v2 =	vor.u32 $0x100, v2;
	v15 =	vld [tilespmem:s14+$0xFFFFFE20]  }
0x3dc: {  	v2 =	vbroadcast v2, $0x0;
	v16 =	vld [tilespmem:s14+$0xFFFFFE30]  }
0x3dd: {  	v1 =	vld.idx.msk [tilespmem:v1+s2+$0x0], $0xffff  }
0x3de: {  	v0 =	vld.idx.msk [tilespmem:v4+s2+$0x0], $0xffff  }
0x3df: {  	v4 =	vld [tilespmem:s14+$0xFFFFFD80];
	v6 =	vmul.f32 v5, v6  }
0x3e0: {  	v17 =	vld [tilespmem:s14+$0xFFFFFE40];
	v7 =	vmul.f32 v5, v7  }
0x3e1: {  	v18 =	vld [tilespmem:s14+$0xFFFFFE70];
	[tilespmem:s14+$0xFFFFFD90] =	vst v6;
	v6 =	vmul.f32 v5, v8  }
0x3e2: {  	v2 =	vld.idx.msk [tilespmem:v2+s2+$0x0], $0xffff;
	[tilespmem:s14+$0xFFFFFDA0] =	vst v7;
	v7 =	vmul.f32 v5, v9  }
0x3e3: {  	v8 =	vld [tilespmem:s14+$0xFFFFFE60];
	v15 =	vmul.f32 v1, v15;
	[tilespmem:s14+$0xFFFFFDB0] =	vst v6  }
0x3e4: {  	v9 =	vld [tilespmem:s14+$0xFFFFFE80];
	v4 =	vmul.f32 v5, v4;
	[tilespmem:s14+$0xFFFFFDC0] =	vst v7  }
0x3e5: {  	v12 =	vmul.f32 v0, v12;
	v6 =	vmul.f32 v5, v10;
	v10 =	vld [tilespmem:s14+$0xFFFFFE90];
	[tilespmem:s14+$0xFFFFFE20] =	vst v15  }
0x3e6: {  	v7 =	vmul.f32 v5, v11;
	v11 =	vld [tilespmem:s14+$0xFFFFFEA0];
	[tilespmem:s14+$0xFFFFFD80] =	vst v4  }
0x3e7: {  	v4 =	vld [tilespmem:s14+$0xFFFFFDF0];
	[tilespmem:s14+$0x270] =	vst v12  }
0x3e8: {  	v15 =	vmul.f32 v1, v17;
	v12 =	vld [tilespmem:s14+$0xFFFFFE50];
	[tilespmem:s14+$0xFFFFFDD0] =	vst v6  }
0x3e9: {  	[tilespmem:s14+$0xFFFFFDE0] =	vst v7;
	v6 =	vmul.f32 v1, v13;
	v7 =	vld [tilespmem:s14+$0xFFFFFEC0]  }
0x3ea: {  	v13 =	vmul.f32 v1, v14;
	[tilespmem:s14+$0xFFFFFE40] =	vst v15;
	v15 =	vld [tilespmem:s14+$0xFFFFFF20]  }
0x3eb: {  	v8 =	vmul.f32 v1, v8;
	[tilespmem:s14+$0xFFFFFE00] =	vst v6;
	v6 =	vld [tilespmem:s14+$0xFFFFFEE0]  }
0x3ec: {  	[tilespmem:s14+$0xFFFFFE10] =	vst v13;
	v13 =	vmul.f32 v1, v16;
	v16 =	vld [tilespmem:s14+$0xFFFFFF00]  }
0x3ed: {  	[tilespmem:s14+$0xFFFFFE60] =	vst v8;
	v8 =	vmul.f32 v2, v10;
	v10 =	vld [tilespmem:s14+$0xFFFFFF40]  }
0x3ee: {  	v11 =	vmul.f32 v2, v11;
	[tilespmem:s14+$0xFFFFFE30] =	vst v13;
	v13 =	vld [tilespmem:s14+$0xFFFFFF10]  }
0x3ef: {  	v4 =	vmul.f32 v5, v4;
	v5 =	vld [tilespmem:s14+$0xFFFFFEB0];
	[tilespmem:s14+$0xFFFFFE90] =	vst v8  }
0x3f0: {  	v12 =	vmul.f32 v1, v12;
	v8 =	vld [tilespmem:s14+$0xFFFFFF60];
	[tilespmem:s14+$0xFFFFFEA0] =	vst v11  }
0x3f1: {  	s15 =	simm.s32 $0x4;
	v11 =	vld [tilespmem:s14+$0xFFFFFF70];
	[tilespmem:s14+$0xFFFFFDF0] =	vst v4;
	v4 =	vmul.f32 v2, v9  }
0x3f2: {  	v14 =	vmov s15;
	v1 =	vmul.f32 v1, v18;
	v9 =	vld [tilespmem:s14+$0xFFFFFED0];
	[tilespmem:s14+$0xFFFFFE50] =	vst v12  }
0x3f3: {  	v7 =	vmul.f32 v2, v7;
	v12 =	vld [tilespmem:s14+$0xFFFFFF30];
	[tilespmem:s14+$0xFFFFFE80] =	vst v4;
	v4 =	vand.u32 $0xFE, v14  }
0x3f4: {  	[tilespmem:s14+$0xFFFFFE70] =	vst v1;
	v1 =	vmul.f32 v3, v16;
	v16 =	vld [tilespmem:s14+$0xFFFFFF50];
	v4 =	vor.u32 $0x100, v4  }
0x3f5: {  	[tilespmem:s14+$0xFFFFFEC0] =	vst v7;
	v6 =	vmul.f32 v2, v6;
	v14 =	vld [tilespmem:s14+$0xFFFFFEF0];
	v4 =	vbroadcast v4, $0x0  }
0x3f6: {  	s11 =	simm.s32 $0x5;
	v7 =	vld [tilespmem:s14+$0xFFFFFF90];
	v10 =	vmul.f32 v3, v10;
	[tilespmem:s14+$0xFFFFFF00] =	vst v1  }
0x3f7: {  	v17 =	vmov s11;
	[tilespmem:s14+$0xFFFFFEE0] =	vst v6;
	v6 =	vmul.f32 v3, v13;
	v13 =	vld [tilespmem:s14+$0xFFFFFFB0];
	v5 =	vmul.f32 v2, v5  }
0x3f8: {  	v1 =	vand.u32 $0xFF, v17;
	[tilespmem:s14+$0xFFFFFF40] =	vst v10;
	v8 =	vmul.f32 v3, v8;
	v10 =	vld [tilespmem:s14+$0x0]  }
0x3f9: {  	v1 =	vor.u32 $0x100, v1;
	[tilespmem:s14+$0xFFFFFEB0] =	vst v5;
	v5 =	vmul.f32 v2, v9;
	v9 =	vld [tilespmem:s14+$0xFFFFFF80]  }
0x3fa: {  	v1 =	vbroadcast v1, $0x0;
	[tilespmem:s14+$0xFFFFFF60] =	vst v8;
	v8 =	vld [tilespmem:s14+$0x20];
	v2 =	vmul.f32 v2, v14  }
0x3fb: {  	v12 =	vmul.f32 v3, v12;
	[tilespmem:s14+$0xFFFFFED0] =	vst v5;
	v4 =	vld.idx.msk [tilespmem:v4+s2+$0x0], $0xffff  }
0x3fc: {  	v5 =	vld [tilespmem:s14+$0xFFFFFFA0];
	[tilespmem:s14+$0xFFFFFEF0] =	vst v2;
	v2 =	vmul.f32 v3, v15  }
0x3fd: {  	v14 =	vld [tilespmem:s14+$0xFFFFFFC0];
	[tilespmem:s14+$0xFFFFFF30] =	vst v12  }
0x3fe: {  	v12 =	vmul.f32 v3, v16;
	[tilespmem:s14+$0xFFFFFF20] =	vst v2;
	v2 =	vld [tilespmem:s14+$0xFFFFFFE0]  }
0x3ff: {  	[tilespmem:s14+$0xFFFFFF10] =	vst v6;
	v3 =	vmul.f32 v3, v11;
	v11 =	vld [tilespmem:s14+$0x10]  }
0x400: {  	[tilespmem:s14+$0xFFFFFF50] =	vst v12;
	v1 =	vld.idx.msk [tilespmem:v1+s2+$0x0], $0xffff;
	v6 =	vmul.f32 v4, v9  }
0x401: {  	s15 =	simm.s32 $0x6;
	v12 =	vld [tilespmem:s14+$0x40];
	[tilespmem:s14+$0xFFFFFF70] =	vst v3;
	v7 =	vmul.f32 v4, v7  }
0x402: {  	v15 =	vmov s15;
	v9 =	vld [tilespmem:s14+$0xFFFFFFD0];
	v3 =	vmul.f32 v4, v5;
	[tilespmem:s14+$0xFFFFFF80] =	vst v6  }
0x403: {  	v5 =	vld [tilespmem:s14+$0x30];
	v2 =	vmul.f32 v4, v2;
	v6 =	vand.u32 $0xFE, v15;
	[tilespmem:s14+$0xFFFFFF90] =	vst v7  }
0x404: {  	v15 =	vld [tilespmem:s14+$0xFFFFFFF0];
	v7 =	vmul.f32 v4, v13;
	[tilespmem:s14+$0xFFFFFFA0] =	vst v3;
	v6 =	vor.u32 $0x100, v6  }
0x405: {  	s11 =	simm.s32 $0x7;
	v3 =	vmul.f32 v1, v10;
	v10 =	vld [tilespmem:s14+$0x50];
	[tilespmem:s14+$0xFFFFFFE0] =	vst v2;
	v6 =	vbroadcast v6, $0x0  }
0x406: {  	v13 =	vmul.f32 v4, v14;
	v14 =	vmov s11;
	v2 =	vmul.f32 v1, v11;
	v11 =	vld [tilespmem:s14+$0x90];
	[tilespmem:s14+$0xFFFFFFB0] =	vst v7  }
0x407: {  	v7 =	vld [tilespmem:s14+$0x60];
	[tilespmem:s14+$0x0] =	vst v3;
	v3 =	vand.u32 $0xFF, v14  }
0x408: {  	[tilespmem:s14+$0xFFFFFFC0] =	vst v13;
	v13 =	vld [tilespmem:s14+$0x70];
	v9 =	vmul.f32 v4, v9;
	v3 =	vor.u32 $0x100, v3  }
0x409: {  	[tilespmem:s14+$0x10] =	vst v2;
	v2 =	vmul.f32 v1, v5;
	v5 =	vld [tilespmem:s14+$0xB0];
	v3 =	vbroadcast v3, $0x0  }
0x40a: {  	[tilespmem:s14+$0xFFFFFFD0] =	vst v9;
	v4 =	vmul.f32 v4, v15;
	v9 =	vld [tilespmem:s14+$0x80]  }
0x40b: {  	[tilespmem:s14+$0x30] =	vst v2;
	v10 =	vmul.f32 v1, v10;
	v6 =	vld.idx.msk [tilespmem:v6+s2+$0x0], $0xffff  }
0x40c: {  	[tilespmem:s14+$0xFFFFFFF0] =	vst v4;
	v4 =	vmul.f32 v1, v8;
	v8 =	vld [tilespmem:s14+$0xA0]  }
0x40d: {  	v7 =	vmul.f32 v1, v7;
	[tilespmem:s14+$0x50] =	vst v10;
	v10 =	vld [tilespmem:s14+$0xF0]  }
0x40e: {  	[tilespmem:s14+$0x20] =	vst v4;
	v4 =	vmul.f32 v1, v12;
	v12 =	vld [tilespmem:s14+$0xC0]  }
0x40f: {  	v1 =	vmul.f32 v1, v13;
	[tilespmem:s14+$0x60] =	vst v7;
	v3 =	vld.idx.msk [tilespmem:v3+s2+$0x0], $0xffff  }
0x410: {  	s15 =	simm.s32 $0x8;
	[tilespmem:s14+$0x40] =	vst v4;
	v4 =	vld [tilespmem:s14+$0xE0];
	v2 =	vmul.f32 v6, v9  }
0x411: {  	v14 =	vmov s15;
	[tilespmem:s14+$0x70] =	vst v1;
	v9 =	vld [tilespmem:s14+$0xD0];
	v7 =	vmul.f32 v6, v11  }
0x412: {  	v11 =	vld [tilespmem:s14+$0x100];
	v1 =	vmul.f32 v6, v8;
	[tilespmem:s14+$0x80] =	vst v2;
	v2 =	vand.u32 $0xFE, v14  }
0x413: {  	v8 =	vld [tilespmem:s14+$0x110];
	v5 =	vmul.f32 v6, v5;
	[tilespmem:s14+$0x90] =	vst v7;
	v2 =	vor.u32 $0x100, v2  }
0x414: {  	v7 =	vld [tilespmem:s14+$0x120];
	[tilespmem:s14+$0xA0] =	vst v1;
	v1 =	vmul.f32 v6, v12;
	v2 =	vbroadcast v2, $0x0  }
0x415: {  	v12 =	vld [tilespmem:s14+$0x130];
	[tilespmem:s14+$0xB0] =	vst v5;
	v4 =	vmul.f32 v6, v4  }
0x416: {  	[tilespmem:s14+$0xC0] =	vst v1;
	v5 =	vmul.f32 v6, v9;
	v9 =	vld [tilespmem:s14+$0x140]  }
0x417: {  	v1 =	vmul.f32 v3, v11;
	v11 =	vld [tilespmem:s14+$0x150];
	[tilespmem:s14+$0xE0] =	vst v4  }
0x418: {  	v4 =	vmul.f32 v3, v8;
	v8 =	vld [tilespmem:s14+$0x180];
	[tilespmem:s14+$0xD0] =	vst v5  }
0x419: {  	s11 =	simm.s32 $0xA;
	v5 =	vld [tilespmem:s14+$0x160];
	[tilespmem:s14+$0x100] =	vst v1;
	v7 =	vmul.f32 v3, v7  }
0x41a: {  	v1 =	vmov s11;
	[tilespmem:s14+$0x110] =	vst v4;
	v13 =	vld.idx.msk [tilespmem:v2+s2+$0x0], $0xffff;
	v2 =	vmul.f32 v6, v10  }
0x41b: {  	s15 =	simm.s32 $0xB;
	s11 =	simm.s32 $0xC;
	v4 =	vmul.f32 v3, v12;
	v1 =	vand.u32 $0x7E, v1;
	[tilespmem:s14+$0x120] =	vst v7;
	v6 =	vld [tilespmem:s14+$0x170]  }
0x41c: {  	v12 =	vld [tilespmem:s14+$0x190];
	v10 =	vmov s11;
	s11 =	simm.s32 $0xE;
	v7 =	vmul.f32 v3, v9;
	[tilespmem:s14+$0xF0] =	vst v2;
	v2 =	vmov s15;
	s15 =	simm.s32 $0xD  }
0x41d: {  	[tilespmem:s14+$0x130] =	vst v4;
	v9 =	vld [tilespmem:s14+$0x1A0];
	v4 =	vmul.f32 v3, v11;
	v15 =	vmov s11;
	s11 =	simm.s32 $0x10;
	v14 =	vmov s15;
	s15 =	simm.s32 $0xF  }
0x41e: {  	v1 =	vor.u32 $0x100, v1;
	v11 =	vld [tilespmem:s14+$0x1B0];
	v17 =	vmov s11;
	[tilespmem:s14+$0x140] =	vst v7;
	v16 =	vmov s15;
	s15 =	simm.s32 $0x11  }
0x41f: {  	v5 =	vmul.f32 v3, v5;
	v7 =	vld [tilespmem:s14+$0x1C0];
	[tilespmem:s14+$0x150] =	vst v4;
	v4 =	vand.u32 $0x7F, v2;
	v18 =	vmov s15  }
0x420: {  	v2 =	vmul.f32 v3, v6;
	v3 =	vmul.f32 v13, v8;
	v8 =	vand.u32 $0xFE, v10  }
0x421: {  	[tilespmem:s14+$0x160] =	vst v5;
	v5 =	vld [tilespmem:s14+$0x1E0];
	s15 =	simm.s32 $0x12;
	v10 =	vand.u32 $0xFF, v14;
	v14 =	vand.u32 $0xFE, v15;
	v15 =	vand.u32 $0xFF, v16  }
0x422: {  	v6 =	vld [tilespmem:s14+$0x1D0];
	v16 =	vand.u32 $0xFE, v17;
	v12 =	vmul.f32 v13, v12;
	v19 =	vmov s15;
	[tilespmem:s14+$0x180] =	vst v3  }
0x423: {  	v17 =	vand.u32 $0xFF, v18;
	[tilespmem:s14+$0x170] =	vst v2;
	v3 =	vmul.f32 v13, v9;
	v9 =	vld [tilespmem:s14+$0x1F0];
	v2 =	vbroadcast v1, $0x0  }
0x424: {  	v1 =	vor.u32 $0x100, v4;
	[tilespmem:s14+$0x190] =	vst v12;
	v4 =	vmul.f32 v13, v11;
	v11 =	vld [tilespmem:s14+$0x200];
	v12 =	vmul.f32 v13, v7  }
0x425: {  	v8 =	vor.u32 $0x100, v8;
	v10 =	vor.u32 $0x100, v10;
	v18 =	vand.u32 $0xFE, v19;
	v19 =	vld [tilespmem:s14+$0x210];
	[tilespmem:s14+$0x1A0] =	vst v3  }
0x426: {  	v15 =	vor.u32 $0x100, v15;
	v7 =	vld [tilespmem:s14+$0x220];
	v3 =	vbroadcast v1, $0x0;
	[tilespmem:s14+$0x1C0] =	vst v12;
	v12 =	vmul.f32 v13, v5  }
0x427: {  	v1 =	vor.u32 $0x100, v14;
	[tilespmem:s14+$0x1B0] =	vst v4;
	v4 =	vbroadcast v8, $0x0;
	v8 =	vld [tilespmem:s14+$0x230];
	v14 =	vmul.f32 v13, v6  }
0x428: {  	v5 =	vbroadcast v10, $0x0;
	v6 =	vor.u32 $0x100, v16;
	[tilespmem:s14+$0x1E0] =	vst v12;
	v63 =	vmul.f32 v13, v9;
	v9 =	vld [tilespmem:s14+$0x240]  }
0x429: {  	v10 =	vld [tilespmem:s14+$0x250];
	v1 =	vbroadcast v1, $0x0;
	v16 =	vor.u32 $0x100, v18;
	[tilespmem:s14+$0x1D0] =	vst v14;
	v13 =	vmul.f32 v0, v11  }
0x42a: {  	s10 =	simm.s32 $0x13;
	s15 =	simm.s32 $0x14;
	v12 =	vbroadcast v15, $0x0;
	v14 =	vor.u32 $0x100, v17;
	v15 =	vmul.f32 v0, v19;
	v11 =	vld [tilespmem:s14+$0x260];
	[tilespmem:s14+$0x1F0] =	vst v63  }
.LBB2_9:
0x42b: {  	p2 =	slt.u32 s15, $0x5A;
	v17 =	vld.idx.msk [tilespmem:v2+s2+$0x0], $0xffff;
	v2 =	vbroadcast v6, $0x0;
	v6 =	vmov s10;
	[tilespmem:s14+$0x200] =	vst v13;
	v13 =	vmul.f32 v0, v7  }
0x42c: {  	v14 =	vbroadcast v14, $0x0;
	v18 =	vld.idx.msk [tilespmem:v3+s2+$0x0], $0xffff;
	v3 =	vand.u32 $0xFF, v6;
	[tilespmem:s14+$0x210] =	vst v15;
	v8 =	vmul.f32 v0, v8  }
0x42d: {  	v15 =	vbroadcast v16, $0x0;
	v7 =	vld.idx.msk [tilespmem:v4+s2+$0x0], $0xffff;
	v3 =	vor.u32 $0x100, v3;
	[tilespmem:s14+$0x220] =	vst v13;
	v4 =	vmul.f32 v0, v9  }
0x42e: {  	v6 =	vld.idx.msk [tilespmem:v5+s2+$0x0], $0xffff;
	v9 =	vbroadcast v3, $0x0;
	[tilespmem:s14+$0x230] =	vst v8;
	v3 =	vmul.f32 v0, v10  }
0x42f: {  	v5 =	vld.idx.msk [tilespmem:v1+s2+$0x0], $0xffff;
	[tilespmem:s14+$0x240] =	vst v4;
	v0 =	vmul.f32 v0, v11  }
0x430: {  	v4 =	vld.idx.msk [tilespmem:v12+s2+$0x0], $0xffff;
	[tilespmem:s14+$0x250] =	vst v3  }
0x431: {  	v3 =	vld.idx.msk [tilespmem:v2+s2+$0x0], $0xffff;
	[tilespmem:s14+$0x260] =	vst v0  }
0x432: {  	v2 =	vld.idx.msk [tilespmem:v14+s2+$0x0], $0xffff  }
0x433: {  	v1 =	vld.idx.msk [tilespmem:v15+s2+$0x0], $0xffff  }
0x434: {  	s14 =	sadd.s32 $0x500, s14;
	v0 =	vld.idx.msk [tilespmem:v9+s2+$0x0], $0xffff  }
0x435: {  	v8 =	vld [tilespmem:s14+$0x270]  }
0x436: {  	v9 =	vld [tilespmem:s14+$0xFFFFFD80]  }
0x437: {  	v10 =	vld [tilespmem:s14+$0xFFFFFD90]  }
0x438: {  	v11 =	vld [tilespmem:s14+$0xFFFFFDA0]  }
0x439: {  	v12 =	vld [tilespmem:s14+$0xFFFFFDB0]  }
0x43a: {  	v13 =	vld [tilespmem:s14+$0xFFFFFDC0];
	v8 =	vmul.f32 v0, v8  }
0x43b: {  	v9 =	vmul.f32 v17, v9;
	v14 =	vld [tilespmem:s14+$0xFFFFFDD0]  }
0x43c: {  	v10 =	vmul.f32 v17, v10;
	v15 =	vld [tilespmem:s14+$0xFFFFFDE0];
	[tilespmem:s14+$0x270] =	vst v8  }
0x43d: {  	[tilespmem:s14+$0xFFFFFD80] =	vst v9;
	v8 =	vmul.f32 v17, v11;
	v9 =	vld [tilespmem:s14+$0xFFFFFDF0]  }
0x43e: {  	[tilespmem:s14+$0xFFFFFD90] =	vst v10;
	v10 =	vmul.f32 v17, v12;
	v11 =	vld [tilespmem:s14+$0xFFFFFE00]  }
0x43f: {  	[tilespmem:s14+$0xFFFFFDA0] =	vst v8;
	v8 =	vmul.f32 v17, v13;
	v12 =	vld [tilespmem:s14+$0xFFFFFE10]  }
0x440: {  	[tilespmem:s14+$0xFFFFFDB0] =	vst v10;
	v10 =	vmul.f32 v17, v14;
	v13 =	vld [tilespmem:s14+$0xFFFFFE20]  }
0x441: {  	[tilespmem:s14+$0xFFFFFDC0] =	vst v8;
	v8 =	vmul.f32 v17, v15;
	v14 =	vld [tilespmem:s14+$0xFFFFFE30]  }
0x442: {  	[tilespmem:s14+$0xFFFFFDD0] =	vst v10;
	v9 =	vmul.f32 v17, v9;
	v10 =	vld [tilespmem:s14+$0xFFFFFE40]  }
0x443: {  	[tilespmem:s14+$0xFFFFFDE0] =	vst v8;
	v8 =	vmul.f32 v18, v11;
	v11 =	vld [tilespmem:s14+$0xFFFFFE50]  }
0x444: {  	[tilespmem:s14+$0xFFFFFDF0] =	vst v9;
	v9 =	vmul.f32 v18, v12;
	v12 =	vld [tilespmem:s14+$0xFFFFFE60]  }
0x445: {  	[tilespmem:s14+$0xFFFFFE00] =	vst v8;
	v8 =	vmul.f32 v18, v13;
	v13 =	vld [tilespmem:s14+$0xFFFFFE70]  }
0x446: {  	[tilespmem:s14+$0xFFFFFE10] =	vst v9;
	v9 =	vmul.f32 v18, v14;
	v14 =	vld [tilespmem:s14+$0xFFFFFE80]  }
0x447: {  	[tilespmem:s14+$0xFFFFFE20] =	vst v8;
	v8 =	vmul.f32 v18, v10;
	v10 =	vld [tilespmem:s14+$0xFFFFFE90]  }
0x448: {  	[tilespmem:s14+$0xFFFFFE30] =	vst v9;
	v9 =	vmul.f32 v18, v11;
	v11 =	vld [tilespmem:s14+$0xFFFFFEA0]  }
0x449: {  	[tilespmem:s14+$0xFFFFFE40] =	vst v8;
	v8 =	vmul.f32 v18, v12;
	v12 =	vld [tilespmem:s14+$0xFFFFFEB0]  }
0x44a: {  	[tilespmem:s14+$0xFFFFFE50] =	vst v9;
	v9 =	vmul.f32 v18, v13;
	v13 =	vld [tilespmem:s14+$0xFFFFFEC0]  }
0x44b: {  	[tilespmem:s14+$0xFFFFFE60] =	vst v8;
	v8 =	vmul.f32 v7, v14;
	v14 =	vld [tilespmem:s14+$0xFFFFFED0]  }
0x44c: {  	[tilespmem:s14+$0xFFFFFE70] =	vst v9;
	v9 =	vmul.f32 v7, v10;
	v10 =	vld [tilespmem:s14+$0xFFFFFEE0]  }
0x44d: {  	[tilespmem:s14+$0xFFFFFE80] =	vst v8;
	v8 =	vmul.f32 v7, v11;
	v11 =	vld [tilespmem:s14+$0xFFFFFEF0]  }
0x44e: {  	[tilespmem:s14+$0xFFFFFE90] =	vst v9;
	v9 =	vmul.f32 v7, v12;
	v12 =	vld [tilespmem:s14+$0xFFFFFF00]  }
0x44f: {  	[tilespmem:s14+$0xFFFFFEA0] =	vst v8;
	v8 =	vmul.f32 v7, v13;
	v13 =	vld [tilespmem:s14+$0xFFFFFF10]  }
0x450: {  	[tilespmem:s14+$0xFFFFFEB0] =	vst v9;
	v9 =	vmul.f32 v7, v14;
	v14 =	vld [tilespmem:s14+$0xFFFFFF20]  }
0x451: {  	[tilespmem:s14+$0xFFFFFEC0] =	vst v8;
	v8 =	vmul.f32 v7, v10;
	v10 =	vld [tilespmem:s14+$0xFFFFFF30]  }
0x452: {  	[tilespmem:s14+$0xFFFFFED0] =	vst v9;
	v7 =	vmul.f32 v7, v11;
	v9 =	vld [tilespmem:s14+$0xFFFFFF40]  }
0x453: {  	[tilespmem:s14+$0xFFFFFEE0] =	vst v8;
	v8 =	vmul.f32 v6, v12;
	v11 =	vld [tilespmem:s14+$0xFFFFFF50]  }
0x454: {  	[tilespmem:s14+$0xFFFFFEF0] =	vst v7;
	v7 =	vmul.f32 v6, v13;
	v12 =	vld [tilespmem:s14+$0xFFFFFF60]  }
0x455: {  	[tilespmem:s14+$0xFFFFFF00] =	vst v8;
	v8 =	vmul.f32 v6, v14;
	v13 =	vld [tilespmem:s14+$0xFFFFFF70]  }
0x456: {  	[tilespmem:s14+$0xFFFFFF10] =	vst v7;
	v7 =	vmul.f32 v6, v10;
	v10 =	vld [tilespmem:s14+$0xFFFFFF80]  }
0x457: {  	[tilespmem:s14+$0xFFFFFF20] =	vst v8;
	v8 =	vmul.f32 v6, v9;
	v9 =	vld [tilespmem:s14+$0xFFFFFF90]  }
0x458: {  	[tilespmem:s14+$0xFFFFFF30] =	vst v7;
	v7 =	vmul.f32 v6, v11;
	v11 =	vld [tilespmem:s14+$0xFFFFFFA0]  }
0x459: {  	[tilespmem:s14+$0xFFFFFF40] =	vst v8;
	v8 =	vmul.f32 v6, v12;
	v12 =	vld [tilespmem:s14+$0xFFFFFFB0]  }
0x45a: {  	[tilespmem:s14+$0xFFFFFF50] =	vst v7;
	v6 =	vmul.f32 v6, v13;
	v7 =	vld [tilespmem:s14+$0xFFFFFFC0]  }
0x45b: {  	[tilespmem:s14+$0xFFFFFF60] =	vst v8;
	v8 =	vmul.f32 v5, v10;
	v10 =	vld [tilespmem:s14+$0xFFFFFFD0]  }
0x45c: {  	[tilespmem:s14+$0xFFFFFF70] =	vst v6;
	v6 =	vmul.f32 v5, v9;
	v9 =	vld [tilespmem:s14+$0xFFFFFFE0]  }
0x45d: {  	[tilespmem:s14+$0xFFFFFF80] =	vst v8;
	v8 =	vmul.f32 v5, v11;
	v11 =	vld [tilespmem:s14+$0xFFFFFFF0]  }
0x45e: {  	[tilespmem:s14+$0xFFFFFF90] =	vst v6;
	v6 =	vmul.f32 v5, v12;
	v12 =	vld [tilespmem:s14+$0x0]  }
0x45f: {  	[tilespmem:s14+$0xFFFFFFA0] =	vst v8;
	v7 =	vmul.f32 v5, v7;
	v8 =	vld [tilespmem:s14+$0x10]  }
0x460: {  	[tilespmem:s14+$0xFFFFFFB0] =	vst v6;
	v6 =	vmul.f32 v5, v10;
	v10 =	vld [tilespmem:s14+$0x20]  }
0x461: {  	[tilespmem:s14+$0xFFFFFFC0] =	vst v7;
	v7 =	vmul.f32 v5, v9;
	v9 =	vld [tilespmem:s14+$0x30]  }
0x462: {  	[tilespmem:s14+$0xFFFFFFD0] =	vst v6;
	v5 =	vmul.f32 v5, v11;
	v6 =	vld [tilespmem:s14+$0x40]  }
0x463: {  	[tilespmem:s14+$0xFFFFFFE0] =	vst v7;
	v7 =	vmul.f32 v4, v12;
	v11 =	vld [tilespmem:s14+$0x50]  }
0x464: {  	[tilespmem:s14+$0xFFFFFFF0] =	vst v5;
	v5 =	vmul.f32 v4, v8;
	v8 =	vld [tilespmem:s14+$0x60]  }
0x465: {  	[tilespmem:s14+$0x0] =	vst v7;
	v7 =	vmul.f32 v4, v10;
	v10 =	vld [tilespmem:s14+$0x70]  }
0x466: {  	[tilespmem:s14+$0x10] =	vst v5;
	v5 =	vmul.f32 v4, v9;
	v9 =	vld [tilespmem:s14+$0x80]  }
0x467: {  	[tilespmem:s14+$0x20] =	vst v7;
	v6 =	vmul.f32 v4, v6;
	v7 =	vld [tilespmem:s14+$0x90]  }
0x468: {  	[tilespmem:s14+$0x30] =	vst v5;
	v5 =	vmul.f32 v4, v11;
	v11 =	vld [tilespmem:s14+$0xA0]  }
0x469: {  	[tilespmem:s14+$0x40] =	vst v6;
	v6 =	vmul.f32 v4, v8;
	v8 =	vld [tilespmem:s14+$0xB0]  }
0x46a: {  	[tilespmem:s14+$0x50] =	vst v5;
	v4 =	vmul.f32 v4, v10;
	v5 =	vld [tilespmem:s14+$0xC0]  }
0x46b: {  	[tilespmem:s14+$0x60] =	vst v6;
	v6 =	vmul.f32 v3, v9;
	v9 =	vld [tilespmem:s14+$0xD0]  }
0x46c: {  	[tilespmem:s14+$0x70] =	vst v4;
	v4 =	vmul.f32 v3, v7;
	v7 =	vld [tilespmem:s14+$0xE0]  }
0x46d: {  	[tilespmem:s14+$0x80] =	vst v6;
	v6 =	vmul.f32 v3, v11;
	v10 =	vld [tilespmem:s14+$0xF0]  }
0x46e: {  	[tilespmem:s14+$0x90] =	vst v4;
	v4 =	vmul.f32 v3, v8;
	v8 =	vld [tilespmem:s14+$0x100]  }
0x46f: {  	[tilespmem:s14+$0xA0] =	vst v6;
	v5 =	vmul.f32 v3, v5;
	v6 =	vld [tilespmem:s14+$0x110]  }
0x470: {  	[tilespmem:s14+$0xB0] =	vst v4;
	v4 =	vmul.f32 v3, v9;
	v9 =	vld [tilespmem:s14+$0x120]  }
0x471: {  	[tilespmem:s14+$0xC0] =	vst v5;
	v5 =	vmul.f32 v3, v7;
	v7 =	vld [tilespmem:s14+$0x130]  }
0x472: {  	[tilespmem:s14+$0xD0] =	vst v4;
	v3 =	vmul.f32 v3, v10;
	v4 =	vld [tilespmem:s14+$0x140]  }
0x473: {  	[tilespmem:s14+$0xE0] =	vst v5;
	v5 =	vmul.f32 v2, v8;
	v8 =	vld [tilespmem:s14+$0x150]  }
0x474: {  	s10 =	sadd.s32 $0x1, s15;
	v10 =	vmov s15;
	[tilespmem:s14+$0xF0] =	vst v3;
	v3 =	vmul.f32 v2, v6;
	v6 =	vld [tilespmem:s14+$0x160]  }
0x475: {  	s11 =	sadd.s32 $0x3, s15;
	v11 =	vmov s10;
	s10 =	sadd.s32 $0x2, s15;
	v10 =	vand.u32 $0x7E, v10;
	[tilespmem:s14+$0x100] =	vst v5;
	v5 =	vmul.f32 v2, v9;
	v9 =	vld [tilespmem:s14+$0x170]  }
0x476: {  	v13 =	vmov s11;
	s11 =	sadd.s32 $0x5, s15;
	v12 =	vmov s10;
	s10 =	sadd.s32 $0x4, s15;
	[tilespmem:s14+$0x110] =	vst v3;
	v3 =	vmul.f32 v2, v7;
	v7 =	vld [tilespmem:s14+$0x180]  }
0x477: {  	v15 =	vmov s11;
	s11 =	sadd.s32 $0x7, s15;
	v14 =	vmov s10;
	s10 =	sadd.s32 $0x6, s15;
	[tilespmem:s14+$0x120] =	vst v5;
	v4 =	vmul.f32 v2, v4;
	v5 =	vld [tilespmem:s14+$0x190]  }
0x478: {  	v17 =	vmov s11;
	v16 =	vmov s10;
	s10 =	sadd.s32 $0x8, s15;
	[tilespmem:s14+$0x130] =	vst v3;
	v3 =	vmul.f32 v2, v8;
	v8 =	vld [tilespmem:s14+$0x1A0]  }
0x479: {  	v18 =	vmov s10;
	v10 =	vor.u32 $0x100, v10;
	[tilespmem:s14+$0x140] =	vst v4;
	v4 =	vmul.f32 v2, v6;
	v6 =	vld [tilespmem:s14+$0x1B0]  }
0x47a: {  	v11 =	vand.u32 $0x7F, v11;
	v12 =	vand.u32 $0xFE, v12;
	[tilespmem:s14+$0x150] =	vst v3;
	v2 =	vmul.f32 v2, v9;
	v3 =	vld [tilespmem:s14+$0x1C0]  }
0x47b: {  	v9 =	vand.u32 $0xFF, v13;
	v13 =	vand.u32 $0xFE, v14;
	[tilespmem:s14+$0x160] =	vst v4;
	v4 =	vmul.f32 v1, v7;
	v7 =	vld [tilespmem:s14+$0x1D0]  }
0x47c: {  	v14 =	vand.u32 $0xFF, v15;
	v15 =	vand.u32 $0xFE, v16;
	[tilespmem:s14+$0x170] =	vst v2;
	v5 =	vmul.f32 v1, v5;
	v16 =	vld [tilespmem:s14+$0x1E0]  }
0x47d: {  	v17 =	vand.u32 $0xFF, v17;
	v18 =	vand.u32 $0xFE, v18;
	[tilespmem:s14+$0x180] =	vst v4;
	v4 =	vmul.f32 v1, v8;
	v19 =	vld [tilespmem:s14+$0x1F0]  }
0x47e: {  	v2 =	vbroadcast v10, $0x0;
	v8 =	vor.u32 $0x100, v11;
	[tilespmem:s14+$0x190] =	vst v5;
	v5 =	vmul.f32 v1, v6;
	v10 =	vld [tilespmem:s14+$0x200]  }
0x47f: {  	v9 =	vor.u32 $0x100, v9;
	v6 =	vor.u32 $0x100, v12;
	[tilespmem:s14+$0x1A0] =	vst v4;
	v11 =	vmul.f32 v1, v3;
	v20 =	vld [tilespmem:s14+$0x210]  }
.Ltmp5:
0x480: {  	v12 =	vor.u32 $0x100, v13;
	v3 =	vbroadcast v8, $0x0;
	[tilespmem:s14+$0x1B0] =	vst v5;
	v13 =	vmul.f32 v1, v7;
	v7 =	vld [tilespmem:s14+$0x220];
	(pc) =	sbr.rel @p2 .LBB2_9-.Ltmp5, $4  }
0x481: {  	v21 =	vor.u32 $0x100, v14;
	v4 =	vbroadcast v6, $0x0;
	[tilespmem:s14+$0x1C0] =	vst v11;
	v11 =	vmul.f32 v1, v16;
	v8 =	vld [tilespmem:s14+$0x230]  }
0x482: {  	v6 =	vor.u32 $0x100, v15;
	v5 =	vbroadcast v9, $0x0;
	[tilespmem:s14+$0x1D0] =	vst v13;
	v15 =	vmul.f32 v1, v19;
	v9 =	vld [tilespmem:s14+$0x240]  }
0x483: {  	v14 =	vor.u32 $0x100, v17;
	v1 =	vbroadcast v12, $0x0;
	[tilespmem:s14+$0x1E0] =	vst v11;
	v13 =	vmul.f32 v0, v10;
	v10 =	vld [tilespmem:s14+$0x250]  }
0x484: {  	s10 =	sadd.s32 $0x9, s15;
	s15 =	sadd.s32 $0xA, s15;
	v16 =	vor.u32 $0x100, v18;
	v12 =	vbroadcast v21, $0x0;
	[tilespmem:s14+$0x1F0] =	vst v15;
	v15 =	vmul.f32 v0, v20;
	v11 =	vld [tilespmem:s14+$0x260]  }
0x485: {  	_ =	sdelay $0x3  }
0x486: {  	v17 =	vld.idx.msk [tilespmem:v2+s2+$0x0], $0xffff  }
0x487: {  	v18 =	vld.idx.msk [tilespmem:v3+s2+$0x0], $0xffff  }
0x488: {  	v51 =	vbroadcast v14, $0x0;
	v14 =	vld.idx.msk [tilespmem:v4+s2+$0x0], $0xffff  }
0x489: {  	v19 =	vld.idx.msk [tilespmem:v5+s2+$0x0], $0xffff  }
0x48a: {  	s15 =	sadd.s32 $0x500, s14;
	v5 =	vld.idx.msk [tilespmem:v12+s2+$0x0], $0xffff  }
0x48b: {  	v53 =	vld [tilespmem:s15+$0x270]  }
0x48c: {  	v54 =	vld [tilespmem:s15+$0xFFFFFD80]  }
0x48d: {  	v56 =	vld [tilespmem:s15+$0xFFFFFD90]  }
0x48e: {  	v58 =	vld [tilespmem:s15+$0xFFFFFDA0]  }
0x48f: {  	v60 =	vld [tilespmem:s15+$0xFFFFFDB0]  }
0x490: {  	[tilespmem:s14+$0x200] =	vst v13;
	v7 =	vmul.f32 v0, v7;
	v61 =	vld [tilespmem:s15+$0xFFFFFDC0]  }
0x491: {  	[tilespmem:s14+$0x210] =	vst v15;
	v8 =	vmul.f32 v0, v8;
	v22 =	vld [tilespmem:s15+$0xFFFFFDF0]  }
0x492: {  	v23 =	vld [tilespmem:s15+$0xFFFFFE00];
	[tilespmem:s14+$0x220] =	vst v7;
	v55 =	vmul.f32 v0, v9  }
0x493: {  	v25 =	vld [tilespmem:s15+$0xFFFFFE10];
	[tilespmem:s14+$0x230] =	vst v8;
	v57 =	vmul.f32 v0, v10  }
0x494: {  	v27 =	vld [tilespmem:s15+$0xFFFFFE20];
	[tilespmem:s14+$0x240] =	vst v55;
	v59 =	vmul.f32 v0, v11  }
0x495: {  	v29 =	vld [tilespmem:s15+$0xFFFFFE30];
	[tilespmem:s14+$0x250] =	vst v57;
	v63 =	vmul.f32 v17, v54  }
0x496: {  	v31 =	vld [tilespmem:s15+$0xFFFFFE40];
	[tilespmem:s14+$0x260] =	vst v59;
	v9 =	vmul.f32 v17, v56  }
0x497: {  	v33 =	vld [tilespmem:s15+$0xFFFFFE50];
	v21 =	vmul.f32 v17, v58;
	[tilespmem:s15+$0xFFFFFD80] =	vst v63  }
0x498: {  	v35 =	vld [tilespmem:s15+$0xFFFFFE60];
	v7 =	vmul.f32 v17, v60;
	[tilespmem:s15+$0xFFFFFD90] =	vst v9  }
0x499: {  	v37 =	vld [tilespmem:s15+$0xFFFFFE70];
	v24 =	vmul.f32 v17, v61;
	[tilespmem:s15+$0xFFFFFDA0] =	vst v21  }
0x49a: {  	v39 =	vld [tilespmem:s15+$0xFFFFFE80];
	v30 =	vmul.f32 v17, v22;
	[tilespmem:s15+$0xFFFFFDB0] =	vst v7  }
0x49b: {  	v49 =	vbroadcast v6, $0x0;
	v41 =	vld [tilespmem:s15+$0xFFFFFE90];
	v32 =	vmul.f32 v18, v23;
	[tilespmem:s15+$0xFFFFFDC0] =	vst v24  }
0x49c: {  	v43 =	vld [tilespmem:s15+$0xFFFFFEA0];
	v34 =	vmul.f32 v18, v25;
	[tilespmem:s15+$0xFFFFFDF0] =	vst v30  }
0x49d: {  	v50 =	vmov s10;
	v16 =	vbroadcast v16, $0x0;
	v45 =	vld [tilespmem:s15+$0xFFFFFEB0];
	v36 =	vmul.f32 v18, v27;
	[tilespmem:s15+$0xFFFFFE00] =	vst v32  }
0x49e: {  	v6 =	vand.u32 $0xFF, v50;
	v47 =	vld [tilespmem:s15+$0xFFFFFEC0];
	v38 =	vmul.f32 v18, v29;
	[tilespmem:s15+$0xFFFFFE10] =	vst v34  }
0x49f: {  	v52 =	vor.u32 $0x100, v6;
	v6 =	vld.idx.msk [tilespmem:v1+s2+$0x0], $0xffff;
	v40 =	vmul.f32 v18, v31;
	[tilespmem:s15+$0xFFFFFE20] =	vst v36  }
0x4a0: {  	v55 =	vld [tilespmem:s15+$0xFFFFFF00];
	v42 =	vmul.f32 v18, v33;
	[tilespmem:s15+$0xFFFFFE30] =	vst v38  }
0x4a1: {  	v4 =	vld.idx.msk [tilespmem:v49+s2+$0x0], $0xffff;
	v44 =	vmul.f32 v18, v35;
	[tilespmem:s15+$0xFFFFFE40] =	vst v40  }
0x4a2: {  	v3 =	vld.idx.msk [tilespmem:v51+s2+$0x0], $0xffff;
	v46 =	vmul.f32 v18, v37;
	[tilespmem:s15+$0xFFFFFE50] =	vst v42  }
0x4a3: {  	v2 =	vld.idx.msk [tilespmem:v16+s2+$0x0], $0xffff;
	v48 =	vmul.f32 v14, v39;
	[tilespmem:s15+$0xFFFFFE60] =	vst v44  }
0x4a4: {  	v16 =	vld [tilespmem:s15+$0xFFFFFDD0];
	v50 =	vmul.f32 v14, v41;
	[tilespmem:s15+$0xFFFFFE70] =	vst v46  }
0x4a5: {  	v20 =	vbroadcast v52, $0x0;
	v49 =	vld [tilespmem:s15+$0xFFFFFED0];
	v52 =	vmul.f32 v14, v43;
	[tilespmem:s15+$0xFFFFFE80] =	vst v48  }
0x4a6: {  	v51 =	vld [tilespmem:s15+$0xFFFFFEE0];
	v54 =	vmul.f32 v14, v45;
	[tilespmem:s15+$0xFFFFFE90] =	vst v50  }
0x4a7: {  	v56 =	vmul.f32 v14, v47;
	v61 =	vld [tilespmem:s15+$0xFFFFFF30];
	[tilespmem:s15+$0xFFFFFEA0] =	vst v52  }
0x4a8: {  	v23 =	vld [tilespmem:s15+$0xFFFFFF80];
	[tilespmem:s15+$0xFFFFFEB0] =	vst v54;
	v15 =	vmul.f32 v19, v55  }
0x4a9: {  	v25 =	vld [tilespmem:s15+$0xFFFFFF90];
	[tilespmem:s15+$0xFFFFFEC0] =	vst v56;
	v26 =	vmul.f32 v17, v16  }
0x4aa: {  	v27 =	vld [tilespmem:s15+$0xFFFFFFA0];
	v58 =	vmul.f32 v14, v49;
	[tilespmem:s15+$0xFFFFFF00] =	vst v15  }
0x4ab: {  	v29 =	vld [tilespmem:s15+$0xFFFFFFB0];
	v60 =	vmul.f32 v14, v51;
	[tilespmem:s15+$0xFFFFFDD0] =	vst v26  }
0x4ac: {  	v31 =	vld [tilespmem:s15+$0xFFFFFFC0];
	v22 =	vmul.f32 v19, v61;
	[tilespmem:s15+$0xFFFFFED0] =	vst v58  }
0x4ad: {  	v33 =	vld [tilespmem:s15+$0xFFFFFFD0];
	v32 =	vmul.f32 v6, v23;
	[tilespmem:s15+$0xFFFFFEE0] =	vst v60  }
0x4ae: {  	v35 =	vld [tilespmem:s15+$0xFFFFFFE0];
	v34 =	vmul.f32 v6, v25;
	[tilespmem:s15+$0xFFFFFF30] =	vst v22  }
0x4af: {  	v37 =	vld [tilespmem:s15+$0xFFFFFFF0];
	v36 =	vmul.f32 v6, v27;
	[tilespmem:s15+$0xFFFFFF80] =	vst v32  }
0x4b0: {  	v39 =	vld [tilespmem:s15+$0x0];
	v38 =	vmul.f32 v6, v29;
	[tilespmem:s15+$0xFFFFFF90] =	vst v34  }
0x4b1: {  	v41 =	vld [tilespmem:s15+$0x10];
	v40 =	vmul.f32 v6, v31;
	[tilespmem:s15+$0xFFFFFFA0] =	vst v36  }
0x4b2: {  	v43 =	vld [tilespmem:s15+$0x20];
	v42 =	vmul.f32 v6, v33;
	[tilespmem:s15+$0xFFFFFFB0] =	vst v38  }
0x4b3: {  	v63 =	vld [tilespmem:s15+$0xFFFFFF40];
	v44 =	vmul.f32 v6, v35;
	[tilespmem:s15+$0xFFFFFFC0] =	vst v40  }
0x4b4: {  	v21 =	vld [tilespmem:s15+$0xFFFFFF70];
	v6 =	vmul.f32 v6, v37;
	[tilespmem:s15+$0xFFFFFFD0] =	vst v42  }
0x4b5: {  	v46 =	vld [tilespmem:s15+$0x40];
	v47 =	vmul.f32 v5, v39;
	[tilespmem:s15+$0xFFFFFFE0] =	vst v44  }
0x4b6: {  	v56 =	vld [tilespmem:s15+$0x90];
	v49 =	vmul.f32 v5, v41;
	[tilespmem:s15+$0xFFFFFFF0] =	vst v6  }
0x4b7: {  	v13 =	vld [tilespmem:s15+$0xE0];
	v51 =	vmul.f32 v5, v43;
	[tilespmem:s15+$0x0] =	vst v47  }
0x4b8: {  	v1 =	vld.idx.msk [tilespmem:v20+s2+$0x0], $0xffff;
	v24 =	vmul.f32 v19, v63;
	[tilespmem:s15+$0x10] =	vst v49  }
0x4b9: {  	v20 =	vld [tilespmem:s15+$0xFFFFFDE0];
	v30 =	vmul.f32 v19, v21;
	[tilespmem:s15+$0x20] =	vst v51  }
0x4ba: {  	v57 =	vld [tilespmem:s15+$0xFFFFFF10];
	v55 =	vmul.f32 v5, v46;
	[tilespmem:s15+$0xFFFFFF40] =	vst v24  }
0x4bb: {  	v59 =	vld [tilespmem:s15+$0xFFFFFF20];
	v12 =	vmul.f32 v4, v56;
	[tilespmem:s15+$0xFFFFFF70] =	vst v30  }
0x4bc: {  	v48 =	vld [tilespmem:s15+$0x50];
	v22 =	vmul.f32 v4, v13;
	[tilespmem:s15+$0x40] =	vst v55  }
0x4bd: {  	v50 =	vld [tilespmem:s15+$0x60];
	v62 =	vmul.f32 v1, v53;
	[tilespmem:s15+$0x90] =	vst v12  }
0x4be: {  	v16 =	vld [tilespmem:s15+$0xFFFFFF50];
	v28 =	vmul.f32 v17, v20;
	[tilespmem:s15+$0xE0] =	vst v22  }
0x4bf: {  	v18 =	vld [tilespmem:s15+$0xFFFFFF60];
	v17 =	vmul.f32 v19, v57;
	[tilespmem:s15+$0x270] =	vst v62  }
0x4c0: {  	v61 =	vld [tilespmem:s15+$0xC0];
	v20 =	vmul.f32 v19, v59;
	[tilespmem:s15+$0xFFFFFDE0] =	vst v28  }
0x4c1: {  	v23 =	vld [tilespmem:s15+$0x130];
	v57 =	vmul.f32 v5, v48;
	[tilespmem:s15+$0xFFFFFF10] =	vst v17  }
0x4c2: {  	v39 =	vld [tilespmem:s15+$0x1C0];
	v59 =	vmul.f32 v5, v50;
	[tilespmem:s15+$0xFFFFFF20] =	vst v20  }
0x4c3: {  	v41 =	vld [tilespmem:s15+$0x1D0];
	v26 =	vmul.f32 v19, v16;
	[tilespmem:s15+$0x50] =	vst v57  }
0x4c4: {  	v60 =	vld [tilespmem:s15+$0xB0];
	v28 =	vmul.f32 v19, v18;
	[tilespmem:s15+$0x60] =	vst v59  }
0x4c5: {  	v63 =	vld [tilespmem:s15+$0xD0];
	v18 =	vmul.f32 v4, v61;
	[tilespmem:s15+$0xFFFFFF50] =	vst v26  }
0x4c6: {  	v21 =	vld [tilespmem:s15+$0x120];
	v31 =	vmul.f32 v3, v23;
	[tilespmem:s15+$0xFFFFFF60] =	vst v28  }
0x4c7: {  	v32 =	vld [tilespmem:s15+$0x180];
	v48 =	vmul.f32 v2, v39;
	[tilespmem:s15+$0xC0] =	vst v18  }
0x4c8: {  	v34 =	vld [tilespmem:s15+$0x190];
	v50 =	vmul.f32 v2, v41;
	[tilespmem:s15+$0x130] =	vst v31  }
0x4c9: {  	v36 =	vld [tilespmem:s15+$0x1A0];
	v16 =	vmul.f32 v4, v60;
	[tilespmem:s15+$0x1C0] =	vst v48  }
0x4ca: {  	v38 =	vld [tilespmem:s15+$0x1B0];
	v20 =	vmul.f32 v4, v63;
	[tilespmem:s15+$0x1D0] =	vst v50  }
0x4cb: {  	v47 =	vld [tilespmem:s15+$0x200];
	v29 =	vmul.f32 v3, v21;
	[tilespmem:s15+$0xB0] =	vst v16  }
0x4cc: {  	v49 =	vld [tilespmem:s15+$0x210];
	v40 =	vmul.f32 v2, v32;
	[tilespmem:s15+$0xD0] =	vst v20  }
0x4cd: {  	v51 =	vld [tilespmem:s15+$0x220];
	v42 =	vmul.f32 v2, v34;
	[tilespmem:s15+$0x120] =	vst v29  }
0x4ce: {  	v53 =	vld [tilespmem:s15+$0xFFFFFEF0];
	v44 =	vmul.f32 v2, v36;
	[tilespmem:s15+$0x180] =	vst v40  }
0x4cf: {  	v45 =	vld [tilespmem:s15+$0x30];
	v46 =	vmul.f32 v2, v38;
	[tilespmem:s15+$0x190] =	vst v42  }
0x4d0: {  	v52 =	vld [tilespmem:s15+$0x70];
	v55 =	vmul.f32 v1, v47;
	[tilespmem:s15+$0x1A0] =	vst v44  }
0x4d1: {  	v58 =	vld [tilespmem:s15+$0xA0];
	v57 =	vmul.f32 v1, v49;
	[tilespmem:s15+$0x1B0] =	vst v46  }
0x4d2: {  	v43 =	vld [tilespmem:s15+$0x1E0];
	v59 =	vmul.f32 v1, v51;
	[tilespmem:s15+$0x200] =	vst v55  }
0x4d3: {  	v24 =	vld [tilespmem:s15+$0x140];
	v62 =	vmul.f32 v14, v53;
	[tilespmem:s15+$0x210] =	vst v57  }
0x4d4: {  	v54 =	vld [tilespmem:s15+$0x80];
	v53 =	vmul.f32 v5, v45;
	[tilespmem:s15+$0x220] =	vst v59  }
0x4d5: {  	v15 =	vld [tilespmem:s15+$0xF0];
	v5 =	vmul.f32 v5, v52;
	[tilespmem:s15+$0xFFFFFEF0] =	vst v62  }
0x4d6: {  	v17 =	vld [tilespmem:s15+$0x100];
	v14 =	vmul.f32 v4, v58;
	[tilespmem:s15+$0x30] =	vst v53  }
0x4d7: {  	v19 =	vld [tilespmem:s15+$0x110];
	v52 =	vmul.f32 v2, v43;
	[tilespmem:s15+$0x70] =	vst v5  }
0x4d8: {  	v26 =	vld [tilespmem:s15+$0x150];
	v33 =	vmul.f32 v3, v24;
	[tilespmem:s15+$0xA0] =	vst v14  }
0x4d9: {  	v28 =	vld [tilespmem:s15+$0x160];
	v62 =	vmul.f32 v4, v54;
	[tilespmem:s15+$0x1E0] =	vst v52  }
0x4da: {  	v30 =	vld [tilespmem:s15+$0x170];
	v4 =	vmul.f32 v4, v15;
	[tilespmem:s15+$0x140] =	vst v33  }
0x4db: {  	v56 =	vld [tilespmem:s15+$0x250];
	v25 =	vmul.f32 v3, v17;
	[tilespmem:s15+$0x80] =	vst v62  }
0x4dc: {  	v45 =	vld [tilespmem:s15+$0x1F0];
	v27 =	vmul.f32 v3, v19;
	[tilespmem:s15+$0xF0] =	vst v4  }
0x4dd: {  	v58 =	vld [tilespmem:s15+$0x260];
	[tilespmem:s15+$0x100] =	vst v25;
	v35 =	vmul.f32 v3, v26  }
0x4de: {  	v53 =	vld [tilespmem:s15+$0x230];
	[tilespmem:s15+$0x110] =	vst v27;
	v37 =	vmul.f32 v3, v28  }
0x4df: {  	v54 =	vld [tilespmem:s15+$0x240];
	v3 =	vmul.f32 v3, v30;
	[tilespmem:s15+$0x150] =	vst v35  }
0x4e0: {  	v62 =	vmul.f32 v1, v56;
	[tilespmem:s15+$0x160] =	vst v37  }
0x4e1: {  	v2 =	vmul.f32 v2, v45;
	[tilespmem:s15+$0x170] =	vst v3  }
0x4e2: {  	v63 =	vmul.f32 v1, v58;
	[tilespmem:s15+$0x250] =	vst v62  }
.Ltmp6:
0x4e3: {  	[tilespmem:s15+$0x1F0] =	vst v2;
	v60 =	vmul.f32 v1, v53;
	(pc) =	sbr.rel @p1 .LBB2_16-.Ltmp6, $4  }
0x4e4: {  	v61 =	vmul.f32 v1, v54;
	[tilespmem:s15+$0x260] =	vst v63  }
0x4e5: {  	[tilespmem:s15+$0x230] =	vst v60  }
0x4e6: {  	[tilespmem:s15+$0x240] =	vst v61;
	s15 =	simm.s32 $0x13F00  }
0x4e7: {  	[spmem:s3] =	stream.indirect.scatter.add.f32 [tilespmem:s28], [sflag:$0x4], $0x80, s15, s26, $0xb8;
	[tilespmem:$0x1E080] =	vst v63  }
0x4e8: {  	s10 =	rddreg [dreg:$0xb]  }
0x4e9: {  	s10 =	sadd.s32 s13, s10  }
0x4ea: {  	s10 =	sshrl.u32 s10, $0x3  }
0x4eb: {  	s11 =	simm.s32 $0x0;
	s10 =	sadd.s32 s5, s10  }
0x4ec: {  	[tilespmem:s22], [sflag:$0x7] =	stream.linear.gather [hbm4b:s10+s11], $0x180, $0x38;
	[tilespmem:$0x1E080] =	vst v63  }
0x4ed: {  	s15 =	simm.s32 $0x2;
	_ =	swait.ge [sflag:s6], $0x3200  }
0x4ee: {  	s14 =	simm.s32 $0x3;
	v0 =	vmov s11;
	v2 =	vmov s15;
	s11 =	simm.s32 $0x1;
	[sflag:s6] =	ssyncset.done $0x0  }
0x4ef: {  	v3 =	vmov s14;
	v0 =	vand.u32 $0x7E, v0;
	v1 =	vmov s11;
	[sflag:s6] =	ssyncadd.s32 $0xFFFFCE00  }
0x4f0: {  	v2 =	vand.u32 $0xFE, v2;
	v0 =	vor.u32 $0x100, v0;
	v1 =	vand.u32 $0x7F, v1;
	_ =	swait.ge [sflag:s0], $0x180  }
0x4f1: {  	s14 =	simm.s32 $0x9;
	v3 =	vand.u32 $0xFF, v3;
	v0 =	vbroadcast v0, $0x0;
	v1 =	vor.u32 $0x100, v1;
	[sflag:s0] =	ssyncset.done $0x0  }
0x4f2: {  	v4 =	vmov s14;
	v2 =	vor.u32 $0x100, v2;
	v1 =	vbroadcast v1, $0x0;
	[sflag:s0] =	ssyncadd.s32 $0xFFFFFE80  }
0x4f3: {  	v3 =	vor.u32 $0x100, v3;
	v4 =	vand.u32 $0xFF, v4;
	v2 =	vbroadcast v2, $0x0;
	[tilespmem:s9], [sflag:$0x3] =	stream.indirect.gather [hbm4b:s1+s26], $0x80, s17, s26, $0xb8;
	[tilespmem:$0x1E080] =	vst v63  }
0x4f4: {  	v3 =	vbroadcast v3, $0x0;
	v4 =	vor.u32 $0x100, v4;
	_ =	swait.ge [sflag:s16], $0x3200  }
0x4f5: {  	v4 =	vbroadcast v4, $0x0;
	[sflag:s16] =	ssyncset.done $0x0  }
0x4f6: {  	[sflag:s16] =	ssyncadd.s32 $0xFFFFCE00  }
0x4f7: {  	v5 =	vld.idx.msk [tilespmem:v0+s21+$0x0], $0xffff  }
0x4f8: {  	v1 =	vld.idx.msk [tilespmem:v1+s21+$0x0], $0xffff  }
0x4f9: {  	v2 =	vld.idx.msk [tilespmem:v2+s21+$0x0], $0xffff  }
0x4fa: {  	v3 =	vld.idx.msk [tilespmem:v3+s21+$0x0], $0xffff  }
0x4fb: {  	s14 =	simm.s32 $0x17B00;
	v0 =	vld.idx.msk [tilespmem:v4+s21+$0x0], $0xffff  }
0x4fc: {  	v4 =	vld [tilespmem:s14+$0xFFFFFD80]  }
0x4fd: {  	v6 =	vld [tilespmem:s14+$0xFFFFFD90]  }
0x4fe: {  	v7 =	vld [tilespmem:s14+$0xFFFFFDA0]  }
0x4ff: {  	v8 =	vld [tilespmem:s14+$0xFFFFFDB0]  }
0x500: {  	v9 =	vld [tilespmem:s14+$0xFFFFFDC0]  }
0x501: {  	v10 =	vld [tilespmem:s14+$0xFFFFFDD0]  }
0x502: {  	v12 =	vld [tilespmem:s14+$0x270]  }
0x503: {  	v11 =	vld [tilespmem:s14+$0xFFFFFDE0]  }
0x504: {  	v13 =	vld [tilespmem:s14+$0xFFFFFE00]  }
0x505: {  	v15 =	vld [tilespmem:s14+$0xFFFFFE20]  }
0x506: {  	v14 =	vld [tilespmem:s14+$0xFFFFFE10];
	v4 =	vmul.f32 v5, v4  }
0x507: {  	v16 =	vld [tilespmem:s14+$0xFFFFFE30];
	v12 =	vmul.f32 v0, v12  }
0x508: {  	v17 =	vld [tilespmem:s14+$0xFFFFFE40];
	v6 =	vmul.f32 v5, v6;
	[tilespmem:s14+$0xFFFFFD80] =	vst v4  }
0x509: {  	v18 =	vld [tilespmem:s14+$0xFFFFFE70];
	v7 =	vmul.f32 v5, v7;
	[tilespmem:s14+$0x270] =	vst v12  }
0x50a: {  	v15 =	vmul.f32 v1, v15;
	v4 =	vld [tilespmem:s14+$0xFFFFFDF0];
	[tilespmem:s14+$0xFFFFFD90] =	vst v6  }
0x50b: {  	v12 =	vld [tilespmem:s14+$0xFFFFFE50];
	v6 =	vmul.f32 v5, v8;
	[tilespmem:s14+$0xFFFFFDA0] =	vst v7  }
0x50c: {  	v8 =	vld [tilespmem:s14+$0xFFFFFE60];
	v7 =	vmul.f32 v5, v9;
	[tilespmem:s14+$0xFFFFFE20] =	vst v15  }
0x50d: {  	v9 =	vld [tilespmem:s14+$0xFFFFFE80];
	v15 =	vmul.f32 v1, v17;
	[tilespmem:s14+$0xFFFFFDB0] =	vst v6  }
0x50e: {  	v6 =	vmul.f32 v5, v10;
	v10 =	vld [tilespmem:s14+$0xFFFFFE90];
	[tilespmem:s14+$0xFFFFFDC0] =	vst v7  }
0x50f: {  	v7 =	vmul.f32 v5, v11;
	v11 =	vld [tilespmem:s14+$0xFFFFFEA0];
	[tilespmem:s14+$0xFFFFFE40] =	vst v15  }
0x510: {  	v15 =	vld [tilespmem:s14+$0xFFFFFF20];
	[tilespmem:s14+$0xFFFFFDD0] =	vst v6;
	v6 =	vmul.f32 v1, v13  }
0x511: {  	[tilespmem:s14+$0xFFFFFDE0] =	vst v7;
	v7 =	vld [tilespmem:s14+$0xFFFFFEC0];
	v13 =	vmul.f32 v1, v14  }
0x512: {  	v4 =	vmul.f32 v5, v4;
	v5 =	vld [tilespmem:s14+$0xFFFFFEB0];
	[tilespmem:s14+$0xFFFFFE00] =	vst v6  }
0x513: {  	v12 =	vmul.f32 v1, v12;
	v6 =	vld [tilespmem:s14+$0xFFFFFEE0];
	[tilespmem:s14+$0xFFFFFE10] =	vst v13  }
0x514: {  	v8 =	vmul.f32 v1, v8;
	v13 =	vmul.f32 v1, v16;
	v16 =	vld [tilespmem:s14+$0xFFFFFF00];
	[tilespmem:s14+$0xFFFFFDF0] =	vst v4  }
0x515: {  	v4 =	vmul.f32 v2, v9;
	v9 =	vld [tilespmem:s14+$0xFFFFFED0];
	[tilespmem:s14+$0xFFFFFE50] =	vst v12  }
0x516: {  	v1 =	vmul.f32 v1, v18;
	v12 =	vld [tilespmem:s14+$0xFFFFFF30];
	[tilespmem:s14+$0xFFFFFE60] =	vst v8  }
0x517: {  	s15 =	simm.s32 $0x4;
	v8 =	vmul.f32 v2, v10;
	v10 =	vld [tilespmem:s14+$0xFFFFFF40];
	[tilespmem:s14+$0xFFFFFE30] =	vst v13  }
0x518: {  	v14 =	vmov s15;
	v13 =	vld [tilespmem:s14+$0xFFFFFF10];
	[tilespmem:s14+$0xFFFFFE70] =	vst v1  }
0x519: {  	v11 =	vmul.f32 v2, v11;
	[tilespmem:s14+$0xFFFFFE80] =	vst v4;
	v4 =	vand.u32 $0xFE, v14;
	v14 =	vld [tilespmem:s14+$0xFFFFFEF0]  }
0x51a: {  	[tilespmem:s14+$0xFFFFFE90] =	vst v8;
	v8 =	vld [tilespmem:s14+$0xFFFFFF60];
	v7 =	vmul.f32 v2, v7  }
0x51b: {  	[tilespmem:s14+$0xFFFFFEA0] =	vst v11;
	v11 =	vld [tilespmem:s14+$0xFFFFFF70];
	v4 =	vor.u32 $0x100, v4;
	v5 =	vmul.f32 v2, v5  }
0x51c: {  	v4 =	vbroadcast v4, $0x0;
	v1 =	vmul.f32 v3, v16;
	v16 =	vld [tilespmem:s14+$0xFFFFFF50];
	[tilespmem:s14+$0xFFFFFEC0] =	vst v7  }
0x51d: {  	s11 =	simm.s32 $0x5;
	v6 =	vmul.f32 v2, v6;
	v7 =	vld [tilespmem:s14+$0xFFFFFF90];
	[tilespmem:s14+$0xFFFFFEB0] =	vst v5  }
0x51e: {  	v17 =	vmov s11;
	v5 =	vmul.f32 v2, v9;
	v9 =	vld [tilespmem:s14+$0xFFFFFF80];
	[tilespmem:s14+$0xFFFFFF00] =	vst v1  }
0x51f: {  	v12 =	vmul.f32 v3, v12;
	v1 =	vand.u32 $0xFF, v17;
	[tilespmem:s14+$0xFFFFFEE0] =	vst v6;
	v6 =	vmul.f32 v3, v13;
	v13 =	vld [tilespmem:s14+$0xFFFFFFB0]  }
0x520: {  	v10 =	vmul.f32 v3, v10;
	v1 =	vor.u32 $0x100, v1;
	[tilespmem:s14+$0xFFFFFED0] =	vst v5;
	v5 =	vld [tilespmem:s14+$0xFFFFFFA0]  }
0x521: {  	v2 =	vmul.f32 v2, v14;
	v14 =	vld [tilespmem:s14+$0xFFFFFFC0];
	[tilespmem:s14+$0xFFFFFF30] =	vst v12;
	v1 =	vbroadcast v1, $0x0  }
0x522: {  	[tilespmem:s14+$0xFFFFFF40] =	vst v10;
	v4 =	vld.idx.msk [tilespmem:v4+s21+$0x0], $0xffff  }
0x523: {  	v8 =	vmul.f32 v3, v8;
	v10 =	vld [tilespmem:s14+$0x0];
	[tilespmem:s14+$0xFFFFFEF0] =	vst v2;
	v2 =	vmul.f32 v3, v15  }
0x524: {  	[tilespmem:s14+$0xFFFFFF10] =	vst v6;
	v12 =	vmul.f32 v3, v16;
	v3 =	vmul.f32 v3, v11;
	v11 =	vld [tilespmem:s14+$0x10]  }
0x525: {  	[tilespmem:s14+$0xFFFFFF20] =	vst v2;
	v2 =	vld [tilespmem:s14+$0xFFFFFFE0]  }
0x526: {  	[tilespmem:s14+$0xFFFFFF60] =	vst v8;
	v8 =	vld [tilespmem:s14+$0x20]  }
0x527: {  	[tilespmem:s14+$0xFFFFFF50] =	vst v12;
	v1 =	vld.idx.msk [tilespmem:v1+s21+$0x0], $0xffff;
	v6 =	vmul.f32 v4, v9  }
0x528: {  	s15 =	simm.s32 $0x6;
	[tilespmem:s14+$0xFFFFFF70] =	vst v3;
	v12 =	vld [tilespmem:s14+$0x40];
	v7 =	vmul.f32 v4, v7  }
0x529: {  	v15 =	vmov s15;
	v9 =	vld [tilespmem:s14+$0xFFFFFFD0];
	v3 =	vmul.f32 v4, v5;
	[tilespmem:s14+$0xFFFFFF80] =	vst v6  }
0x52a: {  	v5 =	vld [tilespmem:s14+$0x30];
	v2 =	vmul.f32 v4, v2;
	v6 =	vand.u32 $0xFE, v15;
	[tilespmem:s14+$0xFFFFFF90] =	vst v7  }
0x52b: {  	v15 =	vld [tilespmem:s14+$0xFFFFFFF0];
	v7 =	vmul.f32 v4, v13;
	[tilespmem:s14+$0xFFFFFFA0] =	vst v3;
	v13 =	vmul.f32 v4, v14;
	v6 =	vor.u32 $0x100, v6  }
0x52c: {  	[tilespmem:s14+$0xFFFFFFE0] =	vst v2;
	v6 =	vbroadcast v6, $0x0;
	v3 =	vmul.f32 v1, v10;
	v10 =	vld [tilespmem:s14+$0x50]  }
0x52d: {  	s11 =	simm.s32 $0x7;
	[tilespmem:s14+$0xFFFFFFB0] =	vst v7;
	v7 =	vld [tilespmem:s14+$0x60]  }
0x52e: {  	v14 =	vmov s11;
	[tilespmem:s14+$0xFFFFFFC0] =	vst v13;
	v13 =	vld [tilespmem:s14+$0x70];
	v2 =	vmul.f32 v1, v11  }
0x52f: {  	v11 =	vld [tilespmem:s14+$0x90];
	v9 =	vmul.f32 v4, v9;
	[tilespmem:s14+$0x0] =	vst v3;
	v3 =	vand.u32 $0xFF, v14  }
0x530: {  	[tilespmem:s14+$0x10] =	vst v2;
	v2 =	vmul.f32 v1, v5;
	v5 =	vld [tilespmem:s14+$0xB0];
	v3 =	vor.u32 $0x100, v3;
	v4 =	vmul.f32 v4, v15  }
0x531: {  	[tilespmem:s14+$0xFFFFFFD0] =	vst v9;
	v9 =	vld [tilespmem:s14+$0x80];
	v3 =	vbroadcast v3, $0x0  }
0x532: {  	[tilespmem:s14+$0xFFFFFFF0] =	vst v4;
	v4 =	vmul.f32 v1, v8;
	v6 =	vld.idx.msk [tilespmem:v6+s21+$0x0], $0xffff  }
0x533: {  	[tilespmem:s14+$0x30] =	vst v2;
	v8 =	vld [tilespmem:s14+$0xA0];
	v10 =	vmul.f32 v1, v10  }
0x534: {  	[tilespmem:s14+$0x20] =	vst v4;
	v4 =	vmul.f32 v1, v12;
	v12 =	vld [tilespmem:s14+$0xC0]  }
0x535: {  	v7 =	vmul.f32 v1, v7;
	[tilespmem:s14+$0x50] =	vst v10;
	v10 =	vld [tilespmem:s14+$0xF0]  }
0x536: {  	v1 =	vmul.f32 v1, v13;
	[tilespmem:s14+$0x40] =	vst v4;
	v4 =	vld [tilespmem:s14+$0xE0]  }
0x537: {  	s15 =	simm.s32 $0x8;
	[tilespmem:s14+$0x60] =	vst v7;
	v3 =	vld.idx.msk [tilespmem:v3+s21+$0x0], $0xffff;
	v2 =	vmul.f32 v6, v9  }
0x538: {  	v14 =	vmov s15;
	[tilespmem:s14+$0x70] =	vst v1;
	v9 =	vld [tilespmem:s14+$0xD0];
	v7 =	vmul.f32 v6, v11  }
0x539: {  	v11 =	vld [tilespmem:s14+$0x100];
	v1 =	vmul.f32 v6, v8;
	[tilespmem:s14+$0x80] =	vst v2;
	v2 =	vand.u32 $0xFE, v14  }
0x53a: {  	v8 =	vld [tilespmem:s14+$0x110];
	v5 =	vmul.f32 v6, v5;
	[tilespmem:s14+$0x90] =	vst v7;
	v2 =	vor.u32 $0x100, v2  }
0x53b: {  	v7 =	vld [tilespmem:s14+$0x120];
	[tilespmem:s14+$0xA0] =	vst v1;
	v1 =	vmul.f32 v6, v12;
	v2 =	vbroadcast v2, $0x0  }
0x53c: {  	v12 =	vld [tilespmem:s14+$0x130];
	[tilespmem:s14+$0xB0] =	vst v5;
	v4 =	vmul.f32 v6, v4  }
0x53d: {  	[tilespmem:s14+$0xC0] =	vst v1;
	v5 =	vmul.f32 v6, v9;
	v9 =	vld [tilespmem:s14+$0x140]  }
0x53e: {  	v1 =	vmul.f32 v3, v11;
	v11 =	vld [tilespmem:s14+$0x150];
	[tilespmem:s14+$0xE0] =	vst v4  }
0x53f: {  	v4 =	vmul.f32 v3, v8;
	v8 =	vld [tilespmem:s14+$0x180];
	[tilespmem:s14+$0xD0] =	vst v5  }
0x540: {  	s11 =	simm.s32 $0xA;
	v5 =	vld [tilespmem:s14+$0x160];
	[tilespmem:s14+$0x100] =	vst v1;
	v7 =	vmul.f32 v3, v7  }
0x541: {  	v1 =	vmov s11;
	[tilespmem:s14+$0x110] =	vst v4;
	v13 =	vld.idx.msk [tilespmem:v2+s21+$0x0], $0xffff;
	v2 =	vmul.f32 v6, v10  }
0x542: {  	s15 =	simm.s32 $0xB;
	s11 =	simm.s32 $0xC;
	v4 =	vmul.f32 v3, v12;
	v1 =	vand.u32 $0x7E, v1;
	[tilespmem:s14+$0x120] =	vst v7;
	v6 =	vld [tilespmem:s14+$0x170]  }
0x543: {  	v12 =	vld [tilespmem:s14+$0x190];
	v10 =	vmov s11;
	s11 =	simm.s32 $0xE;
	v7 =	vmul.f32 v3, v9;
	[tilespmem:s14+$0xF0] =	vst v2;
	v2 =	vmov s15;
	s15 =	simm.s32 $0xD  }
0x544: {  	[tilespmem:s14+$0x130] =	vst v4;
	v9 =	vld [tilespmem:s14+$0x1A0];
	v4 =	vmul.f32 v3, v11;
	v15 =	vmov s11;
	s11 =	simm.s32 $0x10;
	v14 =	vmov s15;
	s15 =	simm.s32 $0xF  }
0x545: {  	v1 =	vor.u32 $0x100, v1;
	v11 =	vld [tilespmem:s14+$0x1B0];
	v17 =	vmov s11;
	[tilespmem:s14+$0x140] =	vst v7;
	v16 =	vmov s15;
	s15 =	simm.s32 $0x11  }
0x546: {  	v5 =	vmul.f32 v3, v5;
	v7 =	vld [tilespmem:s14+$0x1C0];
	[tilespmem:s14+$0x150] =	vst v4;
	v4 =	vand.u32 $0x7F, v2;
	v18 =	vmov s15  }
0x547: {  	v2 =	vmul.f32 v3, v6;
	v3 =	vmul.f32 v13, v8;
	v8 =	vand.u32 $0xFE, v10  }
0x548: {  	[tilespmem:s14+$0x160] =	vst v5;
	v5 =	vld [tilespmem:s14+$0x1E0];
	s15 =	simm.s32 $0x12;
	v10 =	vand.u32 $0xFF, v14;
	v14 =	vand.u32 $0xFE, v15;
	v15 =	vand.u32 $0xFF, v16  }
0x549: {  	v6 =	vld [tilespmem:s14+$0x1D0];
	v16 =	vand.u32 $0xFE, v17;
	v12 =	vmul.f32 v13, v12;
	v19 =	vmov s15;
	[tilespmem:s14+$0x180] =	vst v3  }
0x54a: {  	v17 =	vand.u32 $0xFF, v18;
	[tilespmem:s14+$0x170] =	vst v2;
	v3 =	vmul.f32 v13, v9;
	v9 =	vld [tilespmem:s14+$0x1F0];
	v2 =	vbroadcast v1, $0x0  }
0x54b: {  	v1 =	vor.u32 $0x100, v4;
	[tilespmem:s14+$0x190] =	vst v12;
	v4 =	vmul.f32 v13, v11;
	v11 =	vld [tilespmem:s14+$0x200];
	v12 =	vmul.f32 v13, v7  }
0x54c: {  	v8 =	vor.u32 $0x100, v8;
	v10 =	vor.u32 $0x100, v10;
	v18 =	vand.u32 $0xFE, v19;
	v19 =	vld [tilespmem:s14+$0x210];
	[tilespmem:s14+$0x1A0] =	vst v3  }
0x54d: {  	v15 =	vor.u32 $0x100, v15;
	v7 =	vld [tilespmem:s14+$0x220];
	v3 =	vbroadcast v1, $0x0;
	[tilespmem:s14+$0x1C0] =	vst v12;
	v12 =	vmul.f32 v13, v5  }
0x54e: {  	v1 =	vor.u32 $0x100, v14;
	[tilespmem:s14+$0x1B0] =	vst v4;
	v4 =	vbroadcast v8, $0x0;
	v8 =	vld [tilespmem:s14+$0x230];
	v14 =	vmul.f32 v13, v6  }
0x54f: {  	v5 =	vbroadcast v10, $0x0;
	v6 =	vor.u32 $0x100, v16;
	[tilespmem:s14+$0x1E0] =	vst v12;
	v20 =	vmul.f32 v13, v9;
	v9 =	vld [tilespmem:s14+$0x240]  }
0x550: {  	v10 =	vld [tilespmem:s14+$0x250];
	v1 =	vbroadcast v1, $0x0;
	v16 =	vor.u32 $0x100, v18;
	[tilespmem:s14+$0x1D0] =	vst v14;
	v13 =	vmul.f32 v0, v11  }
0x551: {  	s10 =	simm.s32 $0x13;
	s15 =	simm.s32 $0x14;
	v12 =	vbroadcast v15, $0x0;
	v14 =	vor.u32 $0x100, v17;
	v15 =	vmul.f32 v0, v19;
	v11 =	vld [tilespmem:s14+$0x260];
	[tilespmem:s14+$0x1F0] =	vst v20  }
.LBB2_12:
0x552: {  	p1 =	slt.u32 s15, $0x5A;
	v17 =	vld.idx.msk [tilespmem:v2+s21+$0x0], $0xffff;
	v2 =	vbroadcast v6, $0x0;
	v6 =	vmov s10;
	[tilespmem:s14+$0x200] =	vst v13;
	v13 =	vmul.f32 v0, v7  }
0x553: {  	v14 =	vbroadcast v14, $0x0;
	v18 =	vld.idx.msk [tilespmem:v3+s21+$0x0], $0xffff;
	v3 =	vand.u32 $0xFF, v6;
	[tilespmem:s14+$0x210] =	vst v15;
	v8 =	vmul.f32 v0, v8  }
0x554: {  	v15 =	vbroadcast v16, $0x0;
	v7 =	vld.idx.msk [tilespmem:v4+s21+$0x0], $0xffff;
	v3 =	vor.u32 $0x100, v3;
	[tilespmem:s14+$0x220] =	vst v13;
	v4 =	vmul.f32 v0, v9  }
0x555: {  	v6 =	vld.idx.msk [tilespmem:v5+s21+$0x0], $0xffff;
	v9 =	vbroadcast v3, $0x0;
	[tilespmem:s14+$0x230] =	vst v8;
	v3 =	vmul.f32 v0, v10  }
0x556: {  	v5 =	vld.idx.msk [tilespmem:v1+s21+$0x0], $0xffff;
	[tilespmem:s14+$0x240] =	vst v4;
	v0 =	vmul.f32 v0, v11  }
0x557: {  	v4 =	vld.idx.msk [tilespmem:v12+s21+$0x0], $0xffff;
	[tilespmem:s14+$0x250] =	vst v3  }
0x558: {  	v3 =	vld.idx.msk [tilespmem:v2+s21+$0x0], $0xffff;
	[tilespmem:s14+$0x260] =	vst v0  }
0x559: {  	v2 =	vld.idx.msk [tilespmem:v14+s21+$0x0], $0xffff  }
0x55a: {  	v1 =	vld.idx.msk [tilespmem:v15+s21+$0x0], $0xffff  }
0x55b: {  	s14 =	sadd.s32 $0x500, s14;
	v0 =	vld.idx.msk [tilespmem:v9+s21+$0x0], $0xffff  }
0x55c: {  	v8 =	vld [tilespmem:s14+$0x270]  }
0x55d: {  	v9 =	vld [tilespmem:s14+$0xFFFFFD80]  }
0x55e: {  	v10 =	vld [tilespmem:s14+$0xFFFFFD90]  }
0x55f: {  	v11 =	vld [tilespmem:s14+$0xFFFFFDA0]  }
0x560: {  	v12 =	vld [tilespmem:s14+$0xFFFFFDB0]  }
0x561: {  	v13 =	vld [tilespmem:s14+$0xFFFFFDC0];
	v8 =	vmul.f32 v0, v8  }
0x562: {  	v9 =	vmul.f32 v17, v9;
	v14 =	vld [tilespmem:s14+$0xFFFFFDD0]  }
0x563: {  	v10 =	vmul.f32 v17, v10;
	v15 =	vld [tilespmem:s14+$0xFFFFFDE0];
	[tilespmem:s14+$0x270] =	vst v8  }
0x564: {  	[tilespmem:s14+$0xFFFFFD80] =	vst v9;
	v8 =	vmul.f32 v17, v11;
	v9 =	vld [tilespmem:s14+$0xFFFFFDF0]  }
0x565: {  	[tilespmem:s14+$0xFFFFFD90] =	vst v10;
	v10 =	vmul.f32 v17, v12;
	v11 =	vld [tilespmem:s14+$0xFFFFFE00]  }
0x566: {  	[tilespmem:s14+$0xFFFFFDA0] =	vst v8;
	v8 =	vmul.f32 v17, v13;
	v12 =	vld [tilespmem:s14+$0xFFFFFE10]  }
0x567: {  	[tilespmem:s14+$0xFFFFFDB0] =	vst v10;
	v10 =	vmul.f32 v17, v14;
	v13 =	vld [tilespmem:s14+$0xFFFFFE20]  }
0x568: {  	[tilespmem:s14+$0xFFFFFDC0] =	vst v8;
	v8 =	vmul.f32 v17, v15;
	v14 =	vld [tilespmem:s14+$0xFFFFFE30]  }
0x569: {  	[tilespmem:s14+$0xFFFFFDD0] =	vst v10;
	v9 =	vmul.f32 v17, v9;
	v10 =	vld [tilespmem:s14+$0xFFFFFE40]  }
0x56a: {  	[tilespmem:s14+$0xFFFFFDE0] =	vst v8;
	v8 =	vmul.f32 v18, v11;
	v11 =	vld [tilespmem:s14+$0xFFFFFE50]  }
0x56b: {  	[tilespmem:s14+$0xFFFFFDF0] =	vst v9;
	v9 =	vmul.f32 v18, v12;
	v12 =	vld [tilespmem:s14+$0xFFFFFE60]  }
0x56c: {  	[tilespmem:s14+$0xFFFFFE00] =	vst v8;
	v8 =	vmul.f32 v18, v13;
	v13 =	vld [tilespmem:s14+$0xFFFFFE70]  }
0x56d: {  	[tilespmem:s14+$0xFFFFFE10] =	vst v9;
	v9 =	vmul.f32 v18, v14;
	v14 =	vld [tilespmem:s14+$0xFFFFFE80]  }
0x56e: {  	[tilespmem:s14+$0xFFFFFE20] =	vst v8;
	v8 =	vmul.f32 v18, v10;
	v10 =	vld [tilespmem:s14+$0xFFFFFE90]  }
0x56f: {  	[tilespmem:s14+$0xFFFFFE30] =	vst v9;
	v9 =	vmul.f32 v18, v11;
	v11 =	vld [tilespmem:s14+$0xFFFFFEA0]  }
0x570: {  	[tilespmem:s14+$0xFFFFFE40] =	vst v8;
	v8 =	vmul.f32 v18, v12;
	v12 =	vld [tilespmem:s14+$0xFFFFFEB0]  }
0x571: {  	[tilespmem:s14+$0xFFFFFE50] =	vst v9;
	v9 =	vmul.f32 v18, v13;
	v13 =	vld [tilespmem:s14+$0xFFFFFEC0]  }
0x572: {  	[tilespmem:s14+$0xFFFFFE60] =	vst v8;
	v8 =	vmul.f32 v7, v14;
	v14 =	vld [tilespmem:s14+$0xFFFFFED0]  }
0x573: {  	[tilespmem:s14+$0xFFFFFE70] =	vst v9;
	v9 =	vmul.f32 v7, v10;
	v10 =	vld [tilespmem:s14+$0xFFFFFEE0]  }
0x574: {  	[tilespmem:s14+$0xFFFFFE80] =	vst v8;
	v8 =	vmul.f32 v7, v11;
	v11 =	vld [tilespmem:s14+$0xFFFFFEF0]  }
0x575: {  	[tilespmem:s14+$0xFFFFFE90] =	vst v9;
	v9 =	vmul.f32 v7, v12;
	v12 =	vld [tilespmem:s14+$0xFFFFFF00]  }
0x576: {  	[tilespmem:s14+$0xFFFFFEA0] =	vst v8;
	v8 =	vmul.f32 v7, v13;
	v13 =	vld [tilespmem:s14+$0xFFFFFF10]  }
0x577: {  	[tilespmem:s14+$0xFFFFFEB0] =	vst v9;
	v9 =	vmul.f32 v7, v14;
	v14 =	vld [tilespmem:s14+$0xFFFFFF20]  }
0x578: {  	[tilespmem:s14+$0xFFFFFEC0] =	vst v8;
	v8 =	vmul.f32 v7, v10;
	v10 =	vld [tilespmem:s14+$0xFFFFFF30]  }
0x579: {  	[tilespmem:s14+$0xFFFFFED0] =	vst v9;
	v7 =	vmul.f32 v7, v11;
	v9 =	vld [tilespmem:s14+$0xFFFFFF40]  }
0x57a: {  	[tilespmem:s14+$0xFFFFFEE0] =	vst v8;
	v8 =	vmul.f32 v6, v12;
	v11 =	vld [tilespmem:s14+$0xFFFFFF50]  }
0x57b: {  	[tilespmem:s14+$0xFFFFFEF0] =	vst v7;
	v7 =	vmul.f32 v6, v13;
	v12 =	vld [tilespmem:s14+$0xFFFFFF60]  }
0x57c: {  	[tilespmem:s14+$0xFFFFFF00] =	vst v8;
	v8 =	vmul.f32 v6, v14;
	v13 =	vld [tilespmem:s14+$0xFFFFFF70]  }
0x57d: {  	[tilespmem:s14+$0xFFFFFF10] =	vst v7;
	v7 =	vmul.f32 v6, v10;
	v10 =	vld [tilespmem:s14+$0xFFFFFF80]  }
0x57e: {  	[tilespmem:s14+$0xFFFFFF20] =	vst v8;
	v8 =	vmul.f32 v6, v9;
	v9 =	vld [tilespmem:s14+$0xFFFFFF90]  }
0x57f: {  	[tilespmem:s14+$0xFFFFFF30] =	vst v7;
	v7 =	vmul.f32 v6, v11;
	v11 =	vld [tilespmem:s14+$0xFFFFFFA0]  }
0x580: {  	[tilespmem:s14+$0xFFFFFF40] =	vst v8;
	v8 =	vmul.f32 v6, v12;
	v12 =	vld [tilespmem:s14+$0xFFFFFFB0]  }
0x581: {  	[tilespmem:s14+$0xFFFFFF50] =	vst v7;
	v6 =	vmul.f32 v6, v13;
	v7 =	vld [tilespmem:s14+$0xFFFFFFC0]  }
0x582: {  	[tilespmem:s14+$0xFFFFFF60] =	vst v8;
	v8 =	vmul.f32 v5, v10;
	v10 =	vld [tilespmem:s14+$0xFFFFFFD0]  }
0x583: {  	[tilespmem:s14+$0xFFFFFF70] =	vst v6;
	v6 =	vmul.f32 v5, v9;
	v9 =	vld [tilespmem:s14+$0xFFFFFFE0]  }
0x584: {  	[tilespmem:s14+$0xFFFFFF80] =	vst v8;
	v8 =	vmul.f32 v5, v11;
	v11 =	vld [tilespmem:s14+$0xFFFFFFF0]  }
0x585: {  	[tilespmem:s14+$0xFFFFFF90] =	vst v6;
	v6 =	vmul.f32 v5, v12;
	v12 =	vld [tilespmem:s14+$0x0]  }
0x586: {  	[tilespmem:s14+$0xFFFFFFA0] =	vst v8;
	v7 =	vmul.f32 v5, v7;
	v8 =	vld [tilespmem:s14+$0x10]  }
0x587: {  	[tilespmem:s14+$0xFFFFFFB0] =	vst v6;
	v6 =	vmul.f32 v5, v10;
	v10 =	vld [tilespmem:s14+$0x20]  }
0x588: {  	[tilespmem:s14+$0xFFFFFFC0] =	vst v7;
	v7 =	vmul.f32 v5, v9;
	v9 =	vld [tilespmem:s14+$0x30]  }
0x589: {  	[tilespmem:s14+$0xFFFFFFD0] =	vst v6;
	v5 =	vmul.f32 v5, v11;
	v6 =	vld [tilespmem:s14+$0x40]  }
0x58a: {  	[tilespmem:s14+$0xFFFFFFE0] =	vst v7;
	v7 =	vmul.f32 v4, v12;
	v11 =	vld [tilespmem:s14+$0x50]  }
0x58b: {  	[tilespmem:s14+$0xFFFFFFF0] =	vst v5;
	v5 =	vmul.f32 v4, v8;
	v8 =	vld [tilespmem:s14+$0x60]  }
0x58c: {  	[tilespmem:s14+$0x0] =	vst v7;
	v7 =	vmul.f32 v4, v10;
	v10 =	vld [tilespmem:s14+$0x70]  }
0x58d: {  	[tilespmem:s14+$0x10] =	vst v5;
	v5 =	vmul.f32 v4, v9;
	v9 =	vld [tilespmem:s14+$0x80]  }
0x58e: {  	[tilespmem:s14+$0x20] =	vst v7;
	v6 =	vmul.f32 v4, v6;
	v7 =	vld [tilespmem:s14+$0x90]  }
0x58f: {  	[tilespmem:s14+$0x30] =	vst v5;
	v5 =	vmul.f32 v4, v11;
	v11 =	vld [tilespmem:s14+$0xA0]  }
0x590: {  	[tilespmem:s14+$0x40] =	vst v6;
	v6 =	vmul.f32 v4, v8;
	v8 =	vld [tilespmem:s14+$0xB0]  }
0x591: {  	[tilespmem:s14+$0x50] =	vst v5;
	v4 =	vmul.f32 v4, v10;
	v5 =	vld [tilespmem:s14+$0xC0]  }
0x592: {  	[tilespmem:s14+$0x60] =	vst v6;
	v6 =	vmul.f32 v3, v9;
	v9 =	vld [tilespmem:s14+$0xD0]  }
0x593: {  	[tilespmem:s14+$0x70] =	vst v4;
	v4 =	vmul.f32 v3, v7;
	v7 =	vld [tilespmem:s14+$0xE0]  }
0x594: {  	[tilespmem:s14+$0x80] =	vst v6;
	v6 =	vmul.f32 v3, v11;
	v10 =	vld [tilespmem:s14+$0xF0]  }
0x595: {  	[tilespmem:s14+$0x90] =	vst v4;
	v4 =	vmul.f32 v3, v8;
	v8 =	vld [tilespmem:s14+$0x100]  }
0x596: {  	[tilespmem:s14+$0xA0] =	vst v6;
	v5 =	vmul.f32 v3, v5;
	v6 =	vld [tilespmem:s14+$0x110]  }
0x597: {  	[tilespmem:s14+$0xB0] =	vst v4;
	v4 =	vmul.f32 v3, v9;
	v9 =	vld [tilespmem:s14+$0x120]  }
0x598: {  	[tilespmem:s14+$0xC0] =	vst v5;
	v5 =	vmul.f32 v3, v7;
	v7 =	vld [tilespmem:s14+$0x130]  }
0x599: {  	[tilespmem:s14+$0xD0] =	vst v4;
	v3 =	vmul.f32 v3, v10;
	v4 =	vld [tilespmem:s14+$0x140]  }
0x59a: {  	[tilespmem:s14+$0xE0] =	vst v5;
	v5 =	vmul.f32 v2, v8;
	v8 =	vld [tilespmem:s14+$0x150]  }
0x59b: {  	s10 =	sadd.s32 $0x1, s15;
	v10 =	vmov s15;
	[tilespmem:s14+$0xF0] =	vst v3;
	v3 =	vmul.f32 v2, v6;
	v6 =	vld [tilespmem:s14+$0x160]  }
0x59c: {  	s11 =	sadd.s32 $0x3, s15;
	v11 =	vmov s10;
	s10 =	sadd.s32 $0x2, s15;
	v10 =	vand.u32 $0x7E, v10;
	[tilespmem:s14+$0x100] =	vst v5;
	v5 =	vmul.f32 v2, v9;
	v9 =	vld [tilespmem:s14+$0x170]  }
0x59d: {  	v13 =	vmov s11;
	s11 =	sadd.s32 $0x5, s15;
	v12 =	vmov s10;
	s10 =	sadd.s32 $0x4, s15;
	[tilespmem:s14+$0x110] =	vst v3;
	v3 =	vmul.f32 v2, v7;
	v7 =	vld [tilespmem:s14+$0x180]  }
0x59e: {  	v15 =	vmov s11;
	s11 =	sadd.s32 $0x7, s15;
	v14 =	vmov s10;
	s10 =	sadd.s32 $0x6, s15;
	[tilespmem:s14+$0x120] =	vst v5;
	v4 =	vmul.f32 v2, v4;
	v5 =	vld [tilespmem:s14+$0x190]  }
0x59f: {  	v17 =	vmov s11;
	v16 =	vmov s10;
	s10 =	sadd.s32 $0x8, s15;
	[tilespmem:s14+$0x130] =	vst v3;
	v3 =	vmul.f32 v2, v8;
	v8 =	vld [tilespmem:s14+$0x1A0]  }
0x5a0: {  	v18 =	vmov s10;
	v10 =	vor.u32 $0x100, v10;
	[tilespmem:s14+$0x140] =	vst v4;
	v4 =	vmul.f32 v2, v6;
	v6 =	vld [tilespmem:s14+$0x1B0]  }
0x5a1: {  	v11 =	vand.u32 $0x7F, v11;
	v12 =	vand.u32 $0xFE, v12;
	[tilespmem:s14+$0x150] =	vst v3;
	v2 =	vmul.f32 v2, v9;
	v3 =	vld [tilespmem:s14+$0x1C0]  }
0x5a2: {  	v9 =	vand.u32 $0xFF, v13;
	v13 =	vand.u32 $0xFE, v14;
	[tilespmem:s14+$0x160] =	vst v4;
	v4 =	vmul.f32 v1, v7;
	v7 =	vld [tilespmem:s14+$0x1D0]  }
0x5a3: {  	v14 =	vand.u32 $0xFF, v15;
	v15 =	vand.u32 $0xFE, v16;
	[tilespmem:s14+$0x170] =	vst v2;
	v5 =	vmul.f32 v1, v5;
	v16 =	vld [tilespmem:s14+$0x1E0]  }
0x5a4: {  	v17 =	vand.u32 $0xFF, v17;
	v18 =	vand.u32 $0xFE, v18;
	[tilespmem:s14+$0x180] =	vst v4;
	v4 =	vmul.f32 v1, v8;
	v19 =	vld [tilespmem:s14+$0x1F0]  }
0x5a5: {  	v2 =	vbroadcast v10, $0x0;
	v8 =	vor.u32 $0x100, v11;
	[tilespmem:s14+$0x190] =	vst v5;
	v5 =	vmul.f32 v1, v6;
	v10 =	vld [tilespmem:s14+$0x200]  }
0x5a6: {  	v9 =	vor.u32 $0x100, v9;
	v6 =	vor.u32 $0x100, v12;
	[tilespmem:s14+$0x1A0] =	vst v4;
	v11 =	vmul.f32 v1, v3;
	v20 =	vld [tilespmem:s14+$0x210]  }
.Ltmp7:
0x5a7: {  	v12 =	vor.u32 $0x100, v13;
	v3 =	vbroadcast v8, $0x0;
	[tilespmem:s14+$0x1B0] =	vst v5;
	v13 =	vmul.f32 v1, v7;
	v7 =	vld [tilespmem:s14+$0x220];
	(pc) =	sbr.rel @p1 .LBB2_12-.Ltmp7, $4  }
0x5a8: {  	v21 =	vor.u32 $0x100, v14;
	v4 =	vbroadcast v6, $0x0;
	[tilespmem:s14+$0x1C0] =	vst v11;
	v11 =	vmul.f32 v1, v16;
	v8 =	vld [tilespmem:s14+$0x230]  }
0x5a9: {  	v6 =	vor.u32 $0x100, v15;
	v5 =	vbroadcast v9, $0x0;
	[tilespmem:s14+$0x1D0] =	vst v13;
	v15 =	vmul.f32 v1, v19;
	v9 =	vld [tilespmem:s14+$0x240]  }
0x5aa: {  	v14 =	vor.u32 $0x100, v17;
	v1 =	vbroadcast v12, $0x0;
	[tilespmem:s14+$0x1E0] =	vst v11;
	v13 =	vmul.f32 v0, v10;
	v10 =	vld [tilespmem:s14+$0x250]  }
0x5ab: {  	s10 =	sadd.s32 $0x9, s15;
	s15 =	sadd.s32 $0xA, s15;
	v16 =	vor.u32 $0x100, v18;
	v12 =	vbroadcast v21, $0x0;
	[tilespmem:s14+$0x1F0] =	vst v15;
	v15 =	vmul.f32 v0, v20;
	v11 =	vld [tilespmem:s14+$0x260]  }
0x5ac: {  	_ =	sdelay $0x3  }
0x5ad: {  	v17 =	vld.idx.msk [tilespmem:v2+s21+$0x0], $0xffff  }
0x5ae: {  	v18 =	vld.idx.msk [tilespmem:v3+s21+$0x0], $0xffff  }
0x5af: {  	v2 =	vbroadcast v6, $0x0;
	v6 =	vmov s10;
	v3 =	vbroadcast v14, $0x0;
	v14 =	vld.idx.msk [tilespmem:v4+s21+$0x0], $0xffff  }
0x5b0: {  	v19 =	vld.idx.msk [tilespmem:v5+s21+$0x0], $0xffff;
	v6 =	vand.u32 $0xFF, v6  }
0x5b1: {  	s15 =	sadd.s32 $0x500, s14;
	v5 =	vld.idx.msk [tilespmem:v12+s21+$0x0], $0xffff;
	v4 =	vor.u32 $0x100, v6  }
0x5b2: {  	v12 =	vld [tilespmem:s15+$0x270];
	v20 =	vbroadcast v4, $0x0  }
0x5b3: {  	[tilespmem:s14+$0x200] =	vst v13;
	v7 =	vmul.f32 v0, v7;
	v13 =	vld [tilespmem:s15+$0xFFFFFD80]  }
0x5b4: {  	v8 =	vmul.f32 v0, v8;
	v6 =	vld.idx.msk [tilespmem:v1+s21+$0x0], $0xffff  }
0x5b5: {  	[tilespmem:s14+$0x220] =	vst v7;
	v7 =	vmul.f32 v0, v9;
	v9 =	vld [tilespmem:s15+$0xFFFFFD90]  }
0x5b6: {  	v16 =	vbroadcast v16, $0x0;
	[tilespmem:s14+$0x230] =	vst v8;
	v8 =	vmul.f32 v0, v10;
	v10 =	vld [tilespmem:s15+$0xFFFFFDA0]  }
0x5b7: {  	[tilespmem:s14+$0x240] =	vst v7;
	v7 =	vld [tilespmem:s15+$0xFFFFFDB0]  }
0x5b8: {  	v1 =	vld.idx.msk [tilespmem:v20+s21+$0x0], $0xffff  }
0x5b9: {  	[tilespmem:s14+$0x250] =	vst v8;
	v8 =	vld [tilespmem:s15+$0xFFFFFDC0]  }
0x5ba: {  	v0 =	vmul.f32 v0, v11;
	v4 =	vld.idx.msk [tilespmem:v2+s21+$0x0], $0xffff  }
0x5bb: {  	v3 =	vld.idx.msk [tilespmem:v3+s21+$0x0], $0xffff  }
0x5bc: {  	v2 =	vld.idx.msk [tilespmem:v16+s21+$0x0], $0xffff;
	[tilespmem:s14+$0x260] =	vst v0;
	v0 =	vmul.f32 v17, v13  }
0x5bd: {  	[tilespmem:s14+$0x210] =	vst v15;
	v9 =	vmul.f32 v17, v9;
	v11 =	vmul.f32 v1, v12;
	v12 =	vld [tilespmem:s15+$0xFFFFFDD0]  }
0x5be: {  	v13 =	vld [tilespmem:s15+$0xFFFFFDE0];
	[tilespmem:s15+$0xFFFFFD80] =	vst v0;
	v0 =	vmul.f32 v17, v10  }
0x5bf: {  	v10 =	vld [tilespmem:s15+$0xFFFFFDF0];
	[tilespmem:s15+$0xFFFFFD90] =	vst v9;
	v7 =	vmul.f32 v17, v7  }
0x5c0: {  	v9 =	vld [tilespmem:s15+$0xFFFFFE00];
	[tilespmem:s15+$0xFFFFFDA0] =	vst v0  }
0x5c1: {  	v0 =	vmul.f32 v17, v8;
	v8 =	vld [tilespmem:s15+$0xFFFFFE10];
	[tilespmem:s15+$0xFFFFFDB0] =	vst v7  }
0x5c2: {  	[tilespmem:s15+$0x270] =	vst v11;
	v11 =	vld [tilespmem:s15+$0xFFFFFE20];
	v7 =	vmul.f32 v17, v12  }
0x5c3: {  	[tilespmem:s15+$0xFFFFFDC0] =	vst v0;
	v0 =	vmul.f32 v17, v13;
	v12 =	vld [tilespmem:s15+$0xFFFFFE30]  }
0x5c4: {  	[tilespmem:s15+$0xFFFFFDD0] =	vst v7;
	v7 =	vmul.f32 v17, v10;
	v10 =	vld [tilespmem:s15+$0xFFFFFE40]  }
0x5c5: {  	[tilespmem:s15+$0xFFFFFDE0] =	vst v0;
	v0 =	vmul.f32 v18, v9;
	v9 =	vld [tilespmem:s15+$0xFFFFFE50]  }
0x5c6: {  	[tilespmem:s15+$0xFFFFFDF0] =	vst v7;
	v7 =	vmul.f32 v18, v8;
	v8 =	vld [tilespmem:s15+$0xFFFFFE60]  }
0x5c7: {  	[tilespmem:s15+$0xFFFFFE00] =	vst v0;
	v0 =	vmul.f32 v18, v11;
	v11 =	vld [tilespmem:s15+$0xFFFFFE70]  }
0x5c8: {  	[tilespmem:s15+$0xFFFFFE10] =	vst v7;
	v7 =	vmul.f32 v18, v12;
	v12 =	vld [tilespmem:s15+$0xFFFFFE80]  }
0x5c9: {  	[tilespmem:s15+$0xFFFFFE20] =	vst v0;
	v0 =	vmul.f32 v18, v10;
	v10 =	vld [tilespmem:s15+$0xFFFFFE90]  }
0x5ca: {  	[tilespmem:s15+$0xFFFFFE30] =	vst v7;
	v7 =	vmul.f32 v18, v9;
	v9 =	vld [tilespmem:s15+$0xFFFFFEA0]  }
0x5cb: {  	[tilespmem:s15+$0xFFFFFE40] =	vst v0;
	v0 =	vmul.f32 v18, v8;
	v8 =	vld [tilespmem:s15+$0xFFFFFEB0]  }
0x5cc: {  	[tilespmem:s15+$0xFFFFFE50] =	vst v7;
	v7 =	vmul.f32 v18, v11;
	v11 =	vld [tilespmem:s15+$0xFFFFFEC0]  }
0x5cd: {  	[tilespmem:s15+$0xFFFFFE60] =	vst v0;
	v0 =	vmul.f32 v14, v12;
	v12 =	vld [tilespmem:s15+$0xFFFFFED0]  }
0x5ce: {  	[tilespmem:s15+$0xFFFFFE70] =	vst v7;
	v7 =	vmul.f32 v14, v10;
	v10 =	vld [tilespmem:s15+$0xFFFFFEE0]  }
0x5cf: {  	[tilespmem:s15+$0xFFFFFE80] =	vst v0;
	v0 =	vmul.f32 v14, v9;
	v9 =	vld [tilespmem:s15+$0xFFFFFEF0]  }
0x5d0: {  	[tilespmem:s15+$0xFFFFFE90] =	vst v7;
	v7 =	vmul.f32 v14, v8;
	v8 =	vld [tilespmem:s15+$0xFFFFFF00]  }
0x5d1: {  	[tilespmem:s15+$0xFFFFFEA0] =	vst v0;
	v0 =	vmul.f32 v14, v11;
	v11 =	vld [tilespmem:s15+$0xFFFFFF10]  }
0x5d2: {  	[tilespmem:s15+$0xFFFFFEB0] =	vst v7;
	v7 =	vmul.f32 v14, v12;
	v12 =	vld [tilespmem:s15+$0xFFFFFF20]  }
0x5d3: {  	[tilespmem:s15+$0xFFFFFEC0] =	vst v0;
	v0 =	vmul.f32 v14, v10;
	v10 =	vld [tilespmem:s15+$0xFFFFFF30]  }
0x5d4: {  	[tilespmem:s15+$0xFFFFFED0] =	vst v7;
	v7 =	vmul.f32 v14, v9;
	v9 =	vld [tilespmem:s15+$0xFFFFFF40]  }
0x5d5: {  	[tilespmem:s15+$0xFFFFFEE0] =	vst v0;
	v0 =	vmul.f32 v19, v8;
	v8 =	vld [tilespmem:s15+$0xFFFFFF50]  }
0x5d6: {  	[tilespmem:s15+$0xFFFFFEF0] =	vst v7;
	v7 =	vmul.f32 v19, v11;
	v11 =	vld [tilespmem:s15+$0xFFFFFF60]  }
0x5d7: {  	[tilespmem:s15+$0xFFFFFF00] =	vst v0;
	v0 =	vmul.f32 v19, v12;
	v12 =	vld [tilespmem:s15+$0xFFFFFF70]  }
0x5d8: {  	[tilespmem:s15+$0xFFFFFF10] =	vst v7;
	v7 =	vmul.f32 v19, v10;
	v10 =	vld [tilespmem:s15+$0xFFFFFF80]  }
0x5d9: {  	[tilespmem:s15+$0xFFFFFF20] =	vst v0;
	v0 =	vmul.f32 v19, v9;
	v9 =	vld [tilespmem:s15+$0xFFFFFF90]  }
0x5da: {  	[tilespmem:s15+$0xFFFFFF30] =	vst v7;
	v7 =	vmul.f32 v19, v8;
	v8 =	vld [tilespmem:s15+$0xFFFFFFA0]  }
0x5db: {  	[tilespmem:s15+$0xFFFFFF40] =	vst v0;
	v0 =	vmul.f32 v19, v11;
	v11 =	vld [tilespmem:s15+$0xFFFFFFB0]  }
0x5dc: {  	[tilespmem:s15+$0xFFFFFF50] =	vst v7;
	v7 =	vmul.f32 v19, v12;
	v12 =	vld [tilespmem:s15+$0xFFFFFFC0]  }
0x5dd: {  	[tilespmem:s15+$0xFFFFFF60] =	vst v0;
	v0 =	vmul.f32 v6, v10;
	v10 =	vld [tilespmem:s15+$0xFFFFFFD0]  }
0x5de: {  	[tilespmem:s15+$0xFFFFFF70] =	vst v7;
	v7 =	vmul.f32 v6, v9;
	v9 =	vld [tilespmem:s15+$0xFFFFFFE0]  }
0x5df: {  	[tilespmem:s15+$0xFFFFFF80] =	vst v0;
	v0 =	vmul.f32 v6, v8;
	v8 =	vld [tilespmem:s15+$0xFFFFFFF0]  }
0x5e0: {  	[tilespmem:s15+$0xFFFFFF90] =	vst v7;
	v7 =	vmul.f32 v6, v11;
	v11 =	vld [tilespmem:s15+$0x0]  }
0x5e1: {  	[tilespmem:s15+$0xFFFFFFA0] =	vst v0;
	v0 =	vmul.f32 v6, v12;
	v12 =	vld [tilespmem:s15+$0x10]  }
0x5e2: {  	[tilespmem:s15+$0xFFFFFFB0] =	vst v7;
	v7 =	vmul.f32 v6, v10;
	v10 =	vld [tilespmem:s15+$0x20]  }
0x5e3: {  	[tilespmem:s15+$0xFFFFFFC0] =	vst v0;
	v0 =	vmul.f32 v6, v9;
	v9 =	vld [tilespmem:s15+$0x30]  }
0x5e4: {  	[tilespmem:s15+$0xFFFFFFD0] =	vst v7;
	v6 =	vmul.f32 v6, v8;
	v7 =	vld [tilespmem:s15+$0x40]  }
0x5e5: {  	v8 =	vld [tilespmem:s15+$0x50];
	[tilespmem:s15+$0xFFFFFFE0] =	vst v0;
	v0 =	vmul.f32 v5, v11  }
0x5e6: {  	v11 =	vld [tilespmem:s15+$0x60];
	[tilespmem:s15+$0xFFFFFFF0] =	vst v6;
	v6 =	vmul.f32 v5, v12  }
0x5e7: {  	[tilespmem:s15+$0x0] =	vst v0;
	v0 =	vmul.f32 v5, v10;
	v10 =	vld [tilespmem:s15+$0x70]  }
0x5e8: {  	[tilespmem:s15+$0x10] =	vst v6;
	v6 =	vmul.f32 v5, v9;
	v9 =	vld [tilespmem:s15+$0x80]  }
0x5e9: {  	[tilespmem:s15+$0x20] =	vst v0;
	v0 =	vmul.f32 v5, v7;
	v7 =	vld [tilespmem:s15+$0x90]  }
0x5ea: {  	[tilespmem:s15+$0x30] =	vst v6;
	v6 =	vmul.f32 v5, v8;
	v8 =	vld [tilespmem:s15+$0xA0]  }
0x5eb: {  	[tilespmem:s15+$0x40] =	vst v0;
	v0 =	vmul.f32 v5, v11;
	v11 =	vld [tilespmem:s15+$0xB0]  }
0x5ec: {  	[tilespmem:s15+$0x50] =	vst v6;
	v5 =	vmul.f32 v5, v10;
	v6 =	vld [tilespmem:s15+$0xC0]  }
0x5ed: {  	[tilespmem:s15+$0x60] =	vst v0;
	v0 =	vmul.f32 v4, v9;
	v9 =	vld [tilespmem:s15+$0xD0]  }
0x5ee: {  	[tilespmem:s15+$0x70] =	vst v5;
	v5 =	vmul.f32 v4, v7;
	v7 =	vld [tilespmem:s15+$0xE0]  }
0x5ef: {  	[tilespmem:s15+$0x80] =	vst v0;
	v0 =	vmul.f32 v4, v8;
	v8 =	vld [tilespmem:s15+$0xF0]  }
0x5f0: {  	v10 =	vld [tilespmem:s15+$0x100];
	[tilespmem:s15+$0x90] =	vst v5;
	v5 =	vmul.f32 v4, v11  }
0x5f1: {  	[tilespmem:s15+$0xA0] =	vst v0;
	v0 =	vmul.f32 v4, v6;
	v6 =	vld [tilespmem:s15+$0x110]  }
0x5f2: {  	[tilespmem:s15+$0xB0] =	vst v5;
	v5 =	vmul.f32 v4, v9;
	v9 =	vld [tilespmem:s15+$0x120]  }
0x5f3: {  	[tilespmem:s15+$0xC0] =	vst v0;
	v0 =	vmul.f32 v4, v7;
	v7 =	vld [tilespmem:s15+$0x130]  }
0x5f4: {  	[tilespmem:s15+$0xD0] =	vst v5;
	v4 =	vmul.f32 v4, v8;
	v5 =	vld [tilespmem:s15+$0x140]  }
0x5f5: {  	v8 =	vld [tilespmem:s15+$0x150];
	[tilespmem:s15+$0xE0] =	vst v0;
	v0 =	vmul.f32 v3, v10  }
0x5f6: {  	[tilespmem:s15+$0xF0] =	vst v4;
	v4 =	vmul.f32 v3, v6;
	v6 =	vld [tilespmem:s15+$0x160]  }
0x5f7: {  	[tilespmem:s15+$0x100] =	vst v0;
	v0 =	vmul.f32 v3, v9;
	v9 =	vld [tilespmem:s15+$0x170]  }
0x5f8: {  	[tilespmem:s15+$0x110] =	vst v4;
	v4 =	vmul.f32 v3, v7;
	v7 =	vld [tilespmem:s15+$0x180]  }
0x5f9: {  	[tilespmem:s15+$0x120] =	vst v0;
	v0 =	vmul.f32 v3, v5;
	v5 =	vld [tilespmem:s15+$0x190]  }
0x5fa: {  	[tilespmem:s15+$0x130] =	vst v4;
	v4 =	vmul.f32 v3, v8;
	v8 =	vld [tilespmem:s15+$0x1A0]  }
0x5fb: {  	[tilespmem:s15+$0x140] =	vst v0;
	v0 =	vmul.f32 v3, v6;
	v6 =	vld [tilespmem:s15+$0x1B0]  }
0x5fc: {  	[tilespmem:s15+$0x150] =	vst v4;
	v3 =	vmul.f32 v3, v9;
	v4 =	vld [tilespmem:s15+$0x1C0]  }
0x5fd: {  	[tilespmem:s15+$0x160] =	vst v0;
	v0 =	vmul.f32 v2, v7;
	v7 =	vld [tilespmem:s15+$0x1D0]  }
0x5fe: {  	[tilespmem:s15+$0x170] =	vst v3;
	v3 =	vmul.f32 v2, v5;
	v5 =	vld [tilespmem:s15+$0x1E0]  }
0x5ff: {  	[tilespmem:s15+$0x180] =	vst v0;
	v0 =	vmul.f32 v2, v8;
	v8 =	vld [tilespmem:s15+$0x1F0]  }
0x600: {  	[tilespmem:s15+$0x190] =	vst v3;
	v3 =	vmul.f32 v2, v6;
	v6 =	vld [tilespmem:s15+$0x200]  }
0x601: {  	[tilespmem:s15+$0x1A0] =	vst v0;
	v0 =	vmul.f32 v2, v4;
	v4 =	vld [tilespmem:s15+$0x210]  }
0x602: {  	[tilespmem:s15+$0x1B0] =	vst v3;
	v3 =	vmul.f32 v2, v7;
	v7 =	vld [tilespmem:s15+$0x220]  }
0x603: {  	[tilespmem:s15+$0x1C0] =	vst v0;
	v0 =	vmul.f32 v2, v5;
	v5 =	vld [tilespmem:s15+$0x230]  }
0x604: {  	[tilespmem:s15+$0x1D0] =	vst v3;
	v2 =	vmul.f32 v2, v8;
	v3 =	vld [tilespmem:s15+$0x240]  }
0x605: {  	[tilespmem:s15+$0x1E0] =	vst v0;
	v0 =	vmul.f32 v1, v6;
	v6 =	vld [tilespmem:s15+$0x250]  }
0x606: {  	[tilespmem:s15+$0x1F0] =	vst v2;
	v2 =	vmul.f32 v1, v4;
	v4 =	vld [tilespmem:s15+$0x260]  }
0x607: {  	[tilespmem:s15+$0x200] =	vst v0;
	v0 =	vmul.f32 v1, v7  }
0x608: {  	[tilespmem:s15+$0x210] =	vst v2;
	v2 =	vmul.f32 v1, v5  }
0x609: {  	[tilespmem:s15+$0x220] =	vst v0;
	v0 =	vmul.f32 v1, v3  }
0x60a: {  	[tilespmem:s15+$0x230] =	vst v2;
	v2 =	vmul.f32 v1, v6  }
0x60b: {  	[tilespmem:s15+$0x240] =	vst v0;
	v0 =	vmul.f32 v1, v4  }
0x60c: {  	[tilespmem:s15+$0x250] =	vst v2  }
0x60d: {  	s14 =	simm.s32 $0x14100;
	[tilespmem:s15+$0x260] =	vst v0  }
0x60e: {  	[spmem:s3] =	stream.indirect.scatter.add.f32 [tilespmem:s30], [sflag:$0x5], $0x80, s14, s26, $0xb8;
	[tilespmem:$0x1E080] =	vst v63  }
0x60f: {  	s15 =	rddreg [dreg:$0xc]  }
0x610: {  	s10 =	sadd.s32 s13, s15  }
0x611: {  	s10 =	sshrl.u32 s10, $0x3  }
0x612: {  	s11 =	simm.s32 $0x0;
	s10 =	sadd.s32 s5, s10  }
0x613: {  	[tilespmem:s23], [sflag:$0x8] =	stream.linear.gather [hbm4b:s10+s11], $0x180, $0x38;
	[tilespmem:$0x1E080] =	vst v63  }
0x614: {  	v0 =	vmov s11;
	_ =	swait.ge [sflag:s18], $0x3200  }
0x615: {  	v0 =	vand.u32 $0x7E, v0;
	s14 =	simm.s32 $0x2;
	s11 =	simm.s32 $0x1;
	[sflag:s18] =	ssyncset.done $0x0  }
0x616: {  	s15 =	simm.s32 $0x3;
	v2 =	vmov s14;
	v0 =	vor.u32 $0x100, v0;
	v1 =	vmov s11;
	[sflag:s18] =	ssyncadd.s32 $0xFFFFCE00  }
0x617: {  	s14 =	simm.s32 $0x9;
	v3 =	vmov s15;
	v2 =	vand.u32 $0xFE, v2;
	v1 =	vand.u32 $0x7F, v1;
	_ =	swait.ge [sflag:s25], $0x180  }
0x618: {  	v0 =	vbroadcast v0, $0x0;
	v4 =	vmov s14;
	v1 =	vor.u32 $0x100, v1;
	[sflag:s25] =	ssyncset.done $0x0  }
0x619: {  	v3 =	vand.u32 $0xFF, v3;
	v2 =	vor.u32 $0x100, v2;
	v1 =	vbroadcast v1, $0x0;
	[sflag:s25] =	ssyncadd.s32 $0xFFFFFE80  }
0x61a: {  	v4 =	vand.u32 $0xFF, v4;
	v3 =	vor.u32 $0x100, v3;
	v2 =	vbroadcast v2, $0x0;
	[tilespmem:s28], [sflag:$0x1] =	stream.indirect.gather [hbm4b:s1+s26], $0x80, s22, s26, $0xb8;
	[tilespmem:$0x1E080] =	vst v63  }
0x61b: {  	v4 =	vor.u32 $0x100, v4;
	v3 =	vbroadcast v3, $0x0;
	_ =	swait.ge [sflag:s19], $0x3200  }
0x61c: {  	v4 =	vbroadcast v4, $0x0;
	[sflag:s19] =	ssyncset.done $0x0  }
0x61d: {  	[sflag:s19] =	ssyncadd.s32 $0xFFFFCE00  }
0x61e: {  	v5 =	vld.idx.msk [tilespmem:v0+s17+$0x0], $0xffff  }
0x61f: {  	v1 =	vld.idx.msk [tilespmem:v1+s17+$0x0], $0xffff  }
0x620: {  	v2 =	vld.idx.msk [tilespmem:v2+s17+$0x0], $0xffff  }
0x621: {  	v3 =	vld.idx.msk [tilespmem:v3+s17+$0x0], $0xffff  }
0x622: {  	s14 =	simm.s32 $0x1AF00;
	v0 =	vld.idx.msk [tilespmem:v4+s17+$0x0], $0xffff  }
0x623: {  	v4 =	vld [tilespmem:s14+$0xFFFFFD80]  }
0x624: {  	v6 =	vld [tilespmem:s14+$0xFFFFFD90]  }
0x625: {  	v7 =	vld [tilespmem:s14+$0xFFFFFDA0]  }
0x626: {  	v8 =	vld [tilespmem:s14+$0xFFFFFDB0]  }
0x627: {  	v9 =	vld [tilespmem:s14+$0xFFFFFDC0]  }
0x628: {  	v10 =	vld [tilespmem:s14+$0xFFFFFDD0]  }
0x629: {  	v12 =	vld [tilespmem:s14+$0x270]  }
0x62a: {  	v11 =	vld [tilespmem:s14+$0xFFFFFDE0]  }
0x62b: {  	v13 =	vld [tilespmem:s14+$0xFFFFFE00]  }
0x62c: {  	v15 =	vld [tilespmem:s14+$0xFFFFFE20]  }
0x62d: {  	v14 =	vld [tilespmem:s14+$0xFFFFFE10];
	v4 =	vmul.f32 v5, v4  }
0x62e: {  	v16 =	vld [tilespmem:s14+$0xFFFFFE30];
	v12 =	vmul.f32 v0, v12  }
0x62f: {  	v17 =	vld [tilespmem:s14+$0xFFFFFE40];
	v6 =	vmul.f32 v5, v6;
	[tilespmem:s14+$0xFFFFFD80] =	vst v4  }
0x630: {  	v18 =	vld [tilespmem:s14+$0xFFFFFE70];
	v7 =	vmul.f32 v5, v7;
	[tilespmem:s14+$0x270] =	vst v12  }
0x631: {  	v15 =	vmul.f32 v1, v15;
	v4 =	vld [tilespmem:s14+$0xFFFFFDF0];
	[tilespmem:s14+$0xFFFFFD90] =	vst v6  }
0x632: {  	v12 =	vld [tilespmem:s14+$0xFFFFFE50];
	v6 =	vmul.f32 v5, v8;
	[tilespmem:s14+$0xFFFFFDA0] =	vst v7  }
0x633: {  	v8 =	vld [tilespmem:s14+$0xFFFFFE60];
	v7 =	vmul.f32 v5, v9;
	[tilespmem:s14+$0xFFFFFE20] =	vst v15  }
0x634: {  	v9 =	vld [tilespmem:s14+$0xFFFFFE80];
	v15 =	vmul.f32 v1, v17;
	[tilespmem:s14+$0xFFFFFDB0] =	vst v6  }
0x635: {  	v6 =	vmul.f32 v5, v10;
	v10 =	vld [tilespmem:s14+$0xFFFFFE90];
	[tilespmem:s14+$0xFFFFFDC0] =	vst v7  }
0x636: {  	v7 =	vmul.f32 v5, v11;
	v11 =	vld [tilespmem:s14+$0xFFFFFEA0];
	[tilespmem:s14+$0xFFFFFE40] =	vst v15  }
0x637: {  	v15 =	vld [tilespmem:s14+$0xFFFFFF20];
	[tilespmem:s14+$0xFFFFFDD0] =	vst v6;
	v6 =	vmul.f32 v1, v13  }
0x638: {  	[tilespmem:s14+$0xFFFFFDE0] =	vst v7;
	v7 =	vld [tilespmem:s14+$0xFFFFFEC0];
	v13 =	vmul.f32 v1, v14  }
0x639: {  	v4 =	vmul.f32 v5, v4;
	v5 =	vld [tilespmem:s14+$0xFFFFFEB0];
	[tilespmem:s14+$0xFFFFFE00] =	vst v6  }
0x63a: {  	v12 =	vmul.f32 v1, v12;
	v6 =	vld [tilespmem:s14+$0xFFFFFEE0];
	[tilespmem:s14+$0xFFFFFE10] =	vst v13  }
0x63b: {  	v8 =	vmul.f32 v1, v8;
	v13 =	vmul.f32 v1, v16;
	v16 =	vld [tilespmem:s14+$0xFFFFFF00];
	[tilespmem:s14+$0xFFFFFDF0] =	vst v4  }
0x63c: {  	v4 =	vmul.f32 v2, v9;
	v9 =	vld [tilespmem:s14+$0xFFFFFED0];
	[tilespmem:s14+$0xFFFFFE50] =	vst v12  }
0x63d: {  	v1 =	vmul.f32 v1, v18;
	v12 =	vld [tilespmem:s14+$0xFFFFFF30];
	[tilespmem:s14+$0xFFFFFE60] =	vst v8  }
0x63e: {  	s15 =	simm.s32 $0x4;
	v8 =	vmul.f32 v2, v10;
	v10 =	vld [tilespmem:s14+$0xFFFFFF40];
	[tilespmem:s14+$0xFFFFFE30] =	vst v13  }
0x63f: {  	v14 =	vmov s15;
	v13 =	vld [tilespmem:s14+$0xFFFFFF10];
	[tilespmem:s14+$0xFFFFFE70] =	vst v1  }
0x640: {  	v11 =	vmul.f32 v2, v11;
	[tilespmem:s14+$0xFFFFFE80] =	vst v4;
	v4 =	vand.u32 $0xFE, v14;
	v14 =	vld [tilespmem:s14+$0xFFFFFEF0]  }
0x641: {  	[tilespmem:s14+$0xFFFFFE90] =	vst v8;
	v8 =	vld [tilespmem:s14+$0xFFFFFF60];
	v7 =	vmul.f32 v2, v7  }
0x642: {  	[tilespmem:s14+$0xFFFFFEA0] =	vst v11;
	v11 =	vld [tilespmem:s14+$0xFFFFFF70];
	v4 =	vor.u32 $0x100, v4;
	v5 =	vmul.f32 v2, v5  }
0x643: {  	v4 =	vbroadcast v4, $0x0;
	v1 =	vmul.f32 v3, v16;
	v16 =	vld [tilespmem:s14+$0xFFFFFF50];
	[tilespmem:s14+$0xFFFFFEC0] =	vst v7  }
0x644: {  	s11 =	simm.s32 $0x5;
	v6 =	vmul.f32 v2, v6;
	v7 =	vld [tilespmem:s14+$0xFFFFFF90];
	[tilespmem:s14+$0xFFFFFEB0] =	vst v5  }
0x645: {  	v17 =	vmov s11;
	v5 =	vmul.f32 v2, v9;
	v9 =	vld [tilespmem:s14+$0xFFFFFF80];
	[tilespmem:s14+$0xFFFFFF00] =	vst v1  }
0x646: {  	v12 =	vmul.f32 v3, v12;
	v1 =	vand.u32 $0xFF, v17;
	[tilespmem:s14+$0xFFFFFEE0] =	vst v6;
	v6 =	vmul.f32 v3, v13;
	v13 =	vld [tilespmem:s14+$0xFFFFFFB0]  }
0x647: {  	v10 =	vmul.f32 v3, v10;
	v1 =	vor.u32 $0x100, v1;
	[tilespmem:s14+$0xFFFFFED0] =	vst v5;
	v5 =	vld [tilespmem:s14+$0xFFFFFFA0]  }
0x648: {  	v2 =	vmul.f32 v2, v14;
	v14 =	vld [tilespmem:s14+$0xFFFFFFC0];
	[tilespmem:s14+$0xFFFFFF30] =	vst v12;
	v1 =	vbroadcast v1, $0x0  }
0x649: {  	[tilespmem:s14+$0xFFFFFF40] =	vst v10;
	v4 =	vld.idx.msk [tilespmem:v4+s17+$0x0], $0xffff  }
0x64a: {  	v8 =	vmul.f32 v3, v8;
	v10 =	vld [tilespmem:s14+$0x0];
	[tilespmem:s14+$0xFFFFFEF0] =	vst v2;
	v2 =	vmul.f32 v3, v15  }
0x64b: {  	[tilespmem:s14+$0xFFFFFF10] =	vst v6;
	v12 =	vmul.f32 v3, v16;
	v3 =	vmul.f32 v3, v11;
	v11 =	vld [tilespmem:s14+$0x10]  }
0x64c: {  	[tilespmem:s14+$0xFFFFFF20] =	vst v2;
	v2 =	vld [tilespmem:s14+$0xFFFFFFE0]  }
0x64d: {  	[tilespmem:s14+$0xFFFFFF60] =	vst v8;
	v8 =	vld [tilespmem:s14+$0x20]  }
0x64e: {  	[tilespmem:s14+$0xFFFFFF50] =	vst v12;
	v1 =	vld.idx.msk [tilespmem:v1+s17+$0x0], $0xffff;
	v6 =	vmul.f32 v4, v9  }
0x64f: {  	s15 =	simm.s32 $0x6;
	[tilespmem:s14+$0xFFFFFF70] =	vst v3;
	v12 =	vld [tilespmem:s14+$0x40];
	v7 =	vmul.f32 v4, v7  }
0x650: {  	v15 =	vmov s15;
	v9 =	vld [tilespmem:s14+$0xFFFFFFD0];
	v3 =	vmul.f32 v4, v5;
	[tilespmem:s14+$0xFFFFFF80] =	vst v6  }
0x651: {  	v5 =	vld [tilespmem:s14+$0x30];
	v2 =	vmul.f32 v4, v2;
	v6 =	vand.u32 $0xFE, v15;
	[tilespmem:s14+$0xFFFFFF90] =	vst v7  }
0x652: {  	v15 =	vld [tilespmem:s14+$0xFFFFFFF0];
	v7 =	vmul.f32 v4, v13;
	[tilespmem:s14+$0xFFFFFFA0] =	vst v3;
	v13 =	vmul.f32 v4, v14;
	v6 =	vor.u32 $0x100, v6  }
0x653: {  	[tilespmem:s14+$0xFFFFFFE0] =	vst v2;
	v6 =	vbroadcast v6, $0x0;
	v3 =	vmul.f32 v1, v10;
	v10 =	vld [tilespmem:s14+$0x50]  }
0x654: {  	s11 =	simm.s32 $0x7;
	[tilespmem:s14+$0xFFFFFFB0] =	vst v7;
	v7 =	vld [tilespmem:s14+$0x60]  }
0x655: {  	v14 =	vmov s11;
	[tilespmem:s14+$0xFFFFFFC0] =	vst v13;
	v13 =	vld [tilespmem:s14+$0x70];
	v2 =	vmul.f32 v1, v11  }
0x656: {  	v11 =	vld [tilespmem:s14+$0x90];
	v9 =	vmul.f32 v4, v9;
	[tilespmem:s14+$0x0] =	vst v3;
	v3 =	vand.u32 $0xFF, v14  }
0x657: {  	[tilespmem:s14+$0x10] =	vst v2;
	v2 =	vmul.f32 v1, v5;
	v5 =	vld [tilespmem:s14+$0xB0];
	v3 =	vor.u32 $0x100, v3;
	v4 =	vmul.f32 v4, v15  }
0x658: {  	[tilespmem:s14+$0xFFFFFFD0] =	vst v9;
	v9 =	vld [tilespmem:s14+$0x80];
	v3 =	vbroadcast v3, $0x0  }
0x659: {  	[tilespmem:s14+$0xFFFFFFF0] =	vst v4;
	v4 =	vmul.f32 v1, v8;
	v6 =	vld.idx.msk [tilespmem:v6+s17+$0x0], $0xffff  }
0x65a: {  	[tilespmem:s14+$0x30] =	vst v2;
	v8 =	vld [tilespmem:s14+$0xA0];
	v10 =	vmul.f32 v1, v10  }
0x65b: {  	[tilespmem:s14+$0x20] =	vst v4;
	v4 =	vmul.f32 v1, v12;
	v12 =	vld [tilespmem:s14+$0xC0]  }
0x65c: {  	v7 =	vmul.f32 v1, v7;
	[tilespmem:s14+$0x50] =	vst v10;
	v10 =	vld [tilespmem:s14+$0xF0]  }
0x65d: {  	v1 =	vmul.f32 v1, v13;
	[tilespmem:s14+$0x40] =	vst v4;
	v4 =	vld [tilespmem:s14+$0xE0]  }
0x65e: {  	s15 =	simm.s32 $0x8;
	[tilespmem:s14+$0x60] =	vst v7;
	v3 =	vld.idx.msk [tilespmem:v3+s17+$0x0], $0xffff;
	v2 =	vmul.f32 v6, v9  }
0x65f: {  	v14 =	vmov s15;
	[tilespmem:s14+$0x70] =	vst v1;
	v9 =	vld [tilespmem:s14+$0xD0];
	v7 =	vmul.f32 v6, v11  }
0x660: {  	v11 =	vld [tilespmem:s14+$0x100];
	v1 =	vmul.f32 v6, v8;
	[tilespmem:s14+$0x80] =	vst v2;
	v2 =	vand.u32 $0xFE, v14  }
0x661: {  	v8 =	vld [tilespmem:s14+$0x110];
	v5 =	vmul.f32 v6, v5;
	[tilespmem:s14+$0x90] =	vst v7;
	v2 =	vor.u32 $0x100, v2  }
0x662: {  	v7 =	vld [tilespmem:s14+$0x120];
	[tilespmem:s14+$0xA0] =	vst v1;
	v1 =	vmul.f32 v6, v12;
	v2 =	vbroadcast v2, $0x0  }
0x663: {  	v12 =	vld [tilespmem:s14+$0x130];
	[tilespmem:s14+$0xB0] =	vst v5;
	v4 =	vmul.f32 v6, v4  }
0x664: {  	[tilespmem:s14+$0xC0] =	vst v1;
	v5 =	vmul.f32 v6, v9;
	v9 =	vld [tilespmem:s14+$0x140]  }
0x665: {  	v1 =	vmul.f32 v3, v11;
	v11 =	vld [tilespmem:s14+$0x150];
	[tilespmem:s14+$0xE0] =	vst v4  }
0x666: {  	v4 =	vmul.f32 v3, v8;
	v8 =	vld [tilespmem:s14+$0x180];
	[tilespmem:s14+$0xD0] =	vst v5  }
0x667: {  	s11 =	simm.s32 $0xA;
	v5 =	vld [tilespmem:s14+$0x160];
	[tilespmem:s14+$0x100] =	vst v1;
	v7 =	vmul.f32 v3, v7  }
0x668: {  	v1 =	vmov s11;
	[tilespmem:s14+$0x110] =	vst v4;
	v13 =	vld.idx.msk [tilespmem:v2+s17+$0x0], $0xffff;
	v2 =	vmul.f32 v6, v10  }
0x669: {  	s15 =	simm.s32 $0xB;
	s11 =	simm.s32 $0xC;
	v4 =	vmul.f32 v3, v12;
	v1 =	vand.u32 $0x7E, v1;
	[tilespmem:s14+$0x120] =	vst v7;
	v6 =	vld [tilespmem:s14+$0x170]  }
0x66a: {  	v12 =	vld [tilespmem:s14+$0x190];
	v10 =	vmov s11;
	s11 =	simm.s32 $0xE;
	v7 =	vmul.f32 v3, v9;
	[tilespmem:s14+$0xF0] =	vst v2;
	v2 =	vmov s15;
	s15 =	simm.s32 $0xD  }
0x66b: {  	[tilespmem:s14+$0x130] =	vst v4;
	v9 =	vld [tilespmem:s14+$0x1A0];
	v4 =	vmul.f32 v3, v11;
	v15 =	vmov s11;
	s11 =	simm.s32 $0x10;
	v14 =	vmov s15;
	s15 =	simm.s32 $0xF  }
0x66c: {  	v1 =	vor.u32 $0x100, v1;
	v11 =	vld [tilespmem:s14+$0x1B0];
	v17 =	vmov s11;
	[tilespmem:s14+$0x140] =	vst v7;
	v16 =	vmov s15;
	s15 =	simm.s32 $0x11  }
0x66d: {  	v5 =	vmul.f32 v3, v5;
	v7 =	vld [tilespmem:s14+$0x1C0];
	[tilespmem:s14+$0x150] =	vst v4;
	v4 =	vand.u32 $0x7F, v2;
	v18 =	vmov s15  }
0x66e: {  	v2 =	vmul.f32 v3, v6;
	v3 =	vmul.f32 v13, v8;
	v8 =	vand.u32 $0xFE, v10  }
0x66f: {  	[tilespmem:s14+$0x160] =	vst v5;
	v5 =	vld [tilespmem:s14+$0x1E0];
	s15 =	simm.s32 $0x12;
	v10 =	vand.u32 $0xFF, v14;
	v14 =	vand.u32 $0xFE, v15;
	v15 =	vand.u32 $0xFF, v16  }
0x670: {  	v6 =	vld [tilespmem:s14+$0x1D0];
	v16 =	vand.u32 $0xFE, v17;
	v12 =	vmul.f32 v13, v12;
	v19 =	vmov s15;
	[tilespmem:s14+$0x180] =	vst v3  }
0x671: {  	v17 =	vand.u32 $0xFF, v18;
	[tilespmem:s14+$0x170] =	vst v2;
	v3 =	vmul.f32 v13, v9;
	v9 =	vld [tilespmem:s14+$0x1F0];
	v2 =	vbroadcast v1, $0x0  }
0x672: {  	v1 =	vor.u32 $0x100, v4;
	[tilespmem:s14+$0x190] =	vst v12;
	v4 =	vmul.f32 v13, v11;
	v11 =	vld [tilespmem:s14+$0x200];
	v12 =	vmul.f32 v13, v7  }
0x673: {  	v8 =	vor.u32 $0x100, v8;
	v10 =	vor.u32 $0x100, v10;
	v18 =	vand.u32 $0xFE, v19;
	v19 =	vld [tilespmem:s14+$0x210];
	[tilespmem:s14+$0x1A0] =	vst v3  }
0x674: {  	v15 =	vor.u32 $0x100, v15;
	v7 =	vld [tilespmem:s14+$0x220];
	v3 =	vbroadcast v1, $0x0;
	[tilespmem:s14+$0x1C0] =	vst v12;
	v12 =	vmul.f32 v13, v5  }
0x675: {  	v1 =	vor.u32 $0x100, v14;
	[tilespmem:s14+$0x1B0] =	vst v4;
	v4 =	vbroadcast v8, $0x0;
	v8 =	vld [tilespmem:s14+$0x230];
	v14 =	vmul.f32 v13, v6  }
0x676: {  	v5 =	vbroadcast v10, $0x0;
	v6 =	vor.u32 $0x100, v16;
	[tilespmem:s14+$0x1E0] =	vst v12;
	v63 =	vmul.f32 v13, v9;
	v9 =	vld [tilespmem:s14+$0x240]  }
0x677: {  	v10 =	vld [tilespmem:s14+$0x250];
	v1 =	vbroadcast v1, $0x0;
	v16 =	vor.u32 $0x100, v18;
	[tilespmem:s14+$0x1D0] =	vst v14;
	v13 =	vmul.f32 v0, v11  }
0x678: {  	s10 =	simm.s32 $0x13;
	s15 =	simm.s32 $0x14;
	v12 =	vbroadcast v15, $0x0;
	v14 =	vor.u32 $0x100, v17;
	v15 =	vmul.f32 v0, v19;
	v11 =	vld [tilespmem:s14+$0x260];
	[tilespmem:s14+$0x1F0] =	vst v63  }
.LBB2_14:
0x679: {  	p1 =	slt.u32 s15, $0x5A;
	v17 =	vld.idx.msk [tilespmem:v2+s17+$0x0], $0xffff;
	v2 =	vbroadcast v6, $0x0;
	v6 =	vmov s10;
	[tilespmem:s14+$0x200] =	vst v13;
	v13 =	vmul.f32 v0, v7  }
0x67a: {  	v14 =	vbroadcast v14, $0x0;
	v18 =	vld.idx.msk [tilespmem:v3+s17+$0x0], $0xffff;
	v3 =	vand.u32 $0xFF, v6;
	[tilespmem:s14+$0x210] =	vst v15;
	v8 =	vmul.f32 v0, v8  }
0x67b: {  	v15 =	vbroadcast v16, $0x0;
	v7 =	vld.idx.msk [tilespmem:v4+s17+$0x0], $0xffff;
	v3 =	vor.u32 $0x100, v3;
	[tilespmem:s14+$0x220] =	vst v13;
	v4 =	vmul.f32 v0, v9  }
0x67c: {  	v6 =	vld.idx.msk [tilespmem:v5+s17+$0x0], $0xffff;
	v9 =	vbroadcast v3, $0x0;
	[tilespmem:s14+$0x230] =	vst v8;
	v3 =	vmul.f32 v0, v10  }
0x67d: {  	v5 =	vld.idx.msk [tilespmem:v1+s17+$0x0], $0xffff;
	[tilespmem:s14+$0x240] =	vst v4;
	v0 =	vmul.f32 v0, v11  }
0x67e: {  	v4 =	vld.idx.msk [tilespmem:v12+s17+$0x0], $0xffff;
	[tilespmem:s14+$0x250] =	vst v3  }
0x67f: {  	v3 =	vld.idx.msk [tilespmem:v2+s17+$0x0], $0xffff;
	[tilespmem:s14+$0x260] =	vst v0  }
0x680: {  	v2 =	vld.idx.msk [tilespmem:v14+s17+$0x0], $0xffff  }
0x681: {  	v1 =	vld.idx.msk [tilespmem:v15+s17+$0x0], $0xffff  }
0x682: {  	s14 =	sadd.s32 $0x500, s14;
	v0 =	vld.idx.msk [tilespmem:v9+s17+$0x0], $0xffff  }
0x683: {  	v8 =	vld [tilespmem:s14+$0x270]  }
0x684: {  	v9 =	vld [tilespmem:s14+$0xFFFFFD80]  }
0x685: {  	v10 =	vld [tilespmem:s14+$0xFFFFFD90]  }
0x686: {  	v11 =	vld [tilespmem:s14+$0xFFFFFDA0]  }
0x687: {  	v12 =	vld [tilespmem:s14+$0xFFFFFDB0]  }
0x688: {  	v13 =	vld [tilespmem:s14+$0xFFFFFDC0];
	v8 =	vmul.f32 v0, v8  }
0x689: {  	v9 =	vmul.f32 v17, v9;
	v14 =	vld [tilespmem:s14+$0xFFFFFDD0]  }
0x68a: {  	v10 =	vmul.f32 v17, v10;
	v15 =	vld [tilespmem:s14+$0xFFFFFDE0];
	[tilespmem:s14+$0x270] =	vst v8  }
0x68b: {  	[tilespmem:s14+$0xFFFFFD80] =	vst v9;
	v8 =	vmul.f32 v17, v11;
	v9 =	vld [tilespmem:s14+$0xFFFFFDF0]  }
0x68c: {  	[tilespmem:s14+$0xFFFFFD90] =	vst v10;
	v10 =	vmul.f32 v17, v12;
	v11 =	vld [tilespmem:s14+$0xFFFFFE00]  }
0x68d: {  	[tilespmem:s14+$0xFFFFFDA0] =	vst v8;
	v8 =	vmul.f32 v17, v13;
	v12 =	vld [tilespmem:s14+$0xFFFFFE10]  }
0x68e: {  	[tilespmem:s14+$0xFFFFFDB0] =	vst v10;
	v10 =	vmul.f32 v17, v14;
	v13 =	vld [tilespmem:s14+$0xFFFFFE20]  }
0x68f: {  	[tilespmem:s14+$0xFFFFFDC0] =	vst v8;
	v8 =	vmul.f32 v17, v15;
	v14 =	vld [tilespmem:s14+$0xFFFFFE30]  }
0x690: {  	[tilespmem:s14+$0xFFFFFDD0] =	vst v10;
	v9 =	vmul.f32 v17, v9;
	v10 =	vld [tilespmem:s14+$0xFFFFFE40]  }
0x691: {  	[tilespmem:s14+$0xFFFFFDE0] =	vst v8;
	v8 =	vmul.f32 v18, v11;
	v11 =	vld [tilespmem:s14+$0xFFFFFE50]  }
0x692: {  	[tilespmem:s14+$0xFFFFFDF0] =	vst v9;
	v9 =	vmul.f32 v18, v12;
	v12 =	vld [tilespmem:s14+$0xFFFFFE60]  }
0x693: {  	[tilespmem:s14+$0xFFFFFE00] =	vst v8;
	v8 =	vmul.f32 v18, v13;
	v13 =	vld [tilespmem:s14+$0xFFFFFE70]  }
0x694: {  	[tilespmem:s14+$0xFFFFFE10] =	vst v9;
	v9 =	vmul.f32 v18, v14;
	v14 =	vld [tilespmem:s14+$0xFFFFFE80]  }
0x695: {  	[tilespmem:s14+$0xFFFFFE20] =	vst v8;
	v8 =	vmul.f32 v18, v10;
	v10 =	vld [tilespmem:s14+$0xFFFFFE90]  }
0x696: {  	[tilespmem:s14+$0xFFFFFE30] =	vst v9;
	v9 =	vmul.f32 v18, v11;
	v11 =	vld [tilespmem:s14+$0xFFFFFEA0]  }
0x697: {  	[tilespmem:s14+$0xFFFFFE40] =	vst v8;
	v8 =	vmul.f32 v18, v12;
	v12 =	vld [tilespmem:s14+$0xFFFFFEB0]  }
0x698: {  	[tilespmem:s14+$0xFFFFFE50] =	vst v9;
	v9 =	vmul.f32 v18, v13;
	v13 =	vld [tilespmem:s14+$0xFFFFFEC0]  }
0x699: {  	[tilespmem:s14+$0xFFFFFE60] =	vst v8;
	v8 =	vmul.f32 v7, v14;
	v14 =	vld [tilespmem:s14+$0xFFFFFED0]  }
0x69a: {  	[tilespmem:s14+$0xFFFFFE70] =	vst v9;
	v9 =	vmul.f32 v7, v10;
	v10 =	vld [tilespmem:s14+$0xFFFFFEE0]  }
0x69b: {  	[tilespmem:s14+$0xFFFFFE80] =	vst v8;
	v8 =	vmul.f32 v7, v11;
	v11 =	vld [tilespmem:s14+$0xFFFFFEF0]  }
0x69c: {  	[tilespmem:s14+$0xFFFFFE90] =	vst v9;
	v9 =	vmul.f32 v7, v12;
	v12 =	vld [tilespmem:s14+$0xFFFFFF00]  }
0x69d: {  	[tilespmem:s14+$0xFFFFFEA0] =	vst v8;
	v8 =	vmul.f32 v7, v13;
	v13 =	vld [tilespmem:s14+$0xFFFFFF10]  }
0x69e: {  	[tilespmem:s14+$0xFFFFFEB0] =	vst v9;
	v9 =	vmul.f32 v7, v14;
	v14 =	vld [tilespmem:s14+$0xFFFFFF20]  }
0x69f: {  	[tilespmem:s14+$0xFFFFFEC0] =	vst v8;
	v8 =	vmul.f32 v7, v10;
	v10 =	vld [tilespmem:s14+$0xFFFFFF30]  }
0x6a0: {  	[tilespmem:s14+$0xFFFFFED0] =	vst v9;
	v7 =	vmul.f32 v7, v11;
	v9 =	vld [tilespmem:s14+$0xFFFFFF40]  }
0x6a1: {  	[tilespmem:s14+$0xFFFFFEE0] =	vst v8;
	v8 =	vmul.f32 v6, v12;
	v11 =	vld [tilespmem:s14+$0xFFFFFF50]  }
0x6a2: {  	[tilespmem:s14+$0xFFFFFEF0] =	vst v7;
	v7 =	vmul.f32 v6, v13;
	v12 =	vld [tilespmem:s14+$0xFFFFFF60]  }
0x6a3: {  	[tilespmem:s14+$0xFFFFFF00] =	vst v8;
	v8 =	vmul.f32 v6, v14;
	v13 =	vld [tilespmem:s14+$0xFFFFFF70]  }
0x6a4: {  	[tilespmem:s14+$0xFFFFFF10] =	vst v7;
	v7 =	vmul.f32 v6, v10;
	v10 =	vld [tilespmem:s14+$0xFFFFFF80]  }
0x6a5: {  	[tilespmem:s14+$0xFFFFFF20] =	vst v8;
	v8 =	vmul.f32 v6, v9;
	v9 =	vld [tilespmem:s14+$0xFFFFFF90]  }
0x6a6: {  	[tilespmem:s14+$0xFFFFFF30] =	vst v7;
	v7 =	vmul.f32 v6, v11;
	v11 =	vld [tilespmem:s14+$0xFFFFFFA0]  }
0x6a7: {  	[tilespmem:s14+$0xFFFFFF40] =	vst v8;
	v8 =	vmul.f32 v6, v12;
	v12 =	vld [tilespmem:s14+$0xFFFFFFB0]  }
0x6a8: {  	[tilespmem:s14+$0xFFFFFF50] =	vst v7;
	v6 =	vmul.f32 v6, v13;
	v7 =	vld [tilespmem:s14+$0xFFFFFFC0]  }
0x6a9: {  	[tilespmem:s14+$0xFFFFFF60] =	vst v8;
	v8 =	vmul.f32 v5, v10;
	v10 =	vld [tilespmem:s14+$0xFFFFFFD0]  }
0x6aa: {  	[tilespmem:s14+$0xFFFFFF70] =	vst v6;
	v6 =	vmul.f32 v5, v9;
	v9 =	vld [tilespmem:s14+$0xFFFFFFE0]  }
0x6ab: {  	[tilespmem:s14+$0xFFFFFF80] =	vst v8;
	v8 =	vmul.f32 v5, v11;
	v11 =	vld [tilespmem:s14+$0xFFFFFFF0]  }
0x6ac: {  	[tilespmem:s14+$0xFFFFFF90] =	vst v6;
	v6 =	vmul.f32 v5, v12;
	v12 =	vld [tilespmem:s14+$0x0]  }
0x6ad: {  	[tilespmem:s14+$0xFFFFFFA0] =	vst v8;
	v7 =	vmul.f32 v5, v7;
	v8 =	vld [tilespmem:s14+$0x10]  }
0x6ae: {  	[tilespmem:s14+$0xFFFFFFB0] =	vst v6;
	v6 =	vmul.f32 v5, v10;
	v10 =	vld [tilespmem:s14+$0x20]  }
0x6af: {  	[tilespmem:s14+$0xFFFFFFC0] =	vst v7;
	v7 =	vmul.f32 v5, v9;
	v9 =	vld [tilespmem:s14+$0x30]  }
0x6b0: {  	[tilespmem:s14+$0xFFFFFFD0] =	vst v6;
	v5 =	vmul.f32 v5, v11;
	v6 =	vld [tilespmem:s14+$0x40]  }
0x6b1: {  	[tilespmem:s14+$0xFFFFFFE0] =	vst v7;
	v7 =	vmul.f32 v4, v12;
	v11 =	vld [tilespmem:s14+$0x50]  }
0x6b2: {  	[tilespmem:s14+$0xFFFFFFF0] =	vst v5;
	v5 =	vmul.f32 v4, v8;
	v8 =	vld [tilespmem:s14+$0x60]  }
0x6b3: {  	[tilespmem:s14+$0x0] =	vst v7;
	v7 =	vmul.f32 v4, v10;
	v10 =	vld [tilespmem:s14+$0x70]  }
0x6b4: {  	[tilespmem:s14+$0x10] =	vst v5;
	v5 =	vmul.f32 v4, v9;
	v9 =	vld [tilespmem:s14+$0x80]  }
0x6b5: {  	[tilespmem:s14+$0x20] =	vst v7;
	v6 =	vmul.f32 v4, v6;
	v7 =	vld [tilespmem:s14+$0x90]  }
0x6b6: {  	[tilespmem:s14+$0x30] =	vst v5;
	v5 =	vmul.f32 v4, v11;
	v11 =	vld [tilespmem:s14+$0xA0]  }
0x6b7: {  	[tilespmem:s14+$0x40] =	vst v6;
	v6 =	vmul.f32 v4, v8;
	v8 =	vld [tilespmem:s14+$0xB0]  }
0x6b8: {  	[tilespmem:s14+$0x50] =	vst v5;
	v4 =	vmul.f32 v4, v10;
	v5 =	vld [tilespmem:s14+$0xC0]  }
0x6b9: {  	[tilespmem:s14+$0x60] =	vst v6;
	v6 =	vmul.f32 v3, v9;
	v9 =	vld [tilespmem:s14+$0xD0]  }
0x6ba: {  	[tilespmem:s14+$0x70] =	vst v4;
	v4 =	vmul.f32 v3, v7;
	v7 =	vld [tilespmem:s14+$0xE0]  }
0x6bb: {  	[tilespmem:s14+$0x80] =	vst v6;
	v6 =	vmul.f32 v3, v11;
	v10 =	vld [tilespmem:s14+$0xF0]  }
0x6bc: {  	[tilespmem:s14+$0x90] =	vst v4;
	v4 =	vmul.f32 v3, v8;
	v8 =	vld [tilespmem:s14+$0x100]  }
0x6bd: {  	[tilespmem:s14+$0xA0] =	vst v6;
	v5 =	vmul.f32 v3, v5;
	v6 =	vld [tilespmem:s14+$0x110]  }
0x6be: {  	[tilespmem:s14+$0xB0] =	vst v4;
	v4 =	vmul.f32 v3, v9;
	v9 =	vld [tilespmem:s14+$0x120]  }
0x6bf: {  	[tilespmem:s14+$0xC0] =	vst v5;
	v5 =	vmul.f32 v3, v7;
	v7 =	vld [tilespmem:s14+$0x130]  }
0x6c0: {  	[tilespmem:s14+$0xD0] =	vst v4;
	v3 =	vmul.f32 v3, v10;
	v4 =	vld [tilespmem:s14+$0x140]  }
0x6c1: {  	[tilespmem:s14+$0xE0] =	vst v5;
	v5 =	vmul.f32 v2, v8;
	v8 =	vld [tilespmem:s14+$0x150]  }
0x6c2: {  	s10 =	sadd.s32 $0x1, s15;
	v10 =	vmov s15;
	[tilespmem:s14+$0xF0] =	vst v3;
	v3 =	vmul.f32 v2, v6;
	v6 =	vld [tilespmem:s14+$0x160]  }
0x6c3: {  	s11 =	sadd.s32 $0x3, s15;
	v11 =	vmov s10;
	s10 =	sadd.s32 $0x2, s15;
	v10 =	vand.u32 $0x7E, v10;
	[tilespmem:s14+$0x100] =	vst v5;
	v5 =	vmul.f32 v2, v9;
	v9 =	vld [tilespmem:s14+$0x170]  }
0x6c4: {  	v13 =	vmov s11;
	s11 =	sadd.s32 $0x5, s15;
	v12 =	vmov s10;
	s10 =	sadd.s32 $0x4, s15;
	[tilespmem:s14+$0x110] =	vst v3;
	v3 =	vmul.f32 v2, v7;
	v7 =	vld [tilespmem:s14+$0x180]  }
0x6c5: {  	v15 =	vmov s11;
	s11 =	sadd.s32 $0x7, s15;
	v14 =	vmov s10;
	s10 =	sadd.s32 $0x6, s15;
	[tilespmem:s14+$0x120] =	vst v5;
	v4 =	vmul.f32 v2, v4;
	v5 =	vld [tilespmem:s14+$0x190]  }
0x6c6: {  	v17 =	vmov s11;
	v16 =	vmov s10;
	s10 =	sadd.s32 $0x8, s15;
	[tilespmem:s14+$0x130] =	vst v3;
	v3 =	vmul.f32 v2, v8;
	v8 =	vld [tilespmem:s14+$0x1A0]  }
0x6c7: {  	v18 =	vmov s10;
	v10 =	vor.u32 $0x100, v10;
	[tilespmem:s14+$0x140] =	vst v4;
	v4 =	vmul.f32 v2, v6;
	v6 =	vld [tilespmem:s14+$0x1B0]  }
0x6c8: {  	v11 =	vand.u32 $0x7F, v11;
	v12 =	vand.u32 $0xFE, v12;
	[tilespmem:s14+$0x150] =	vst v3;
	v2 =	vmul.f32 v2, v9;
	v3 =	vld [tilespmem:s14+$0x1C0]  }
0x6c9: {  	v9 =	vand.u32 $0xFF, v13;
	v13 =	vand.u32 $0xFE, v14;
	[tilespmem:s14+$0x160] =	vst v4;
	v4 =	vmul.f32 v1, v7;
	v7 =	vld [tilespmem:s14+$0x1D0]  }
0x6ca: {  	v14 =	vand.u32 $0xFF, v15;
	v15 =	vand.u32 $0xFE, v16;
	[tilespmem:s14+$0x170] =	vst v2;
	v5 =	vmul.f32 v1, v5;
	v16 =	vld [tilespmem:s14+$0x1E0]  }
0x6cb: {  	v17 =	vand.u32 $0xFF, v17;
	v18 =	vand.u32 $0xFE, v18;
	[tilespmem:s14+$0x180] =	vst v4;
	v4 =	vmul.f32 v1, v8;
	v19 =	vld [tilespmem:s14+$0x1F0]  }
0x6cc: {  	v2 =	vbroadcast v10, $0x0;
	v8 =	vor.u32 $0x100, v11;
	[tilespmem:s14+$0x190] =	vst v5;
	v5 =	vmul.f32 v1, v6;
	v10 =	vld [tilespmem:s14+$0x200]  }
0x6cd: {  	v9 =	vor.u32 $0x100, v9;
	v6 =	vor.u32 $0x100, v12;
	[tilespmem:s14+$0x1A0] =	vst v4;
	v11 =	vmul.f32 v1, v3;
	v20 =	vld [tilespmem:s14+$0x210]  }
.Ltmp8:
0x6ce: {  	v12 =	vor.u32 $0x100, v13;
	v3 =	vbroadcast v8, $0x0;
	[tilespmem:s14+$0x1B0] =	vst v5;
	v13 =	vmul.f32 v1, v7;
	v7 =	vld [tilespmem:s14+$0x220];
	(pc) =	sbr.rel @p1 .LBB2_14-.Ltmp8, $4  }
0x6cf: {  	v21 =	vor.u32 $0x100, v14;
	v4 =	vbroadcast v6, $0x0;
	[tilespmem:s14+$0x1C0] =	vst v11;
	v11 =	vmul.f32 v1, v16;
	v8 =	vld [tilespmem:s14+$0x230]  }
0x6d0: {  	v6 =	vor.u32 $0x100, v15;
	v5 =	vbroadcast v9, $0x0;
	[tilespmem:s14+$0x1D0] =	vst v13;
	v15 =	vmul.f32 v1, v19;
	v9 =	vld [tilespmem:s14+$0x240]  }
0x6d1: {  	v14 =	vor.u32 $0x100, v17;
	v1 =	vbroadcast v12, $0x0;
	[tilespmem:s14+$0x1E0] =	vst v11;
	v13 =	vmul.f32 v0, v10;
	v10 =	vld [tilespmem:s14+$0x250]  }
0x6d2: {  	s10 =	sadd.s32 $0x9, s15;
	s15 =	sadd.s32 $0xA, s15;
	v16 =	vor.u32 $0x100, v18;
	v12 =	vbroadcast v21, $0x0;
	[tilespmem:s14+$0x1F0] =	vst v15;
	v15 =	vmul.f32 v0, v20;
	v11 =	vld [tilespmem:s14+$0x260]  }
0x6d3: {  	_ =	sdelay $0x3  }
0x6d4: {  	v17 =	vld.idx.msk [tilespmem:v2+s17+$0x0], $0xffff  }
0x6d5: {  	v18 =	vld.idx.msk [tilespmem:v3+s17+$0x0], $0xffff  }
0x6d6: {  	v51 =	vbroadcast v14, $0x0;
	v14 =	vld.idx.msk [tilespmem:v4+s17+$0x0], $0xffff  }
0x6d7: {  	v19 =	vld.idx.msk [tilespmem:v5+s17+$0x0], $0xffff  }
0x6d8: {  	s15 =	sadd.s32 $0x500, s14;
	v5 =	vld.idx.msk [tilespmem:v12+s17+$0x0], $0xffff  }
0x6d9: {  	v53 =	vld [tilespmem:s15+$0x270]  }
0x6da: {  	v54 =	vld [tilespmem:s15+$0xFFFFFD80]  }
0x6db: {  	v56 =	vld [tilespmem:s15+$0xFFFFFD90]  }
0x6dc: {  	v58 =	vld [tilespmem:s15+$0xFFFFFDA0]  }
0x6dd: {  	v60 =	vld [tilespmem:s15+$0xFFFFFDB0]  }
0x6de: {  	[tilespmem:s14+$0x200] =	vst v13;
	v7 =	vmul.f32 v0, v7;
	v61 =	vld [tilespmem:s15+$0xFFFFFDC0]  }
0x6df: {  	[tilespmem:s14+$0x210] =	vst v15;
	v8 =	vmul.f32 v0, v8;
	v22 =	vld [tilespmem:s15+$0xFFFFFDF0]  }
0x6e0: {  	v23 =	vld [tilespmem:s15+$0xFFFFFE00];
	[tilespmem:s14+$0x220] =	vst v7;
	v55 =	vmul.f32 v0, v9  }
0x6e1: {  	v25 =	vld [tilespmem:s15+$0xFFFFFE10];
	[tilespmem:s14+$0x230] =	vst v8;
	v57 =	vmul.f32 v0, v10  }
0x6e2: {  	v27 =	vld [tilespmem:s15+$0xFFFFFE20];
	[tilespmem:s14+$0x240] =	vst v55;
	v59 =	vmul.f32 v0, v11  }
0x6e3: {  	v29 =	vld [tilespmem:s15+$0xFFFFFE30];
	[tilespmem:s14+$0x250] =	vst v57;
	v63 =	vmul.f32 v17, v54  }
0x6e4: {  	v31 =	vld [tilespmem:s15+$0xFFFFFE40];
	[tilespmem:s14+$0x260] =	vst v59;
	v9 =	vmul.f32 v17, v56  }
0x6e5: {  	v33 =	vld [tilespmem:s15+$0xFFFFFE50];
	v21 =	vmul.f32 v17, v58;
	[tilespmem:s15+$0xFFFFFD80] =	vst v63  }
0x6e6: {  	v35 =	vld [tilespmem:s15+$0xFFFFFE60];
	v7 =	vmul.f32 v17, v60;
	[tilespmem:s15+$0xFFFFFD90] =	vst v9  }
0x6e7: {  	v37 =	vld [tilespmem:s15+$0xFFFFFE70];
	v24 =	vmul.f32 v17, v61;
	[tilespmem:s15+$0xFFFFFDA0] =	vst v21  }
0x6e8: {  	v39 =	vld [tilespmem:s15+$0xFFFFFE80];
	v30 =	vmul.f32 v17, v22;
	[tilespmem:s15+$0xFFFFFDB0] =	vst v7  }
0x6e9: {  	v49 =	vbroadcast v6, $0x0;
	v41 =	vld [tilespmem:s15+$0xFFFFFE90];
	v32 =	vmul.f32 v18, v23;
	[tilespmem:s15+$0xFFFFFDC0] =	vst v24  }
0x6ea: {  	v43 =	vld [tilespmem:s15+$0xFFFFFEA0];
	v34 =	vmul.f32 v18, v25;
	[tilespmem:s15+$0xFFFFFDF0] =	vst v30  }
0x6eb: {  	v50 =	vmov s10;
	v16 =	vbroadcast v16, $0x0;
	v45 =	vld [tilespmem:s15+$0xFFFFFEB0];
	v36 =	vmul.f32 v18, v27;
	[tilespmem:s15+$0xFFFFFE00] =	vst v32  }
0x6ec: {  	v6 =	vand.u32 $0xFF, v50;
	v47 =	vld [tilespmem:s15+$0xFFFFFEC0];
	v38 =	vmul.f32 v18, v29;
	[tilespmem:s15+$0xFFFFFE10] =	vst v34  }
0x6ed: {  	v52 =	vor.u32 $0x100, v6;
	v6 =	vld.idx.msk [tilespmem:v1+s17+$0x0], $0xffff;
	v40 =	vmul.f32 v18, v31;
	[tilespmem:s15+$0xFFFFFE20] =	vst v36  }
0x6ee: {  	v55 =	vld [tilespmem:s15+$0xFFFFFF00];
	v42 =	vmul.f32 v18, v33;
	[tilespmem:s15+$0xFFFFFE30] =	vst v38  }
0x6ef: {  	v4 =	vld.idx.msk [tilespmem:v49+s17+$0x0], $0xffff;
	v44 =	vmul.f32 v18, v35;
	[tilespmem:s15+$0xFFFFFE40] =	vst v40  }
0x6f0: {  	v3 =	vld.idx.msk [tilespmem:v51+s17+$0x0], $0xffff;
	v46 =	vmul.f32 v18, v37;
	[tilespmem:s15+$0xFFFFFE50] =	vst v42  }
0x6f1: {  	v2 =	vld.idx.msk [tilespmem:v16+s17+$0x0], $0xffff;
	v48 =	vmul.f32 v14, v39;
	[tilespmem:s15+$0xFFFFFE60] =	vst v44  }
0x6f2: {  	v16 =	vld [tilespmem:s15+$0xFFFFFDD0];
	v50 =	vmul.f32 v14, v41;
	[tilespmem:s15+$0xFFFFFE70] =	vst v46  }
0x6f3: {  	v20 =	vbroadcast v52, $0x0;
	v49 =	vld [tilespmem:s15+$0xFFFFFED0];
	v52 =	vmul.f32 v14, v43;
	[tilespmem:s15+$0xFFFFFE80] =	vst v48  }
0x6f4: {  	v51 =	vld [tilespmem:s15+$0xFFFFFEE0];
	v54 =	vmul.f32 v14, v45;
	[tilespmem:s15+$0xFFFFFE90] =	vst v50  }
0x6f5: {  	v56 =	vmul.f32 v14, v47;
	v61 =	vld [tilespmem:s15+$0xFFFFFF30];
	[tilespmem:s15+$0xFFFFFEA0] =	vst v52  }
0x6f6: {  	v23 =	vld [tilespmem:s15+$0xFFFFFF80];
	[tilespmem:s15+$0xFFFFFEB0] =	vst v54;
	v15 =	vmul.f32 v19, v55  }
0x6f7: {  	v25 =	vld [tilespmem:s15+$0xFFFFFF90];
	[tilespmem:s15+$0xFFFFFEC0] =	vst v56;
	v26 =	vmul.f32 v17, v16  }
0x6f8: {  	v27 =	vld [tilespmem:s15+$0xFFFFFFA0];
	v58 =	vmul.f32 v14, v49;
	[tilespmem:s15+$0xFFFFFF00] =	vst v15  }
0x6f9: {  	v29 =	vld [tilespmem:s15+$0xFFFFFFB0];
	v60 =	vmul.f32 v14, v51;
	[tilespmem:s15+$0xFFFFFDD0] =	vst v26  }
0x6fa: {  	v31 =	vld [tilespmem:s15+$0xFFFFFFC0];
	v22 =	vmul.f32 v19, v61;
	[tilespmem:s15+$0xFFFFFED0] =	vst v58  }
0x6fb: {  	v33 =	vld [tilespmem:s15+$0xFFFFFFD0];
	v32 =	vmul.f32 v6, v23;
	[tilespmem:s15+$0xFFFFFEE0] =	vst v60  }
0x6fc: {  	v35 =	vld [tilespmem:s15+$0xFFFFFFE0];
	v34 =	vmul.f32 v6, v25;
	[tilespmem:s15+$0xFFFFFF30] =	vst v22  }
0x6fd: {  	v37 =	vld [tilespmem:s15+$0xFFFFFFF0];
	v36 =	vmul.f32 v6, v27;
	[tilespmem:s15+$0xFFFFFF80] =	vst v32  }
0x6fe: {  	v39 =	vld [tilespmem:s15+$0x0];
	v38 =	vmul.f32 v6, v29;
	[tilespmem:s15+$0xFFFFFF90] =	vst v34  }
0x6ff: {  	v41 =	vld [tilespmem:s15+$0x10];
	v40 =	vmul.f32 v6, v31;
	[tilespmem:s15+$0xFFFFFFA0] =	vst v36  }
0x700: {  	v43 =	vld [tilespmem:s15+$0x20];
	v42 =	vmul.f32 v6, v33;
	[tilespmem:s15+$0xFFFFFFB0] =	vst v38  }
0x701: {  	v63 =	vld [tilespmem:s15+$0xFFFFFF40];
	v44 =	vmul.f32 v6, v35;
	[tilespmem:s15+$0xFFFFFFC0] =	vst v40  }
0x702: {  	v21 =	vld [tilespmem:s15+$0xFFFFFF70];
	v6 =	vmul.f32 v6, v37;
	[tilespmem:s15+$0xFFFFFFD0] =	vst v42  }
0x703: {  	v46 =	vld [tilespmem:s15+$0x40];
	v47 =	vmul.f32 v5, v39;
	[tilespmem:s15+$0xFFFFFFE0] =	vst v44  }
0x704: {  	v56 =	vld [tilespmem:s15+$0x90];
	v49 =	vmul.f32 v5, v41;
	[tilespmem:s15+$0xFFFFFFF0] =	vst v6  }
0x705: {  	v13 =	vld [tilespmem:s15+$0xE0];
	v51 =	vmul.f32 v5, v43;
	[tilespmem:s15+$0x0] =	vst v47  }
0x706: {  	v1 =	vld.idx.msk [tilespmem:v20+s17+$0x0], $0xffff;
	v24 =	vmul.f32 v19, v63;
	[tilespmem:s15+$0x10] =	vst v49  }
0x707: {  	v20 =	vld [tilespmem:s15+$0xFFFFFDE0];
	v30 =	vmul.f32 v19, v21;
	[tilespmem:s15+$0x20] =	vst v51  }
0x708: {  	v57 =	vld [tilespmem:s15+$0xFFFFFF10];
	v55 =	vmul.f32 v5, v46;
	[tilespmem:s15+$0xFFFFFF40] =	vst v24  }
0x709: {  	v59 =	vld [tilespmem:s15+$0xFFFFFF20];
	v12 =	vmul.f32 v4, v56;
	[tilespmem:s15+$0xFFFFFF70] =	vst v30  }
0x70a: {  	v48 =	vld [tilespmem:s15+$0x50];
	v22 =	vmul.f32 v4, v13;
	[tilespmem:s15+$0x40] =	vst v55  }
0x70b: {  	v50 =	vld [tilespmem:s15+$0x60];
	v62 =	vmul.f32 v1, v53;
	[tilespmem:s15+$0x90] =	vst v12  }
0x70c: {  	v16 =	vld [tilespmem:s15+$0xFFFFFF50];
	v28 =	vmul.f32 v17, v20;
	[tilespmem:s15+$0xE0] =	vst v22  }
0x70d: {  	v18 =	vld [tilespmem:s15+$0xFFFFFF60];
	v17 =	vmul.f32 v19, v57;
	[tilespmem:s15+$0x270] =	vst v62  }
0x70e: {  	v61 =	vld [tilespmem:s15+$0xC0];
	v20 =	vmul.f32 v19, v59;
	[tilespmem:s15+$0xFFFFFDE0] =	vst v28  }
0x70f: {  	v23 =	vld [tilespmem:s15+$0x130];
	v57 =	vmul.f32 v5, v48;
	[tilespmem:s15+$0xFFFFFF10] =	vst v17  }
0x710: {  	v39 =	vld [tilespmem:s15+$0x1C0];
	v59 =	vmul.f32 v5, v50;
	[tilespmem:s15+$0xFFFFFF20] =	vst v20  }
0x711: {  	v41 =	vld [tilespmem:s15+$0x1D0];
	v26 =	vmul.f32 v19, v16;
	[tilespmem:s15+$0x50] =	vst v57  }
0x712: {  	v60 =	vld [tilespmem:s15+$0xB0];
	v28 =	vmul.f32 v19, v18;
	[tilespmem:s15+$0x60] =	vst v59  }
0x713: {  	v63 =	vld [tilespmem:s15+$0xD0];
	v18 =	vmul.f32 v4, v61;
	[tilespmem:s15+$0xFFFFFF50] =	vst v26  }
0x714: {  	v21 =	vld [tilespmem:s15+$0x120];
	v31 =	vmul.f32 v3, v23;
	[tilespmem:s15+$0xFFFFFF60] =	vst v28  }
0x715: {  	v32 =	vld [tilespmem:s15+$0x180];
	v48 =	vmul.f32 v2, v39;
	[tilespmem:s15+$0xC0] =	vst v18  }
0x716: {  	v34 =	vld [tilespmem:s15+$0x190];
	v50 =	vmul.f32 v2, v41;
	[tilespmem:s15+$0x130] =	vst v31  }
0x717: {  	v36 =	vld [tilespmem:s15+$0x1A0];
	v16 =	vmul.f32 v4, v60;
	[tilespmem:s15+$0x1C0] =	vst v48  }
0x718: {  	v38 =	vld [tilespmem:s15+$0x1B0];
	v20 =	vmul.f32 v4, v63;
	[tilespmem:s15+$0x1D0] =	vst v50  }
0x719: {  	v47 =	vld [tilespmem:s15+$0x200];
	v29 =	vmul.f32 v3, v21;
	[tilespmem:s15+$0xB0] =	vst v16  }
0x71a: {  	v49 =	vld [tilespmem:s15+$0x210];
	v40 =	vmul.f32 v2, v32;
	[tilespmem:s15+$0xD0] =	vst v20  }
0x71b: {  	v51 =	vld [tilespmem:s15+$0x220];
	v42 =	vmul.f32 v2, v34;
	[tilespmem:s15+$0x120] =	vst v29  }
0x71c: {  	v53 =	vld [tilespmem:s15+$0xFFFFFEF0];
	v44 =	vmul.f32 v2, v36;
	[tilespmem:s15+$0x180] =	vst v40  }
0x71d: {  	v45 =	vld [tilespmem:s15+$0x30];
	v46 =	vmul.f32 v2, v38;
	[tilespmem:s15+$0x190] =	vst v42  }
0x71e: {  	v52 =	vld [tilespmem:s15+$0x70];
	v55 =	vmul.f32 v1, v47;
	[tilespmem:s15+$0x1A0] =	vst v44  }
0x71f: {  	v58 =	vld [tilespmem:s15+$0xA0];
	v57 =	vmul.f32 v1, v49;
	[tilespmem:s15+$0x1B0] =	vst v46  }
0x720: {  	v43 =	vld [tilespmem:s15+$0x1E0];
	v59 =	vmul.f32 v1, v51;
	[tilespmem:s15+$0x200] =	vst v55  }
0x721: {  	v24 =	vld [tilespmem:s15+$0x140];
	v62 =	vmul.f32 v14, v53;
	[tilespmem:s15+$0x210] =	vst v57  }
0x722: {  	v54 =	vld [tilespmem:s15+$0x80];
	v53 =	vmul.f32 v5, v45;
	[tilespmem:s15+$0x220] =	vst v59  }
0x723: {  	v15 =	vld [tilespmem:s15+$0xF0];
	v5 =	vmul.f32 v5, v52;
	[tilespmem:s15+$0xFFFFFEF0] =	vst v62  }
0x724: {  	v17 =	vld [tilespmem:s15+$0x100];
	v14 =	vmul.f32 v4, v58;
	[tilespmem:s15+$0x30] =	vst v53  }
0x725: {  	v19 =	vld [tilespmem:s15+$0x110];
	v52 =	vmul.f32 v2, v43;
	[tilespmem:s15+$0x70] =	vst v5  }
0x726: {  	v26 =	vld [tilespmem:s15+$0x150];
	v33 =	vmul.f32 v3, v24;
	[tilespmem:s15+$0xA0] =	vst v14  }
0x727: {  	v28 =	vld [tilespmem:s15+$0x160];
	v62 =	vmul.f32 v4, v54;
	[tilespmem:s15+$0x1E0] =	vst v52  }
0x728: {  	v30 =	vld [tilespmem:s15+$0x170];
	v4 =	vmul.f32 v4, v15;
	[tilespmem:s15+$0x140] =	vst v33  }
0x729: {  	v56 =	vld [tilespmem:s15+$0x250];
	v25 =	vmul.f32 v3, v17;
	[tilespmem:s15+$0x80] =	vst v62  }
0x72a: {  	v45 =	vld [tilespmem:s15+$0x1F0];
	v27 =	vmul.f32 v3, v19;
	[tilespmem:s15+$0xF0] =	vst v4  }
0x72b: {  	v58 =	vld [tilespmem:s15+$0x260];
	[tilespmem:s15+$0x100] =	vst v25;
	v35 =	vmul.f32 v3, v26  }
0x72c: {  	v53 =	vld [tilespmem:s15+$0x230];
	[tilespmem:s15+$0x110] =	vst v27;
	v37 =	vmul.f32 v3, v28  }
0x72d: {  	v54 =	vld [tilespmem:s15+$0x240];
	v3 =	vmul.f32 v3, v30;
	[tilespmem:s15+$0x150] =	vst v35  }
0x72e: {  	v62 =	vmul.f32 v1, v56;
	[tilespmem:s15+$0x160] =	vst v37  }
0x72f: {  	v2 =	vmul.f32 v2, v45;
	[tilespmem:s15+$0x170] =	vst v3  }
0x730: {  	v63 =	vmul.f32 v1, v58;
	[tilespmem:s15+$0x250] =	vst v62  }
0x731: {  	[tilespmem:s15+$0x1F0] =	vst v2;
	v60 =	vmul.f32 v1, v53  }
0x732: {  	v61 =	vmul.f32 v1, v54;
	[tilespmem:s15+$0x260] =	vst v63  }
0x733: {  	[tilespmem:s15+$0x230] =	vst v60  }
0x734: {  	s14 =	simm.s32 $0x14300;
	[tilespmem:s15+$0x240] =	vst v61  }
0x735: {  	[spmem:s3] =	stream.indirect.scatter.add.f32 [tilespmem:s9], [sflag:$0x6], $0x80, s14, s26, $0xb8;
	[tilespmem:$0x1E080] =	vst v63  }
.Ltmp9:
0x736: {  	s15 =	rddreg [dreg:$0xd];
	(pc) =	sbr.rel .LBB2_2-.Ltmp9, $4  }
0x737: {  	s10 =	sadd.s32 s13, s15  }
0x738: {  	s10 =	sshrl.u32 s10, $0x3  }
0x739: {  	s20 =	sadd.s32 $0x1, s20;
	s10 =	sadd.s32 s5, s10  }
0x73a: {  	[tilespmem:s24], [sflag:$0x9] =	stream.linear.gather [hbm4b:s10+s4], $0x180, $0x38;
	[tilespmem:$0x1E080] =	vst v63  }
.LBB2_17:
0x73b: {  	_ =	sfence.sel $0x180000  }
0x73c: {  	[bflag:$0x0] =	sbarrier.arrive $0xFFFF  }
0x73d: {  	_ =	strace $0x90000047  }
0x73e: {  	[bflag:$0x2] =	sbarrier.arrive $0xFFFF  }
0x73f: {  	s0 =	rddreg [dreg:$0x4]  }
0x740: {  	s0 =	sadd.s32 @!p0 $0x100000, s0  }
0x741: {  	[sflag:s0] =	ssyncadd.tile.s32 @!p0 $0x1;
	_ =	shalt  }
.Lfunc_end2:
_tile_overlayer_lowered:
.L_overlay_start_2:
0x742: {  	(tag) =	ssettag $0x2  }
0x743: {  	s0 =	rddreg [dreg:$0x0];
	s2 =	stileid.u32  }
0x744: {  	s1 =	rddreg [dreg:$0x1];
	p0 =	sne.s32 s2, $0x0  }
0x745: {  	s3 =	rddreg [dreg:$0x2];
	[bflag:$0x3] =	sbarrier.arrive $0xFFFF;
	s2 =	simm.s32 @!p0 $0x1C0D  }
0x746: {  	[timem:s3], [sflag:s2] =	dma.local @!p0 [hbm:s0], s1  }
0x747: {  	s0 =	simm.s32 @!p0 $0xD  }
0x748: {  	_ =	swait.ge @!p0 [sflag:s0], s1  }
0x749: {  	s1 =	ssub.s32 @!p0 $0x0, s1;
	[sflag:s0] =	ssyncset.done @!p0 $0x0  }
0x74a: {  	[sflag:s0] =	ssyncadd.s32 @!p0 s1  }
0x74b: {  	[bflag:$0x3] =	sbarrier.arrive $0xFFFF  }
0x74c: {  	_ =	shalt  }

</sc_bundles>
